<compile_context>
chip_gen: v7x
topology: tpu7x:2x2x1
jax: 0.10.2.dev20260603
libtpu: 0.0.44.dev20260713+nightly
codegen_flags: <defaults>
</compile_context>

<pallas_src>
import functools

import jax
import jax.numpy as jnp
from jax import lax
from jax.experimental import pallas as pl
from jax.experimental.pallas import tpu as pltpu
from jax.experimental.pallas import tpu_sc as plsc

_RATE = 0.8
_ALPHA = 0.8
_BETA = 1.2

_C_SC = 64


def _tc_sum_body(x_ref, o_ref, acc_ref):
    j = pl.program_id(1)
    nj = pl.num_programs(1)

    @pl.when(j == 0)
    def _():
        acc_ref[...] = jnp.zeros_like(acc_ref)

    acc_ref[...] += jnp.sum(x_ref[...], axis=(2, 3))

    @pl.when(j == nj - 1)
    def _():
        o_ref[...] = acc_ref[...][None]


def _mask_body(fv_ref, o_ref, *, k):
    fv = fv_ref[...]
    gt = (fv[:, None, :] > fv[:, :, None]).astype(jnp.float32)
    cnt = jnp.sum(gt, axis=2)
    o_ref[...] = jnp.where(cnt < k, _ALPHA, _BETA).astype(jnp.float32)


def _sc_sums(inputs, c0, c_sc):
    b, c, h, w = inputs.shape
    planes = b * c_sc
    mesh = plsc.VectorSubcoreMesh(core_axis_name="c", subcore_axis_name="s")
    info = plsc.get_sparse_core_info()
    nw = info.num_cores * info.num_subcores
    ppw = planes // nw
    groups = (h * w) // 16

    ng = w // 16

    @functools.partial(
        pl.kernel,
        mesh=mesh,
        out_type=jax.ShapeDtypeStruct((planes, 16), jnp.float32),
        scratch_types=[
            pltpu.VMEM((h, w), jnp.float32),
            pltpu.VMEM((h, w), jnp.float32),
            pltpu.VMEM((ppw, 16), jnp.float32),
            pltpu.SemaphoreType.DMA,
            pltpu.SemaphoreType.DMA,
        ],
    )
    def sc_kernel(x_hbm, o_hbm, buf0, buf1, res, sem0, sem1):
        wid = lax.axis_index("s") * info.num_cores + lax.axis_index("c")
        base = wid * ppw
        bufs = (buf0, buf1)
        sems = (sem0, sem1)

        def plane_src(i):
            plane = base + i
            return x_hbm.at[plane // c_sc, c0 + lax.rem(plane, c_sc)]

        copies = [None] * ppw
        copies[0] = pltpu.make_async_copy(plane_src(0), bufs[0], sems[0])
        copies[0].start()
        for i in range(ppw):
            if i + 1 < ppw:
                copies[i + 1] = pltpu.make_async_copy(
                    plane_src(i + 1), bufs[(i + 1) % 2], sems[(i + 1) % 2]
                )
                copies[i + 1].start()
            copies[i].wait()
            buf = bufs[i % 2]

            def row_body(r, accs):
                return tuple(
                    accs[g] + buf[r, pl.ds(g * 16, 16)] for g in range(ng)
                )

            accs = lax.fori_loop(
                0,
                h,
                row_body,
                tuple(jnp.zeros((16,), jnp.float32) for _ in range(ng)),
            )
            while len(accs) > 1:
                accs = tuple(
                    accs[2 * t] + accs[2 * t + 1]
                    if 2 * t + 1 < len(accs)
                    else accs[2 * t]
                    for t in range((len(accs) + 1) // 2)
                )
            res[i, :] = accs[0]

        pltpu.sync_copy(res, o_hbm.at[pl.ds(base, ppw)])

    return sc_kernel(inputs)


def kernel(inputs):
    b, c, h, w = inputs.shape
    n = h * w
    k = int(c * _RATE)
    c_sc = _C_SC
    c_tc = c - c_sc

    hb = 56
    steps = h // hb

    sums_sc_raw = _sc_sums(inputs, c_tc, c_sc)

    sums_tc = pl.pallas_call(
        _tc_sum_body,
        grid=(b, steps),
        in_specs=[pl.BlockSpec((1, c_tc, hb, w), lambda i, j: (i, 0, j, 0))],
        out_specs=pl.BlockSpec((1, 1, c_tc), lambda i, j: (i, 0, 0)),
        out_shape=jax.ShapeDtypeStruct((b, 1, c_tc), jnp.float32),
        scratch_shapes=[pltpu.VMEM((1, c_tc), jnp.float32)],
        compiler_params=pltpu.CompilerParams(
            dimension_semantics=("parallel", "arbitrary"),
        ),
    )(inputs)

    sums_sc = sums_sc_raw.sum(axis=1).reshape(b, c_sc)

    fv = jnp.concatenate([sums_tc.reshape(b, c_tc), sums_sc], axis=1) * (
        1.0 / n
    )
    return pl.pallas_call(
        functools.partial(_mask_body, k=k),
        out_shape=jax.ShapeDtypeStruct((b, c), jnp.float32),
    )(fv)

# --- scband reference (transcript-rebuilt; emitter-appended) ---
"""Pipeline reference for scband-feature-restrain-43361989820656 (READ-ONLY COPY).

The authoritative reference and input builder live on the scoring server;
editing this copy changes nothing except your own understanding.
"""

import jax, jax.numpy as jnp
import numpy as np

RATE = 0.8
ALPHA = 0.8
BETA = 1.2

def setup_inputs(seed: int = 0) -> dict:
    key = jax.random.key(seed)
    inputs = jax.random.normal(key, (8, 192, 224, 224), dtype=jnp.float32)
    return {"inputs": inputs}

def reference(inputs):
    b, c, h, w = inputs.shape
    # adaptive_avg_pool2d(output_size=1) == mean over spatial dims
    feature_vec = jnp.mean(inputs, axis=(2, 3))  # [b, c]
    k = int(c * RATE)
    topv, _ = jax.lax.top_k(feature_vec, k)  # sorted top-k; min of top-k == k-th largest
    feature_gap = jnp.min(topv, axis=1, keepdims=True)  # [b, 1]
    mask = (feature_vec >= feature_gap).astype(jnp.float32)  # [b, c]
    mask = mask * ALPHA + (1.0 - mask) * BETA
    return mask

if __name__ == "__main__":
    import jax
    _d = setup_inputs()
    print(jax.jit(kernel)(*tuple(_d.values())))

</pallas_src>

<mosaic_0001>
#map = affine_map<(d0, d1) -> (0, 0, 0, 0)>
#map1 = affine_map<(d0, d1) -> (0, 0)>
module attributes {stable_mosaic.version = 14 : i64} {
  func.func @sc_kernel(%arg0: i32, %arg1: i32, %arg2: memref<8x192x224x224xf32, #tpu.memory_space<hbm>>, %arg3: memref<512x16xf32, #tpu.memory_space<hbm>>, %arg4: memref<224x224xf32, #tpu.memory_space<vmem>>, %arg5: memref<224x224xf32, #tpu.memory_space<vmem>>, %arg6: memref<16x16xf32, #tpu.memory_space<vmem>>, %arg7: memref<!tpu.dma_semaphore, #tpu.memory_space<semaphore_mem>>, %arg8: memref<!tpu.dma_semaphore, #tpu.memory_space<semaphore_mem>>) attributes {dimension_semantics = [#tpu.dimension_semantics<core_parallel>, #tpu.dimension_semantics<subcore_parallel>], iteration_bounds = array<i64: 2, 16>, scalar_prefetch = 0 : i64, scratch_operands = 5 : i64, tpu.core_type = #tpu.core_type<sc_vector_subcore>, window_params = [{transform_indices = #map}, {transform_indices = #map1}]} {
    %mul3A = arith.constant 2 : i32
    %mul3A_0 = arith.muli %arg1, %mul3A : i32
    %add3A = arith.addi %mul3A_0, %arg0 : i32
    %mul3A_1 = arith.constant 16 : i32
    %mul3A_2 = arith.muli %add3A, %mul3A_1 : i32
    %add3A_3 = arith.constant 0 : i32
    %add3A_4 = arith.addi %mul3A_2, %add3A_3 : i32
    %jit3A = arith.constant 64 : i32
    %div3A = arith.divsi %add3A_4, %jit3A : i32
    %sign3A = arith.constant 0 : i32
    %sign3A_5 = arith.cmpi sgt, %add3A_4, %sign3A : i32
    %sign3A_6 = arith.extui %sign3A_5 : i1 to i32
    %sign3A_7 = arith.constant 0 : i32
    %sign3A_8 = arith.cmpi slt, %add3A_4, %sign3A_7 : i32
    %sign3A_9 = arith.extui %sign3A_8 : i1 to i32
    %sign3A_10 = arith.subi %sign3A_6, %sign3A_9 : i32
    %sign3A_11 = arith.constant 0 : i32
    %sign3A_12 = arith.cmpi sgt, %jit3A, %sign3A_11 : i32
    %sign3A_13 = arith.extui %sign3A_12 : i1 to i32
    %sign3A_14 = arith.constant 0 : i32
    %sign3A_15 = arith.cmpi slt, %jit3A, %sign3A_14 : i32
    %sign3A_16 = arith.extui %sign3A_15 : i1 to i32
    %sign3A_17 = arith.subi %sign3A_13, %sign3A_16 : i32
    %ne3A = arith.cmpi ne, %sign3A_10, %sign3A_17 : i32
    %rem3A = arith.remsi %add3A_4, %jit3A : i32
    %ne3A_18 = arith.constant 0 : i32
    %ne3A_19 = arith.cmpi ne, %rem3A, %ne3A_18 : i32
    %and3A = arith.andi %ne3A, %ne3A_19 : i1
    %sub3A = arith.constant 1 : i32
    %sub3A_20 = arith.subi %div3A, %sub3A : i32
    %select_n3A = arith.select %and3A, %sub3A_20, %div3A : i32
    %rem3A_21 = arith.constant 64 : i32
    %rem3A_22 = arith.remsi %add3A_4, %rem3A_21 : i32
    %add3A_23 = arith.constant 128 : i32
    %add3A_24 = arith.addi %add3A_23, %rem3A_22 : i32
    %dma_start3A = arith.constant 0 : i32
    %dma_start3A_25 = arith.constant 0 : i32
    %dma_start3A_26 = tpu.memref_slice %arg2[%select_n3A, %add3A_24, %dma_start3A, %dma_start3A_25] : memref<8x192x224x224xf32, #tpu.memory_space<hbm>> -> memref<1x1x224x224xf32, #tpu.memory_space<hbm>>
    %dma_start3A_27 = tpu.memref_squeeze %dma_start3A_26 : memref<1x1x224x224xf32, #tpu.memory_space<hbm>> -> memref<224x224xf32, #tpu.memory_space<hbm>>
    %dma_start3A_28 = arith.constant 0 : i32
    %dma_start3A_29 = arith.constant 0 : i32
    %dma_start3A_30 = tpu.memref_slice %arg2[%select_n3A, %add3A_24, %dma_start3A_28, %dma_start3A_29] : memref<8x192x224x224xf32, #tpu.memory_space<hbm>> -> memref<1x1x224x224xf32, #tpu.memory_space<hbm>>
    %dma_start3A_31 = tpu.memref_squeeze %dma_start3A_30 : memref<1x1x224x224xf32, #tpu.memory_space<hbm>> -> memref<224x224xf32, #tpu.memory_space<hbm>>
    tpu.enqueue_dma source(%dma_start3A_31 : memref<224x224xf32, #tpu.memory_space<hbm>>) target(%arg4 : memref<224x224xf32, #tpu.memory_space<vmem>>) target_semaphore(%arg7 : memref<!tpu.dma_semaphore, #tpu.memory_space<semaphore_mem>>)
    %add3A_32 = arith.constant 1 : i32
    %add3A_33 = arith.addi %mul3A_2, %add3A_32 : i32
    %jit3A_34 = arith.constant 64 : i32
    %div3A_35 = arith.divsi %add3A_33, %jit3A_34 : i32
    %sign3A_36 = arith.constant 0 : i32
    %sign3A_37 = arith.cmpi sgt, %add3A_33, %sign3A_36 : i32
    %sign3A_38 = arith.extui %sign3A_37 : i1 to i32
    %sign3A_39 = arith.constant 0 : i32
    %sign3A_40 = arith.cmpi slt, %add3A_33, %sign3A_39 : i32
    %sign3A_41 = arith.extui %sign3A_40 : i1 to i32
    %sign3A_42 = arith.subi %sign3A_38, %sign3A_41 : i32
    %sign3A_43 = arith.constant 0 : i32
    %sign3A_44 = arith.cmpi sgt, %jit3A_34, %sign3A_43 : i32
    %sign3A_45 = arith.extui %sign3A_44 : i1 to i32
    %sign3A_46 = arith.constant 0 : i32
    %sign3A_47 = arith.cmpi slt, %jit3A_34, %sign3A_46 : i32
    %sign3A_48 = arith.extui %sign3A_47 : i1 to i32
    %sign3A_49 = arith.subi %sign3A_45, %sign3A_48 : i32
    %ne3A_50 = arith.cmpi ne, %sign3A_42, %sign3A_49 : i32
    %rem3A_51 = arith.remsi %add3A_33, %jit3A_34 : i32
    %ne3A_52 = arith.constant 0 : i32
    %ne3A_53 = arith.cmpi ne, %rem3A_51, %ne3A_52 : i32
    %and3A_54 = arith.andi %ne3A_50, %ne3A_53 : i1
    %sub3A_55 = arith.constant 1 : i32
    %sub3A_56 = arith.subi %div3A_35, %sub3A_55 : i32
    %select_n3A_57 = arith.select %and3A_54, %sub3A_56, %div3A_35 : i32
    %rem3A_58 = arith.constant 64 : i32
    %rem3A_59 = arith.remsi %add3A_33, %rem3A_58 : i32
    %add3A_60 = arith.constant 128 : i32
    %add3A_61 = arith.addi %add3A_60, %rem3A_59 : i32
    %dma_start3A_62 = arith.constant 0 : i32
    %dma_start3A_63 = arith.constant 0 : i32
    %dma_start3A_64 = tpu.memref_slice %arg2[%select_n3A_57, %add3A_61, %dma_start3A_62, %dma_start3A_63] : memref<8x192x224x224xf32, #tpu.memory_space<hbm>> -> memref<1x1x224x224xf32, #tpu.memory_space<hbm>>
    %dma_start3A_65 = tpu.memref_squeeze %dma_start3A_64 : memref<1x1x224x224xf32, #tpu.memory_space<hbm>> -> memref<224x224xf32, #tpu.memory_space<hbm>>
    %dma_start3A_66 = arith.constant 0 : i32
    %dma_start3A_67 = arith.constant 0 : i32
    %dma_start3A_68 = tpu.memref_slice %arg2[%select_n3A_57, %add3A_61, %dma_start3A_66, %dma_start3A_67] : memref<8x192x224x224xf32, #tpu.memory_space<hbm>> -> memref<1x1x224x224xf32, #tpu.memory_space<hbm>>
    %dma_start3A_69 = tpu.memref_squeeze %dma_start3A_68 : memref<1x1x224x224xf32, #tpu.memory_space<hbm>> -> memref<224x224xf32, #tpu.memory_space<hbm>>
    tpu.enqueue_dma source(%dma_start3A_69 : memref<224x224xf32, #tpu.memory_space<hbm>>) target(%arg5 : memref<224x224xf32, #tpu.memory_space<vmem>>) target_semaphore(%arg8 : memref<!tpu.dma_semaphore, #tpu.memory_space<semaphore_mem>>)
    %dma_wait3A = arith.constant 0 : i32
    %dma_wait3A_70 = arith.constant 0 : i32
    %dma_wait3A_71 = tpu.memref_slice %arg2[%select_n3A, %add3A_24, %dma_wait3A, %dma_wait3A_70] : memref<8x192x224x224xf32, #tpu.memory_space<hbm>> -> memref<1x1x224x224xf32, #tpu.memory_space<hbm>>
    %dma_wait3A_72 = tpu.memref_squeeze %dma_wait3A_71 : memref<1x1x224x224xf32, #tpu.memory_space<hbm>> -> memref<224x224xf32, #tpu.memory_space<hbm>>
    %dma_wait3A_73 = arith.constant 0 : i32
    %dma_wait3A_74 = arith.constant 0 : i32
    %dma_wait3A_75 = tpu.memref_slice %arg2[%select_n3A, %add3A_24, %dma_wait3A_73, %dma_wait3A_74] : memref<8x192x224x224xf32, #tpu.memory_space<hbm>> -> memref<1x1x224x224xf32, #tpu.memory_space<hbm>>
    %dma_wait3A_76 = tpu.memref_squeeze %dma_wait3A_75 : memref<1x1x224x224xf32, #tpu.memory_space<hbm>> -> memref<224x224xf32, #tpu.memory_space<hbm>>
    tpu.wait_dma2 semaphore(%arg7 : memref<!tpu.dma_semaphore, #tpu.memory_space<semaphore_mem>>) src(%dma_wait3A_76 : memref<224x224xf32, #tpu.memory_space<hbm>>) dst(%arg4 : memref<224x224xf32, #tpu.memory_space<vmem>>)
    %broadcast_in_dim3A = arith.constant 0.000000e+00 : f32
    %broadcast_in_dim3A_77 = vector.broadcast %broadcast_in_dim3A : f32 to vector<16xf32>
    %broadcast_in_dim3A_78 = arith.constant 0.000000e+00 : f32
    %broadcast_in_dim3A_79 = vector.broadcast %broadcast_in_dim3A_78 : f32 to vector<16xf32>
    %broadcast_in_dim3A_80 = arith.constant 0.000000e+00 : f32
    %broadcast_in_dim3A_81 = vector.broadcast %broadcast_in_dim3A_80 : f32 to vector<16xf32>
    %broadcast_in_dim3A_82 = arith.constant 0.000000e+00 : f32
    %broadcast_in_dim3A_83 = vector.broadcast %broadcast_in_dim3A_82 : f32 to vector<16xf32>
    %broadcast_in_dim3A_84 = arith.constant 0.000000e+00 : f32
    %broadcast_in_dim3A_85 = vector.broadcast %broadcast_in_dim3A_84 : f32 to vector<16xf32>
    %broadcast_in_dim3A_86 = arith.constant 0.000000e+00 : f32
    %broadcast_in_dim3A_87 = vector.broadcast %broadcast_in_dim3A_86 : f32 to vector<16xf32>
    %broadcast_in_dim3A_88 = arith.constant 0.000000e+00 : f32
    %broadcast_in_dim3A_89 = vector.broadcast %broadcast_in_dim3A_88 : f32 to vector<16xf32>
    %broadcast_in_dim3A_90 = arith.constant 0.000000e+00 : f32
    %broadcast_in_dim3A_91 = vector.broadcast %broadcast_in_dim3A_90 : f32 to vector<16xf32>
    %broadcast_in_dim3A_92 = arith.constant 0.000000e+00 : f32
    %broadcast_in_dim3A_93 = vector.broadcast %broadcast_in_dim3A_92 : f32 to vector<16xf32>
    %broadcast_in_dim3A_94 = arith.constant 0.000000e+00 : f32
    %broadcast_in_dim3A_95 = vector.broadcast %broadcast_in_dim3A_94 : f32 to vector<16xf32>
    %broadcast_in_dim3A_96 = arith.constant 0.000000e+00 : f32
    %broadcast_in_dim3A_97 = vector.broadcast %broadcast_in_dim3A_96 : f32 to vector<16xf32>
    %broadcast_in_dim3A_98 = arith.constant 0.000000e+00 : f32
    %broadcast_in_dim3A_99 = vector.broadcast %broadcast_in_dim3A_98 : f32 to vector<16xf32>
    %broadcast_in_dim3A_100 = arith.constant 0.000000e+00 : f32
    %broadcast_in_dim3A_101 = vector.broadcast %broadcast_in_dim3A_100 : f32 to vector<16xf32>
    %broadcast_in_dim3A_102 = arith.constant 0.000000e+00 : f32
    %broadcast_in_dim3A_103 = vector.broadcast %broadcast_in_dim3A_102 : f32 to vector<16xf32>
    %scan3A = arith.constant 0 : i32
    %scan3A_104 = arith.constant 224 : i32
    %scan3A_105 = arith.addi %scan3A, %scan3A_104 : i32
    %scan3A_106 = arith.constant 1 : i32
    %scan3A_107:14 = scf.for %scan3A_1574 = %scan3A to %scan3A_105 step %scan3A_106 iter_args(%scan3A_1575 = %broadcast_in_dim3A_77, %scan3A_1576 = %broadcast_in_dim3A_79, %scan3A_1577 = %broadcast_in_dim3A_81, %scan3A_1578 = %broadcast_in_dim3A_83, %scan3A_1579 = %broadcast_in_dim3A_85, %scan3A_1580 = %broadcast_in_dim3A_87, %scan3A_1581 = %broadcast_in_dim3A_89, %scan3A_1582 = %broadcast_in_dim3A_91, %scan3A_1583 = %broadcast_in_dim3A_93, %scan3A_1584 = %broadcast_in_dim3A_95, %scan3A_1585 = %broadcast_in_dim3A_97, %scan3A_1586 = %broadcast_in_dim3A_99, %scan3A_1587 = %broadcast_in_dim3A_101, %scan3A_1588 = %broadcast_in_dim3A_103) -> (vector<16xf32>, vector<16xf32>, vector<16xf32>, vector<16xf32>, vector<16xf32>, vector<16xf32>, vector<16xf32>, vector<16xf32>, vector<16xf32>, vector<16xf32>, vector<16xf32>, vector<16xf32>, vector<16xf32>, vector<16xf32>)  : i32 {
      %get3A = arith.index_cast %scan3A_1574 : i32 to index
      %get3A_1589 = arith.constant 0 : index
      %get3A_1590 = tpu.vector_load %arg4[%get3A, %get3A_1589] {strides = array<i32>} : memref<224x224xf32, #tpu.memory_space<vmem>>, vector<1x16xf32>,
      %get3A_1591 = vector.shape_cast %get3A_1590 : vector<1x16xf32> to vector<16xf32>
      %add3A_1592 = arith.addf %scan3A_1575, %get3A_1591 : vector<16xf32>
      %get3A_1593 = arith.index_cast %scan3A_1574 : i32 to index
      %get3A_1594 = arith.constant 16 : index
      %get3A_1595 = tpu.vector_load %arg4[%get3A_1593, %get3A_1594] {strides = array<i32>} : memref<224x224xf32, #tpu.memory_space<vmem>>, vector<1x16xf32>,
      %get3A_1596 = vector.shape_cast %get3A_1595 : vector<1x16xf32> to vector<16xf32>
      %add3A_1597 = arith.addf %scan3A_1576, %get3A_1596 : vector<16xf32>
      %get3A_1598 = arith.index_cast %scan3A_1574 : i32 to index
      %get3A_1599 = arith.constant 32 : index
      %get3A_1600 = tpu.vector_load %arg4[%get3A_1598, %get3A_1599] {strides = array<i32>} : memref<224x224xf32, #tpu.memory_space<vmem>>, vector<1x16xf32>,
      %get3A_1601 = vector.shape_cast %get3A_1600 : vector<1x16xf32> to vector<16xf32>
      %add3A_1602 = arith.addf %scan3A_1577, %get3A_1601 : vector<16xf32>
      %get3A_1603 = arith.index_cast %scan3A_1574 : i32 to index
      %get3A_1604 = arith.constant 48 : index
      %get3A_1605 = tpu.vector_load %arg4[%get3A_1603, %get3A_1604] {strides = array<i32>} : memref<224x224xf32, #tpu.memory_space<vmem>>, vector<1x16xf32>,
      %get3A_1606 = vector.shape_cast %get3A_1605 : vector<1x16xf32> to vector<16xf32>
      %add3A_1607 = arith.addf %scan3A_1578, %get3A_1606 : vector<16xf32>
      %get3A_1608 = arith.index_cast %scan3A_1574 : i32 to index
      %get3A_1609 = arith.constant 64 : index
      %get3A_1610 = tpu.vector_load %arg4[%get3A_1608, %get3A_1609] {strides = array<i32>} : memref<224x224xf32, #tpu.memory_space<vmem>>, vector<1x16xf32>,
      %get3A_1611 = vector.shape_cast %get3A_1610 : vector<1x16xf32> to vector<16xf32>
      %add3A_1612 = arith.addf %scan3A_1579, %get3A_1611 : vector<16xf32>
      %get3A_1613 = arith.index_cast %scan3A_1574 : i32 to index
      %get3A_1614 = arith.constant 80 : index
      %get3A_1615 = tpu.vector_load %arg4[%get3A_1613, %get3A_1614] {strides = array<i32>} : memref<224x224xf32, #tpu.memory_space<vmem>>, vector<1x16xf32>,
      %get3A_1616 = vector.shape_cast %get3A_1615 : vector<1x16xf32> to vector<16xf32>
      %add3A_1617 = arith.addf %scan3A_1580, %get3A_1616 : vector<16xf32>
      %get3A_1618 = arith.index_cast %scan3A_1574 : i32 to index
      %get3A_1619 = arith.constant 96 : index
      %get3A_1620 = tpu.vector_load %arg4[%get3A_1618, %get3A_1619] {strides = array<i32>} : memref<224x224xf32, #tpu.memory_space<vmem>>, vector<1x16xf32>,
      %get3A_1621 = vector.shape_cast %get3A_1620 : vector<1x16xf32> to vector<16xf32>
      %add3A_1622 = arith.addf %scan3A_1581, %get3A_1621 : vector<16xf32>
      %get3A_1623 = arith.index_cast %scan3A_1574 : i32 to index
      %get3A_1624 = arith.constant 112 : index
      %get3A_1625 = tpu.vector_load %arg4[%get3A_1623, %get3A_1624] {strides = array<i32>} : memref<224x224xf32, #tpu.memory_space<vmem>>, vector<1x16xf32>,
      %get3A_1626 = vector.shape_cast %get3A_1625 : vector<1x16xf32> to vector<16xf32>
      %add3A_1627 = arith.addf %scan3A_1582, %get3A_1626 : vector<16xf32>
      %get3A_1628 = arith.index_cast %scan3A_1574 : i32 to index
      %get3A_1629 = arith.constant 128 : index
      %get3A_1630 = tpu.vector_load %arg4[%get3A_1628, %get3A_1629] {strides = array<i32>} : memref<224x224xf32, #tpu.memory_space<vmem>>, vector<1x16xf32>,
      %get3A_1631 = vector.shape_cast %get3A_1630 : vector<1x16xf32> to vector<16xf32>
      %add3A_1632 = arith.addf %scan3A_1583, %get3A_1631 : vector<16xf32>
      %get3A_1633 = arith.index_cast %scan3A_1574 : i32 to index
      %get3A_1634 = arith.constant 144 : index
      %get3A_1635 = tpu.vector_load %arg4[%get3A_1633, %get3A_1634] {strides = array<i32>} : memref<224x224xf32, #tpu.memory_space<vmem>>, vector<1x16xf32>,
      %get3A_1636 = vector.shape_cast %get3A_1635 : vector<1x16xf32> to vector<16xf32>
      %add3A_1637 = arith.addf %scan3A_1584, %get3A_1636 : vector<16xf32>
      %get3A_1638 = arith.index_cast %scan3A_1574 : i32 to index
      %get3A_1639 = arith.constant 160 : index
      %get3A_1640 = tpu.vector_load %arg4[%get3A_1638, %get3A_1639] {strides = array<i32>} : memref<224x224xf32, #tpu.memory_space<vmem>>, vector<1x16xf32>,
      %get3A_1641 = vector.shape_cast %get3A_1640 : vector<1x16xf32> to vector<16xf32>
      %add3A_1642 = arith.addf %scan3A_1585, %get3A_1641 : vector<16xf32>
      %get3A_1643 = arith.index_cast %scan3A_1574 : i32 to index
      %get3A_1644 = arith.constant 176 : index
      %get3A_1645 = tpu.vector_load %arg4[%get3A_1643, %get3A_1644] {strides = array<i32>} : memref<224x224xf32, #tpu.memory_space<vmem>>, vector<1x16xf32>,
      %get3A_1646 = vector.shape_cast %get3A_1645 : vector<1x16xf32> to vector<16xf32>
      %add3A_1647 = arith.addf %scan3A_1586, %get3A_1646 : vector<16xf32>
      %get3A_1648 = arith.index_cast %scan3A_1574 : i32 to index
      %get3A_1649 = arith.constant 192 : index
      %get3A_1650 = tpu.vector_load %arg4[%get3A_1648, %get3A_1649] {strides = array<i32>} : memref<224x224xf32, #tpu.memory_space<vmem>>, vector<1x16xf32>,
      %get3A_1651 = vector.shape_cast %get3A_1650 : vector<1x16xf32> to vector<16xf32>
      %add3A_1652 = arith.addf %scan3A_1587, %get3A_1651 : vector<16xf32>
      %get3A_1653 = arith.index_cast %scan3A_1574 : i32 to index
      %get3A_1654 = arith.constant 208 : index
      %get3A_1655 = tpu.vector_load %arg4[%get3A_1653, %get3A_1654] {strides = array<i32>} : memref<224x224xf32, #tpu.memory_space<vmem>>, vector<1x16xf32>,
      %get3A_1656 = vector.shape_cast %get3A_1655 : vector<1x16xf32> to vector<16xf32>
      %add3A_1657 = arith.addf %scan3A_1588, %get3A_1656 : vector<16xf32>
      scf.yield %add3A_1592, %add3A_1597, %add3A_1602, %add3A_1607, %add3A_1612, %add3A_1617, %add3A_1622, %add3A_1627, %add3A_1632, %add3A_1637, %add3A_1642, %add3A_1647, %add3A_1652, %add3A_1657 : vector<16xf32>, vector<16xf32>, vector<16xf32>, vector<16xf32>, vector<16xf32>, vector<16xf32>, vector<16xf32>, vector<16xf32>, vector<16xf32>, vector<16xf32>, vector<16xf32>, vector<16xf32>, vector<16xf32>, vector<16xf32>
    }
    %scan3A_108 = arith.constant 224 : i32
    %add3A_109 = arith.addf %scan3A_107#0, %scan3A_107#1 : vector<16xf32>
    %add3A_110 = arith.addf %scan3A_107#2, %scan3A_107#3 : vector<16xf32>
    %add3A_111 = arith.addf %scan3A_107#4, %scan3A_107#5 : vector<16xf32>
    %add3A_112 = arith.addf %scan3A_107#6, %scan3A_107#7 : vector<16xf32>
    %add3A_113 = arith.addf %scan3A_107#8, %scan3A_107#9 : vector<16xf32>
    %add3A_114 = arith.addf %scan3A_107#10, %scan3A_107#11 : vector<16xf32>
    %add3A_115 = arith.addf %scan3A_107#12, %scan3A_107#13 : vector<16xf32>
    %add3A_116 = arith.addf %add3A_109, %add3A_110 : vector<16xf32>
    %add3A_117 = arith.addf %add3A_111, %add3A_112 : vector<16xf32>
    %add3A_118 = arith.addf %add3A_113, %add3A_114 : vector<16xf32>
    %add3A_119 = arith.addf %add3A_116, %add3A_117 : vector<16xf32>
    %add3A_120 = arith.addf %add3A_118, %add3A_115 : vector<16xf32>
    %add3A_121 = arith.addf %add3A_119, %add3A_120 : vector<16xf32>
    %swap3A = arith.constant 0 : i32
    %swap3A_122 = arith.index_cast %swap3A : i32 to index
    %swap3A_123 = arith.constant 0 : index
    %swap3A_124 = tpu.vector_load %arg6[%swap3A_122, %swap3A_123] {strides = array<i32>} : memref<16x16xf32, #tpu.memory_space<vmem>>, vector<1x16xf32>,
    %swap3A_125 = vector.shape_cast %swap3A_124 : vector<1x16xf32> to vector<16xf32>
    %swap3A_126 = vector.shape_cast %add3A_121 : vector<16xf32> to vector<1x16xf32>
    tpu.vector_store %arg6[%swap3A_122, %swap3A_123], %swap3A_126 {strides = array<i32>} : memref<16x16xf32, #tpu.memory_space<vmem>>, vector<1x16xf32>,
    %add3A_127 = arith.constant 2 : i32
    %add3A_128 = arith.addi %mul3A_2, %add3A_127 : i32
    %jit3A_129 = arith.constant 64 : i32
    %div3A_130 = arith.divsi %add3A_128, %jit3A_129 : i32
    %sign3A_131 = arith.constant 0 : i32
    %sign3A_132 = arith.cmpi sgt, %add3A_128, %sign3A_131 : i32
    %sign3A_133 = arith.extui %sign3A_132 : i1 to i32
    %sign3A_134 = arith.constant 0 : i32
    %sign3A_135 = arith.cmpi slt, %add3A_128, %sign3A_134 : i32
    %sign3A_136 = arith.extui %sign3A_135 : i1 to i32
    %sign3A_137 = arith.subi %sign3A_133, %sign3A_136 : i32
    %sign3A_138 = arith.constant 0 : i32
    %sign3A_139 = arith.cmpi sgt, %jit3A_129, %sign3A_138 : i32
    %sign3A_140 = arith.extui %sign3A_139 : i1 to i32
    %sign3A_141 = arith.constant 0 : i32
    %sign3A_142 = arith.cmpi slt, %jit3A_129, %sign3A_141 : i32
    %sign3A_143 = arith.extui %sign3A_142 : i1 to i32
    %sign3A_144 = arith.subi %sign3A_140, %sign3A_143 : i32
    %ne3A_145 = arith.cmpi ne, %sign3A_137, %sign3A_144 : i32
    %rem3A_146 = arith.remsi %add3A_128, %jit3A_129 : i32
    %ne3A_147 = arith.constant 0 : i32
    %ne3A_148 = arith.cmpi ne, %rem3A_146, %ne3A_147 : i32
    %and3A_149 = arith.andi %ne3A_145, %ne3A_148 : i1
    %sub3A_150 = arith.constant 1 : i32
    %sub3A_151 = arith.subi %div3A_130, %sub3A_150 : i32
    %select_n3A_152 = arith.select %and3A_149, %sub3A_151, %div3A_130 : i32
    %rem3A_153 = arith.constant 64 : i32
    %rem3A_154 = arith.remsi %add3A_128, %rem3A_153 : i32
    %add3A_155 = arith.constant 128 : i32
    %add3A_156 = arith.addi %add3A_155, %rem3A_154 : i32
    %dma_start3A_157 = arith.constant 0 : i32
    %dma_start3A_158 = arith.constant 0 : i32
    %dma_start3A_159 = tpu.memref_slice %arg2[%select_n3A_152, %add3A_156, %dma_start3A_157, %dma_start3A_158] : memref<8x192x224x224xf32, #tpu.memory_space<hbm>> -> memref<1x1x224x224xf32, #tpu.memory_space<hbm>>
    %dma_start3A_160 = tpu.memref_squeeze %dma_start3A_159 : memref<1x1x224x224xf32, #tpu.memory_space<hbm>> -> memref<224x224xf32, #tpu.memory_space<hbm>>
    %dma_start3A_161 = arith.constant 0 : i32
    %dma_start3A_162 = arith.constant 0 : i32
    %dma_start3A_163 = tpu.memref_slice %arg2[%select_n3A_152, %add3A_156, %dma_start3A_161, %dma_start3A_162] : memref<8x192x224x224xf32, #tpu.memory_space<hbm>> -> memref<1x1x224x224xf32, #tpu.memory_space<hbm>>
    %dma_start3A_164 = tpu.memref_squeeze %dma_start3A_163 : memref<1x1x224x224xf32, #tpu.memory_space<hbm>> -> memref<224x224xf32, #tpu.memory_space<hbm>>
    tpu.enqueue_dma source(%dma_start3A_164 : memref<224x224xf32, #tpu.memory_space<hbm>>) target(%arg4 : memref<224x224xf32, #tpu.memory_space<vmem>>) target_semaphore(%arg7 : memref<!tpu.dma_semaphore, #tpu.memory_space<semaphore_mem>>)
    %dma_wait3A_165 = arith.constant 0 : i32
    %dma_wait3A_166 = arith.constant 0 : i32
    %dma_wait3A_167 = tpu.memref_slice %arg2[%select_n3A_57, %add3A_61, %dma_wait3A_165, %dma_wait3A_166] : memref<8x192x224x224xf32, #tpu.memory_space<hbm>> -> memref<1x1x224x224xf32, #tpu.memory_space<hbm>>
    %dma_wait3A_168 = tpu.memref_squeeze %dma_wait3A_167 : memref<1x1x224x224xf32, #tpu.memory_space<hbm>> -> memref<224x224xf32, #tpu.memory_space<hbm>>
    %dma_wait3A_169 = arith.constant 0 : i32
    %dma_wait3A_170 = arith.constant 0 : i32
    %dma_wait3A_171 = tpu.memref_slice %arg2[%select_n3A_57, %add3A_61, %dma_wait3A_169, %dma_wait3A_170] : memref<8x192x224x224xf32, #tpu.memory_space<hbm>> -> memref<1x1x224x224xf32, #tpu.memory_space<hbm>>
    %dma_wait3A_172 = tpu.memref_squeeze %dma_wait3A_171 : memref<1x1x224x224xf32, #tpu.memory_space<hbm>> -> memref<224x224xf32, #tpu.memory_space<hbm>>
    tpu.wait_dma2 semaphore(%arg8 : memref<!tpu.dma_semaphore, #tpu.memory_space<semaphore_mem>>) src(%dma_wait3A_172 : memref<224x224xf32, #tpu.memory_space<hbm>>) dst(%arg5 : memref<224x224xf32, #tpu.memory_space<vmem>>)
    %broadcast_in_dim3A_173 = arith.constant 0.000000e+00 : f32
    %broadcast_in_dim3A_174 = vector.broadcast %broadcast_in_dim3A_173 : f32 to vector<16xf32>
    %broadcast_in_dim3A_175 = arith.constant 0.000000e+00 : f32
    %broadcast_in_dim3A_176 = vector.broadcast %broadcast_in_dim3A_175 : f32 to vector<16xf32>
    %broadcast_in_dim3A_177 = arith.constant 0.000000e+00 : f32
    %broadcast_in_dim3A_178 = vector.broadcast %broadcast_in_dim3A_177 : f32 to vector<16xf32>
    %broadcast_in_dim3A_179 = arith.constant 0.000000e+00 : f32
    %broadcast_in_dim3A_180 = vector.broadcast %broadcast_in_dim3A_179 : f32 to vector<16xf32>
    %broadcast_in_dim3A_181 = arith.constant 0.000000e+00 : f32
    %broadcast_in_dim3A_182 = vector.broadcast %broadcast_in_dim3A_181 : f32 to vector<16xf32>
    %broadcast_in_dim3A_183 = arith.constant 0.000000e+00 : f32
    %broadcast_in_dim3A_184 = vector.broadcast %broadcast_in_dim3A_183 : f32 to vector<16xf32>
    %broadcast_in_dim3A_185 = arith.constant 0.000000e+00 : f32
    %broadcast_in_dim3A_186 = vector.broadcast %broadcast_in_dim3A_185 : f32 to vector<16xf32>
    %broadcast_in_dim3A_187 = arith.constant 0.000000e+00 : f32
    %broadcast_in_dim3A_188 = vector.broadcast %broadcast_in_dim3A_187 : f32 to vector<16xf32>
    %broadcast_in_dim3A_189 = arith.constant 0.000000e+00 : f32
    %broadcast_in_dim3A_190 = vector.broadcast %broadcast_in_dim3A_189 : f32 to vector<16xf32>
    %broadcast_in_dim3A_191 = arith.constant 0.000000e+00 : f32
    %broadcast_in_dim3A_192 = vector.broadcast %broadcast_in_dim3A_191 : f32 to vector<16xf32>
    %broadcast_in_dim3A_193 = arith.constant 0.000000e+00 : f32
    %broadcast_in_dim3A_194 = vector.broadcast %broadcast_in_dim3A_193 : f32 to vector<16xf32>
    %broadcast_in_dim3A_195 = arith.constant 0.000000e+00 : f32
    %broadcast_in_dim3A_196 = vector.broadcast %broadcast_in_dim3A_195 : f32 to vector<16xf32>
    %broadcast_in_dim3A_197 = arith.constant 0.000000e+00 : f32
    %broadcast_in_dim3A_198 = vector.broadcast %broadcast_in_dim3A_197 : f32 to vector<16xf32>
    %broadcast_in_dim3A_199 = arith.constant 0.000000e+00 : f32
    %broadcast_in_dim3A_200 = vector.broadcast %broadcast_in_dim3A_199 : f32 to vector<16xf32>
    %scan3A_201 = arith.constant 0 : i32
    %scan3A_202 = arith.constant 224 : i32
    %scan3A_203 = arith.addi %scan3A_201, %scan3A_202 : i32
    %scan3A_204 = arith.constant 1 : i32
    %scan3A_205:14 = scf.for %scan3A_1574 = %scan3A_201 to %scan3A_203 step %scan3A_204 iter_args(%scan3A_1575 = %broadcast_in_dim3A_174, %scan3A_1576 = %broadcast_in_dim3A_176, %scan3A_1577 = %broadcast_in_dim3A_178, %scan3A_1578 = %broadcast_in_dim3A_180, %scan3A_1579 = %broadcast_in_dim3A_182, %scan3A_1580 = %broadcast_in_dim3A_184, %scan3A_1581 = %broadcast_in_dim3A_186, %scan3A_1582 = %broadcast_in_dim3A_188, %scan3A_1583 = %broadcast_in_dim3A_190, %scan3A_1584 = %broadcast_in_dim3A_192, %scan3A_1585 = %broadcast_in_dim3A_194, %scan3A_1586 = %broadcast_in_dim3A_196, %scan3A_1587 = %broadcast_in_dim3A_198, %scan3A_1588 = %broadcast_in_dim3A_200) -> (vector<16xf32>, vector<16xf32>, vector<16xf32>, vector<16xf32>, vector<16xf32>, vector<16xf32>, vector<16xf32>, vector<16xf32>, vector<16xf32>, vector<16xf32>, vector<16xf32>, vector<16xf32>, vector<16xf32>, vector<16xf32>)  : i32 {
      %get3A = arith.index_cast %scan3A_1574 : i32 to index
      %get3A_1589 = arith.constant 0 : index
      %get3A_1590 = tpu.vector_load %arg5[%get3A, %get3A_1589] {strides = array<i32>} : memref<224x224xf32, #tpu.memory_space<vmem>>, vector<1x16xf32>,
      %get3A_1591 = vector.shape_cast %get3A_1590 : vector<1x16xf32> to vector<16xf32>
      %add3A_1592 = arith.addf %scan3A_1575, %get3A_1591 : vector<16xf32>
      %get3A_1593 = arith.index_cast %scan3A_1574 : i32 to index
      %get3A_1594 = arith.constant 16 : index
      %get3A_1595 = tpu.vector_load %arg5[%get3A_1593, %get3A_1594] {strides = array<i32>} : memref<224x224xf32, #tpu.memory_space<vmem>>, vector<1x16xf32>,
      %get3A_1596 = vector.shape_cast %get3A_1595 : vector<1x16xf32> to vector<16xf32>
      %add3A_1597 = arith.addf %scan3A_1576, %get3A_1596 : vector<16xf32>
      %get3A_1598 = arith.index_cast %scan3A_1574 : i32 to index
      %get3A_1599 = arith.constant 32 : index
      %get3A_1600 = tpu.vector_load %arg5[%get3A_1598, %get3A_1599] {strides = array<i32>} : memref<224x224xf32, #tpu.memory_space<vmem>>, vector<1x16xf32>,
      %get3A_1601 = vector.shape_cast %get3A_1600 : vector<1x16xf32> to vector<16xf32>
      %add3A_1602 = arith.addf %scan3A_1577, %get3A_1601 : vector<16xf32>
      %get3A_1603 = arith.index_cast %scan3A_1574 : i32 to index
      %get3A_1604 = arith.constant 48 : index
      %get3A_1605 = tpu.vector_load %arg5[%get3A_1603, %get3A_1604] {strides = array<i32>} : memref<224x224xf32, #tpu.memory_space<vmem>>, vector<1x16xf32>,
      %get3A_1606 = vector.shape_cast %get3A_1605 : vector<1x16xf32> to vector<16xf32>
      %add3A_1607 = arith.addf %scan3A_1578, %get3A_1606 : vector<16xf32>
      %get3A_1608 = arith.index_cast %scan3A_1574 : i32 to index
      %get3A_1609 = arith.constant 64 : index
      %get3A_1610 = tpu.vector_load %arg5[%get3A_1608, %get3A_1609] {strides = array<i32>} : memref<224x224xf32, #tpu.memory_space<vmem>>, vector<1x16xf32>,
      %get3A_1611 = vector.shape_cast %get3A_1610 : vector<1x16xf32> to vector<16xf32>
      %add3A_1612 = arith.addf %scan3A_1579, %get3A_1611 : vector<16xf32>
      %get3A_1613 = arith.index_cast %scan3A_1574 : i32 to index
      %get3A_1614 = arith.constant 80 : index
      %get3A_1615 = tpu.vector_load %arg5[%get3A_1613, %get3A_1614] {strides = array<i32>} : memref<224x224xf32, #tpu.memory_space<vmem>>, vector<1x16xf32>,
      %get3A_1616 = vector.shape_cast %get3A_1615 : vector<1x16xf32> to vector<16xf32>
      %add3A_1617 = arith.addf %scan3A_1580, %get3A_1616 : vector<16xf32>
      %get3A_1618 = arith.index_cast %scan3A_1574 : i32 to index
      %get3A_1619 = arith.constant 96 : index
      %get3A_1620 = tpu.vector_load %arg5[%get3A_1618, %get3A_1619] {strides = array<i32>} : memref<224x224xf32, #tpu.memory_space<vmem>>, vector<1x16xf32>,
      %get3A_1621 = vector.shape_cast %get3A_1620 : vector<1x16xf32> to vector<16xf32>
      %add3A_1622 = arith.addf %scan3A_1581, %get3A_1621 : vector<16xf32>
      %get3A_1623 = arith.index_cast %scan3A_1574 : i32 to index
      %get3A_1624 = arith.constant 112 : index
      %get3A_1625 = tpu.vector_load %arg5[%get3A_1623, %get3A_1624] {strides = array<i32>} : memref<224x224xf32, #tpu.memory_space<vmem>>, vector<1x16xf32>,
      %get3A_1626 = vector.shape_cast %get3A_1625 : vector<1x16xf32> to vector<16xf32>
      %add3A_1627 = arith.addf %scan3A_1582, %get3A_1626 : vector<16xf32>
      %get3A_1628 = arith.index_cast %scan3A_1574 : i32 to index
      %get3A_1629 = arith.constant 128 : index
      %get3A_1630 = tpu.vector_load %arg5[%get3A_1628, %get3A_1629] {strides = array<i32>} : memref<224x224xf32, #tpu.memory_space<vmem>>, vector<1x16xf32>,
      %get3A_1631 = vector.shape_cast %get3A_1630 : vector<1x16xf32> to vector<16xf32>
      %add3A_1632 = arith.addf %scan3A_1583, %get3A_1631 : vector<16xf32>
      %get3A_1633 = arith.index_cast %scan3A_1574 : i32 to index
      %get3A_1634 = arith.constant 144 : index
      %get3A_1635 = tpu.vector_load %arg5[%get3A_1633, %get3A_1634] {strides = array<i32>} : memref<224x224xf32, #tpu.memory_space<vmem>>, vector<1x16xf32>,
      %get3A_1636 = vector.shape_cast %get3A_1635 : vector<1x16xf32> to vector<16xf32>
      %add3A_1637 = arith.addf %scan3A_1584, %get3A_1636 : vector<16xf32>
      %get3A_1638 = arith.index_cast %scan3A_1574 : i32 to index
      %get3A_1639 = arith.constant 160 : index
      %get3A_1640 = tpu.vector_load %arg5[%get3A_1638, %get3A_1639] {strides = array<i32>} : memref<224x224xf32, #tpu.memory_space<vmem>>, vector<1x16xf32>,
      %get3A_1641 = vector.shape_cast %get3A_1640 : vector<1x16xf32> to vector<16xf32>
      %add3A_1642 = arith.addf %scan3A_1585, %get3A_1641 : vector<16xf32>
      %get3A_1643 = arith.index_cast %scan3A_1574 : i32 to index
      %get3A_1644 = arith.constant 176 : index
      %get3A_1645 = tpu.vector_load %arg5[%get3A_1643, %get3A_1644] {strides = array<i32>} : memref<224x224xf32, #tpu.memory_space<vmem>>, vector<1x16xf32>,
      %get3A_1646 = vector.shape_cast %get3A_1645 : vector<1x16xf32> to vector<16xf32>
      %add3A_1647 = arith.addf %scan3A_1586, %get3A_1646 : vector<16xf32>
      %get3A_1648 = arith.index_cast %scan3A_1574 : i32 to index
      %get3A_1649 = arith.constant 192 : index
      %get3A_1650 = tpu.vector_load %arg5[%get3A_1648, %get3A_1649] {strides = array<i32>} : memref<224x224xf32, #tpu.memory_space<vmem>>, vector<1x16xf32>,
      %get3A_1651 = vector.shape_cast %get3A_1650 : vector<1x16xf32> to vector<16xf32>
      %add3A_1652 = arith.addf %scan3A_1587, %get3A_1651 : vector<16xf32>
      %get3A_1653 = arith.index_cast %scan3A_1574 : i32 to index
      %get3A_1654 = arith.constant 208 : index
      %get3A_1655 = tpu.vector_load %arg5[%get3A_1653, %get3A_1654] {strides = array<i32>} : memref<224x224xf32, #tpu.memory_space<vmem>>, vector<1x16xf32>,
      %get3A_1656 = vector.shape_cast %get3A_1655 : vector<1x16xf32> to vector<16xf32>
      %add3A_1657 = arith.addf %scan3A_1588, %get3A_1656 : vector<16xf32>
      scf.yield %add3A_1592, %add3A_1597, %add3A_1602, %add3A_1607, %add3A_1612, %add3A_1617, %add3A_1622, %add3A_1627, %add3A_1632, %add3A_1637, %add3A_1642, %add3A_1647, %add3A_1652, %add3A_1657 : vector<16xf32>, vector<16xf32>, vector<16xf32>, vector<16xf32>, vector<16xf32>, vector<16xf32>, vector<16xf32>, vector<16xf32>, vector<16xf32>, vector<16xf32>, vector<16xf32>, vector<16xf32>, vector<16xf32>, vector<16xf32>
    }
    %scan3A_206 = arith.constant 224 : i32
    %add3A_207 = arith.addf %scan3A_205#0, %scan3A_205#1 : vector<16xf32>
    %add3A_208 = arith.addf %scan3A_205#2, %scan3A_205#3 : vector<16xf32>
    %add3A_209 = arith.addf %scan3A_205#4, %scan3A_205#5 : vector<16xf32>
    %add3A_210 = arith.addf %scan3A_205#6, %scan3A_205#7 : vector<16xf32>
    %add3A_211 = arith.addf %scan3A_205#8, %scan3A_205#9 : vector<16xf32>
    %add3A_212 = arith.addf %scan3A_205#10, %scan3A_205#11 : vector<16xf32>
    %add3A_213 = arith.addf %scan3A_205#12, %scan3A_205#13 : vector<16xf32>
    %add3A_214 = arith.addf %add3A_207, %add3A_208 : vector<16xf32>
    %add3A_215 = arith.addf %add3A_209, %add3A_210 : vector<16xf32>
    %add3A_216 = arith.addf %add3A_211, %add3A_212 : vector<16xf32>
    %add3A_217 = arith.addf %add3A_214, %add3A_215 : vector<16xf32>
    %add3A_218 = arith.addf %add3A_216, %add3A_213 : vector<16xf32>
    %add3A_219 = arith.addf %add3A_217, %add3A_218 : vector<16xf32>
    %swap3A_220 = arith.constant 1 : i32
    %swap3A_221 = arith.index_cast %swap3A_220 : i32 to index
    %swap3A_222 = arith.constant 0 : index
    %swap3A_223 = tpu.vector_load %arg6[%swap3A_221, %swap3A_222] {strides = array<i32>} : memref<16x16xf32, #tpu.memory_space<vmem>>, vector<1x16xf32>,
    %swap3A_224 = vector.shape_cast %swap3A_223 : vector<1x16xf32> to vector<16xf32>
    %swap3A_225 = vector.shape_cast %add3A_219 : vector<16xf32> to vector<1x16xf32>
    tpu.vector_store %arg6[%swap3A_221, %swap3A_222], %swap3A_225 {strides = array<i32>} : memref<16x16xf32, #tpu.memory_space<vmem>>, vector<1x16xf32>,
    %add3A_226 = arith.constant 3 : i32
    %add3A_227 = arith.addi %mul3A_2, %add3A_226 : i32
    %jit3A_228 = arith.constant 64 : i32
    %div3A_229 = arith.divsi %add3A_227, %jit3A_228 : i32
    %sign3A_230 = arith.constant 0 : i32
    %sign3A_231 = arith.cmpi sgt, %add3A_227, %sign3A_230 : i32
    %sign3A_232 = arith.extui %sign3A_231 : i1 to i32
    %sign3A_233 = arith.constant 0 : i32
    %sign3A_234 = arith.cmpi slt, %add3A_227, %sign3A_233 : i32
    %sign3A_235 = arith.extui %sign3A_234 : i1 to i32
    %sign3A_236 = arith.subi %sign3A_232, %sign3A_235 : i32
    %sign3A_237 = arith.constant 0 : i32
    %sign3A_238 = arith.cmpi sgt, %jit3A_228, %sign3A_237 : i32
    %sign3A_239 = arith.extui %sign3A_238 : i1 to i32
    %sign3A_240 = arith.constant 0 : i32
    %sign3A_241 = arith.cmpi slt, %jit3A_228, %sign3A_240 : i32
    %sign3A_242 = arith.extui %sign3A_241 : i1 to i32
    %sign3A_243 = arith.subi %sign3A_239, %sign3A_242 : i32
    %ne3A_244 = arith.cmpi ne, %sign3A_236, %sign3A_243 : i32
    %rem3A_245 = arith.remsi %add3A_227, %jit3A_228 : i32
    %ne3A_246 = arith.constant 0 : i32
    %ne3A_247 = arith.cmpi ne, %rem3A_245, %ne3A_246 : i32
    %and3A_248 = arith.andi %ne3A_244, %ne3A_247 : i1
    %sub3A_249 = arith.constant 1 : i32
    %sub3A_250 = arith.subi %div3A_229, %sub3A_249 : i32
    %select_n3A_251 = arith.select %and3A_248, %sub3A_250, %div3A_229 : i32
    %rem3A_252 = arith.constant 64 : i32
    %rem3A_253 = arith.remsi %add3A_227, %rem3A_252 : i32
    %add3A_254 = arith.constant 128 : i32
    %add3A_255 = arith.addi %add3A_254, %rem3A_253 : i32
    %dma_start3A_256 = arith.constant 0 : i32
    %dma_start3A_257 = arith.constant 0 : i32
    %dma_start3A_258 = tpu.memref_slice %arg2[%select_n3A_251, %add3A_255, %dma_start3A_256, %dma_start3A_257] : memref<8x192x224x224xf32, #tpu.memory_space<hbm>> -> memref<1x1x224x224xf32, #tpu.memory_space<hbm>>
    %dma_start3A_259 = tpu.memref_squeeze %dma_start3A_258 : memref<1x1x224x224xf32, #tpu.memory_space<hbm>> -> memref<224x224xf32, #tpu.memory_space<hbm>>
    %dma_start3A_260 = arith.constant 0 : i32
    %dma_start3A_261 = arith.constant 0 : i32
    %dma_start3A_262 = tpu.memref_slice %arg2[%select_n3A_251, %add3A_255, %dma_start3A_260, %dma_start3A_261] : memref<8x192x224x224xf32, #tpu.memory_space<hbm>> -> memref<1x1x224x224xf32, #tpu.memory_space<hbm>>
    %dma_start3A_263 = tpu.memref_squeeze %dma_start3A_262 : memref<1x1x224x224xf32, #tpu.memory_space<hbm>> -> memref<224x224xf32, #tpu.memory_space<hbm>>
    tpu.enqueue_dma source(%dma_start3A_263 : memref<224x224xf32, #tpu.memory_space<hbm>>) target(%arg5 : memref<224x224xf32, #tpu.memory_space<vmem>>) target_semaphore(%arg8 : memref<!tpu.dma_semaphore, #tpu.memory_space<semaphore_mem>>)
    %dma_wait3A_264 = arith.constant 0 : i32
    %dma_wait3A_265 = arith.constant 0 : i32
    %dma_wait3A_266 = tpu.memref_slice %arg2[%select_n3A_152, %add3A_156, %dma_wait3A_264, %dma_wait3A_265] : memref<8x192x224x224xf32, #tpu.memory_space<hbm>> -> memref<1x1x224x224xf32, #tpu.memory_space<hbm>>
    %dma_wait3A_267 = tpu.memref_squeeze %dma_wait3A_266 : memref<1x1x224x224xf32, #tpu.memory_space<hbm>> -> memref<224x224xf32, #tpu.memory_space<hbm>>
    %dma_wait3A_268 = arith.constant 0 : i32
    %dma_wait3A_269 = arith.constant 0 : i32
    %dma_wait3A_270 = tpu.memref_slice %arg2[%select_n3A_152, %add3A_156, %dma_wait3A_268, %dma_wait3A_269] : memref<8x192x224x224xf32, #tpu.memory_space<hbm>> -> memref<1x1x224x224xf32, #tpu.memory_space<hbm>>
    %dma_wait3A_271 = tpu.memref_squeeze %dma_wait3A_270 : memref<1x1x224x224xf32, #tpu.memory_space<hbm>> -> memref<224x224xf32, #tpu.memory_space<hbm>>
    tpu.wait_dma2 semaphore(%arg7 : memref<!tpu.dma_semaphore, #tpu.memory_space<semaphore_mem>>) src(%dma_wait3A_271 : memref<224x224xf32, #tpu.memory_space<hbm>>) dst(%arg4 : memref<224x224xf32, #tpu.memory_space<vmem>>)
    %broadcast_in_dim3A_272 = arith.constant 0.000000e+00 : f32
    %broadcast_in_dim3A_273 = vector.broadcast %broadcast_in_dim3A_272 : f32 to vector<16xf32>
    %broadcast_in_dim3A_274 = arith.constant 0.000000e+00 : f32
    %broadcast_in_dim3A_275 = vector.broadcast %broadcast_in_dim3A_274 : f32 to vector<16xf32>
    %broadcast_in_dim3A_276 = arith.constant 0.000000e+00 : f32
    %broadcast_in_dim3A_277 = vector.broadcast %broadcast_in_dim3A_276 : f32 to vector<16xf32>
    %broadcast_in_dim3A_278 = arith.constant 0.000000e+00 : f32
    %broadcast_in_dim3A_279 = vector.broadcast %broadcast_in_dim3A_278 : f32 to vector<16xf32>
    %broadcast_in_dim3A_280 = arith.constant 0.000000e+00 : f32
    %broadcast_in_dim3A_281 = vector.broadcast %broadcast_in_dim3A_280 : f32 to vector<16xf32>
    %broadcast_in_dim3A_282 = arith.constant 0.000000e+00 : f32
    %broadcast_in_dim3A_283 = vector.broadcast %broadcast_in_dim3A_282 : f32 to vector<16xf32>
    %broadcast_in_dim3A_284 = arith.constant 0.000000e+00 : f32
    %broadcast_in_dim3A_285 = vector.broadcast %broadcast_in_dim3A_284 : f32 to vector<16xf32>
    %broadcast_in_dim3A_286 = arith.constant 0.000000e+00 : f32
    %broadcast_in_dim3A_287 = vector.broadcast %broadcast_in_dim3A_286 : f32 to vector<16xf32>
    %broadcast_in_dim3A_288 = arith.constant 0.000000e+00 : f32
    %broadcast_in_dim3A_289 = vector.broadcast %broadcast_in_dim3A_288 : f32 to vector<16xf32>
    %broadcast_in_dim3A_290 = arith.constant 0.000000e+00 : f32
    %broadcast_in_dim3A_291 = vector.broadcast %broadcast_in_dim3A_290 : f32 to vector<16xf32>
    %broadcast_in_dim3A_292 = arith.constant 0.000000e+00 : f32
    %broadcast_in_dim3A_293 = vector.broadcast %broadcast_in_dim3A_292 : f32 to vector<16xf32>
    %broadcast_in_dim3A_294 = arith.constant 0.000000e+00 : f32
    %broadcast_in_dim3A_295 = vector.broadcast %broadcast_in_dim3A_294 : f32 to vector<16xf32>
    %broadcast_in_dim3A_296 = arith.constant 0.000000e+00 : f32
    %broadcast_in_dim3A_297 = vector.broadcast %broadcast_in_dim3A_296 : f32 to vector<16xf32>
    %broadcast_in_dim3A_298 = arith.constant 0.000000e+00 : f32
    %broadcast_in_dim3A_299 = vector.broadcast %broadcast_in_dim3A_298 : f32 to vector<16xf32>
    %scan3A_300 = arith.constant 0 : i32
    %scan3A_301 = arith.constant 224 : i32
    %scan3A_302 = arith.addi %scan3A_300, %scan3A_301 : i32
    %scan3A_303 = arith.constant 1 : i32
    %scan3A_304:14 = scf.for %scan3A_1574 = %scan3A_300 to %scan3A_302 step %scan3A_303 iter_args(%scan3A_1575 = %broadcast_in_dim3A_273, %scan3A_1576 = %broadcast_in_dim3A_275, %scan3A_1577 = %broadcast_in_dim3A_277, %scan3A_1578 = %broadcast_in_dim3A_279, %scan3A_1579 = %broadcast_in_dim3A_281, %scan3A_1580 = %broadcast_in_dim3A_283, %scan3A_1581 = %broadcast_in_dim3A_285, %scan3A_1582 = %broadcast_in_dim3A_287, %scan3A_1583 = %broadcast_in_dim3A_289, %scan3A_1584 = %broadcast_in_dim3A_291, %scan3A_1585 = %broadcast_in_dim3A_293, %scan3A_1586 = %broadcast_in_dim3A_295, %scan3A_1587 = %broadcast_in_dim3A_297, %scan3A_1588 = %broadcast_in_dim3A_299) -> (vector<16xf32>, vector<16xf32>, vector<16xf32>, vector<16xf32>, vector<16xf32>, vector<16xf32>, vector<16xf32>, vector<16xf32>, vector<16xf32>, vector<16xf32>, vector<16xf32>, vector<16xf32>, vector<16xf32>, vector<16xf32>)  : i32 {
      %get3A = arith.index_cast %scan3A_1574 : i32 to index
      %get3A_1589 = arith.constant 0 : index
      %get3A_1590 = tpu.vector_load %arg4[%get3A, %get3A_1589] {strides = array<i32>} : memref<224x224xf32, #tpu.memory_space<vmem>>, vector<1x16xf32>,
      %get3A_1591 = vector.shape_cast %get3A_1590 : vector<1x16xf32> to vector<16xf32>
      %add3A_1592 = arith.addf %scan3A_1575, %get3A_1591 : vector<16xf32>
      %get3A_1593 = arith.index_cast %scan3A_1574 : i32 to index
      %get3A_1594 = arith.constant 16 : index
      %get3A_1595 = tpu.vector_load %arg4[%get3A_1593, %get3A_1594] {strides = array<i32>} : memref<224x224xf32, #tpu.memory_space<vmem>>, vector<1x16xf32>,
      %get3A_1596 = vector.shape_cast %get3A_1595 : vector<1x16xf32> to vector<16xf32>
      %add3A_1597 = arith.addf %scan3A_1576, %get3A_1596 : vector<16xf32>
      %get3A_1598 = arith.index_cast %scan3A_1574 : i32 to index
      %get3A_1599 = arith.constant 32 : index
      %get3A_1600 = tpu.vector_load %arg4[%get3A_1598, %get3A_1599] {strides = array<i32>} : memref<224x224xf32, #tpu.memory_space<vmem>>, vector<1x16xf32>,
      %get3A_1601 = vector.shape_cast %get3A_1600 : vector<1x16xf32> to vector<16xf32>
      %add3A_1602 = arith.addf %scan3A_1577, %get3A_1601 : vector<16xf32>
      %get3A_1603 = arith.index_cast %scan3A_1574 : i32 to index
      %get3A_1604 = arith.constant 48 : index
      %get3A_1605 = tpu.vector_load %arg4[%get3A_1603, %get3A_1604] {strides = array<i32>} : memref<224x224xf32, #tpu.memory_space<vmem>>, vector<1x16xf32>,
      %get3A_1606 = vector.shape_cast %get3A_1605 : vector<1x16xf32> to vector<16xf32>
      %add3A_1607 = arith.addf %scan3A_1578, %get3A_1606 : vector<16xf32>
      %get3A_1608 = arith.index_cast %scan3A_1574 : i32 to index
      %get3A_1609 = arith.constant 64 : index
      %get3A_1610 = tpu.vector_load %arg4[%get3A_1608, %get3A_1609] {strides = array<i32>} : memref<224x224xf32, #tpu.memory_space<vmem>>, vector<1x16xf32>,
      %get3A_1611 = vector.shape_cast %get3A_1610 : vector<1x16xf32> to vector<16xf32>
      %add3A_1612 = arith.addf %scan3A_1579, %get3A_1611 : vector<16xf32>
      %get3A_1613 = arith.index_cast %scan3A_1574 : i32 to index
      %get3A_1614 = arith.constant 80 : index
      %get3A_1615 = tpu.vector_load %arg4[%get3A_1613, %get3A_1614] {strides = array<i32>} : memref<224x224xf32, #tpu.memory_space<vmem>>, vector<1x16xf32>,
      %get3A_1616 = vector.shape_cast %get3A_1615 : vector<1x16xf32> to vector<16xf32>
      %add3A_1617 = arith.addf %scan3A_1580, %get3A_1616 : vector<16xf32>
      %get3A_1618 = arith.index_cast %scan3A_1574 : i32 to index
      %get3A_1619 = arith.constant 96 : index
      %get3A_1620 = tpu.vector_load %arg4[%get3A_1618, %get3A_1619] {strides = array<i32>} : memref<224x224xf32, #tpu.memory_space<vmem>>, vector<1x16xf32>,
      %get3A_1621 = vector.shape_cast %get3A_1620 : vector<1x16xf32> to vector<16xf32>
      %add3A_1622 = arith.addf %scan3A_1581, %get3A_1621 : vector<16xf32>
      %get3A_1623 = arith.index_cast %scan3A_1574 : i32 to index
      %get3A_1624 = arith.constant 112 : index
      %get3A_1625 = tpu.vector_load %arg4[%get3A_1623, %get3A_1624] {strides = array<i32>} : memref<224x224xf32, #tpu.memory_space<vmem>>, vector<1x16xf32>,
      %get3A_1626 = vector.shape_cast %get3A_1625 : vector<1x16xf32> to vector<16xf32>
      %add3A_1627 = arith.addf %scan3A_1582, %get3A_1626 : vector<16xf32>
      %get3A_1628 = arith.index_cast %scan3A_1574 : i32 to index
      %get3A_1629 = arith.constant 128 : index
      %get3A_1630 = tpu.vector_load %arg4[%get3A_1628, %get3A_1629] {strides = array<i32>} : memref<224x224xf32, #tpu.memory_space<vmem>>, vector<1x16xf32>,
      %get3A_1631 = vector.shape_cast %get3A_1630 : vector<1x16xf32> to vector<16xf32>
      %add3A_1632 = arith.addf %scan3A_1583, %get3A_1631 : vector<16xf32>
      %get3A_1633 = arith.index_cast %scan3A_1574 : i32 to index
      %get3A_1634 = arith.constant 144 : index
      %get3A_1635 = tpu.vector_load %arg4[%get3A_1633, %get3A_1634] {strides = array<i32>} : memref<224x224xf32, #tpu.memory_space<vmem>>, vector<1x16xf32>,
      %get3A_1636 = vector.shape_cast %get3A_1635 : vector<1x16xf32> to vector<16xf32>
      %add3A_1637 = arith.addf %scan3A_1584, %get3A_1636 : vector<16xf32>
      %get3A_1638 = arith.index_cast %scan3A_1574 : i32 to index
      %get3A_1639 = arith.constant 160 : index
      %get3A_1640 = tpu.vector_load %arg4[%get3A_1638, %get3A_1639] {strides = array<i32>} : memref<224x224xf32, #tpu.memory_space<vmem>>, vector<1x16xf32>,
      %get3A_1641 = vector.shape_cast %get3A_1640 : vector<1x16xf32> to vector<16xf32>
      %add3A_1642 = arith.addf %scan3A_1585, %get3A_1641 : vector<16xf32>
      %get3A_1643 = arith.index_cast %scan3A_1574 : i32 to index
      %get3A_1644 = arith.constant 176 : index
      %get3A_1645 = tpu.vector_load %arg4[%get3A_1643, %get3A_1644] {strides = array<i32>} : memref<224x224xf32, #tpu.memory_space<vmem>>, vector<1x16xf32>,
      %get3A_1646 = vector.shape_cast %get3A_1645 : vector<1x16xf32> to vector<16xf32>
      %add3A_1647 = arith.addf %scan3A_1586, %get3A_1646 : vector<16xf32>
      %get3A_1648 = arith.index_cast %scan3A_1574 : i32 to index
      %get3A_1649 = arith.constant 192 : index
      %get3A_1650 = tpu.vector_load %arg4[%get3A_1648, %get3A_1649] {strides = array<i32>} : memref<224x224xf32, #tpu.memory_space<vmem>>, vector<1x16xf32>,
      %get3A_1651 = vector.shape_cast %get3A_1650 : vector<1x16xf32> to vector<16xf32>
      %add3A_1652 = arith.addf %scan3A_1587, %get3A_1651 : vector<16xf32>
      %get3A_1653 = arith.index_cast %scan3A_1574 : i32 to index
      %get3A_1654 = arith.constant 208 : index
      %get3A_1655 = tpu.vector_load %arg4[%get3A_1653, %get3A_1654] {strides = array<i32>} : memref<224x224xf32, #tpu.memory_space<vmem>>, vector<1x16xf32>,
      %get3A_1656 = vector.shape_cast %get3A_1655 : vector<1x16xf32> to vector<16xf32>
      %add3A_1657 = arith.addf %scan3A_1588, %get3A_1656 : vector<16xf32>
      scf.yield %add3A_1592, %add3A_1597, %add3A_1602, %add3A_1607, %add3A_1612, %add3A_1617, %add3A_1622, %add3A_1627, %add3A_1632, %add3A_1637, %add3A_1642, %add3A_1647, %add3A_1652, %add3A_1657 : vector<16xf32>, vector<16xf32>, vector<16xf32>, vector<16xf32>, vector<16xf32>, vector<16xf32>, vector<16xf32>, vector<16xf32>, vector<16xf32>, vector<16xf32>, vector<16xf32>, vector<16xf32>, vector<16xf32>, vector<16xf32>
    }
    %scan3A_305 = arith.constant 224 : i32
    %add3A_306 = arith.addf %scan3A_304#0, %scan3A_304#1 : vector<16xf32>
    %add3A_307 = arith.addf %scan3A_304#2, %scan3A_304#3 : vector<16xf32>
    %add3A_308 = arith.addf %scan3A_304#4, %scan3A_304#5 : vector<16xf32>
    %add3A_309 = arith.addf %scan3A_304#6, %scan3A_304#7 : vector<16xf32>
    %add3A_310 = arith.addf %scan3A_304#8, %scan3A_304#9 : vector<16xf32>
    %add3A_311 = arith.addf %scan3A_304#10, %scan3A_304#11 : vector<16xf32>
    %add3A_312 = arith.addf %scan3A_304#12, %scan3A_304#13 : vector<16xf32>
    %add3A_313 = arith.addf %add3A_306, %add3A_307 : vector<16xf32>
    %add3A_314 = arith.addf %add3A_308, %add3A_309 : vector<16xf32>
    %add3A_315 = arith.addf %add3A_310, %add3A_311 : vector<16xf32>
    %add3A_316 = arith.addf %add3A_313, %add3A_314 : vector<16xf32>
    %add3A_317 = arith.addf %add3A_315, %add3A_312 : vector<16xf32>
    %add3A_318 = arith.addf %add3A_316, %add3A_317 : vector<16xf32>
    %swap3A_319 = arith.constant 2 : i32
    %swap3A_320 = arith.index_cast %swap3A_319 : i32 to index
    %swap3A_321 = arith.constant 0 : index
    %swap3A_322 = tpu.vector_load %arg6[%swap3A_320, %swap3A_321] {strides = array<i32>} : memref<16x16xf32, #tpu.memory_space<vmem>>, vector<1x16xf32>,
    %swap3A_323 = vector.shape_cast %swap3A_322 : vector<1x16xf32> to vector<16xf32>
    %swap3A_324 = vector.shape_cast %add3A_318 : vector<16xf32> to vector<1x16xf32>
    tpu.vector_store %arg6[%swap3A_320, %swap3A_321], %swap3A_324 {strides = array<i32>} : memref<16x16xf32, #tpu.memory_space<vmem>>, vector<1x16xf32>,
    %add3A_325 = arith.constant 4 : i32
    %add3A_326 = arith.addi %mul3A_2, %add3A_325 : i32
    %jit3A_327 = arith.constant 64 : i32
    %div3A_328 = arith.divsi %add3A_326, %jit3A_327 : i32
    %sign3A_329 = arith.constant 0 : i32
    %sign3A_330 = arith.cmpi sgt, %add3A_326, %sign3A_329 : i32
    %sign3A_331 = arith.extui %sign3A_330 : i1 to i32
    %sign3A_332 = arith.constant 0 : i32
    %sign3A_333 = arith.cmpi slt, %add3A_326, %sign3A_332 : i32
    %sign3A_334 = arith.extui %sign3A_333 : i1 to i32
    %sign3A_335 = arith.subi %sign3A_331, %sign3A_334 : i32
    %sign3A_336 = arith.constant 0 : i32
    %sign3A_337 = arith.cmpi sgt, %jit3A_327, %sign3A_336 : i32
    %sign3A_338 = arith.extui %sign3A_337 : i1 to i32
    %sign3A_339 = arith.constant 0 : i32
    %sign3A_340 = arith.cmpi slt, %jit3A_327, %sign3A_339 : i32
    %sign3A_341 = arith.extui %sign3A_340 : i1 to i32
    %sign3A_342 = arith.subi %sign3A_338, %sign3A_341 : i32
    %ne3A_343 = arith.cmpi ne, %sign3A_335, %sign3A_342 : i32
    %rem3A_344 = arith.remsi %add3A_326, %jit3A_327 : i32
    %ne3A_345 = arith.constant 0 : i32
    %ne3A_346 = arith.cmpi ne, %rem3A_344, %ne3A_345 : i32
    %and3A_347 = arith.andi %ne3A_343, %ne3A_346 : i1
    %sub3A_348 = arith.constant 1 : i32
    %sub3A_349 = arith.subi %div3A_328, %sub3A_348 : i32
    %select_n3A_350 = arith.select %and3A_347, %sub3A_349, %div3A_328 : i32
    %rem3A_351 = arith.constant 64 : i32
    %rem3A_352 = arith.remsi %add3A_326, %rem3A_351 : i32
    %add3A_353 = arith.constant 128 : i32
    %add3A_354 = arith.addi %add3A_353, %rem3A_352 : i32
    %dma_start3A_355 = arith.constant 0 : i32
    %dma_start3A_356 = arith.constant 0 : i32
    %dma_start3A_357 = tpu.memref_slice %arg2[%select_n3A_350, %add3A_354, %dma_start3A_355, %dma_start3A_356] : memref<8x192x224x224xf32, #tpu.memory_space<hbm>> -> memref<1x1x224x224xf32, #tpu.memory_space<hbm>>
    %dma_start3A_358 = tpu.memref_squeeze %dma_start3A_357 : memref<1x1x224x224xf32, #tpu.memory_space<hbm>> -> memref<224x224xf32, #tpu.memory_space<hbm>>
    %dma_start3A_359 = arith.constant 0 : i32
    %dma_start3A_360 = arith.constant 0 : i32
    %dma_start3A_361 = tpu.memref_slice %arg2[%select_n3A_350, %add3A_354, %dma_start3A_359, %dma_start3A_360] : memref<8x192x224x224xf32, #tpu.memory_space<hbm>> -> memref<1x1x224x224xf32, #tpu.memory_space<hbm>>
    %dma_start3A_362 = tpu.memref_squeeze %dma_start3A_361 : memref<1x1x224x224xf32, #tpu.memory_space<hbm>> -> memref<224x224xf32, #tpu.memory_space<hbm>>
    tpu.enqueue_dma source(%dma_start3A_362 : memref<224x224xf32, #tpu.memory_space<hbm>>) target(%arg4 : memref<224x224xf32, #tpu.memory_space<vmem>>) target_semaphore(%arg7 : memref<!tpu.dma_semaphore, #tpu.memory_space<semaphore_mem>>)
    %dma_wait3A_363 = arith.constant 0 : i32
    %dma_wait3A_364 = arith.constant 0 : i32
    %dma_wait3A_365 = tpu.memref_slice %arg2[%select_n3A_251, %add3A_255, %dma_wait3A_363, %dma_wait3A_364] : memref<8x192x224x224xf32, #tpu.memory_space<hbm>> -> memref<1x1x224x224xf32, #tpu.memory_space<hbm>>
    %dma_wait3A_366 = tpu.memref_squeeze %dma_wait3A_365 : memref<1x1x224x224xf32, #tpu.memory_space<hbm>> -> memref<224x224xf32, #tpu.memory_space<hbm>>
    %dma_wait3A_367 = arith.constant 0 : i32
    %dma_wait3A_368 = arith.constant 0 : i32
    %dma_wait3A_369 = tpu.memref_slice %arg2[%select_n3A_251, %add3A_255, %dma_wait3A_367, %dma_wait3A_368] : memref<8x192x224x224xf32, #tpu.memory_space<hbm>> -> memref<1x1x224x224xf32, #tpu.memory_space<hbm>>
    %dma_wait3A_370 = tpu.memref_squeeze %dma_wait3A_369 : memref<1x1x224x224xf32, #tpu.memory_space<hbm>> -> memref<224x224xf32, #tpu.memory_space<hbm>>
    tpu.wait_dma2 semaphore(%arg8 : memref<!tpu.dma_semaphore, #tpu.memory_space<semaphore_mem>>) src(%dma_wait3A_370 : memref<224x224xf32, #tpu.memory_space<hbm>>) dst(%arg5 : memref<224x224xf32, #tpu.memory_space<vmem>>)
    %broadcast_in_dim3A_371 = arith.constant 0.000000e+00 : f32
    %broadcast_in_dim3A_372 = vector.broadcast %broadcast_in_dim3A_371 : f32 to vector<16xf32>
    %broadcast_in_dim3A_373 = arith.constant 0.000000e+00 : f32
    %broadcast_in_dim3A_374 = vector.broadcast %broadcast_in_dim3A_373 : f32 to vector<16xf32>
    %broadcast_in_dim3A_375 = arith.constant 0.000000e+00 : f32
    %broadcast_in_dim3A_376 = vector.broadcast %broadcast_in_dim3A_375 : f32 to vector<16xf32>
    %broadcast_in_dim3A_377 = arith.constant 0.000000e+00 : f32
    %broadcast_in_dim3A_378 = vector.broadcast %broadcast_in_dim3A_377 : f32 to vector<16xf32>
    %broadcast_in_dim3A_379 = arith.constant 0.000000e+00 : f32
    %broadcast_in_dim3A_380 = vector.broadcast %broadcast_in_dim3A_379 : f32 to vector<16xf32>
    %broadcast_in_dim3A_381 = arith.constant 0.000000e+00 : f32
    %broadcast_in_dim3A_382 = vector.broadcast %broadcast_in_dim3A_381 : f32 to vector<16xf32>
    %broadcast_in_dim3A_383 = arith.constant 0.000000e+00 : f32
    %broadcast_in_dim3A_384 = vector.broadcast %broadcast_in_dim3A_383 : f32 to vector<16xf32>
    %broadcast_in_dim3A_385 = arith.constant 0.000000e+00 : f32
    %broadcast_in_dim3A_386 = vector.broadcast %broadcast_in_dim3A_385 : f32 to vector<16xf32>
    %broadcast_in_dim3A_387 = arith.constant 0.000000e+00 : f32
    %broadcast_in_dim3A_388 = vector.broadcast %broadcast_in_dim3A_387 : f32 to vector<16xf32>
    %broadcast_in_dim3A_389 = arith.constant 0.000000e+00 : f32
    %broadcast_in_dim3A_390 = vector.broadcast %broadcast_in_dim3A_389 : f32 to vector<16xf32>
    %broadcast_in_dim3A_391 = arith.constant 0.000000e+00 : f32
    %broadcast_in_dim3A_392 = vector.broadcast %broadcast_in_dim3A_391 : f32 to vector<16xf32>
    %broadcast_in_dim3A_393 = arith.constant 0.000000e+00 : f32
    %broadcast_in_dim3A_394 = vector.broadcast %broadcast_in_dim3A_393 : f32 to vector<16xf32>
    %broadcast_in_dim3A_395 = arith.constant 0.000000e+00 : f32
    %broadcast_in_dim3A_396 = vector.broadcast %broadcast_in_dim3A_395 : f32 to vector<16xf32>
    %broadcast_in_dim3A_397 = arith.constant 0.000000e+00 : f32
    %broadcast_in_dim3A_398 = vector.broadcast %broadcast_in_dim3A_397 : f32 to vector<16xf32>
    %scan3A_399 = arith.constant 0 : i32
    %scan3A_400 = arith.constant 224 : i32
    %scan3A_401 = arith.addi %scan3A_399, %scan3A_400 : i32
    %scan3A_402 = arith.constant 1 : i32
    %scan3A_403:14 = scf.for %scan3A_1574 = %scan3A_399 to %scan3A_401 step %scan3A_402 iter_args(%scan3A_1575 = %broadcast_in_dim3A_372, %scan3A_1576 = %broadcast_in_dim3A_374, %scan3A_1577 = %broadcast_in_dim3A_376, %scan3A_1578 = %broadcast_in_dim3A_378, %scan3A_1579 = %broadcast_in_dim3A_380, %scan3A_1580 = %broadcast_in_dim3A_382, %scan3A_1581 = %broadcast_in_dim3A_384, %scan3A_1582 = %broadcast_in_dim3A_386, %scan3A_1583 = %broadcast_in_dim3A_388, %scan3A_1584 = %broadcast_in_dim3A_390, %scan3A_1585 = %broadcast_in_dim3A_392, %scan3A_1586 = %broadcast_in_dim3A_394, %scan3A_1587 = %broadcast_in_dim3A_396, %scan3A_1588 = %broadcast_in_dim3A_398) -> (vector<16xf32>, vector<16xf32>, vector<16xf32>, vector<16xf32>, vector<16xf32>, vector<16xf32>, vector<16xf32>, vector<16xf32>, vector<16xf32>, vector<16xf32>, vector<16xf32>, vector<16xf32>, vector<16xf32>, vector<16xf32>)  : i32 {
      %get3A = arith.index_cast %scan3A_1574 : i32 to index
      %get3A_1589 = arith.constant 0 : index
      %get3A_1590 = tpu.vector_load %arg5[%get3A, %get3A_1589] {strides = array<i32>} : memref<224x224xf32, #tpu.memory_space<vmem>>, vector<1x16xf32>,
      %get3A_1591 = vector.shape_cast %get3A_1590 : vector<1x16xf32> to vector<16xf32>
      %add3A_1592 = arith.addf %scan3A_1575, %get3A_1591 : vector<16xf32>
      %get3A_1593 = arith.index_cast %scan3A_1574 : i32 to index
      %get3A_1594 = arith.constant 16 : index
      %get3A_1595 = tpu.vector_load %arg5[%get3A_1593, %get3A_1594] {strides = array<i32>} : memref<224x224xf32, #tpu.memory_space<vmem>>, vector<1x16xf32>,
      %get3A_1596 = vector.shape_cast %get3A_1595 : vector<1x16xf32> to vector<16xf32>
      %add3A_1597 = arith.addf %scan3A_1576, %get3A_1596 : vector<16xf32>
      %get3A_1598 = arith.index_cast %scan3A_1574 : i32 to index
      %get3A_1599 = arith.constant 32 : index
      %get3A_1600 = tpu.vector_load %arg5[%get3A_1598, %get3A_1599] {strides = array<i32>} : memref<224x224xf32, #tpu.memory_space<vmem>>, vector<1x16xf32>,
      %get3A_1601 = vector.shape_cast %get3A_1600 : vector<1x16xf32> to vector<16xf32>
      %add3A_1602 = arith.addf %scan3A_1577, %get3A_1601 : vector<16xf32>
      %get3A_1603 = arith.index_cast %scan3A_1574 : i32 to index
      %get3A_1604 = arith.constant 48 : index
      %get3A_1605 = tpu.vector_load %arg5[%get3A_1603, %get3A_1604] {strides = array<i32>} : memref<224x224xf32, #tpu.memory_space<vmem>>, vector<1x16xf32>,
      %get3A_1606 = vector.shape_cast %get3A_1605 : vector<1x16xf32> to vector<16xf32>
      %add3A_1607 = arith.addf %scan3A_1578, %get3A_1606 : vector<16xf32>
      %get3A_1608 = arith.index_cast %scan3A_1574 : i32 to index
      %get3A_1609 = arith.constant 64 : index
      %get3A_1610 = tpu.vector_load %arg5[%get3A_1608, %get3A_1609] {strides = array<i32>} : memref<224x224xf32, #tpu.memory_space<vmem>>, vector<1x16xf32>,
      %get3A_1611 = vector.shape_cast %get3A_1610 : vector<1x16xf32> to vector<16xf32>
      %add3A_1612 = arith.addf %scan3A_1579, %get3A_1611 : vector<16xf32>
      %get3A_1613 = arith.index_cast %scan3A_1574 : i32 to index
      %get3A_1614 = arith.constant 80 : index
      %get3A_1615 = tpu.vector_load %arg5[%get3A_1613, %get3A_1614] {strides = array<i32>} : memref<224x224xf32, #tpu.memory_space<vmem>>, vector<1x16xf32>,
      %get3A_1616 = vector.shape_cast %get3A_1615 : vector<1x16xf32> to vector<16xf32>
      %add3A_1617 = arith.addf %scan3A_1580, %get3A_1616 : vector<16xf32>
      %get3A_1618 = arith.index_cast %scan3A_1574 : i32 to index
      %get3A_1619 = arith.constant 96 : index
      %get3A_1620 = tpu.vector_load %arg5[%get3A_1618, %get3A_1619] {strides = array<i32>} : memref<224x224xf32, #tpu.memory_space<vmem>>, vector<1x16xf32>,
      %get3A_1621 = vector.shape_cast %get3A_1620 : vector<1x16xf32> to vector<16xf32>
      %add3A_1622 = arith.addf %scan3A_1581, %get3A_1621 : vector<16xf32>
      %get3A_1623 = arith.index_cast %scan3A_1574 : i32 to index
      %get3A_1624 = arith.constant 112 : index
      %get3A_1625 = tpu.vector_load %arg5[%get3A_1623, %get3A_1624] {strides = array<i32>} : memref<224x224xf32, #tpu.memory_space<vmem>>, vector<1x16xf32>,
      %get3A_1626 = vector.shape_cast %get3A_1625 : vector<1x16xf32> to vector<16xf32>
      %add3A_1627 = arith.addf %scan3A_1582, %get3A_1626 : vector<16xf32>
      %get3A_1628 = arith.index_cast %scan3A_1574 : i32 to index
      %get3A_1629 = arith.constant 128 : index
      %get3A_1630 = tpu.vector_load %arg5[%get3A_1628, %get3A_1629] {strides = array<i32>} : memref<224x224xf32, #tpu.memory_space<vmem>>, vector<1x16xf32>,
      %get3A_1631 = vector.shape_cast %get3A_1630 : vector<1x16xf32> to vector<16xf32>
      %add3A_1632 = arith.addf %scan3A_1583, %get3A_1631 : vector<16xf32>
      %get3A_1633 = arith.index_cast %scan3A_1574 : i32 to index
      %get3A_1634 = arith.constant 144 : index
      %get3A_1635 = tpu.vector_load %arg5[%get3A_1633, %get3A_1634] {strides = array<i32>} : memref<224x224xf32, #tpu.memory_space<vmem>>, vector<1x16xf32>,
      %get3A_1636 = vector.shape_cast %get3A_1635 : vector<1x16xf32> to vector<16xf32>
      %add3A_1637 = arith.addf %scan3A_1584, %get3A_1636 : vector<16xf32>
      %get3A_1638 = arith.index_cast %scan3A_1574 : i32 to index
      %get3A_1639 = arith.constant 160 : index
      %get3A_1640 = tpu.vector_load %arg5[%get3A_1638, %get3A_1639] {strides = array<i32>} : memref<224x224xf32, #tpu.memory_space<vmem>>, vector<1x16xf32>,
      %get3A_1641 = vector.shape_cast %get3A_1640 : vector<1x16xf32> to vector<16xf32>
      %add3A_1642 = arith.addf %scan3A_1585, %get3A_1641 : vector<16xf32>
      %get3A_1643 = arith.index_cast %scan3A_1574 : i32 to index
      %get3A_1644 = arith.constant 176 : index
      %get3A_1645 = tpu.vector_load %arg5[%get3A_1643, %get3A_1644] {strides = array<i32>} : memref<224x224xf32, #tpu.memory_space<vmem>>, vector<1x16xf32>,
      %get3A_1646 = vector.shape_cast %get3A_1645 : vector<1x16xf32> to vector<16xf32>
      %add3A_1647 = arith.addf %scan3A_1586, %get3A_1646 : vector<16xf32>
      %get3A_1648 = arith.index_cast %scan3A_1574 : i32 to index
      %get3A_1649 = arith.constant 192 : index
      %get3A_1650 = tpu.vector_load %arg5[%get3A_1648, %get3A_1649] {strides = array<i32>} : memref<224x224xf32, #tpu.memory_space<vmem>>, vector<1x16xf32>,
      %get3A_1651 = vector.shape_cast %get3A_1650 : vector<1x16xf32> to vector<16xf32>
      %add3A_1652 = arith.addf %scan3A_1587, %get3A_1651 : vector<16xf32>
      %get3A_1653 = arith.index_cast %scan3A_1574 : i32 to index
      %get3A_1654 = arith.constant 208 : index
      %get3A_1655 = tpu.vector_load %arg5[%get3A_1653, %get3A_1654] {strides = array<i32>} : memref<224x224xf32, #tpu.memory_space<vmem>>, vector<1x16xf32>,
      %get3A_1656 = vector.shape_cast %get3A_1655 : vector<1x16xf32> to vector<16xf32>
      %add3A_1657 = arith.addf %scan3A_1588, %get3A_1656 : vector<16xf32>
      scf.yield %add3A_1592, %add3A_1597, %add3A_1602, %add3A_1607, %add3A_1612, %add3A_1617, %add3A_1622, %add3A_1627, %add3A_1632, %add3A_1637, %add3A_1642, %add3A_1647, %add3A_1652, %add3A_1657 : vector<16xf32>, vector<16xf32>, vector<16xf32>, vector<16xf32>, vector<16xf32>, vector<16xf32>, vector<16xf32>, vector<16xf32>, vector<16xf32>, vector<16xf32>, vector<16xf32>, vector<16xf32>, vector<16xf32>, vector<16xf32>
    }
    %scan3A_404 = arith.constant 224 : i32
    %add3A_405 = arith.addf %scan3A_403#0, %scan3A_403#1 : vector<16xf32>
    %add3A_406 = arith.addf %scan3A_403#2, %scan3A_403#3 : vector<16xf32>
    %add3A_407 = arith.addf %scan3A_403#4, %scan3A_403#5 : vector<16xf32>
    %add3A_408 = arith.addf %scan3A_403#6, %scan3A_403#7 : vector<16xf32>
    %add3A_409 = arith.addf %scan3A_403#8, %scan3A_403#9 : vector<16xf32>
    %add3A_410 = arith.addf %scan3A_403#10, %scan3A_403#11 : vector<16xf32>
    %add3A_411 = arith.addf %scan3A_403#12, %scan3A_403#13 : vector<16xf32>
    %add3A_412 = arith.addf %add3A_405, %add3A_406 : vector<16xf32>
    %add3A_413 = arith.addf %add3A_407, %add3A_408 : vector<16xf32>
    %add3A_414 = arith.addf %add3A_409, %add3A_410 : vector<16xf32>
    %add3A_415 = arith.addf %add3A_412, %add3A_413 : vector<16xf32>
    %add3A_416 = arith.addf %add3A_414, %add3A_411 : vector<16xf32>
    %add3A_417 = arith.addf %add3A_415, %add3A_416 : vector<16xf32>
    %swap3A_418 = arith.constant 3 : i32
    %swap3A_419 = arith.index_cast %swap3A_418 : i32 to index
    %swap3A_420 = arith.constant 0 : index
    %swap3A_421 = tpu.vector_load %arg6[%swap3A_419, %swap3A_420] {strides = array<i32>} : memref<16x16xf32, #tpu.memory_space<vmem>>, vector<1x16xf32>,
    %swap3A_422 = vector.shape_cast %swap3A_421 : vector<1x16xf32> to vector<16xf32>
    %swap3A_423 = vector.shape_cast %add3A_417 : vector<16xf32> to vector<1x16xf32>
    tpu.vector_store %arg6[%swap3A_419, %swap3A_420], %swap3A_423 {strides = array<i32>} : memref<16x16xf32, #tpu.memory_space<vmem>>, vector<1x16xf32>,
    %add3A_424 = arith.constant 5 : i32
    %add3A_425 = arith.addi %mul3A_2, %add3A_424 : i32
    %jit3A_426 = arith.constant 64 : i32
    %div3A_427 = arith.divsi %add3A_425, %jit3A_426 : i32
    %sign3A_428 = arith.constant 0 : i32
    %sign3A_429 = arith.cmpi sgt, %add3A_425, %sign3A_428 : i32
    %sign3A_430 = arith.extui %sign3A_429 : i1 to i32
    %sign3A_431 = arith.constant 0 : i32
    %sign3A_432 = arith.cmpi slt, %add3A_425, %sign3A_431 : i32
    %sign3A_433 = arith.extui %sign3A_432 : i1 to i32
    %sign3A_434 = arith.subi %sign3A_430, %sign3A_433 : i32
    %sign3A_435 = arith.constant 0 : i32
    %sign3A_436 = arith.cmpi sgt, %jit3A_426, %sign3A_435 : i32
    %sign3A_437 = arith.extui %sign3A_436 : i1 to i32
    %sign3A_438 = arith.constant 0 : i32
    %sign3A_439 = arith.cmpi slt, %jit3A_426, %sign3A_438 : i32
    %sign3A_440 = arith.extui %sign3A_439 : i1 to i32
    %sign3A_441 = arith.subi %sign3A_437, %sign3A_440 : i32
    %ne3A_442 = arith.cmpi ne, %sign3A_434, %sign3A_441 : i32
    %rem3A_443 = arith.remsi %add3A_425, %jit3A_426 : i32
    %ne3A_444 = arith.constant 0 : i32
    %ne3A_445 = arith.cmpi ne, %rem3A_443, %ne3A_444 : i32
    %and3A_446 = arith.andi %ne3A_442, %ne3A_445 : i1
    %sub3A_447 = arith.constant 1 : i32
    %sub3A_448 = arith.subi %div3A_427, %sub3A_447 : i32
    %select_n3A_449 = arith.select %and3A_446, %sub3A_448, %div3A_427 : i32
    %rem3A_450 = arith.constant 64 : i32
    %rem3A_451 = arith.remsi %add3A_425, %rem3A_450 : i32
    %add3A_452 = arith.constant 128 : i32
    %add3A_453 = arith.addi %add3A_452, %rem3A_451 : i32
    %dma_start3A_454 = arith.constant 0 : i32
    %dma_start3A_455 = arith.constant 0 : i32
    %dma_start3A_456 = tpu.memref_slice %arg2[%select_n3A_449, %add3A_453, %dma_start3A_454, %dma_start3A_455] : memref<8x192x224x224xf32, #tpu.memory_space<hbm>> -> memref<1x1x224x224xf32, #tpu.memory_space<hbm>>
    %dma_start3A_457 = tpu.memref_squeeze %dma_start3A_456 : memref<1x1x224x224xf32, #tpu.memory_space<hbm>> -> memref<224x224xf32, #tpu.memory_space<hbm>>
    %dma_start3A_458 = arith.constant 0 : i32
    %dma_start3A_459 = arith.constant 0 : i32
    %dma_start3A_460 = tpu.memref_slice %arg2[%select_n3A_449, %add3A_453, %dma_start3A_458, %dma_start3A_459] : memref<8x192x224x224xf32, #tpu.memory_space<hbm>> -> memref<1x1x224x224xf32, #tpu.memory_space<hbm>>
    %dma_start3A_461 = tpu.memref_squeeze %dma_start3A_460 : memref<1x1x224x224xf32, #tpu.memory_space<hbm>> -> memref<224x224xf32, #tpu.memory_space<hbm>>
    tpu.enqueue_dma source(%dma_start3A_461 : memref<224x224xf32, #tpu.memory_space<hbm>>) target(%arg5 : memref<224x224xf32, #tpu.memory_space<vmem>>) target_semaphore(%arg8 : memref<!tpu.dma_semaphore, #tpu.memory_space<semaphore_mem>>)
    %dma_wait3A_462 = arith.constant 0 : i32
    %dma_wait3A_463 = arith.constant 0 : i32
    %dma_wait3A_464 = tpu.memref_slice %arg2[%select_n3A_350, %add3A_354, %dma_wait3A_462, %dma_wait3A_463] : memref<8x192x224x224xf32, #tpu.memory_space<hbm>> -> memref<1x1x224x224xf32, #tpu.memory_space<hbm>>
    %dma_wait3A_465 = tpu.memref_squeeze %dma_wait3A_464 : memref<1x1x224x224xf32, #tpu.memory_space<hbm>> -> memref<224x224xf32, #tpu.memory_space<hbm>>
    %dma_wait3A_466 = arith.constant 0 : i32
    %dma_wait3A_467 = arith.constant 0 : i32
    %dma_wait3A_468 = tpu.memref_slice %arg2[%select_n3A_350, %add3A_354, %dma_wait3A_466, %dma_wait3A_467] : memref<8x192x224x224xf32, #tpu.memory_space<hbm>> -> memref<1x1x224x224xf32, #tpu.memory_space<hbm>>
    %dma_wait3A_469 = tpu.memref_squeeze %dma_wait3A_468 : memref<1x1x224x224xf32, #tpu.memory_space<hbm>> -> memref<224x224xf32, #tpu.memory_space<hbm>>
    tpu.wait_dma2 semaphore(%arg7 : memref<!tpu.dma_semaphore, #tpu.memory_space<semaphore_mem>>) src(%dma_wait3A_469 : memref<224x224xf32, #tpu.memory_space<hbm>>) dst(%arg4 : memref<224x224xf32, #tpu.memory_space<vmem>>)
    %broadcast_in_dim3A_470 = arith.constant 0.000000e+00 : f32
    %broadcast_in_dim3A_471 = vector.broadcast %broadcast_in_dim3A_470 : f32 to vector<16xf32>
    %broadcast_in_dim3A_472 = arith.constant 0.000000e+00 : f32
    %broadcast_in_dim3A_473 = vector.broadcast %broadcast_in_dim3A_472 : f32 to vector<16xf32>
    %broadcast_in_dim3A_474 = arith.constant 0.000000e+00 : f32
    %broadcast_in_dim3A_475 = vector.broadcast %broadcast_in_dim3A_474 : f32 to vector<16xf32>
    %broadcast_in_dim3A_476 = arith.constant 0.000000e+00 : f32
    %broadcast_in_dim3A_477 = vector.broadcast %broadcast_in_dim3A_476 : f32 to vector<16xf32>
    %broadcast_in_dim3A_478 = arith.constant 0.000000e+00 : f32
    %broadcast_in_dim3A_479 = vector.broadcast %broadcast_in_dim3A_478 : f32 to vector<16xf32>
    %broadcast_in_dim3A_480 = arith.constant 0.000000e+00 : f32
    %broadcast_in_dim3A_481 = vector.broadcast %broadcast_in_dim3A_480 : f32 to vector<16xf32>
    %broadcast_in_dim3A_482 = arith.constant 0.000000e+00 : f32
    %broadcast_in_dim3A_483 = vector.broadcast %broadcast_in_dim3A_482 : f32 to vector<16xf32>
    %broadcast_in_dim3A_484 = arith.constant 0.000000e+00 : f32
    %broadcast_in_dim3A_485 = vector.broadcast %broadcast_in_dim3A_484 : f32 to vector<16xf32>
    %broadcast_in_dim3A_486 = arith.constant 0.000000e+00 : f32
    %broadcast_in_dim3A_487 = vector.broadcast %broadcast_in_dim3A_486 : f32 to vector<16xf32>
    %broadcast_in_dim3A_488 = arith.constant 0.000000e+00 : f32
    %broadcast_in_dim3A_489 = vector.broadcast %broadcast_in_dim3A_488 : f32 to vector<16xf32>
    %broadcast_in_dim3A_490 = arith.constant 0.000000e+00 : f32
    %broadcast_in_dim3A_491 = vector.broadcast %broadcast_in_dim3A_490 : f32 to vector<16xf32>
    %broadcast_in_dim3A_492 = arith.constant 0.000000e+00 : f32
    %broadcast_in_dim3A_493 = vector.broadcast %broadcast_in_dim3A_492 : f32 to vector<16xf32>
    %broadcast_in_dim3A_494 = arith.constant 0.000000e+00 : f32
    %broadcast_in_dim3A_495 = vector.broadcast %broadcast_in_dim3A_494 : f32 to vector<16xf32>
    %broadcast_in_dim3A_496 = arith.constant 0.000000e+00 : f32
    %broadcast_in_dim3A_497 = vector.broadcast %broadcast_in_dim3A_496 : f32 to vector<16xf32>
    %scan3A_498 = arith.constant 0 : i32
    %scan3A_499 = arith.constant 224 : i32
    %scan3A_500 = arith.addi %scan3A_498, %scan3A_499 : i32
    %scan3A_501 = arith.constant 1 : i32
    %scan3A_502:14 = scf.for %scan3A_1574 = %scan3A_498 to %scan3A_500 step %scan3A_501 iter_args(%scan3A_1575 = %broadcast_in_dim3A_471, %scan3A_1576 = %broadcast_in_dim3A_473, %scan3A_1577 = %broadcast_in_dim3A_475, %scan3A_1578 = %broadcast_in_dim3A_477, %scan3A_1579 = %broadcast_in_dim3A_479, %scan3A_1580 = %broadcast_in_dim3A_481, %scan3A_1581 = %broadcast_in_dim3A_483, %scan3A_1582 = %broadcast_in_dim3A_485, %scan3A_1583 = %broadcast_in_dim3A_487, %scan3A_1584 = %broadcast_in_dim3A_489, %scan3A_1585 = %broadcast_in_dim3A_491, %scan3A_1586 = %broadcast_in_dim3A_493, %scan3A_1587 = %broadcast_in_dim3A_495, %scan3A_1588 = %broadcast_in_dim3A_497) -> (vector<16xf32>, vector<16xf32>, vector<16xf32>, vector<16xf32>, vector<16xf32>, vector<16xf32>, vector<16xf32>, vector<16xf32>, vector<16xf32>, vector<16xf32>, vector<16xf32>, vector<16xf32>, vector<16xf32>, vector<16xf32>)  : i32 {
      %get3A = arith.index_cast %scan3A_1574 : i32 to index
      %get3A_1589 = arith.constant 0 : index
      %get3A_1590 = tpu.vector_load %arg4[%get3A, %get3A_1589] {strides = array<i32>} : memref<224x224xf32, #tpu.memory_space<vmem>>, vector<1x16xf32>,
      %get3A_1591 = vector.shape_cast %get3A_1590 : vector<1x16xf32> to vector<16xf32>
      %add3A_1592 = arith.addf %scan3A_1575, %get3A_1591 : vector<16xf32>
      %get3A_1593 = arith.index_cast %scan3A_1574 : i32 to index
      %get3A_1594 = arith.constant 16 : index
      %get3A_1595 = tpu.vector_load %arg4[%get3A_1593, %get3A_1594] {strides = array<i32>} : memref<224x224xf32, #tpu.memory_space<vmem>>, vector<1x16xf32>,
      %get3A_1596 = vector.shape_cast %get3A_1595 : vector<1x16xf32> to vector<16xf32>
      %add3A_1597 = arith.addf %scan3A_1576, %get3A_1596 : vector<16xf32>
      %get3A_1598 = arith.index_cast %scan3A_1574 : i32 to index
      %get3A_1599 = arith.constant 32 : index
      %get3A_1600 = tpu.vector_load %arg4[%get3A_1598, %get3A_1599] {strides = array<i32>} : memref<224x224xf32, #tpu.memory_space<vmem>>, vector<1x16xf32>,
      %get3A_1601 = vector.shape_cast %get3A_1600 : vector<1x16xf32> to vector<16xf32>
      %add3A_1602 = arith.addf %scan3A_1577, %get3A_1601 : vector<16xf32>
      %get3A_1603 = arith.index_cast %scan3A_1574 : i32 to index
      %get3A_1604 = arith.constant 48 : index
      %get3A_1605 = tpu.vector_load %arg4[%get3A_1603, %get3A_1604] {strides = array<i32>} : memref<224x224xf32, #tpu.memory_space<vmem>>, vector<1x16xf32>,
      %get3A_1606 = vector.shape_cast %get3A_1605 : vector<1x16xf32> to vector<16xf32>
      %add3A_1607 = arith.addf %scan3A_1578, %get3A_1606 : vector<16xf32>
      %get3A_1608 = arith.index_cast %scan3A_1574 : i32 to index
      %get3A_1609 = arith.constant 64 : index
      %get3A_1610 = tpu.vector_load %arg4[%get3A_1608, %get3A_1609] {strides = array<i32>} : memref<224x224xf32, #tpu.memory_space<vmem>>, vector<1x16xf32>,
      %get3A_1611 = vector.shape_cast %get3A_1610 : vector<1x16xf32> to vector<16xf32>
      %add3A_1612 = arith.addf %scan3A_1579, %get3A_1611 : vector<16xf32>
      %get3A_1613 = arith.index_cast %scan3A_1574 : i32 to index
      %get3A_1614 = arith.constant 80 : index
      %get3A_1615 = tpu.vector_load %arg4[%get3A_1613, %get3A_1614] {strides = array<i32>} : memref<224x224xf32, #tpu.memory_space<vmem>>, vector<1x16xf32>,
      %get3A_1616 = vector.shape_cast %get3A_1615 : vector<1x16xf32> to vector<16xf32>
      %add3A_1617 = arith.addf %scan3A_1580, %get3A_1616 : vector<16xf32>
      %get3A_1618 = arith.index_cast %scan3A_1574 : i32 to index
      %get3A_1619 = arith.constant 96 : index
      %get3A_1620 = tpu.vector_load %arg4[%get3A_1618, %get3A_1619] {strides = array<i32>} : memref<224x224xf32, #tpu.memory_space<vmem>>, vector<1x16xf32>,
      %get3A_1621 = vector.shape_cast %get3A_1620 : vector<1x16xf32> to vector<16xf32>
      %add3A_1622 = arith.addf %scan3A_1581, %get3A_1621 : vector<16xf32>
      %get3A_1623 = arith.index_cast %scan3A_1574 : i32 to index
      %get3A_1624 = arith.constant 112 : index
      %get3A_1625 = tpu.vector_load %arg4[%get3A_1623, %get3A_1624] {strides = array<i32>} : memref<224x224xf32, #tpu.memory_space<vmem>>, vector<1x16xf32>,
      %get3A_1626 = vector.shape_cast %get3A_1625 : vector<1x16xf32> to vector<16xf32>
      %add3A_1627 = arith.addf %scan3A_1582, %get3A_1626 : vector<16xf32>
      %get3A_1628 = arith.index_cast %scan3A_1574 : i32 to index
      %get3A_1629 = arith.constant 128 : index
      %get3A_1630 = tpu.vector_load %arg4[%get3A_1628, %get3A_1629] {strides = array<i32>} : memref<224x224xf32, #tpu.memory_space<vmem>>, vector<1x16xf32>,
      %get3A_1631 = vector.shape_cast %get3A_1630 : vector<1x16xf32> to vector<16xf32>
      %add3A_1632 = arith.addf %scan3A_1583, %get3A_1631 : vector<16xf32>
      %get3A_1633 = arith.index_cast %scan3A_1574 : i32 to index
      %get3A_1634 = arith.constant 144 : index
      %get3A_1635 = tpu.vector_load %arg4[%get3A_1633, %get3A_1634] {strides = array<i32>} : memref<224x224xf32, #tpu.memory_space<vmem>>, vector<1x16xf32>,
      %get3A_1636 = vector.shape_cast %get3A_1635 : vector<1x16xf32> to vector<16xf32>
      %add3A_1637 = arith.addf %scan3A_1584, %get3A_1636 : vector<16xf32>
      %get3A_1638 = arith.index_cast %scan3A_1574 : i32 to index
      %get3A_1639 = arith.constant 160 : index
      %get3A_1640 = tpu.vector_load %arg4[%get3A_1638, %get3A_1639] {strides = array<i32>} : memref<224x224xf32, #tpu.memory_space<vmem>>, vector<1x16xf32>,
      %get3A_1641 = vector.shape_cast %get3A_1640 : vector<1x16xf32> to vector<16xf32>
      %add3A_1642 = arith.addf %scan3A_1585, %get3A_1641 : vector<16xf32>
      %get3A_1643 = arith.index_cast %scan3A_1574 : i32 to index
      %get3A_1644 = arith.constant 176 : index
      %get3A_1645 = tpu.vector_load %arg4[%get3A_1643, %get3A_1644] {strides = array<i32>} : memref<224x224xf32, #tpu.memory_space<vmem>>, vector<1x16xf32>,
      %get3A_1646 = vector.shape_cast %get3A_1645 : vector<1x16xf32> to vector<16xf32>
      %add3A_1647 = arith.addf %scan3A_1586, %get3A_1646 : vector<16xf32>
      %get3A_1648 = arith.index_cast %scan3A_1574 : i32 to index
      %get3A_1649 = arith.constant 192 : index
      %get3A_1650 = tpu.vector_load %arg4[%get3A_1648, %get3A_1649] {strides = array<i32>} : memref<224x224xf32, #tpu.memory_space<vmem>>, vector<1x16xf32>,
      %get3A_1651 = vector.shape_cast %get3A_1650 : vector<1x16xf32> to vector<16xf32>
      %add3A_1652 = arith.addf %scan3A_1587, %get3A_1651 : vector<16xf32>
      %get3A_1653 = arith.index_cast %scan3A_1574 : i32 to index
      %get3A_1654 = arith.constant 208 : index
      %get3A_1655 = tpu.vector_load %arg4[%get3A_1653, %get3A_1654] {strides = array<i32>} : memref<224x224xf32, #tpu.memory_space<vmem>>, vector<1x16xf32>,
      %get3A_1656 = vector.shape_cast %get3A_1655 : vector<1x16xf32> to vector<16xf32>
      %add3A_1657 = arith.addf %scan3A_1588, %get3A_1656 : vector<16xf32>
      scf.yield %add3A_1592, %add3A_1597, %add3A_1602, %add3A_1607, %add3A_1612, %add3A_1617, %add3A_1622, %add3A_1627, %add3A_1632, %add3A_1637, %add3A_1642, %add3A_1647, %add3A_1652, %add3A_1657 : vector<16xf32>, vector<16xf32>, vector<16xf32>, vector<16xf32>, vector<16xf32>, vector<16xf32>, vector<16xf32>, vector<16xf32>, vector<16xf32>, vector<16xf32>, vector<16xf32>, vector<16xf32>, vector<16xf32>, vector<16xf32>
    }
    %scan3A_503 = arith.constant 224 : i32
    %add3A_504 = arith.addf %scan3A_502#0, %scan3A_502#1 : vector<16xf32>
    %add3A_505 = arith.addf %scan3A_502#2, %scan3A_502#3 : vector<16xf32>
    %add3A_506 = arith.addf %scan3A_502#4, %scan3A_502#5 : vector<16xf32>
    %add3A_507 = arith.addf %scan3A_502#6, %scan3A_502#7 : vector<16xf32>
    %add3A_508 = arith.addf %scan3A_502#8, %scan3A_502#9 : vector<16xf32>
    %add3A_509 = arith.addf %scan3A_502#10, %scan3A_502#11 : vector<16xf32>
    %add3A_510 = arith.addf %scan3A_502#12, %scan3A_502#13 : vector<16xf32>
    %add3A_511 = arith.addf %add3A_504, %add3A_505 : vector<16xf32>
    %add3A_512 = arith.addf %add3A_506, %add3A_507 : vector<16xf32>
    %add3A_513 = arith.addf %add3A_508, %add3A_509 : vector<16xf32>
    %add3A_514 = arith.addf %add3A_511, %add3A_512 : vector<16xf32>
    %add3A_515 = arith.addf %add3A_513, %add3A_510 : vector<16xf32>
    %add3A_516 = arith.addf %add3A_514, %add3A_515 : vector<16xf32>
    %swap3A_517 = arith.constant 4 : i32
    %swap3A_518 = arith.index_cast %swap3A_517 : i32 to index
    %swap3A_519 = arith.constant 0 : index
    %swap3A_520 = tpu.vector_load %arg6[%swap3A_518, %swap3A_519] {strides = array<i32>} : memref<16x16xf32, #tpu.memory_space<vmem>>, vector<1x16xf32>,
    %swap3A_521 = vector.shape_cast %swap3A_520 : vector<1x16xf32> to vector<16xf32>
    %swap3A_522 = vector.shape_cast %add3A_516 : vector<16xf32> to vector<1x16xf32>
    tpu.vector_store %arg6[%swap3A_518, %swap3A_519], %swap3A_522 {strides = array<i32>} : memref<16x16xf32, #tpu.memory_space<vmem>>, vector<1x16xf32>,
    %add3A_523 = arith.constant 6 : i32
    %add3A_524 = arith.addi %mul3A_2, %add3A_523 : i32
    %jit3A_525 = arith.constant 64 : i32
    %div3A_526 = arith.divsi %add3A_524, %jit3A_525 : i32
    %sign3A_527 = arith.constant 0 : i32
    %sign3A_528 = arith.cmpi sgt, %add3A_524, %sign3A_527 : i32
    %sign3A_529 = arith.extui %sign3A_528 : i1 to i32
    %sign3A_530 = arith.constant 0 : i32
    %sign3A_531 = arith.cmpi slt, %add3A_524, %sign3A_530 : i32
    %sign3A_532 = arith.extui %sign3A_531 : i1 to i32
    %sign3A_533 = arith.subi %sign3A_529, %sign3A_532 : i32
    %sign3A_534 = arith.constant 0 : i32
    %sign3A_535 = arith.cmpi sgt, %jit3A_525, %sign3A_534 : i32
    %sign3A_536 = arith.extui %sign3A_535 : i1 to i32
    %sign3A_537 = arith.constant 0 : i32
    %sign3A_538 = arith.cmpi slt, %jit3A_525, %sign3A_537 : i32
    %sign3A_539 = arith.extui %sign3A_538 : i1 to i32
    %sign3A_540 = arith.subi %sign3A_536, %sign3A_539 : i32
    %ne3A_541 = arith.cmpi ne, %sign3A_533, %sign3A_540 : i32
    %rem3A_542 = arith.remsi %add3A_524, %jit3A_525 : i32
    %ne3A_543 = arith.constant 0 : i32
    %ne3A_544 = arith.cmpi ne, %rem3A_542, %ne3A_543 : i32
    %and3A_545 = arith.andi %ne3A_541, %ne3A_544 : i1
    %sub3A_546 = arith.constant 1 : i32
    %sub3A_547 = arith.subi %div3A_526, %sub3A_546 : i32
    %select_n3A_548 = arith.select %and3A_545, %sub3A_547, %div3A_526 : i32
    %rem3A_549 = arith.constant 64 : i32
    %rem3A_550 = arith.remsi %add3A_524, %rem3A_549 : i32
    %add3A_551 = arith.constant 128 : i32
    %add3A_552 = arith.addi %add3A_551, %rem3A_550 : i32
    %dma_start3A_553 = arith.constant 0 : i32
    %dma_start3A_554 = arith.constant 0 : i32
    %dma_start3A_555 = tpu.memref_slice %arg2[%select_n3A_548, %add3A_552, %dma_start3A_553, %dma_start3A_554] : memref<8x192x224x224xf32, #tpu.memory_space<hbm>> -> memref<1x1x224x224xf32, #tpu.memory_space<hbm>>
    %dma_start3A_556 = tpu.memref_squeeze %dma_start3A_555 : memref<1x1x224x224xf32, #tpu.memory_space<hbm>> -> memref<224x224xf32, #tpu.memory_space<hbm>>
    %dma_start3A_557 = arith.constant 0 : i32
    %dma_start3A_558 = arith.constant 0 : i32
    %dma_start3A_559 = tpu.memref_slice %arg2[%select_n3A_548, %add3A_552, %dma_start3A_557, %dma_start3A_558] : memref<8x192x224x224xf32, #tpu.memory_space<hbm>> -> memref<1x1x224x224xf32, #tpu.memory_space<hbm>>
    %dma_start3A_560 = tpu.memref_squeeze %dma_start3A_559 : memref<1x1x224x224xf32, #tpu.memory_space<hbm>> -> memref<224x224xf32, #tpu.memory_space<hbm>>
    tpu.enqueue_dma source(%dma_start3A_560 : memref<224x224xf32, #tpu.memory_space<hbm>>) target(%arg4 : memref<224x224xf32, #tpu.memory_space<vmem>>) target_semaphore(%arg7 : memref<!tpu.dma_semaphore, #tpu.memory_space<semaphore_mem>>)
    %dma_wait3A_561 = arith.constant 0 : i32
    %dma_wait3A_562 = arith.constant 0 : i32
    %dma_wait3A_563 = tpu.memref_slice %arg2[%select_n3A_449, %add3A_453, %dma_wait3A_561, %dma_wait3A_562] : memref<8x192x224x224xf32, #tpu.memory_space<hbm>> -> memref<1x1x224x224xf32, #tpu.memory_space<hbm>>
    %dma_wait3A_564 = tpu.memref_squeeze %dma_wait3A_563 : memref<1x1x224x224xf32, #tpu.memory_space<hbm>> -> memref<224x224xf32, #tpu.memory_space<hbm>>
    %dma_wait3A_565 = arith.constant 0 : i32
    %dma_wait3A_566 = arith.constant 0 : i32
    %dma_wait3A_567 = tpu.memref_slice %arg2[%select_n3A_449, %add3A_453, %dma_wait3A_565, %dma_wait3A_566] : memref<8x192x224x224xf32, #tpu.memory_space<hbm>> -> memref<1x1x224x224xf32, #tpu.memory_space<hbm>>
    %dma_wait3A_568 = tpu.memref_squeeze %dma_wait3A_567 : memref<1x1x224x224xf32, #tpu.memory_space<hbm>> -> memref<224x224xf32, #tpu.memory_space<hbm>>
    tpu.wait_dma2 semaphore(%arg8 : memref<!tpu.dma_semaphore, #tpu.memory_space<semaphore_mem>>) src(%dma_wait3A_568 : memref<224x224xf32, #tpu.memory_space<hbm>>) dst(%arg5 : memref<224x224xf32, #tpu.memory_space<vmem>>)
    %broadcast_in_dim3A_569 = arith.constant 0.000000e+00 : f32
    %broadcast_in_dim3A_570 = vector.broadcast %broadcast_in_dim3A_569 : f32 to vector<16xf32>
    %broadcast_in_dim3A_571 = arith.constant 0.000000e+00 : f32
    %broadcast_in_dim3A_572 = vector.broadcast %broadcast_in_dim3A_571 : f32 to vector<16xf32>
    %broadcast_in_dim3A_573 = arith.constant 0.000000e+00 : f32
    %broadcast_in_dim3A_574 = vector.broadcast %broadcast_in_dim3A_573 : f32 to vector<16xf32>
    %broadcast_in_dim3A_575 = arith.constant 0.000000e+00 : f32
    %broadcast_in_dim3A_576 = vector.broadcast %broadcast_in_dim3A_575 : f32 to vector<16xf32>
    %broadcast_in_dim3A_577 = arith.constant 0.000000e+00 : f32
    %broadcast_in_dim3A_578 = vector.broadcast %broadcast_in_dim3A_577 : f32 to vector<16xf32>
    %broadcast_in_dim3A_579 = arith.constant 0.000000e+00 : f32
    %broadcast_in_dim3A_580 = vector.broadcast %broadcast_in_dim3A_579 : f32 to vector<16xf32>
    %broadcast_in_dim3A_581 = arith.constant 0.000000e+00 : f32
    %broadcast_in_dim3A_582 = vector.broadcast %broadcast_in_dim3A_581 : f32 to vector<16xf32>
    %broadcast_in_dim3A_583 = arith.constant 0.000000e+00 : f32
    %broadcast_in_dim3A_584 = vector.broadcast %broadcast_in_dim3A_583 : f32 to vector<16xf32>
    %broadcast_in_dim3A_585 = arith.constant 0.000000e+00 : f32
    %broadcast_in_dim3A_586 = vector.broadcast %broadcast_in_dim3A_585 : f32 to vector<16xf32>
    %broadcast_in_dim3A_587 = arith.constant 0.000000e+00 : f32
    %broadcast_in_dim3A_588 = vector.broadcast %broadcast_in_dim3A_587 : f32 to vector<16xf32>
    %broadcast_in_dim3A_589 = arith.constant 0.000000e+00 : f32
    %broadcast_in_dim3A_590 = vector.broadcast %broadcast_in_dim3A_589 : f32 to vector<16xf32>
    %broadcast_in_dim3A_591 = arith.constant 0.000000e+00 : f32
    %broadcast_in_dim3A_592 = vector.broadcast %broadcast_in_dim3A_591 : f32 to vector<16xf32>
    %broadcast_in_dim3A_593 = arith.constant 0.000000e+00 : f32
    %broadcast_in_dim3A_594 = vector.broadcast %broadcast_in_dim3A_593 : f32 to vector<16xf32>
    %broadcast_in_dim3A_595 = arith.constant 0.000000e+00 : f32
    %broadcast_in_dim3A_596 = vector.broadcast %broadcast_in_dim3A_595 : f32 to vector<16xf32>
    %scan3A_597 = arith.constant 0 : i32
    %scan3A_598 = arith.constant 224 : i32
    %scan3A_599 = arith.addi %scan3A_597, %scan3A_598 : i32
    %scan3A_600 = arith.constant 1 : i32
    %scan3A_601:14 = scf.for %scan3A_1574 = %scan3A_597 to %scan3A_599 step %scan3A_600 iter_args(%scan3A_1575 = %broadcast_in_dim3A_570, %scan3A_1576 = %broadcast_in_dim3A_572, %scan3A_1577 = %broadcast_in_dim3A_574, %scan3A_1578 = %broadcast_in_dim3A_576, %scan3A_1579 = %broadcast_in_dim3A_578, %scan3A_1580 = %broadcast_in_dim3A_580, %scan3A_1581 = %broadcast_in_dim3A_582, %scan3A_1582 = %broadcast_in_dim3A_584, %scan3A_1583 = %broadcast_in_dim3A_586, %scan3A_1584 = %broadcast_in_dim3A_588, %scan3A_1585 = %broadcast_in_dim3A_590, %scan3A_1586 = %broadcast_in_dim3A_592, %scan3A_1587 = %broadcast_in_dim3A_594, %scan3A_1588 = %broadcast_in_dim3A_596) -> (vector<16xf32>, vector<16xf32>, vector<16xf32>, vector<16xf32>, vector<16xf32>, vector<16xf32>, vector<16xf32>, vector<16xf32>, vector<16xf32>, vector<16xf32>, vector<16xf32>, vector<16xf32>, vector<16xf32>, vector<16xf32>)  : i32 {
      %get3A = arith.index_cast %scan3A_1574 : i32 to index
      %get3A_1589 = arith.constant 0 : index
      %get3A_1590 = tpu.vector_load %arg5[%get3A, %get3A_1589] {strides = array<i32>} : memref<224x224xf32, #tpu.memory_space<vmem>>, vector<1x16xf32>,
      %get3A_1591 = vector.shape_cast %get3A_1590 : vector<1x16xf32> to vector<16xf32>
      %add3A_1592 = arith.addf %scan3A_1575, %get3A_1591 : vector<16xf32>
      %get3A_1593 = arith.index_cast %scan3A_1574 : i32 to index
      %get3A_1594 = arith.constant 16 : index
      %get3A_1595 = tpu.vector_load %arg5[%get3A_1593, %get3A_1594] {strides = array<i32>} : memref<224x224xf32, #tpu.memory_space<vmem>>, vector<1x16xf32>,
      %get3A_1596 = vector.shape_cast %get3A_1595 : vector<1x16xf32> to vector<16xf32>
      %add3A_1597 = arith.addf %scan3A_1576, %get3A_1596 : vector<16xf32>
      %get3A_1598 = arith.index_cast %scan3A_1574 : i32 to index
      %get3A_1599 = arith.constant 32 : index
      %get3A_1600 = tpu.vector_load %arg5[%get3A_1598, %get3A_1599] {strides = array<i32>} : memref<224x224xf32, #tpu.memory_space<vmem>>, vector<1x16xf32>,
      %get3A_1601 = vector.shape_cast %get3A_1600 : vector<1x16xf32> to vector<16xf32>
      %add3A_1602 = arith.addf %scan3A_1577, %get3A_1601 : vector<16xf32>
      %get3A_1603 = arith.index_cast %scan3A_1574 : i32 to index
      %get3A_1604 = arith.constant 48 : index
      %get3A_1605 = tpu.vector_load %arg5[%get3A_1603, %get3A_1604] {strides = array<i32>} : memref<224x224xf32, #tpu.memory_space<vmem>>, vector<1x16xf32>,
      %get3A_1606 = vector.shape_cast %get3A_1605 : vector<1x16xf32> to vector<16xf32>
      %add3A_1607 = arith.addf %scan3A_1578, %get3A_1606 : vector<16xf32>
      %get3A_1608 = arith.index_cast %scan3A_1574 : i32 to index
      %get3A_1609 = arith.constant 64 : index
      %get3A_1610 = tpu.vector_load %arg5[%get3A_1608, %get3A_1609] {strides = array<i32>} : memref<224x224xf32, #tpu.memory_space<vmem>>, vector<1x16xf32>,
      %get3A_1611 = vector.shape_cast %get3A_1610 : vector<1x16xf32> to vector<16xf32>
      %add3A_1612 = arith.addf %scan3A_1579, %get3A_1611 : vector<16xf32>
      %get3A_1613 = arith.index_cast %scan3A_1574 : i32 to index
      %get3A_1614 = arith.constant 80 : index
      %get3A_1615 = tpu.vector_load %arg5[%get3A_1613, %get3A_1614] {strides = array<i32>} : memref<224x224xf32, #tpu.memory_space<vmem>>, vector<1x16xf32>,
      %get3A_1616 = vector.shape_cast %get3A_1615 : vector<1x16xf32> to vector<16xf32>
      %add3A_1617 = arith.addf %scan3A_1580, %get3A_1616 : vector<16xf32>
      %get3A_1618 = arith.index_cast %scan3A_1574 : i32 to index
      %get3A_1619 = arith.constant 96 : index
      %get3A_1620 = tpu.vector_load %arg5[%get3A_1618, %get3A_1619] {strides = array<i32>} : memref<224x224xf32, #tpu.memory_space<vmem>>, vector<1x16xf32>,
      %get3A_1621 = vector.shape_cast %get3A_1620 : vector<1x16xf32> to vector<16xf32>
      %add3A_1622 = arith.addf %scan3A_1581, %get3A_1621 : vector<16xf32>
      %get3A_1623 = arith.index_cast %scan3A_1574 : i32 to index
      %get3A_1624 = arith.constant 112 : index
      %get3A_1625 = tpu.vector_load %arg5[%get3A_1623, %get3A_1624] {strides = array<i32>} : memref<224x224xf32, #tpu.memory_space<vmem>>, vector<1x16xf32>,
      %get3A_1626 = vector.shape_cast %get3A_1625 : vector<1x16xf32> to vector<16xf32>
      %add3A_1627 = arith.addf %scan3A_1582, %get3A_1626 : vector<16xf32>
      %get3A_1628 = arith.index_cast %scan3A_1574 : i32 to index
      %get3A_1629 = arith.constant 128 : index
      %get3A_1630 = tpu.vector_load %arg5[%get3A_1628, %get3A_1629] {strides = array<i32>} : memref<224x224xf32, #tpu.memory_space<vmem>>, vector<1x16xf32>,
      %get3A_1631 = vector.shape_cast %get3A_1630 : vector<1x16xf32> to vector<16xf32>
      %add3A_1632 = arith.addf %scan3A_1583, %get3A_1631 : vector<16xf32>
      %get3A_1633 = arith.index_cast %scan3A_1574 : i32 to index
      %get3A_1634 = arith.constant 144 : index
      %get3A_1635 = tpu.vector_load %arg5[%get3A_1633, %get3A_1634] {strides = array<i32>} : memref<224x224xf32, #tpu.memory_space<vmem>>, vector<1x16xf32>,
      %get3A_1636 = vector.shape_cast %get3A_1635 : vector<1x16xf32> to vector<16xf32>
      %add3A_1637 = arith.addf %scan3A_1584, %get3A_1636 : vector<16xf32>
      %get3A_1638 = arith.index_cast %scan3A_1574 : i32 to index
      %get3A_1639 = arith.constant 160 : index
      %get3A_1640 = tpu.vector_load %arg5[%get3A_1638, %get3A_1639] {strides = array<i32>} : memref<224x224xf32, #tpu.memory_space<vmem>>, vector<1x16xf32>,
      %get3A_1641 = vector.shape_cast %get3A_1640 : vector<1x16xf32> to vector<16xf32>
      %add3A_1642 = arith.addf %scan3A_1585, %get3A_1641 : vector<16xf32>
      %get3A_1643 = arith.index_cast %scan3A_1574 : i32 to index
      %get3A_1644 = arith.constant 176 : index
      %get3A_1645 = tpu.vector_load %arg5[%get3A_1643, %get3A_1644] {strides = array<i32>} : memref<224x224xf32, #tpu.memory_space<vmem>>, vector<1x16xf32>,
      %get3A_1646 = vector.shape_cast %get3A_1645 : vector<1x16xf32> to vector<16xf32>
      %add3A_1647 = arith.addf %scan3A_1586, %get3A_1646 : vector<16xf32>
      %get3A_1648 = arith.index_cast %scan3A_1574 : i32 to index
      %get3A_1649 = arith.constant 192 : index
      %get3A_1650 = tpu.vector_load %arg5[%get3A_1648, %get3A_1649] {strides = array<i32>} : memref<224x224xf32, #tpu.memory_space<vmem>>, vector<1x16xf32>,
      %get3A_1651 = vector.shape_cast %get3A_1650 : vector<1x16xf32> to vector<16xf32>
      %add3A_1652 = arith.addf %scan3A_1587, %get3A_1651 : vector<16xf32>
      %get3A_1653 = arith.index_cast %scan3A_1574 : i32 to index
      %get3A_1654 = arith.constant 208 : index
      %get3A_1655 = tpu.vector_load %arg5[%get3A_1653, %get3A_1654] {strides = array<i32>} : memref<224x224xf32, #tpu.memory_space<vmem>>, vector<1x16xf32>,
      %get3A_1656 = vector.shape_cast %get3A_1655 : vector<1x16xf32> to vector<16xf32>
      %add3A_1657 = arith.addf %scan3A_1588, %get3A_1656 : vector<16xf32>
      scf.yield %add3A_1592, %add3A_1597, %add3A_1602, %add3A_1607, %add3A_1612, %add3A_1617, %add3A_1622, %add3A_1627, %add3A_1632, %add3A_1637, %add3A_1642, %add3A_1647, %add3A_1652, %add3A_1657 : vector<16xf32>, vector<16xf32>, vector<16xf32>, vector<16xf32>, vector<16xf32>, vector<16xf32>, vector<16xf32>, vector<16xf32>, vector<16xf32>, vector<16xf32>, vector<16xf32>, vector<16xf32>, vector<16xf32>, vector<16xf32>
    }
    %scan3A_602 = arith.constant 224 : i32
    %add3A_603 = arith.addf %scan3A_601#0, %scan3A_601#1 : vector<16xf32>
    %add3A_604 = arith.addf %scan3A_601#2, %scan3A_601#3 : vector<16xf32>
    %add3A_605 = arith.addf %scan3A_601#4, %scan3A_601#5 : vector<16xf32>
    %add3A_606 = arith.addf %scan3A_601#6, %scan3A_601#7 : vector<16xf32>
    %add3A_607 = arith.addf %scan3A_601#8, %scan3A_601#9 : vector<16xf32>
    %add3A_608 = arith.addf %scan3A_601#10, %scan3A_601#11 : vector<16xf32>
    %add3A_609 = arith.addf %scan3A_601#12, %scan3A_601#13 : vector<16xf32>
    %add3A_610 = arith.addf %add3A_603, %add3A_604 : vector<16xf32>
    %add3A_611 = arith.addf %add3A_605, %add3A_606 : vector<16xf32>
    %add3A_612 = arith.addf %add3A_607, %add3A_608 : vector<16xf32>
    %add3A_613 = arith.addf %add3A_610, %add3A_611 : vector<16xf32>
    %add3A_614 = arith.addf %add3A_612, %add3A_609 : vector<16xf32>
    %add3A_615 = arith.addf %add3A_613, %add3A_614 : vector<16xf32>
    %swap3A_616 = arith.constant 5 : i32
    %swap3A_617 = arith.index_cast %swap3A_616 : i32 to index
    %swap3A_618 = arith.constant 0 : index
    %swap3A_619 = tpu.vector_load %arg6[%swap3A_617, %swap3A_618] {strides = array<i32>} : memref<16x16xf32, #tpu.memory_space<vmem>>, vector<1x16xf32>,
    %swap3A_620 = vector.shape_cast %swap3A_619 : vector<1x16xf32> to vector<16xf32>
    %swap3A_621 = vector.shape_cast %add3A_615 : vector<16xf32> to vector<1x16xf32>
    tpu.vector_store %arg6[%swap3A_617, %swap3A_618], %swap3A_621 {strides = array<i32>} : memref<16x16xf32, #tpu.memory_space<vmem>>, vector<1x16xf32>,
    %add3A_622 = arith.constant 7 : i32
    %add3A_623 = arith.addi %mul3A_2, %add3A_622 : i32
    %jit3A_624 = arith.constant 64 : i32
    %div3A_625 = arith.divsi %add3A_623, %jit3A_624 : i32
    %sign3A_626 = arith.constant 0 : i32
    %sign3A_627 = arith.cmpi sgt, %add3A_623, %sign3A_626 : i32
    %sign3A_628 = arith.extui %sign3A_627 : i1 to i32
    %sign3A_629 = arith.constant 0 : i32
    %sign3A_630 = arith.cmpi slt, %add3A_623, %sign3A_629 : i32
    %sign3A_631 = arith.extui %sign3A_630 : i1 to i32
    %sign3A_632 = arith.subi %sign3A_628, %sign3A_631 : i32
    %sign3A_633 = arith.constant 0 : i32
    %sign3A_634 = arith.cmpi sgt, %jit3A_624, %sign3A_633 : i32
    %sign3A_635 = arith.extui %sign3A_634 : i1 to i32
    %sign3A_636 = arith.constant 0 : i32
    %sign3A_637 = arith.cmpi slt, %jit3A_624, %sign3A_636 : i32
    %sign3A_638 = arith.extui %sign3A_637 : i1 to i32
    %sign3A_639 = arith.subi %sign3A_635, %sign3A_638 : i32
    %ne3A_640 = arith.cmpi ne, %sign3A_632, %sign3A_639 : i32
    %rem3A_641 = arith.remsi %add3A_623, %jit3A_624 : i32
    %ne3A_642 = arith.constant 0 : i32
    %ne3A_643 = arith.cmpi ne, %rem3A_641, %ne3A_642 : i32
    %and3A_644 = arith.andi %ne3A_640, %ne3A_643 : i1
    %sub3A_645 = arith.constant 1 : i32
    %sub3A_646 = arith.subi %div3A_625, %sub3A_645 : i32
    %select_n3A_647 = arith.select %and3A_644, %sub3A_646, %div3A_625 : i32
    %rem3A_648 = arith.constant 64 : i32
    %rem3A_649 = arith.remsi %add3A_623, %rem3A_648 : i32
    %add3A_650 = arith.constant 128 : i32
    %add3A_651 = arith.addi %add3A_650, %rem3A_649 : i32
    %dma_start3A_652 = arith.constant 0 : i32
    %dma_start3A_653 = arith.constant 0 : i32
    %dma_start3A_654 = tpu.memref_slice %arg2[%select_n3A_647, %add3A_651, %dma_start3A_652, %dma_start3A_653] : memref<8x192x224x224xf32, #tpu.memory_space<hbm>> -> memref<1x1x224x224xf32, #tpu.memory_space<hbm>>
    %dma_start3A_655 = tpu.memref_squeeze %dma_start3A_654 : memref<1x1x224x224xf32, #tpu.memory_space<hbm>> -> memref<224x224xf32, #tpu.memory_space<hbm>>
    %dma_start3A_656 = arith.constant 0 : i32
    %dma_start3A_657 = arith.constant 0 : i32
    %dma_start3A_658 = tpu.memref_slice %arg2[%select_n3A_647, %add3A_651, %dma_start3A_656, %dma_start3A_657] : memref<8x192x224x224xf32, #tpu.memory_space<hbm>> -> memref<1x1x224x224xf32, #tpu.memory_space<hbm>>
    %dma_start3A_659 = tpu.memref_squeeze %dma_start3A_658 : memref<1x1x224x224xf32, #tpu.memory_space<hbm>> -> memref<224x224xf32, #tpu.memory_space<hbm>>
    tpu.enqueue_dma source(%dma_start3A_659 : memref<224x224xf32, #tpu.memory_space<hbm>>) target(%arg5 : memref<224x224xf32, #tpu.memory_space<vmem>>) target_semaphore(%arg8 : memref<!tpu.dma_semaphore, #tpu.memory_space<semaphore_mem>>)
    %dma_wait3A_660 = arith.constant 0 : i32
    %dma_wait3A_661 = arith.constant 0 : i32
    %dma_wait3A_662 = tpu.memref_slice %arg2[%select_n3A_548, %add3A_552, %dma_wait3A_660, %dma_wait3A_661] : memref<8x192x224x224xf32, #tpu.memory_space<hbm>> -> memref<1x1x224x224xf32, #tpu.memory_space<hbm>>
    %dma_wait3A_663 = tpu.memref_squeeze %dma_wait3A_662 : memref<1x1x224x224xf32, #tpu.memory_space<hbm>> -> memref<224x224xf32, #tpu.memory_space<hbm>>
    %dma_wait3A_664 = arith.constant 0 : i32
    %dma_wait3A_665 = arith.constant 0 : i32
    %dma_wait3A_666 = tpu.memref_slice %arg2[%select_n3A_548, %add3A_552, %dma_wait3A_664, %dma_wait3A_665] : memref<8x192x224x224xf32, #tpu.memory_space<hbm>> -> memref<1x1x224x224xf32, #tpu.memory_space<hbm>>
    %dma_wait3A_667 = tpu.memref_squeeze %dma_wait3A_666 : memref<1x1x224x224xf32, #tpu.memory_space<hbm>> -> memref<224x224xf32, #tpu.memory_space<hbm>>
    tpu.wait_dma2 semaphore(%arg7 : memref<!tpu.dma_semaphore, #tpu.memory_space<semaphore_mem>>) src(%dma_wait3A_667 : memref<224x224xf32, #tpu.memory_space<hbm>>) dst(%arg4 : memref<224x224xf32, #tpu.memory_space<vmem>>)
    %broadcast_in_dim3A_668 = arith.constant 0.000000e+00 : f32
    %broadcast_in_dim3A_669 = vector.broadcast %broadcast_in_dim3A_668 : f32 to vector<16xf32>
    %broadcast_in_dim3A_670 = arith.constant 0.000000e+00 : f32
    %broadcast_in_dim3A_671 = vector.broadcast %broadcast_in_dim3A_670 : f32 to vector<16xf32>
    %broadcast_in_dim3A_672 = arith.constant 0.000000e+00 : f32
    %broadcast_in_dim3A_673 = vector.broadcast %broadcast_in_dim3A_672 : f32 to vector<16xf32>
    %broadcast_in_dim3A_674 = arith.constant 0.000000e+00 : f32
    %broadcast_in_dim3A_675 = vector.broadcast %broadcast_in_dim3A_674 : f32 to vector<16xf32>
    %broadcast_in_dim3A_676 = arith.constant 0.000000e+00 : f32
    %broadcast_in_dim3A_677 = vector.broadcast %broadcast_in_dim3A_676 : f32 to vector<16xf32>
    %broadcast_in_dim3A_678 = arith.constant 0.000000e+00 : f32
    %broadcast_in_dim3A_679 = vector.broadcast %broadcast_in_dim3A_678 : f32 to vector<16xf32>
    %broadcast_in_dim3A_680 = arith.constant 0.000000e+00 : f32
    %broadcast_in_dim3A_681 = vector.broadcast %broadcast_in_dim3A_680 : f32 to vector<16xf32>
    %broadcast_in_dim3A_682 = arith.constant 0.000000e+00 : f32
    %broadcast_in_dim3A_683 = vector.broadcast %broadcast_in_dim3A_682 : f32 to vector<16xf32>
    %broadcast_in_dim3A_684 = arith.constant 0.000000e+00 : f32
    %broadcast_in_dim3A_685 = vector.broadcast %broadcast_in_dim3A_684 : f32 to vector<16xf32>
    %broadcast_in_dim3A_686 = arith.constant 0.000000e+00 : f32
    %broadcast_in_dim3A_687 = vector.broadcast %broadcast_in_dim3A_686 : f32 to vector<16xf32>
    %broadcast_in_dim3A_688 = arith.constant 0.000000e+00 : f32
    %broadcast_in_dim3A_689 = vector.broadcast %broadcast_in_dim3A_688 : f32 to vector<16xf32>
    %broadcast_in_dim3A_690 = arith.constant 0.000000e+00 : f32
    %broadcast_in_dim3A_691 = vector.broadcast %broadcast_in_dim3A_690 : f32 to vector<16xf32>
    %broadcast_in_dim3A_692 = arith.constant 0.000000e+00 : f32
    %broadcast_in_dim3A_693 = vector.broadcast %broadcast_in_dim3A_692 : f32 to vector<16xf32>
    %broadcast_in_dim3A_694 = arith.constant 0.000000e+00 : f32
    %broadcast_in_dim3A_695 = vector.broadcast %broadcast_in_dim3A_694 : f32 to vector<16xf32>
    %scan3A_696 = arith.constant 0 : i32
    %scan3A_697 = arith.constant 224 : i32
    %scan3A_698 = arith.addi %scan3A_696, %scan3A_697 : i32
    %scan3A_699 = arith.constant 1 : i32
    %scan3A_700:14 = scf.for %scan3A_1574 = %scan3A_696 to %scan3A_698 step %scan3A_699 iter_args(%scan3A_1575 = %broadcast_in_dim3A_669, %scan3A_1576 = %broadcast_in_dim3A_671, %scan3A_1577 = %broadcast_in_dim3A_673, %scan3A_1578 = %broadcast_in_dim3A_675, %scan3A_1579 = %broadcast_in_dim3A_677, %scan3A_1580 = %broadcast_in_dim3A_679, %scan3A_1581 = %broadcast_in_dim3A_681, %scan3A_1582 = %broadcast_in_dim3A_683, %scan3A_1583 = %broadcast_in_dim3A_685, %scan3A_1584 = %broadcast_in_dim3A_687, %scan3A_1585 = %broadcast_in_dim3A_689, %scan3A_1586 = %broadcast_in_dim3A_691, %scan3A_1587 = %broadcast_in_dim3A_693, %scan3A_1588 = %broadcast_in_dim3A_695) -> (vector<16xf32>, vector<16xf32>, vector<16xf32>, vector<16xf32>, vector<16xf32>, vector<16xf32>, vector<16xf32>, vector<16xf32>, vector<16xf32>, vector<16xf32>, vector<16xf32>, vector<16xf32>, vector<16xf32>, vector<16xf32>)  : i32 {
      %get3A = arith.index_cast %scan3A_1574 : i32 to index
      %get3A_1589 = arith.constant 0 : index
      %get3A_1590 = tpu.vector_load %arg4[%get3A, %get3A_1589] {strides = array<i32>} : memref<224x224xf32, #tpu.memory_space<vmem>>, vector<1x16xf32>,
      %get3A_1591 = vector.shape_cast %get3A_1590 : vector<1x16xf32> to vector<16xf32>
      %add3A_1592 = arith.addf %scan3A_1575, %get3A_1591 : vector<16xf32>
      %get3A_1593 = arith.index_cast %scan3A_1574 : i32 to index
      %get3A_1594 = arith.constant 16 : index
      %get3A_1595 = tpu.vector_load %arg4[%get3A_1593, %get3A_1594] {strides = array<i32>} : memref<224x224xf32, #tpu.memory_space<vmem>>, vector<1x16xf32>,
      %get3A_1596 = vector.shape_cast %get3A_1595 : vector<1x16xf32> to vector<16xf32>
      %add3A_1597 = arith.addf %scan3A_1576, %get3A_1596 : vector<16xf32>
      %get3A_1598 = arith.index_cast %scan3A_1574 : i32 to index
      %get3A_1599 = arith.constant 32 : index
      %get3A_1600 = tpu.vector_load %arg4[%get3A_1598, %get3A_1599] {strides = array<i32>} : memref<224x224xf32, #tpu.memory_space<vmem>>, vector<1x16xf32>,
      %get3A_1601 = vector.shape_cast %get3A_1600 : vector<1x16xf32> to vector<16xf32>
      %add3A_1602 = arith.addf %scan3A_1577, %get3A_1601 : vector<16xf32>
      %get3A_1603 = arith.index_cast %scan3A_1574 : i32 to index
      %get3A_1604 = arith.constant 48 : index
      %get3A_1605 = tpu.vector_load %arg4[%get3A_1603, %get3A_1604] {strides = array<i32>} : memref<224x224xf32, #tpu.memory_space<vmem>>, vector<1x16xf32>,
      %get3A_1606 = vector.shape_cast %get3A_1605 : vector<1x16xf32> to vector<16xf32>
      %add3A_1607 = arith.addf %scan3A_1578, %get3A_1606 : vector<16xf32>
      %get3A_1608 = arith.index_cast %scan3A_1574 : i32 to index
      %get3A_1609 = arith.constant 64 : index
      %get3A_1610 = tpu.vector_load %arg4[%get3A_1608, %get3A_1609] {strides = array<i32>} : memref<224x224xf32, #tpu.memory_space<vmem>>, vector<1x16xf32>,
      %get3A_1611 = vector.shape_cast %get3A_1610 : vector<1x16xf32> to vector<16xf32>
      %add3A_1612 = arith.addf %scan3A_1579, %get3A_1611 : vector<16xf32>
      %get3A_1613 = arith.index_cast %scan3A_1574 : i32 to index
      %get3A_1614 = arith.constant 80 : index
      %get3A_1615 = tpu.vector_load %arg4[%get3A_1613, %get3A_1614] {strides = array<i32>} : memref<224x224xf32, #tpu.memory_space<vmem>>, vector<1x16xf32>,
      %get3A_1616 = vector.shape_cast %get3A_1615 : vector<1x16xf32> to vector<16xf32>
      %add3A_1617 = arith.addf %scan3A_1580, %get3A_1616 : vector<16xf32>
      %get3A_1618 = arith.index_cast %scan3A_1574 : i32 to index
      %get3A_1619 = arith.constant 96 : index
      %get3A_1620 = tpu.vector_load %arg4[%get3A_1618, %get3A_1619] {strides = array<i32>} : memref<224x224xf32, #tpu.memory_space<vmem>>, vector<1x16xf32>,
      %get3A_1621 = vector.shape_cast %get3A_1620 : vector<1x16xf32> to vector<16xf32>
      %add3A_1622 = arith.addf %scan3A_1581, %get3A_1621 : vector<16xf32>
      %get3A_1623 = arith.index_cast %scan3A_1574 : i32 to index
      %get3A_1624 = arith.constant 112 : index
      %get3A_1625 = tpu.vector_load %arg4[%get3A_1623, %get3A_1624] {strides = array<i32>} : memref<224x224xf32, #tpu.memory_space<vmem>>, vector<1x16xf32>,
      %get3A_1626 = vector.shape_cast %get3A_1625 : vector<1x16xf32> to vector<16xf32>
      %add3A_1627 = arith.addf %scan3A_1582, %get3A_1626 : vector<16xf32>
      %get3A_1628 = arith.index_cast %scan3A_1574 : i32 to index
      %get3A_1629 = arith.constant 128 : index
      %get3A_1630 = tpu.vector_load %arg4[%get3A_1628, %get3A_1629] {strides = array<i32>} : memref<224x224xf32, #tpu.memory_space<vmem>>, vector<1x16xf32>,
      %get3A_1631 = vector.shape_cast %get3A_1630 : vector<1x16xf32> to vector<16xf32>
      %add3A_1632 = arith.addf %scan3A_1583, %get3A_1631 : vector<16xf32>
      %get3A_1633 = arith.index_cast %scan3A_1574 : i32 to index
      %get3A_1634 = arith.constant 144 : index
      %get3A_1635 = tpu.vector_load %arg4[%get3A_1633, %get3A_1634] {strides = array<i32>} : memref<224x224xf32, #tpu.memory_space<vmem>>, vector<1x16xf32>,
      %get3A_1636 = vector.shape_cast %get3A_1635 : vector<1x16xf32> to vector<16xf32>
      %add3A_1637 = arith.addf %scan3A_1584, %get3A_1636 : vector<16xf32>
      %get3A_1638 = arith.index_cast %scan3A_1574 : i32 to index
      %get3A_1639 = arith.constant 160 : index
      %get3A_1640 = tpu.vector_load %arg4[%get3A_1638, %get3A_1639] {strides = array<i32>} : memref<224x224xf32, #tpu.memory_space<vmem>>, vector<1x16xf32>,
      %get3A_1641 = vector.shape_cast %get3A_1640 : vector<1x16xf32> to vector<16xf32>
      %add3A_1642 = arith.addf %scan3A_1585, %get3A_1641 : vector<16xf32>
      %get3A_1643 = arith.index_cast %scan3A_1574 : i32 to index
      %get3A_1644 = arith.constant 176 : index
      %get3A_1645 = tpu.vector_load %arg4[%get3A_1643, %get3A_1644] {strides = array<i32>} : memref<224x224xf32, #tpu.memory_space<vmem>>, vector<1x16xf32>,
      %get3A_1646 = vector.shape_cast %get3A_1645 : vector<1x16xf32> to vector<16xf32>
      %add3A_1647 = arith.addf %scan3A_1586, %get3A_1646 : vector<16xf32>
      %get3A_1648 = arith.index_cast %scan3A_1574 : i32 to index
      %get3A_1649 = arith.constant 192 : index
      %get3A_1650 = tpu.vector_load %arg4[%get3A_1648, %get3A_1649] {strides = array<i32>} : memref<224x224xf32, #tpu.memory_space<vmem>>, vector<1x16xf32>,
      %get3A_1651 = vector.shape_cast %get3A_1650 : vector<1x16xf32> to vector<16xf32>
      %add3A_1652 = arith.addf %scan3A_1587, %get3A_1651 : vector<16xf32>
      %get3A_1653 = arith.index_cast %scan3A_1574 : i32 to index
      %get3A_1654 = arith.constant 208 : index
      %get3A_1655 = tpu.vector_load %arg4[%get3A_1653, %get3A_1654] {strides = array<i32>} : memref<224x224xf32, #tpu.memory_space<vmem>>, vector<1x16xf32>,
      %get3A_1656 = vector.shape_cast %get3A_1655 : vector<1x16xf32> to vector<16xf32>
      %add3A_1657 = arith.addf %scan3A_1588, %get3A_1656 : vector<16xf32>
      scf.yield %add3A_1592, %add3A_1597, %add3A_1602, %add3A_1607, %add3A_1612, %add3A_1617, %add3A_1622, %add3A_1627, %add3A_1632, %add3A_1637, %add3A_1642, %add3A_1647, %add3A_1652, %add3A_1657 : vector<16xf32>, vector<16xf32>, vector<16xf32>, vector<16xf32>, vector<16xf32>, vector<16xf32>, vector<16xf32>, vector<16xf32>, vector<16xf32>, vector<16xf32>, vector<16xf32>, vector<16xf32>, vector<16xf32>, vector<16xf32>
    }
    %scan3A_701 = arith.constant 224 : i32
    %add3A_702 = arith.addf %scan3A_700#0, %scan3A_700#1 : vector<16xf32>
    %add3A_703 = arith.addf %scan3A_700#2, %scan3A_700#3 : vector<16xf32>
    %add3A_704 = arith.addf %scan3A_700#4, %scan3A_700#5 : vector<16xf32>
    %add3A_705 = arith.addf %scan3A_700#6, %scan3A_700#7 : vector<16xf32>
    %add3A_706 = arith.addf %scan3A_700#8, %scan3A_700#9 : vector<16xf32>
    %add3A_707 = arith.addf %scan3A_700#10, %scan3A_700#11 : vector<16xf32>
    %add3A_708 = arith.addf %scan3A_700#12, %scan3A_700#13 : vector<16xf32>
    %add3A_709 = arith.addf %add3A_702, %add3A_703 : vector<16xf32>
    %add3A_710 = arith.addf %add3A_704, %add3A_705 : vector<16xf32>
    %add3A_711 = arith.addf %add3A_706, %add3A_707 : vector<16xf32>
    %add3A_712 = arith.addf %add3A_709, %add3A_710 : vector<16xf32>
    %add3A_713 = arith.addf %add3A_711, %add3A_708 : vector<16xf32>
    %add3A_714 = arith.addf %add3A_712, %add3A_713 : vector<16xf32>
    %swap3A_715 = arith.constant 6 : i32
    %swap3A_716 = arith.index_cast %swap3A_715 : i32 to index
    %swap3A_717 = arith.constant 0 : index
    %swap3A_718 = tpu.vector_load %arg6[%swap3A_716, %swap3A_717] {strides = array<i32>} : memref<16x16xf32, #tpu.memory_space<vmem>>, vector<1x16xf32>,
    %swap3A_719 = vector.shape_cast %swap3A_718 : vector<1x16xf32> to vector<16xf32>
    %swap3A_720 = vector.shape_cast %add3A_714 : vector<16xf32> to vector<1x16xf32>
    tpu.vector_store %arg6[%swap3A_716, %swap3A_717], %swap3A_720 {strides = array<i32>} : memref<16x16xf32, #tpu.memory_space<vmem>>, vector<1x16xf32>,
    %add3A_721 = arith.constant 8 : i32
    %add3A_722 = arith.addi %mul3A_2, %add3A_721 : i32
    %jit3A_723 = arith.constant 64 : i32
    %div3A_724 = arith.divsi %add3A_722, %jit3A_723 : i32
    %sign3A_725 = arith.constant 0 : i32
    %sign3A_726 = arith.cmpi sgt, %add3A_722, %sign3A_725 : i32
    %sign3A_727 = arith.extui %sign3A_726 : i1 to i32
    %sign3A_728 = arith.constant 0 : i32
    %sign3A_729 = arith.cmpi slt, %add3A_722, %sign3A_728 : i32
    %sign3A_730 = arith.extui %sign3A_729 : i1 to i32
    %sign3A_731 = arith.subi %sign3A_727, %sign3A_730 : i32
    %sign3A_732 = arith.constant 0 : i32
    %sign3A_733 = arith.cmpi sgt, %jit3A_723, %sign3A_732 : i32
    %sign3A_734 = arith.extui %sign3A_733 : i1 to i32
    %sign3A_735 = arith.constant 0 : i32
    %sign3A_736 = arith.cmpi slt, %jit3A_723, %sign3A_735 : i32
    %sign3A_737 = arith.extui %sign3A_736 : i1 to i32
    %sign3A_738 = arith.subi %sign3A_734, %sign3A_737 : i32
    %ne3A_739 = arith.cmpi ne, %sign3A_731, %sign3A_738 : i32
    %rem3A_740 = arith.remsi %add3A_722, %jit3A_723 : i32
    %ne3A_741 = arith.constant 0 : i32
    %ne3A_742 = arith.cmpi ne, %rem3A_740, %ne3A_741 : i32
    %and3A_743 = arith.andi %ne3A_739, %ne3A_742 : i1
    %sub3A_744 = arith.constant 1 : i32
    %sub3A_745 = arith.subi %div3A_724, %sub3A_744 : i32
    %select_n3A_746 = arith.select %and3A_743, %sub3A_745, %div3A_724 : i32
    %rem3A_747 = arith.constant 64 : i32
    %rem3A_748 = arith.remsi %add3A_722, %rem3A_747 : i32
    %add3A_749 = arith.constant 128 : i32
    %add3A_750 = arith.addi %add3A_749, %rem3A_748 : i32
    %dma_start3A_751 = arith.constant 0 : i32
    %dma_start3A_752 = arith.constant 0 : i32
    %dma_start3A_753 = tpu.memref_slice %arg2[%select_n3A_746, %add3A_750, %dma_start3A_751, %dma_start3A_752] : memref<8x192x224x224xf32, #tpu.memory_space<hbm>> -> memref<1x1x224x224xf32, #tpu.memory_space<hbm>>
    %dma_start3A_754 = tpu.memref_squeeze %dma_start3A_753 : memref<1x1x224x224xf32, #tpu.memory_space<hbm>> -> memref<224x224xf32, #tpu.memory_space<hbm>>
    %dma_start3A_755 = arith.constant 0 : i32
    %dma_start3A_756 = arith.constant 0 : i32
    %dma_start3A_757 = tpu.memref_slice %arg2[%select_n3A_746, %add3A_750, %dma_start3A_755, %dma_start3A_756] : memref<8x192x224x224xf32, #tpu.memory_space<hbm>> -> memref<1x1x224x224xf32, #tpu.memory_space<hbm>>
    %dma_start3A_758 = tpu.memref_squeeze %dma_start3A_757 : memref<1x1x224x224xf32, #tpu.memory_space<hbm>> -> memref<224x224xf32, #tpu.memory_space<hbm>>
    tpu.enqueue_dma source(%dma_start3A_758 : memref<224x224xf32, #tpu.memory_space<hbm>>) target(%arg4 : memref<224x224xf32, #tpu.memory_space<vmem>>) target_semaphore(%arg7 : memref<!tpu.dma_semaphore, #tpu.memory_space<semaphore_mem>>)
    %dma_wait3A_759 = arith.constant 0 : i32
    %dma_wait3A_760 = arith.constant 0 : i32
    %dma_wait3A_761 = tpu.memref_slice %arg2[%select_n3A_647, %add3A_651, %dma_wait3A_759, %dma_wait3A_760] : memref<8x192x224x224xf32, #tpu.memory_space<hbm>> -> memref<1x1x224x224xf32, #tpu.memory_space<hbm>>
    %dma_wait3A_762 = tpu.memref_squeeze %dma_wait3A_761 : memref<1x1x224x224xf32, #tpu.memory_space<hbm>> -> memref<224x224xf32, #tpu.memory_space<hbm>>
    %dma_wait3A_763 = arith.constant 0 : i32
    %dma_wait3A_764 = arith.constant 0 : i32
    %dma_wait3A_765 = tpu.memref_slice %arg2[%select_n3A_647, %add3A_651, %dma_wait3A_763, %dma_wait3A_764] : memref<8x192x224x224xf32, #tpu.memory_space<hbm>> -> memref<1x1x224x224xf32, #tpu.memory_space<hbm>>
    %dma_wait3A_766 = tpu.memref_squeeze %dma_wait3A_765 : memref<1x1x224x224xf32, #tpu.memory_space<hbm>> -> memref<224x224xf32, #tpu.memory_space<hbm>>
    tpu.wait_dma2 semaphore(%arg8 : memref<!tpu.dma_semaphore, #tpu.memory_space<semaphore_mem>>) src(%dma_wait3A_766 : memref<224x224xf32, #tpu.memory_space<hbm>>) dst(%arg5 : memref<224x224xf32, #tpu.memory_space<vmem>>)
    %broadcast_in_dim3A_767 = arith.constant 0.000000e+00 : f32
    %broadcast_in_dim3A_768 = vector.broadcast %broadcast_in_dim3A_767 : f32 to vector<16xf32>
    %broadcast_in_dim3A_769 = arith.constant 0.000000e+00 : f32
    %broadcast_in_dim3A_770 = vector.broadcast %broadcast_in_dim3A_769 : f32 to vector<16xf32>
    %broadcast_in_dim3A_771 = arith.constant 0.000000e+00 : f32
    %broadcast_in_dim3A_772 = vector.broadcast %broadcast_in_dim3A_771 : f32 to vector<16xf32>
    %broadcast_in_dim3A_773 = arith.constant 0.000000e+00 : f32
    %broadcast_in_dim3A_774 = vector.broadcast %broadcast_in_dim3A_773 : f32 to vector<16xf32>
    %broadcast_in_dim3A_775 = arith.constant 0.000000e+00 : f32
    %broadcast_in_dim3A_776 = vector.broadcast %broadcast_in_dim3A_775 : f32 to vector<16xf32>
    %broadcast_in_dim3A_777 = arith.constant 0.000000e+00 : f32
    %broadcast_in_dim3A_778 = vector.broadcast %broadcast_in_dim3A_777 : f32 to vector<16xf32>
    %broadcast_in_dim3A_779 = arith.constant 0.000000e+00 : f32
    %broadcast_in_dim3A_780 = vector.broadcast %broadcast_in_dim3A_779 : f32 to vector<16xf32>
    %broadcast_in_dim3A_781 = arith.constant 0.000000e+00 : f32
    %broadcast_in_dim3A_782 = vector.broadcast %broadcast_in_dim3A_781 : f32 to vector<16xf32>
    %broadcast_in_dim3A_783 = arith.constant 0.000000e+00 : f32
    %broadcast_in_dim3A_784 = vector.broadcast %broadcast_in_dim3A_783 : f32 to vector<16xf32>
    %broadcast_in_dim3A_785 = arith.constant 0.000000e+00 : f32
    %broadcast_in_dim3A_786 = vector.broadcast %broadcast_in_dim3A_785 : f32 to vector<16xf32>
    %broadcast_in_dim3A_787 = arith.constant 0.000000e+00 : f32
    %broadcast_in_dim3A_788 = vector.broadcast %broadcast_in_dim3A_787 : f32 to vector<16xf32>
    %broadcast_in_dim3A_789 = arith.constant 0.000000e+00 : f32
    %broadcast_in_dim3A_790 = vector.broadcast %broadcast_in_dim3A_789 : f32 to vector<16xf32>
    %broadcast_in_dim3A_791 = arith.constant 0.000000e+00 : f32
    %broadcast_in_dim3A_792 = vector.broadcast %broadcast_in_dim3A_791 : f32 to vector<16xf32>
    %broadcast_in_dim3A_793 = arith.constant 0.000000e+00 : f32
    %broadcast_in_dim3A_794 = vector.broadcast %broadcast_in_dim3A_793 : f32 to vector<16xf32>
    %scan3A_795 = arith.constant 0 : i32
    %scan3A_796 = arith.constant 224 : i32
    %scan3A_797 = arith.addi %scan3A_795, %scan3A_796 : i32
    %scan3A_798 = arith.constant 1 : i32
    %scan3A_799:14 = scf.for %scan3A_1574 = %scan3A_795 to %scan3A_797 step %scan3A_798 iter_args(%scan3A_1575 = %broadcast_in_dim3A_768, %scan3A_1576 = %broadcast_in_dim3A_770, %scan3A_1577 = %broadcast_in_dim3A_772, %scan3A_1578 = %broadcast_in_dim3A_774, %scan3A_1579 = %broadcast_in_dim3A_776, %scan3A_1580 = %broadcast_in_dim3A_778, %scan3A_1581 = %broadcast_in_dim3A_780, %scan3A_1582 = %broadcast_in_dim3A_782, %scan3A_1583 = %broadcast_in_dim3A_784, %scan3A_1584 = %broadcast_in_dim3A_786, %scan3A_1585 = %broadcast_in_dim3A_788, %scan3A_1586 = %broadcast_in_dim3A_790, %scan3A_1587 = %broadcast_in_dim3A_792, %scan3A_1588 = %broadcast_in_dim3A_794) -> (vector<16xf32>, vector<16xf32>, vector<16xf32>, vector<16xf32>, vector<16xf32>, vector<16xf32>, vector<16xf32>, vector<16xf32>, vector<16xf32>, vector<16xf32>, vector<16xf32>, vector<16xf32>, vector<16xf32>, vector<16xf32>)  : i32 {
      %get3A = arith.index_cast %scan3A_1574 : i32 to index
      %get3A_1589 = arith.constant 0 : index
      %get3A_1590 = tpu.vector_load %arg5[%get3A, %get3A_1589] {strides = array<i32>} : memref<224x224xf32, #tpu.memory_space<vmem>>, vector<1x16xf32>,
      %get3A_1591 = vector.shape_cast %get3A_1590 : vector<1x16xf32> to vector<16xf32>
      %add3A_1592 = arith.addf %scan3A_1575, %get3A_1591 : vector<16xf32>
      %get3A_1593 = arith.index_cast %scan3A_1574 : i32 to index
      %get3A_1594 = arith.constant 16 : index
      %get3A_1595 = tpu.vector_load %arg5[%get3A_1593, %get3A_1594] {strides = array<i32>} : memref<224x224xf32, #tpu.memory_space<vmem>>, vector<1x16xf32>,
      %get3A_1596 = vector.shape_cast %get3A_1595 : vector<1x16xf32> to vector<16xf32>
      %add3A_1597 = arith.addf %scan3A_1576, %get3A_1596 : vector<16xf32>
      %get3A_1598 = arith.index_cast %scan3A_1574 : i32 to index
      %get3A_1599 = arith.constant 32 : index
      %get3A_1600 = tpu.vector_load %arg5[%get3A_1598, %get3A_1599] {strides = array<i32>} : memref<224x224xf32, #tpu.memory_space<vmem>>, vector<1x16xf32>,
      %get3A_1601 = vector.shape_cast %get3A_1600 : vector<1x16xf32> to vector<16xf32>
      %add3A_1602 = arith.addf %scan3A_1577, %get3A_1601 : vector<16xf32>
      %get3A_1603 = arith.index_cast %scan3A_1574 : i32 to index
      %get3A_1604 = arith.constant 48 : index
      %get3A_1605 = tpu.vector_load %arg5[%get3A_1603, %get3A_1604] {strides = array<i32>} : memref<224x224xf32, #tpu.memory_space<vmem>>, vector<1x16xf32>,
      %get3A_1606 = vector.shape_cast %get3A_1605 : vector<1x16xf32> to vector<16xf32>
      %add3A_1607 = arith.addf %scan3A_1578, %get3A_1606 : vector<16xf32>
      %get3A_1608 = arith.index_cast %scan3A_1574 : i32 to index
      %get3A_1609 = arith.constant 64 : index
      %get3A_1610 = tpu.vector_load %arg5[%get3A_1608, %get3A_1609] {strides = array<i32>} : memref<224x224xf32, #tpu.memory_space<vmem>>, vector<1x16xf32>,
      %get3A_1611 = vector.shape_cast %get3A_1610 : vector<1x16xf32> to vector<16xf32>
      %add3A_1612 = arith.addf %scan3A_1579, %get3A_1611 : vector<16xf32>
      %get3A_1613 = arith.index_cast %scan3A_1574 : i32 to index
      %get3A_1614 = arith.constant 80 : index
      %get3A_1615 = tpu.vector_load %arg5[%get3A_1613, %get3A_1614] {strides = array<i32>} : memref<224x224xf32, #tpu.memory_space<vmem>>, vector<1x16xf32>,
      %get3A_1616 = vector.shape_cast %get3A_1615 : vector<1x16xf32> to vector<16xf32>
      %add3A_1617 = arith.addf %scan3A_1580, %get3A_1616 : vector<16xf32>
      %get3A_1618 = arith.index_cast %scan3A_1574 : i32 to index
      %get3A_1619 = arith.constant 96 : index
      %get3A_1620 = tpu.vector_load %arg5[%get3A_1618, %get3A_1619] {strides = array<i32>} : memref<224x224xf32, #tpu.memory_space<vmem>>, vector<1x16xf32>,
      %get3A_1621 = vector.shape_cast %get3A_1620 : vector<1x16xf32> to vector<16xf32>
      %add3A_1622 = arith.addf %scan3A_1581, %get3A_1621 : vector<16xf32>
      %get3A_1623 = arith.index_cast %scan3A_1574 : i32 to index
      %get3A_1624 = arith.constant 112 : index
      %get3A_1625 = tpu.vector_load %arg5[%get3A_1623, %get3A_1624] {strides = array<i32>} : memref<224x224xf32, #tpu.memory_space<vmem>>, vector<1x16xf32>,
      %get3A_1626 = vector.shape_cast %get3A_1625 : vector<1x16xf32> to vector<16xf32>
      %add3A_1627 = arith.addf %scan3A_1582, %get3A_1626 : vector<16xf32>
      %get3A_1628 = arith.index_cast %scan3A_1574 : i32 to index
      %get3A_1629 = arith.constant 128 : index
      %get3A_1630 = tpu.vector_load %arg5[%get3A_1628, %get3A_1629] {strides = array<i32>} : memref<224x224xf32, #tpu.memory_space<vmem>>, vector<1x16xf32>,
      %get3A_1631 = vector.shape_cast %get3A_1630 : vector<1x16xf32> to vector<16xf32>
      %add3A_1632 = arith.addf %scan3A_1583, %get3A_1631 : vector<16xf32>
      %get3A_1633 = arith.index_cast %scan3A_1574 : i32 to index
      %get3A_1634 = arith.constant 144 : index
      %get3A_1635 = tpu.vector_load %arg5[%get3A_1633, %get3A_1634] {strides = array<i32>} : memref<224x224xf32, #tpu.memory_space<vmem>>, vector<1x16xf32>,
      %get3A_1636 = vector.shape_cast %get3A_1635 : vector<1x16xf32> to vector<16xf32>
      %add3A_1637 = arith.addf %scan3A_1584, %get3A_1636 : vector<16xf32>
      %get3A_1638 = arith.index_cast %scan3A_1574 : i32 to index
      %get3A_1639 = arith.constant 160 : index
      %get3A_1640 = tpu.vector_load %arg5[%get3A_1638, %get3A_1639] {strides = array<i32>} : memref<224x224xf32, #tpu.memory_space<vmem>>, vector<1x16xf32>,
      %get3A_1641 = vector.shape_cast %get3A_1640 : vector<1x16xf32> to vector<16xf32>
      %add3A_1642 = arith.addf %scan3A_1585, %get3A_1641 : vector<16xf32>
      %get3A_1643 = arith.index_cast %scan3A_1574 : i32 to index
      %get3A_1644 = arith.constant 176 : index
      %get3A_1645 = tpu.vector_load %arg5[%get3A_1643, %get3A_1644] {strides = array<i32>} : memref<224x224xf32, #tpu.memory_space<vmem>>, vector<1x16xf32>,
      %get3A_1646 = vector.shape_cast %get3A_1645 : vector<1x16xf32> to vector<16xf32>
      %add3A_1647 = arith.addf %scan3A_1586, %get3A_1646 : vector<16xf32>
      %get3A_1648 = arith.index_cast %scan3A_1574 : i32 to index
      %get3A_1649 = arith.constant 192 : index
      %get3A_1650 = tpu.vector_load %arg5[%get3A_1648, %get3A_1649] {strides = array<i32>} : memref<224x224xf32, #tpu.memory_space<vmem>>, vector<1x16xf32>,
      %get3A_1651 = vector.shape_cast %get3A_1650 : vector<1x16xf32> to vector<16xf32>
      %add3A_1652 = arith.addf %scan3A_1587, %get3A_1651 : vector<16xf32>
      %get3A_1653 = arith.index_cast %scan3A_1574 : i32 to index
      %get3A_1654 = arith.constant 208 : index
      %get3A_1655 = tpu.vector_load %arg5[%get3A_1653, %get3A_1654] {strides = array<i32>} : memref<224x224xf32, #tpu.memory_space<vmem>>, vector<1x16xf32>,
      %get3A_1656 = vector.shape_cast %get3A_1655 : vector<1x16xf32> to vector<16xf32>
      %add3A_1657 = arith.addf %scan3A_1588, %get3A_1656 : vector<16xf32>
      scf.yield %add3A_1592, %add3A_1597, %add3A_1602, %add3A_1607, %add3A_1612, %add3A_1617, %add3A_1622, %add3A_1627, %add3A_1632, %add3A_1637, %add3A_1642, %add3A_1647, %add3A_1652, %add3A_1657 : vector<16xf32>, vector<16xf32>, vector<16xf32>, vector<16xf32>, vector<16xf32>, vector<16xf32>, vector<16xf32>, vector<16xf32>, vector<16xf32>, vector<16xf32>, vector<16xf32>, vector<16xf32>, vector<16xf32>, vector<16xf32>
    }
    %scan3A_800 = arith.constant 224 : i32
    %add3A_801 = arith.addf %scan3A_799#0, %scan3A_799#1 : vector<16xf32>
    %add3A_802 = arith.addf %scan3A_799#2, %scan3A_799#3 : vector<16xf32>
    %add3A_803 = arith.addf %scan3A_799#4, %scan3A_799#5 : vector<16xf32>
    %add3A_804 = arith.addf %scan3A_799#6, %scan3A_799#7 : vector<16xf32>
    %add3A_805 = arith.addf %scan3A_799#8, %scan3A_799#9 : vector<16xf32>
    %add3A_806 = arith.addf %scan3A_799#10, %scan3A_799#11 : vector<16xf32>
    %add3A_807 = arith.addf %scan3A_799#12, %scan3A_799#13 : vector<16xf32>
    %add3A_808 = arith.addf %add3A_801, %add3A_802 : vector<16xf32>
    %add3A_809 = arith.addf %add3A_803, %add3A_804 : vector<16xf32>
    %add3A_810 = arith.addf %add3A_805, %add3A_806 : vector<16xf32>
    %add3A_811 = arith.addf %add3A_808, %add3A_809 : vector<16xf32>
    %add3A_812 = arith.addf %add3A_810, %add3A_807 : vector<16xf32>
    %add3A_813 = arith.addf %add3A_811, %add3A_812 : vector<16xf32>
    %swap3A_814 = arith.constant 7 : i32
    %swap3A_815 = arith.index_cast %swap3A_814 : i32 to index
    %swap3A_816 = arith.constant 0 : index
    %swap3A_817 = tpu.vector_load %arg6[%swap3A_815, %swap3A_816] {strides = array<i32>} : memref<16x16xf32, #tpu.memory_space<vmem>>, vector<1x16xf32>,
    %swap3A_818 = vector.shape_cast %swap3A_817 : vector<1x16xf32> to vector<16xf32>
    %swap3A_819 = vector.shape_cast %add3A_813 : vector<16xf32> to vector<1x16xf32>
    tpu.vector_store %arg6[%swap3A_815, %swap3A_816], %swap3A_819 {strides = array<i32>} : memref<16x16xf32, #tpu.memory_space<vmem>>, vector<1x16xf32>,
    %add3A_820 = arith.constant 9 : i32
    %add3A_821 = arith.addi %mul3A_2, %add3A_820 : i32
    %jit3A_822 = arith.constant 64 : i32
    %div3A_823 = arith.divsi %add3A_821, %jit3A_822 : i32
    %sign3A_824 = arith.constant 0 : i32
    %sign3A_825 = arith.cmpi sgt, %add3A_821, %sign3A_824 : i32
    %sign3A_826 = arith.extui %sign3A_825 : i1 to i32
    %sign3A_827 = arith.constant 0 : i32
    %sign3A_828 = arith.cmpi slt, %add3A_821, %sign3A_827 : i32
    %sign3A_829 = arith.extui %sign3A_828 : i1 to i32
    %sign3A_830 = arith.subi %sign3A_826, %sign3A_829 : i32
    %sign3A_831 = arith.constant 0 : i32
    %sign3A_832 = arith.cmpi sgt, %jit3A_822, %sign3A_831 : i32
    %sign3A_833 = arith.extui %sign3A_832 : i1 to i32
    %sign3A_834 = arith.constant 0 : i32
    %sign3A_835 = arith.cmpi slt, %jit3A_822, %sign3A_834 : i32
    %sign3A_836 = arith.extui %sign3A_835 : i1 to i32
    %sign3A_837 = arith.subi %sign3A_833, %sign3A_836 : i32
    %ne3A_838 = arith.cmpi ne, %sign3A_830, %sign3A_837 : i32
    %rem3A_839 = arith.remsi %add3A_821, %jit3A_822 : i32
    %ne3A_840 = arith.constant 0 : i32
    %ne3A_841 = arith.cmpi ne, %rem3A_839, %ne3A_840 : i32
    %and3A_842 = arith.andi %ne3A_838, %ne3A_841 : i1
    %sub3A_843 = arith.constant 1 : i32
    %sub3A_844 = arith.subi %div3A_823, %sub3A_843 : i32
    %select_n3A_845 = arith.select %and3A_842, %sub3A_844, %div3A_823 : i32
    %rem3A_846 = arith.constant 64 : i32
    %rem3A_847 = arith.remsi %add3A_821, %rem3A_846 : i32
    %add3A_848 = arith.constant 128 : i32
    %add3A_849 = arith.addi %add3A_848, %rem3A_847 : i32
    %dma_start3A_850 = arith.constant 0 : i32
    %dma_start3A_851 = arith.constant 0 : i32
    %dma_start3A_852 = tpu.memref_slice %arg2[%select_n3A_845, %add3A_849, %dma_start3A_850, %dma_start3A_851] : memref<8x192x224x224xf32, #tpu.memory_space<hbm>> -> memref<1x1x224x224xf32, #tpu.memory_space<hbm>>
    %dma_start3A_853 = tpu.memref_squeeze %dma_start3A_852 : memref<1x1x224x224xf32, #tpu.memory_space<hbm>> -> memref<224x224xf32, #tpu.memory_space<hbm>>
    %dma_start3A_854 = arith.constant 0 : i32
    %dma_start3A_855 = arith.constant 0 : i32
    %dma_start3A_856 = tpu.memref_slice %arg2[%select_n3A_845, %add3A_849, %dma_start3A_854, %dma_start3A_855] : memref<8x192x224x224xf32, #tpu.memory_space<hbm>> -> memref<1x1x224x224xf32, #tpu.memory_space<hbm>>
    %dma_start3A_857 = tpu.memref_squeeze %dma_start3A_856 : memref<1x1x224x224xf32, #tpu.memory_space<hbm>> -> memref<224x224xf32, #tpu.memory_space<hbm>>
    tpu.enqueue_dma source(%dma_start3A_857 : memref<224x224xf32, #tpu.memory_space<hbm>>) target(%arg5 : memref<224x224xf32, #tpu.memory_space<vmem>>) target_semaphore(%arg8 : memref<!tpu.dma_semaphore, #tpu.memory_space<semaphore_mem>>)
    %dma_wait3A_858 = arith.constant 0 : i32
    %dma_wait3A_859 = arith.constant 0 : i32
    %dma_wait3A_860 = tpu.memref_slice %arg2[%select_n3A_746, %add3A_750, %dma_wait3A_858, %dma_wait3A_859] : memref<8x192x224x224xf32, #tpu.memory_space<hbm>> -> memref<1x1x224x224xf32, #tpu.memory_space<hbm>>
    %dma_wait3A_861 = tpu.memref_squeeze %dma_wait3A_860 : memref<1x1x224x224xf32, #tpu.memory_space<hbm>> -> memref<224x224xf32, #tpu.memory_space<hbm>>
    %dma_wait3A_862 = arith.constant 0 : i32
    %dma_wait3A_863 = arith.constant 0 : i32
    %dma_wait3A_864 = tpu.memref_slice %arg2[%select_n3A_746, %add3A_750, %dma_wait3A_862, %dma_wait3A_863] : memref<8x192x224x224xf32, #tpu.memory_space<hbm>> -> memref<1x1x224x224xf32, #tpu.memory_space<hbm>>
    %dma_wait3A_865 = tpu.memref_squeeze %dma_wait3A_864 : memref<1x1x224x224xf32, #tpu.memory_space<hbm>> -> memref<224x224xf32, #tpu.memory_space<hbm>>
    tpu.wait_dma2 semaphore(%arg7 : memref<!tpu.dma_semaphore, #tpu.memory_space<semaphore_mem>>) src(%dma_wait3A_865 : memref<224x224xf32, #tpu.memory_space<hbm>>) dst(%arg4 : memref<224x224xf32, #tpu.memory_space<vmem>>)
    %broadcast_in_dim3A_866 = arith.constant 0.000000e+00 : f32
    %broadcast_in_dim3A_867 = vector.broadcast %broadcast_in_dim3A_866 : f32 to vector<16xf32>
    %broadcast_in_dim3A_868 = arith.constant 0.000000e+00 : f32
    %broadcast_in_dim3A_869 = vector.broadcast %broadcast_in_dim3A_868 : f32 to vector<16xf32>
    %broadcast_in_dim3A_870 = arith.constant 0.000000e+00 : f32
    %broadcast_in_dim3A_871 = vector.broadcast %broadcast_in_dim3A_870 : f32 to vector<16xf32>
    %broadcast_in_dim3A_872 = arith.constant 0.000000e+00 : f32
    %broadcast_in_dim3A_873 = vector.broadcast %broadcast_in_dim3A_872 : f32 to vector<16xf32>
    %broadcast_in_dim3A_874 = arith.constant 0.000000e+00 : f32
    %broadcast_in_dim3A_875 = vector.broadcast %broadcast_in_dim3A_874 : f32 to vector<16xf32>
    %broadcast_in_dim3A_876 = arith.constant 0.000000e+00 : f32
    %broadcast_in_dim3A_877 = vector.broadcast %broadcast_in_dim3A_876 : f32 to vector<16xf32>
    %broadcast_in_dim3A_878 = arith.constant 0.000000e+00 : f32
    %broadcast_in_dim3A_879 = vector.broadcast %broadcast_in_dim3A_878 : f32 to vector<16xf32>
    %broadcast_in_dim3A_880 = arith.constant 0.000000e+00 : f32
    %broadcast_in_dim3A_881 = vector.broadcast %broadcast_in_dim3A_880 : f32 to vector<16xf32>
    %broadcast_in_dim3A_882 = arith.constant 0.000000e+00 : f32
    %broadcast_in_dim3A_883 = vector.broadcast %broadcast_in_dim3A_882 : f32 to vector<16xf32>
    %broadcast_in_dim3A_884 = arith.constant 0.000000e+00 : f32
    %broadcast_in_dim3A_885 = vector.broadcast %broadcast_in_dim3A_884 : f32 to vector<16xf32>
    %broadcast_in_dim3A_886 = arith.constant 0.000000e+00 : f32
    %broadcast_in_dim3A_887 = vector.broadcast %broadcast_in_dim3A_886 : f32 to vector<16xf32>
    %broadcast_in_dim3A_888 = arith.constant 0.000000e+00 : f32
    %broadcast_in_dim3A_889 = vector.broadcast %broadcast_in_dim3A_888 : f32 to vector<16xf32>
    %broadcast_in_dim3A_890 = arith.constant 0.000000e+00 : f32
    %broadcast_in_dim3A_891 = vector.broadcast %broadcast_in_dim3A_890 : f32 to vector<16xf32>
    %broadcast_in_dim3A_892 = arith.constant 0.000000e+00 : f32
    %broadcast_in_dim3A_893 = vector.broadcast %broadcast_in_dim3A_892 : f32 to vector<16xf32>
    %scan3A_894 = arith.constant 0 : i32
    %scan3A_895 = arith.constant 224 : i32
    %scan3A_896 = arith.addi %scan3A_894, %scan3A_895 : i32
    %scan3A_897 = arith.constant 1 : i32
    %scan3A_898:14 = scf.for %scan3A_1574 = %scan3A_894 to %scan3A_896 step %scan3A_897 iter_args(%scan3A_1575 = %broadcast_in_dim3A_867, %scan3A_1576 = %broadcast_in_dim3A_869, %scan3A_1577 = %broadcast_in_dim3A_871, %scan3A_1578 = %broadcast_in_dim3A_873, %scan3A_1579 = %broadcast_in_dim3A_875, %scan3A_1580 = %broadcast_in_dim3A_877, %scan3A_1581 = %broadcast_in_dim3A_879, %scan3A_1582 = %broadcast_in_dim3A_881, %scan3A_1583 = %broadcast_in_dim3A_883, %scan3A_1584 = %broadcast_in_dim3A_885, %scan3A_1585 = %broadcast_in_dim3A_887, %scan3A_1586 = %broadcast_in_dim3A_889, %scan3A_1587 = %broadcast_in_dim3A_891, %scan3A_1588 = %broadcast_in_dim3A_893) -> (vector<16xf32>, vector<16xf32>, vector<16xf32>, vector<16xf32>, vector<16xf32>, vector<16xf32>, vector<16xf32>, vector<16xf32>, vector<16xf32>, vector<16xf32>, vector<16xf32>, vector<16xf32>, vector<16xf32>, vector<16xf32>)  : i32 {
      %get3A = arith.index_cast %scan3A_1574 : i32 to index
      %get3A_1589 = arith.constant 0 : index
      %get3A_1590 = tpu.vector_load %arg4[%get3A, %get3A_1589] {strides = array<i32>} : memref<224x224xf32, #tpu.memory_space<vmem>>, vector<1x16xf32>,
      %get3A_1591 = vector.shape_cast %get3A_1590 : vector<1x16xf32> to vector<16xf32>
      %add3A_1592 = arith.addf %scan3A_1575, %get3A_1591 : vector<16xf32>
      %get3A_1593 = arith.index_cast %scan3A_1574 : i32 to index
      %get3A_1594 = arith.constant 16 : index
      %get3A_1595 = tpu.vector_load %arg4[%get3A_1593, %get3A_1594] {strides = array<i32>} : memref<224x224xf32, #tpu.memory_space<vmem>>, vector<1x16xf32>,
      %get3A_1596 = vector.shape_cast %get3A_1595 : vector<1x16xf32> to vector<16xf32>
      %add3A_1597 = arith.addf %scan3A_1576, %get3A_1596 : vector<16xf32>
      %get3A_1598 = arith.index_cast %scan3A_1574 : i32 to index
      %get3A_1599 = arith.constant 32 : index
      %get3A_1600 = tpu.vector_load %arg4[%get3A_1598, %get3A_1599] {strides = array<i32>} : memref<224x224xf32, #tpu.memory_space<vmem>>, vector<1x16xf32>,
      %get3A_1601 = vector.shape_cast %get3A_1600 : vector<1x16xf32> to vector<16xf32>
      %add3A_1602 = arith.addf %scan3A_1577, %get3A_1601 : vector<16xf32>
      %get3A_1603 = arith.index_cast %scan3A_1574 : i32 to index
      %get3A_1604 = arith.constant 48 : index
      %get3A_1605 = tpu.vector_load %arg4[%get3A_1603, %get3A_1604] {strides = array<i32>} : memref<224x224xf32, #tpu.memory_space<vmem>>, vector<1x16xf32>,
      %get3A_1606 = vector.shape_cast %get3A_1605 : vector<1x16xf32> to vector<16xf32>
      %add3A_1607 = arith.addf %scan3A_1578, %get3A_1606 : vector<16xf32>
      %get3A_1608 = arith.index_cast %scan3A_1574 : i32 to index
      %get3A_1609 = arith.constant 64 : index
      %get3A_1610 = tpu.vector_load %arg4[%get3A_1608, %get3A_1609] {strides = array<i32>} : memref<224x224xf32, #tpu.memory_space<vmem>>, vector<1x16xf32>,
      %get3A_1611 = vector.shape_cast %get3A_1610 : vector<1x16xf32> to vector<16xf32>
      %add3A_1612 = arith.addf %scan3A_1579, %get3A_1611 : vector<16xf32>
      %get3A_1613 = arith.index_cast %scan3A_1574 : i32 to index
      %get3A_1614 = arith.constant 80 : index
      %get3A_1615 = tpu.vector_load %arg4[%get3A_1613, %get3A_1614] {strides = array<i32>} : memref<224x224xf32, #tpu.memory_space<vmem>>, vector<1x16xf32>,
      %get3A_1616 = vector.shape_cast %get3A_1615 : vector<1x16xf32> to vector<16xf32>
      %add3A_1617 = arith.addf %scan3A_1580, %get3A_1616 : vector<16xf32>
      %get3A_1618 = arith.index_cast %scan3A_1574 : i32 to index
      %get3A_1619 = arith.constant 96 : index
      %get3A_1620 = tpu.vector_load %arg4[%get3A_1618, %get3A_1619] {strides = array<i32>} : memref<224x224xf32, #tpu.memory_space<vmem>>, vector<1x16xf32>,
      %get3A_1621 = vector.shape_cast %get3A_1620 : vector<1x16xf32> to vector<16xf32>
      %add3A_1622 = arith.addf %scan3A_1581, %get3A_1621 : vector<16xf32>
      %get3A_1623 = arith.index_cast %scan3A_1574 : i32 to index
      %get3A_1624 = arith.constant 112 : index
      %get3A_1625 = tpu.vector_load %arg4[%get3A_1623, %get3A_1624] {strides = array<i32>} : memref<224x224xf32, #tpu.memory_space<vmem>>, vector<1x16xf32>,
      %get3A_1626 = vector.shape_cast %get3A_1625 : vector<1x16xf32> to vector<16xf32>
      %add3A_1627 = arith.addf %scan3A_1582, %get3A_1626 : vector<16xf32>
      %get3A_1628 = arith.index_cast %scan3A_1574 : i32 to index
      %get3A_1629 = arith.constant 128 : index
      %get3A_1630 = tpu.vector_load %arg4[%get3A_1628, %get3A_1629] {strides = array<i32>} : memref<224x224xf32, #tpu.memory_space<vmem>>, vector<1x16xf32>,
      %get3A_1631 = vector.shape_cast %get3A_1630 : vector<1x16xf32> to vector<16xf32>
      %add3A_1632 = arith.addf %scan3A_1583, %get3A_1631 : vector<16xf32>
      %get3A_1633 = arith.index_cast %scan3A_1574 : i32 to index
      %get3A_1634 = arith.constant 144 : index
      %get3A_1635 = tpu.vector_load %arg4[%get3A_1633, %get3A_1634] {strides = array<i32>} : memref<224x224xf32, #tpu.memory_space<vmem>>, vector<1x16xf32>,
      %get3A_1636 = vector.shape_cast %get3A_1635 : vector<1x16xf32> to vector<16xf32>
      %add3A_1637 = arith.addf %scan3A_1584, %get3A_1636 : vector<16xf32>
      %get3A_1638 = arith.index_cast %scan3A_1574 : i32 to index
      %get3A_1639 = arith.constant 160 : index
      %get3A_1640 = tpu.vector_load %arg4[%get3A_1638, %get3A_1639] {strides = array<i32>} : memref<224x224xf32, #tpu.memory_space<vmem>>, vector<1x16xf32>,
      %get3A_1641 = vector.shape_cast %get3A_1640 : vector<1x16xf32> to vector<16xf32>
      %add3A_1642 = arith.addf %scan3A_1585, %get3A_1641 : vector<16xf32>
      %get3A_1643 = arith.index_cast %scan3A_1574 : i32 to index
      %get3A_1644 = arith.constant 176 : index
      %get3A_1645 = tpu.vector_load %arg4[%get3A_1643, %get3A_1644] {strides = array<i32>} : memref<224x224xf32, #tpu.memory_space<vmem>>, vector<1x16xf32>,
      %get3A_1646 = vector.shape_cast %get3A_1645 : vector<1x16xf32> to vector<16xf32>
      %add3A_1647 = arith.addf %scan3A_1586, %get3A_1646 : vector<16xf32>
      %get3A_1648 = arith.index_cast %scan3A_1574 : i32 to index
      %get3A_1649 = arith.constant 192 : index
      %get3A_1650 = tpu.vector_load %arg4[%get3A_1648, %get3A_1649] {strides = array<i32>} : memref<224x224xf32, #tpu.memory_space<vmem>>, vector<1x16xf32>,
      %get3A_1651 = vector.shape_cast %get3A_1650 : vector<1x16xf32> to vector<16xf32>
      %add3A_1652 = arith.addf %scan3A_1587, %get3A_1651 : vector<16xf32>
      %get3A_1653 = arith.index_cast %scan3A_1574 : i32 to index
      %get3A_1654 = arith.constant 208 : index
      %get3A_1655 = tpu.vector_load %arg4[%get3A_1653, %get3A_1654] {strides = array<i32>} : memref<224x224xf32, #tpu.memory_space<vmem>>, vector<1x16xf32>,
      %get3A_1656 = vector.shape_cast %get3A_1655 : vector<1x16xf32> to vector<16xf32>
      %add3A_1657 = arith.addf %scan3A_1588, %get3A_1656 : vector<16xf32>
      scf.yield %add3A_1592, %add3A_1597, %add3A_1602, %add3A_1607, %add3A_1612, %add3A_1617, %add3A_1622, %add3A_1627, %add3A_1632, %add3A_1637, %add3A_1642, %add3A_1647, %add3A_1652, %add3A_1657 : vector<16xf32>, vector<16xf32>, vector<16xf32>, vector<16xf32>, vector<16xf32>, vector<16xf32>, vector<16xf32>, vector<16xf32>, vector<16xf32>, vector<16xf32>, vector<16xf32>, vector<16xf32>, vector<16xf32>, vector<16xf32>
    }
    %scan3A_899 = arith.constant 224 : i32
    %add3A_900 = arith.addf %scan3A_898#0, %scan3A_898#1 : vector<16xf32>
    %add3A_901 = arith.addf %scan3A_898#2, %scan3A_898#3 : vector<16xf32>
    %add3A_902 = arith.addf %scan3A_898#4, %scan3A_898#5 : vector<16xf32>
    %add3A_903 = arith.addf %scan3A_898#6, %scan3A_898#7 : vector<16xf32>
    %add3A_904 = arith.addf %scan3A_898#8, %scan3A_898#9 : vector<16xf32>
    %add3A_905 = arith.addf %scan3A_898#10, %scan3A_898#11 : vector<16xf32>
    %add3A_906 = arith.addf %scan3A_898#12, %scan3A_898#13 : vector<16xf32>
    %add3A_907 = arith.addf %add3A_900, %add3A_901 : vector<16xf32>
    %add3A_908 = arith.addf %add3A_902, %add3A_903 : vector<16xf32>
    %add3A_909 = arith.addf %add3A_904, %add3A_905 : vector<16xf32>
    %add3A_910 = arith.addf %add3A_907, %add3A_908 : vector<16xf32>
    %add3A_911 = arith.addf %add3A_909, %add3A_906 : vector<16xf32>
    %add3A_912 = arith.addf %add3A_910, %add3A_911 : vector<16xf32>
    %swap3A_913 = arith.constant 8 : i32
    %swap3A_914 = arith.index_cast %swap3A_913 : i32 to index
    %swap3A_915 = arith.constant 0 : index
    %swap3A_916 = tpu.vector_load %arg6[%swap3A_914, %swap3A_915] {strides = array<i32>} : memref<16x16xf32, #tpu.memory_space<vmem>>, vector<1x16xf32>,
    %swap3A_917 = vector.shape_cast %swap3A_916 : vector<1x16xf32> to vector<16xf32>
    %swap3A_918 = vector.shape_cast %add3A_912 : vector<16xf32> to vector<1x16xf32>
    tpu.vector_store %arg6[%swap3A_914, %swap3A_915], %swap3A_918 {strides = array<i32>} : memref<16x16xf32, #tpu.memory_space<vmem>>, vector<1x16xf32>,
    %add3A_919 = arith.constant 10 : i32
    %add3A_920 = arith.addi %mul3A_2, %add3A_919 : i32
    %jit3A_921 = arith.constant 64 : i32
    %div3A_922 = arith.divsi %add3A_920, %jit3A_921 : i32
    %sign3A_923 = arith.constant 0 : i32
    %sign3A_924 = arith.cmpi sgt, %add3A_920, %sign3A_923 : i32
    %sign3A_925 = arith.extui %sign3A_924 : i1 to i32
    %sign3A_926 = arith.constant 0 : i32
    %sign3A_927 = arith.cmpi slt, %add3A_920, %sign3A_926 : i32
    %sign3A_928 = arith.extui %sign3A_927 : i1 to i32
    %sign3A_929 = arith.subi %sign3A_925, %sign3A_928 : i32
    %sign3A_930 = arith.constant 0 : i32
    %sign3A_931 = arith.cmpi sgt, %jit3A_921, %sign3A_930 : i32
    %sign3A_932 = arith.extui %sign3A_931 : i1 to i32
    %sign3A_933 = arith.constant 0 : i32
    %sign3A_934 = arith.cmpi slt, %jit3A_921, %sign3A_933 : i32
    %sign3A_935 = arith.extui %sign3A_934 : i1 to i32
    %sign3A_936 = arith.subi %sign3A_932, %sign3A_935 : i32
    %ne3A_937 = arith.cmpi ne, %sign3A_929, %sign3A_936 : i32
    %rem3A_938 = arith.remsi %add3A_920, %jit3A_921 : i32
    %ne3A_939 = arith.constant 0 : i32
    %ne3A_940 = arith.cmpi ne, %rem3A_938, %ne3A_939 : i32
    %and3A_941 = arith.andi %ne3A_937, %ne3A_940 : i1
    %sub3A_942 = arith.constant 1 : i32
    %sub3A_943 = arith.subi %div3A_922, %sub3A_942 : i32
    %select_n3A_944 = arith.select %and3A_941, %sub3A_943, %div3A_922 : i32
    %rem3A_945 = arith.constant 64 : i32
    %rem3A_946 = arith.remsi %add3A_920, %rem3A_945 : i32
    %add3A_947 = arith.constant 128 : i32
    %add3A_948 = arith.addi %add3A_947, %rem3A_946 : i32
    %dma_start3A_949 = arith.constant 0 : i32
    %dma_start3A_950 = arith.constant 0 : i32
    %dma_start3A_951 = tpu.memref_slice %arg2[%select_n3A_944, %add3A_948, %dma_start3A_949, %dma_start3A_950] : memref<8x192x224x224xf32, #tpu.memory_space<hbm>> -> memref<1x1x224x224xf32, #tpu.memory_space<hbm>>
    %dma_start3A_952 = tpu.memref_squeeze %dma_start3A_951 : memref<1x1x224x224xf32, #tpu.memory_space<hbm>> -> memref<224x224xf32, #tpu.memory_space<hbm>>
    %dma_start3A_953 = arith.constant 0 : i32
    %dma_start3A_954 = arith.constant 0 : i32
    %dma_start3A_955 = tpu.memref_slice %arg2[%select_n3A_944, %add3A_948, %dma_start3A_953, %dma_start3A_954] : memref<8x192x224x224xf32, #tpu.memory_space<hbm>> -> memref<1x1x224x224xf32, #tpu.memory_space<hbm>>
    %dma_start3A_956 = tpu.memref_squeeze %dma_start3A_955 : memref<1x1x224x224xf32, #tpu.memory_space<hbm>> -> memref<224x224xf32, #tpu.memory_space<hbm>>
    tpu.enqueue_dma source(%dma_start3A_956 : memref<224x224xf32, #tpu.memory_space<hbm>>) target(%arg4 : memref<224x224xf32, #tpu.memory_space<vmem>>) target_semaphore(%arg7 : memref<!tpu.dma_semaphore, #tpu.memory_space<semaphore_mem>>)
    %dma_wait3A_957 = arith.constant 0 : i32
    %dma_wait3A_958 = arith.constant 0 : i32
    %dma_wait3A_959 = tpu.memref_slice %arg2[%select_n3A_845, %add3A_849, %dma_wait3A_957, %dma_wait3A_958] : memref<8x192x224x224xf32, #tpu.memory_space<hbm>> -> memref<1x1x224x224xf32, #tpu.memory_space<hbm>>
    %dma_wait3A_960 = tpu.memref_squeeze %dma_wait3A_959 : memref<1x1x224x224xf32, #tpu.memory_space<hbm>> -> memref<224x224xf32, #tpu.memory_space<hbm>>
    %dma_wait3A_961 = arith.constant 0 : i32
    %dma_wait3A_962 = arith.constant 0 : i32
    %dma_wait3A_963 = tpu.memref_slice %arg2[%select_n3A_845, %add3A_849, %dma_wait3A_961, %dma_wait3A_962] : memref<8x192x224x224xf32, #tpu.memory_space<hbm>> -> memref<1x1x224x224xf32, #tpu.memory_space<hbm>>
    %dma_wait3A_964 = tpu.memref_squeeze %dma_wait3A_963 : memref<1x1x224x224xf32, #tpu.memory_space<hbm>> -> memref<224x224xf32, #tpu.memory_space<hbm>>
    tpu.wait_dma2 semaphore(%arg8 : memref<!tpu.dma_semaphore, #tpu.memory_space<semaphore_mem>>) src(%dma_wait3A_964 : memref<224x224xf32, #tpu.memory_space<hbm>>) dst(%arg5 : memref<224x224xf32, #tpu.memory_space<vmem>>)
    %broadcast_in_dim3A_965 = arith.constant 0.000000e+00 : f32
    %broadcast_in_dim3A_966 = vector.broadcast %broadcast_in_dim3A_965 : f32 to vector<16xf32>
    %broadcast_in_dim3A_967 = arith.constant 0.000000e+00 : f32
    %broadcast_in_dim3A_968 = vector.broadcast %broadcast_in_dim3A_967 : f32 to vector<16xf32>
    %broadcast_in_dim3A_969 = arith.constant 0.000000e+00 : f32
    %broadcast_in_dim3A_970 = vector.broadcast %broadcast_in_dim3A_969 : f32 to vector<16xf32>
    %broadcast_in_dim3A_971 = arith.constant 0.000000e+00 : f32
    %broadcast_in_dim3A_972 = vector.broadcast %broadcast_in_dim3A_971 : f32 to vector<16xf32>
    %broadcast_in_dim3A_973 = arith.constant 0.000000e+00 : f32
    %broadcast_in_dim3A_974 = vector.broadcast %broadcast_in_dim3A_973 : f32 to vector<16xf32>
    %broadcast_in_dim3A_975 = arith.constant 0.000000e+00 : f32
    %broadcast_in_dim3A_976 = vector.broadcast %broadcast_in_dim3A_975 : f32 to vector<16xf32>
    %broadcast_in_dim3A_977 = arith.constant 0.000000e+00 : f32
    %broadcast_in_dim3A_978 = vector.broadcast %broadcast_in_dim3A_977 : f32 to vector<16xf32>
    %broadcast_in_dim3A_979 = arith.constant 0.000000e+00 : f32
    %broadcast_in_dim3A_980 = vector.broadcast %broadcast_in_dim3A_979 : f32 to vector<16xf32>
    %broadcast_in_dim3A_981 = arith.constant 0.000000e+00 : f32
    %broadcast_in_dim3A_982 = vector.broadcast %broadcast_in_dim3A_981 : f32 to vector<16xf32>
    %broadcast_in_dim3A_983 = arith.constant 0.000000e+00 : f32
    %broadcast_in_dim3A_984 = vector.broadcast %broadcast_in_dim3A_983 : f32 to vector<16xf32>
    %broadcast_in_dim3A_985 = arith.constant 0.000000e+00 : f32
    %broadcast_in_dim3A_986 = vector.broadcast %broadcast_in_dim3A_985 : f32 to vector<16xf32>
    %broadcast_in_dim3A_987 = arith.constant 0.000000e+00 : f32
    %broadcast_in_dim3A_988 = vector.broadcast %broadcast_in_dim3A_987 : f32 to vector<16xf32>
    %broadcast_in_dim3A_989 = arith.constant 0.000000e+00 : f32
    %broadcast_in_dim3A_990 = vector.broadcast %broadcast_in_dim3A_989 : f32 to vector<16xf32>
    %broadcast_in_dim3A_991 = arith.constant 0.000000e+00 : f32
    %broadcast_in_dim3A_992 = vector.broadcast %broadcast_in_dim3A_991 : f32 to vector<16xf32>
    %scan3A_993 = arith.constant 0 : i32
    %scan3A_994 = arith.constant 224 : i32
    %scan3A_995 = arith.addi %scan3A_993, %scan3A_994 : i32
    %scan3A_996 = arith.constant 1 : i32
    %scan3A_997:14 = scf.for %scan3A_1574 = %scan3A_993 to %scan3A_995 step %scan3A_996 iter_args(%scan3A_1575 = %broadcast_in_dim3A_966, %scan3A_1576 = %broadcast_in_dim3A_968, %scan3A_1577 = %broadcast_in_dim3A_970, %scan3A_1578 = %broadcast_in_dim3A_972, %scan3A_1579 = %broadcast_in_dim3A_974, %scan3A_1580 = %broadcast_in_dim3A_976, %scan3A_1581 = %broadcast_in_dim3A_978, %scan3A_1582 = %broadcast_in_dim3A_980, %scan3A_1583 = %broadcast_in_dim3A_982, %scan3A_1584 = %broadcast_in_dim3A_984, %scan3A_1585 = %broadcast_in_dim3A_986, %scan3A_1586 = %broadcast_in_dim3A_988, %scan3A_1587 = %broadcast_in_dim3A_990, %scan3A_1588 = %broadcast_in_dim3A_992) -> (vector<16xf32>, vector<16xf32>, vector<16xf32>, vector<16xf32>, vector<16xf32>, vector<16xf32>, vector<16xf32>, vector<16xf32>, vector<16xf32>, vector<16xf32>, vector<16xf32>, vector<16xf32>, vector<16xf32>, vector<16xf32>)  : i32 {
      %get3A = arith.index_cast %scan3A_1574 : i32 to index
      %get3A_1589 = arith.constant 0 : index
      %get3A_1590 = tpu.vector_load %arg5[%get3A, %get3A_1589] {strides = array<i32>} : memref<224x224xf32, #tpu.memory_space<vmem>>, vector<1x16xf32>,
      %get3A_1591 = vector.shape_cast %get3A_1590 : vector<1x16xf32> to vector<16xf32>
      %add3A_1592 = arith.addf %scan3A_1575, %get3A_1591 : vector<16xf32>
      %get3A_1593 = arith.index_cast %scan3A_1574 : i32 to index
      %get3A_1594 = arith.constant 16 : index
      %get3A_1595 = tpu.vector_load %arg5[%get3A_1593, %get3A_1594] {strides = array<i32>} : memref<224x224xf32, #tpu.memory_space<vmem>>, vector<1x16xf32>,
      %get3A_1596 = vector.shape_cast %get3A_1595 : vector<1x16xf32> to vector<16xf32>
      %add3A_1597 = arith.addf %scan3A_1576, %get3A_1596 : vector<16xf32>
      %get3A_1598 = arith.index_cast %scan3A_1574 : i32 to index
      %get3A_1599 = arith.constant 32 : index
      %get3A_1600 = tpu.vector_load %arg5[%get3A_1598, %get3A_1599] {strides = array<i32>} : memref<224x224xf32, #tpu.memory_space<vmem>>, vector<1x16xf32>,
      %get3A_1601 = vector.shape_cast %get3A_1600 : vector<1x16xf32> to vector<16xf32>
      %add3A_1602 = arith.addf %scan3A_1577, %get3A_1601 : vector<16xf32>
      %get3A_1603 = arith.index_cast %scan3A_1574 : i32 to index
      %get3A_1604 = arith.constant 48 : index
      %get3A_1605 = tpu.vector_load %arg5[%get3A_1603, %get3A_1604] {strides = array<i32>} : memref<224x224xf32, #tpu.memory_space<vmem>>, vector<1x16xf32>,
      %get3A_1606 = vector.shape_cast %get3A_1605 : vector<1x16xf32> to vector<16xf32>
      %add3A_1607 = arith.addf %scan3A_1578, %get3A_1606 : vector<16xf32>
      %get3A_1608 = arith.index_cast %scan3A_1574 : i32 to index
      %get3A_1609 = arith.constant 64 : index
      %get3A_1610 = tpu.vector_load %arg5[%get3A_1608, %get3A_1609] {strides = array<i32>} : memref<224x224xf32, #tpu.memory_space<vmem>>, vector<1x16xf32>,
      %get3A_1611 = vector.shape_cast %get3A_1610 : vector<1x16xf32> to vector<16xf32>
      %add3A_1612 = arith.addf %scan3A_1579, %get3A_1611 : vector<16xf32>
      %get3A_1613 = arith.index_cast %scan3A_1574 : i32 to index
      %get3A_1614 = arith.constant 80 : index
      %get3A_1615 = tpu.vector_load %arg5[%get3A_1613, %get3A_1614] {strides = array<i32>} : memref<224x224xf32, #tpu.memory_space<vmem>>, vector<1x16xf32>,
      %get3A_1616 = vector.shape_cast %get3A_1615 : vector<1x16xf32> to vector<16xf32>
      %add3A_1617 = arith.addf %scan3A_1580, %get3A_1616 : vector<16xf32>
      %get3A_1618 = arith.index_cast %scan3A_1574 : i32 to index
      %get3A_1619 = arith.constant 96 : index
      %get3A_1620 = tpu.vector_load %arg5[%get3A_1618, %get3A_1619] {strides = array<i32>} : memref<224x224xf32, #tpu.memory_space<vmem>>, vector<1x16xf32>,
      %get3A_1621 = vector.shape_cast %get3A_1620 : vector<1x16xf32> to vector<16xf32>
      %add3A_1622 = arith.addf %scan3A_1581, %get3A_1621 : vector<16xf32>
      %get3A_1623 = arith.index_cast %scan3A_1574 : i32 to index
      %get3A_1624 = arith.constant 112 : index
      %get3A_1625 = tpu.vector_load %arg5[%get3A_1623, %get3A_1624] {strides = array<i32>} : memref<224x224xf32, #tpu.memory_space<vmem>>, vector<1x16xf32>,
      %get3A_1626 = vector.shape_cast %get3A_1625 : vector<1x16xf32> to vector<16xf32>
      %add3A_1627 = arith.addf %scan3A_1582, %get3A_1626 : vector<16xf32>
      %get3A_1628 = arith.index_cast %scan3A_1574 : i32 to index
      %get3A_1629 = arith.constant 128 : index
      %get3A_1630 = tpu.vector_load %arg5[%get3A_1628, %get3A_1629] {strides = array<i32>} : memref<224x224xf32, #tpu.memory_space<vmem>>, vector<1x16xf32>,
      %get3A_1631 = vector.shape_cast %get3A_1630 : vector<1x16xf32> to vector<16xf32>
      %add3A_1632 = arith.addf %scan3A_1583, %get3A_1631 : vector<16xf32>
      %get3A_1633 = arith.index_cast %scan3A_1574 : i32 to index
      %get3A_1634 = arith.constant 144 : index
      %get3A_1635 = tpu.vector_load %arg5[%get3A_1633, %get3A_1634] {strides = array<i32>} : memref<224x224xf32, #tpu.memory_space<vmem>>, vector<1x16xf32>,
      %get3A_1636 = vector.shape_cast %get3A_1635 : vector<1x16xf32> to vector<16xf32>
      %add3A_1637 = arith.addf %scan3A_1584, %get3A_1636 : vector<16xf32>
      %get3A_1638 = arith.index_cast %scan3A_1574 : i32 to index
      %get3A_1639 = arith.constant 160 : index
      %get3A_1640 = tpu.vector_load %arg5[%get3A_1638, %get3A_1639] {strides = array<i32>} : memref<224x224xf32, #tpu.memory_space<vmem>>, vector<1x16xf32>,
      %get3A_1641 = vector.shape_cast %get3A_1640 : vector<1x16xf32> to vector<16xf32>
      %add3A_1642 = arith.addf %scan3A_1585, %get3A_1641 : vector<16xf32>
      %get3A_1643 = arith.index_cast %scan3A_1574 : i32 to index
      %get3A_1644 = arith.constant 176 : index
      %get3A_1645 = tpu.vector_load %arg5[%get3A_1643, %get3A_1644] {strides = array<i32>} : memref<224x224xf32, #tpu.memory_space<vmem>>, vector<1x16xf32>,
      %get3A_1646 = vector.shape_cast %get3A_1645 : vector<1x16xf32> to vector<16xf32>
      %add3A_1647 = arith.addf %scan3A_1586, %get3A_1646 : vector<16xf32>
      %get3A_1648 = arith.index_cast %scan3A_1574 : i32 to index
      %get3A_1649 = arith.constant 192 : index
      %get3A_1650 = tpu.vector_load %arg5[%get3A_1648, %get3A_1649] {strides = array<i32>} : memref<224x224xf32, #tpu.memory_space<vmem>>, vector<1x16xf32>,
      %get3A_1651 = vector.shape_cast %get3A_1650 : vector<1x16xf32> to vector<16xf32>
      %add3A_1652 = arith.addf %scan3A_1587, %get3A_1651 : vector<16xf32>
      %get3A_1653 = arith.index_cast %scan3A_1574 : i32 to index
      %get3A_1654 = arith.constant 208 : index
      %get3A_1655 = tpu.vector_load %arg5[%get3A_1653, %get3A_1654] {strides = array<i32>} : memref<224x224xf32, #tpu.memory_space<vmem>>, vector<1x16xf32>,
      %get3A_1656 = vector.shape_cast %get3A_1655 : vector<1x16xf32> to vector<16xf32>
      %add3A_1657 = arith.addf %scan3A_1588, %get3A_1656 : vector<16xf32>
      scf.yield %add3A_1592, %add3A_1597, %add3A_1602, %add3A_1607, %add3A_1612, %add3A_1617, %add3A_1622, %add3A_1627, %add3A_1632, %add3A_1637, %add3A_1642, %add3A_1647, %add3A_1652, %add3A_1657 : vector<16xf32>, vector<16xf32>, vector<16xf32>, vector<16xf32>, vector<16xf32>, vector<16xf32>, vector<16xf32>, vector<16xf32>, vector<16xf32>, vector<16xf32>, vector<16xf32>, vector<16xf32>, vector<16xf32>, vector<16xf32>
    }
    %scan3A_998 = arith.constant 224 : i32
    %add3A_999 = arith.addf %scan3A_997#0, %scan3A_997#1 : vector<16xf32>
    %add3A_1000 = arith.addf %scan3A_997#2, %scan3A_997#3 : vector<16xf32>
    %add3A_1001 = arith.addf %scan3A_997#4, %scan3A_997#5 : vector<16xf32>
    %add3A_1002 = arith.addf %scan3A_997#6, %scan3A_997#7 : vector<16xf32>
    %add3A_1003 = arith.addf %scan3A_997#8, %scan3A_997#9 : vector<16xf32>
    %add3A_1004 = arith.addf %scan3A_997#10, %scan3A_997#11 : vector<16xf32>
    %add3A_1005 = arith.addf %scan3A_997#12, %scan3A_997#13 : vector<16xf32>
    %add3A_1006 = arith.addf %add3A_999, %add3A_1000 : vector<16xf32>
    %add3A_1007 = arith.addf %add3A_1001, %add3A_1002 : vector<16xf32>
    %add3A_1008 = arith.addf %add3A_1003, %add3A_1004 : vector<16xf32>
    %add3A_1009 = arith.addf %add3A_1006, %add3A_1007 : vector<16xf32>
    %add3A_1010 = arith.addf %add3A_1008, %add3A_1005 : vector<16xf32>
    %add3A_1011 = arith.addf %add3A_1009, %add3A_1010 : vector<16xf32>
    %swap3A_1012 = arith.constant 9 : i32
    %swap3A_1013 = arith.index_cast %swap3A_1012 : i32 to index
    %swap3A_1014 = arith.constant 0 : index
    %swap3A_1015 = tpu.vector_load %arg6[%swap3A_1013, %swap3A_1014] {strides = array<i32>} : memref<16x16xf32, #tpu.memory_space<vmem>>, vector<1x16xf32>,
    %swap3A_1016 = vector.shape_cast %swap3A_1015 : vector<1x16xf32> to vector<16xf32>
    %swap3A_1017 = vector.shape_cast %add3A_1011 : vector<16xf32> to vector<1x16xf32>
    tpu.vector_store %arg6[%swap3A_1013, %swap3A_1014], %swap3A_1017 {strides = array<i32>} : memref<16x16xf32, #tpu.memory_space<vmem>>, vector<1x16xf32>,
    %add3A_1018 = arith.constant 11 : i32
    %add3A_1019 = arith.addi %mul3A_2, %add3A_1018 : i32
    %jit3A_1020 = arith.constant 64 : i32
    %div3A_1021 = arith.divsi %add3A_1019, %jit3A_1020 : i32
    %sign3A_1022 = arith.constant 0 : i32
    %sign3A_1023 = arith.cmpi sgt, %add3A_1019, %sign3A_1022 : i32
    %sign3A_1024 = arith.extui %sign3A_1023 : i1 to i32
    %sign3A_1025 = arith.constant 0 : i32
    %sign3A_1026 = arith.cmpi slt, %add3A_1019, %sign3A_1025 : i32
    %sign3A_1027 = arith.extui %sign3A_1026 : i1 to i32
    %sign3A_1028 = arith.subi %sign3A_1024, %sign3A_1027 : i32
    %sign3A_1029 = arith.constant 0 : i32
    %sign3A_1030 = arith.cmpi sgt, %jit3A_1020, %sign3A_1029 : i32
    %sign3A_1031 = arith.extui %sign3A_1030 : i1 to i32
    %sign3A_1032 = arith.constant 0 : i32
    %sign3A_1033 = arith.cmpi slt, %jit3A_1020, %sign3A_1032 : i32
    %sign3A_1034 = arith.extui %sign3A_1033 : i1 to i32
    %sign3A_1035 = arith.subi %sign3A_1031, %sign3A_1034 : i32
    %ne3A_1036 = arith.cmpi ne, %sign3A_1028, %sign3A_1035 : i32
    %rem3A_1037 = arith.remsi %add3A_1019, %jit3A_1020 : i32
    %ne3A_1038 = arith.constant 0 : i32
    %ne3A_1039 = arith.cmpi ne, %rem3A_1037, %ne3A_1038 : i32
    %and3A_1040 = arith.andi %ne3A_1036, %ne3A_1039 : i1
    %sub3A_1041 = arith.constant 1 : i32
    %sub3A_1042 = arith.subi %div3A_1021, %sub3A_1041 : i32
    %select_n3A_1043 = arith.select %and3A_1040, %sub3A_1042, %div3A_1021 : i32
    %rem3A_1044 = arith.constant 64 : i32
    %rem3A_1045 = arith.remsi %add3A_1019, %rem3A_1044 : i32
    %add3A_1046 = arith.constant 128 : i32
    %add3A_1047 = arith.addi %add3A_1046, %rem3A_1045 : i32
    %dma_start3A_1048 = arith.constant 0 : i32
    %dma_start3A_1049 = arith.constant 0 : i32
    %dma_start3A_1050 = tpu.memref_slice %arg2[%select_n3A_1043, %add3A_1047, %dma_start3A_1048, %dma_start3A_1049] : memref<8x192x224x224xf32, #tpu.memory_space<hbm>> -> memref<1x1x224x224xf32, #tpu.memory_space<hbm>>
    %dma_start3A_1051 = tpu.memref_squeeze %dma_start3A_1050 : memref<1x1x224x224xf32, #tpu.memory_space<hbm>> -> memref<224x224xf32, #tpu.memory_space<hbm>>
    %dma_start3A_1052 = arith.constant 0 : i32
    %dma_start3A_1053 = arith.constant 0 : i32
    %dma_start3A_1054 = tpu.memref_slice %arg2[%select_n3A_1043, %add3A_1047, %dma_start3A_1052, %dma_start3A_1053] : memref<8x192x224x224xf32, #tpu.memory_space<hbm>> -> memref<1x1x224x224xf32, #tpu.memory_space<hbm>>
    %dma_start3A_1055 = tpu.memref_squeeze %dma_start3A_1054 : memref<1x1x224x224xf32, #tpu.memory_space<hbm>> -> memref<224x224xf32, #tpu.memory_space<hbm>>
    tpu.enqueue_dma source(%dma_start3A_1055 : memref<224x224xf32, #tpu.memory_space<hbm>>) target(%arg5 : memref<224x224xf32, #tpu.memory_space<vmem>>) target_semaphore(%arg8 : memref<!tpu.dma_semaphore, #tpu.memory_space<semaphore_mem>>)
    %dma_wait3A_1056 = arith.constant 0 : i32
    %dma_wait3A_1057 = arith.constant 0 : i32
    %dma_wait3A_1058 = tpu.memref_slice %arg2[%select_n3A_944, %add3A_948, %dma_wait3A_1056, %dma_wait3A_1057] : memref<8x192x224x224xf32, #tpu.memory_space<hbm>> -> memref<1x1x224x224xf32, #tpu.memory_space<hbm>>
    %dma_wait3A_1059 = tpu.memref_squeeze %dma_wait3A_1058 : memref<1x1x224x224xf32, #tpu.memory_space<hbm>> -> memref<224x224xf32, #tpu.memory_space<hbm>>
    %dma_wait3A_1060 = arith.constant 0 : i32
    %dma_wait3A_1061 = arith.constant 0 : i32
    %dma_wait3A_1062 = tpu.memref_slice %arg2[%select_n3A_944, %add3A_948, %dma_wait3A_1060, %dma_wait3A_1061] : memref<8x192x224x224xf32, #tpu.memory_space<hbm>> -> memref<1x1x224x224xf32, #tpu.memory_space<hbm>>
    %dma_wait3A_1063 = tpu.memref_squeeze %dma_wait3A_1062 : memref<1x1x224x224xf32, #tpu.memory_space<hbm>> -> memref<224x224xf32, #tpu.memory_space<hbm>>
    tpu.wait_dma2 semaphore(%arg7 : memref<!tpu.dma_semaphore, #tpu.memory_space<semaphore_mem>>) src(%dma_wait3A_1063 : memref<224x224xf32, #tpu.memory_space<hbm>>) dst(%arg4 : memref<224x224xf32, #tpu.memory_space<vmem>>)
    %broadcast_in_dim3A_1064 = arith.constant 0.000000e+00 : f32
    %broadcast_in_dim3A_1065 = vector.broadcast %broadcast_in_dim3A_1064 : f32 to vector<16xf32>
    %broadcast_in_dim3A_1066 = arith.constant 0.000000e+00 : f32
    %broadcast_in_dim3A_1067 = vector.broadcast %broadcast_in_dim3A_1066 : f32 to vector<16xf32>
    %broadcast_in_dim3A_1068 = arith.constant 0.000000e+00 : f32
    %broadcast_in_dim3A_1069 = vector.broadcast %broadcast_in_dim3A_1068 : f32 to vector<16xf32>
    %broadcast_in_dim3A_1070 = arith.constant 0.000000e+00 : f32
    %broadcast_in_dim3A_1071 = vector.broadcast %broadcast_in_dim3A_1070 : f32 to vector<16xf32>
    %broadcast_in_dim3A_1072 = arith.constant 0.000000e+00 : f32
    %broadcast_in_dim3A_1073 = vector.broadcast %broadcast_in_dim3A_1072 : f32 to vector<16xf32>
    %broadcast_in_dim3A_1074 = arith.constant 0.000000e+00 : f32
    %broadcast_in_dim3A_1075 = vector.broadcast %broadcast_in_dim3A_1074 : f32 to vector<16xf32>
    %broadcast_in_dim3A_1076 = arith.constant 0.000000e+00 : f32
    %broadcast_in_dim3A_1077 = vector.broadcast %broadcast_in_dim3A_1076 : f32 to vector<16xf32>
    %broadcast_in_dim3A_1078 = arith.constant 0.000000e+00 : f32
    %broadcast_in_dim3A_1079 = vector.broadcast %broadcast_in_dim3A_1078 : f32 to vector<16xf32>
    %broadcast_in_dim3A_1080 = arith.constant 0.000000e+00 : f32
    %broadcast_in_dim3A_1081 = vector.broadcast %broadcast_in_dim3A_1080 : f32 to vector<16xf32>
    %broadcast_in_dim3A_1082 = arith.constant 0.000000e+00 : f32
    %broadcast_in_dim3A_1083 = vector.broadcast %broadcast_in_dim3A_1082 : f32 to vector<16xf32>
    %broadcast_in_dim3A_1084 = arith.constant 0.000000e+00 : f32
    %broadcast_in_dim3A_1085 = vector.broadcast %broadcast_in_dim3A_1084 : f32 to vector<16xf32>
    %broadcast_in_dim3A_1086 = arith.constant 0.000000e+00 : f32
    %broadcast_in_dim3A_1087 = vector.broadcast %broadcast_in_dim3A_1086 : f32 to vector<16xf32>
    %broadcast_in_dim3A_1088 = arith.constant 0.000000e+00 : f32
    %broadcast_in_dim3A_1089 = vector.broadcast %broadcast_in_dim3A_1088 : f32 to vector<16xf32>
    %broadcast_in_dim3A_1090 = arith.constant 0.000000e+00 : f32
    %broadcast_in_dim3A_1091 = vector.broadcast %broadcast_in_dim3A_1090 : f32 to vector<16xf32>
    %scan3A_1092 = arith.constant 0 : i32
    %scan3A_1093 = arith.constant 224 : i32
    %scan3A_1094 = arith.addi %scan3A_1092, %scan3A_1093 : i32
    %scan3A_1095 = arith.constant 1 : i32
    %scan3A_1096:14 = scf.for %scan3A_1574 = %scan3A_1092 to %scan3A_1094 step %scan3A_1095 iter_args(%scan3A_1575 = %broadcast_in_dim3A_1065, %scan3A_1576 = %broadcast_in_dim3A_1067, %scan3A_1577 = %broadcast_in_dim3A_1069, %scan3A_1578 = %broadcast_in_dim3A_1071, %scan3A_1579 = %broadcast_in_dim3A_1073, %scan3A_1580 = %broadcast_in_dim3A_1075, %scan3A_1581 = %broadcast_in_dim3A_1077, %scan3A_1582 = %broadcast_in_dim3A_1079, %scan3A_1583 = %broadcast_in_dim3A_1081, %scan3A_1584 = %broadcast_in_dim3A_1083, %scan3A_1585 = %broadcast_in_dim3A_1085, %scan3A_1586 = %broadcast_in_dim3A_1087, %scan3A_1587 = %broadcast_in_dim3A_1089, %scan3A_1588 = %broadcast_in_dim3A_1091) -> (vector<16xf32>, vector<16xf32>, vector<16xf32>, vector<16xf32>, vector<16xf32>, vector<16xf32>, vector<16xf32>, vector<16xf32>, vector<16xf32>, vector<16xf32>, vector<16xf32>, vector<16xf32>, vector<16xf32>, vector<16xf32>)  : i32 {
      %get3A = arith.index_cast %scan3A_1574 : i32 to index
      %get3A_1589 = arith.constant 0 : index
      %get3A_1590 = tpu.vector_load %arg4[%get3A, %get3A_1589] {strides = array<i32>} : memref<224x224xf32, #tpu.memory_space<vmem>>, vector<1x16xf32>,
      %get3A_1591 = vector.shape_cast %get3A_1590 : vector<1x16xf32> to vector<16xf32>
      %add3A_1592 = arith.addf %scan3A_1575, %get3A_1591 : vector<16xf32>
      %get3A_1593 = arith.index_cast %scan3A_1574 : i32 to index
      %get3A_1594 = arith.constant 16 : index
      %get3A_1595 = tpu.vector_load %arg4[%get3A_1593, %get3A_1594] {strides = array<i32>} : memref<224x224xf32, #tpu.memory_space<vmem>>, vector<1x16xf32>,
      %get3A_1596 = vector.shape_cast %get3A_1595 : vector<1x16xf32> to vector<16xf32>
      %add3A_1597 = arith.addf %scan3A_1576, %get3A_1596 : vector<16xf32>
      %get3A_1598 = arith.index_cast %scan3A_1574 : i32 to index
      %get3A_1599 = arith.constant 32 : index
      %get3A_1600 = tpu.vector_load %arg4[%get3A_1598, %get3A_1599] {strides = array<i32>} : memref<224x224xf32, #tpu.memory_space<vmem>>, vector<1x16xf32>,
      %get3A_1601 = vector.shape_cast %get3A_1600 : vector<1x16xf32> to vector<16xf32>
      %add3A_1602 = arith.addf %scan3A_1577, %get3A_1601 : vector<16xf32>
      %get3A_1603 = arith.index_cast %scan3A_1574 : i32 to index
      %get3A_1604 = arith.constant 48 : index
      %get3A_1605 = tpu.vector_load %arg4[%get3A_1603, %get3A_1604] {strides = array<i32>} : memref<224x224xf32, #tpu.memory_space<vmem>>, vector<1x16xf32>,
      %get3A_1606 = vector.shape_cast %get3A_1605 : vector<1x16xf32> to vector<16xf32>
      %add3A_1607 = arith.addf %scan3A_1578, %get3A_1606 : vector<16xf32>
      %get3A_1608 = arith.index_cast %scan3A_1574 : i32 to index
      %get3A_1609 = arith.constant 64 : index
      %get3A_1610 = tpu.vector_load %arg4[%get3A_1608, %get3A_1609] {strides = array<i32>} : memref<224x224xf32, #tpu.memory_space<vmem>>, vector<1x16xf32>,
      %get3A_1611 = vector.shape_cast %get3A_1610 : vector<1x16xf32> to vector<16xf32>
      %add3A_1612 = arith.addf %scan3A_1579, %get3A_1611 : vector<16xf32>
      %get3A_1613 = arith.index_cast %scan3A_1574 : i32 to index
      %get3A_1614 = arith.constant 80 : index
      %get3A_1615 = tpu.vector_load %arg4[%get3A_1613, %get3A_1614] {strides = array<i32>} : memref<224x224xf32, #tpu.memory_space<vmem>>, vector<1x16xf32>,
      %get3A_1616 = vector.shape_cast %get3A_1615 : vector<1x16xf32> to vector<16xf32>
      %add3A_1617 = arith.addf %scan3A_1580, %get3A_1616 : vector<16xf32>
      %get3A_1618 = arith.index_cast %scan3A_1574 : i32 to index
      %get3A_1619 = arith.constant 96 : index
      %get3A_1620 = tpu.vector_load %arg4[%get3A_1618, %get3A_1619] {strides = array<i32>} : memref<224x224xf32, #tpu.memory_space<vmem>>, vector<1x16xf32>,
      %get3A_1621 = vector.shape_cast %get3A_1620 : vector<1x16xf32> to vector<16xf32>
      %add3A_1622 = arith.addf %scan3A_1581, %get3A_1621 : vector<16xf32>
      %get3A_1623 = arith.index_cast %scan3A_1574 : i32 to index
      %get3A_1624 = arith.constant 112 : index
      %get3A_1625 = tpu.vector_load %arg4[%get3A_1623, %get3A_1624] {strides = array<i32>} : memref<224x224xf32, #tpu.memory_space<vmem>>, vector<1x16xf32>,
      %get3A_1626 = vector.shape_cast %get3A_1625 : vector<1x16xf32> to vector<16xf32>
      %add3A_1627 = arith.addf %scan3A_1582, %get3A_1626 : vector<16xf32>
      %get3A_1628 = arith.index_cast %scan3A_1574 : i32 to index
      %get3A_1629 = arith.constant 128 : index
      %get3A_1630 = tpu.vector_load %arg4[%get3A_1628, %get3A_1629] {strides = array<i32>} : memref<224x224xf32, #tpu.memory_space<vmem>>, vector<1x16xf32>,
      %get3A_1631 = vector.shape_cast %get3A_1630 : vector<1x16xf32> to vector<16xf32>
      %add3A_1632 = arith.addf %scan3A_1583, %get3A_1631 : vector<16xf32>
      %get3A_1633 = arith.index_cast %scan3A_1574 : i32 to index
      %get3A_1634 = arith.constant 144 : index
      %get3A_1635 = tpu.vector_load %arg4[%get3A_1633, %get3A_1634] {strides = array<i32>} : memref<224x224xf32, #tpu.memory_space<vmem>>, vector<1x16xf32>,
      %get3A_1636 = vector.shape_cast %get3A_1635 : vector<1x16xf32> to vector<16xf32>
      %add3A_1637 = arith.addf %scan3A_1584, %get3A_1636 : vector<16xf32>
      %get3A_1638 = arith.index_cast %scan3A_1574 : i32 to index
      %get3A_1639 = arith.constant 160 : index
      %get3A_1640 = tpu.vector_load %arg4[%get3A_1638, %get3A_1639] {strides = array<i32>} : memref<224x224xf32, #tpu.memory_space<vmem>>, vector<1x16xf32>,
      %get3A_1641 = vector.shape_cast %get3A_1640 : vector<1x16xf32> to vector<16xf32>
      %add3A_1642 = arith.addf %scan3A_1585, %get3A_1641 : vector<16xf32>
      %get3A_1643 = arith.index_cast %scan3A_1574 : i32 to index
      %get3A_1644 = arith.constant 176 : index
      %get3A_1645 = tpu.vector_load %arg4[%get3A_1643, %get3A_1644] {strides = array<i32>} : memref<224x224xf32, #tpu.memory_space<vmem>>, vector<1x16xf32>,
      %get3A_1646 = vector.shape_cast %get3A_1645 : vector<1x16xf32> to vector<16xf32>
      %add3A_1647 = arith.addf %scan3A_1586, %get3A_1646 : vector<16xf32>
      %get3A_1648 = arith.index_cast %scan3A_1574 : i32 to index
      %get3A_1649 = arith.constant 192 : index
      %get3A_1650 = tpu.vector_load %arg4[%get3A_1648, %get3A_1649] {strides = array<i32>} : memref<224x224xf32, #tpu.memory_space<vmem>>, vector<1x16xf32>,
      %get3A_1651 = vector.shape_cast %get3A_1650 : vector<1x16xf32> to vector<16xf32>
      %add3A_1652 = arith.addf %scan3A_1587, %get3A_1651 : vector<16xf32>
      %get3A_1653 = arith.index_cast %scan3A_1574 : i32 to index
      %get3A_1654 = arith.constant 208 : index
      %get3A_1655 = tpu.vector_load %arg4[%get3A_1653, %get3A_1654] {strides = array<i32>} : memref<224x224xf32, #tpu.memory_space<vmem>>, vector<1x16xf32>,
      %get3A_1656 = vector.shape_cast %get3A_1655 : vector<1x16xf32> to vector<16xf32>
      %add3A_1657 = arith.addf %scan3A_1588, %get3A_1656 : vector<16xf32>
      scf.yield %add3A_1592, %add3A_1597, %add3A_1602, %add3A_1607, %add3A_1612, %add3A_1617, %add3A_1622, %add3A_1627, %add3A_1632, %add3A_1637, %add3A_1642, %add3A_1647, %add3A_1652, %add3A_1657 : vector<16xf32>, vector<16xf32>, vector<16xf32>, vector<16xf32>, vector<16xf32>, vector<16xf32>, vector<16xf32>, vector<16xf32>, vector<16xf32>, vector<16xf32>, vector<16xf32>, vector<16xf32>, vector<16xf32>, vector<16xf32>
    }
    %scan3A_1097 = arith.constant 224 : i32
    %add3A_1098 = arith.addf %scan3A_1096#0, %scan3A_1096#1 : vector<16xf32>
    %add3A_1099 = arith.addf %scan3A_1096#2, %scan3A_1096#3 : vector<16xf32>
    %add3A_1100 = arith.addf %scan3A_1096#4, %scan3A_1096#5 : vector<16xf32>
    %add3A_1101 = arith.addf %scan3A_1096#6, %scan3A_1096#7 : vector<16xf32>
    %add3A_1102 = arith.addf %scan3A_1096#8, %scan3A_1096#9 : vector<16xf32>
    %add3A_1103 = arith.addf %scan3A_1096#10, %scan3A_1096#11 : vector<16xf32>
    %add3A_1104 = arith.addf %scan3A_1096#12, %scan3A_1096#13 : vector<16xf32>
    %add3A_1105 = arith.addf %add3A_1098, %add3A_1099 : vector<16xf32>
    %add3A_1106 = arith.addf %add3A_1100, %add3A_1101 : vector<16xf32>
    %add3A_1107 = arith.addf %add3A_1102, %add3A_1103 : vector<16xf32>
    %add3A_1108 = arith.addf %add3A_1105, %add3A_1106 : vector<16xf32>
    %add3A_1109 = arith.addf %add3A_1107, %add3A_1104 : vector<16xf32>
    %add3A_1110 = arith.addf %add3A_1108, %add3A_1109 : vector<16xf32>
    %swap3A_1111 = arith.constant 10 : i32
    %swap3A_1112 = arith.index_cast %swap3A_1111 : i32 to index
    %swap3A_1113 = arith.constant 0 : index
    %swap3A_1114 = tpu.vector_load %arg6[%swap3A_1112, %swap3A_1113] {strides = array<i32>} : memref<16x16xf32, #tpu.memory_space<vmem>>, vector<1x16xf32>,
    %swap3A_1115 = vector.shape_cast %swap3A_1114 : vector<1x16xf32> to vector<16xf32>
    %swap3A_1116 = vector.shape_cast %add3A_1110 : vector<16xf32> to vector<1x16xf32>
    tpu.vector_store %arg6[%swap3A_1112, %swap3A_1113], %swap3A_1116 {strides = array<i32>} : memref<16x16xf32, #tpu.memory_space<vmem>>, vector<1x16xf32>,
    %add3A_1117 = arith.constant 12 : i32
    %add3A_1118 = arith.addi %mul3A_2, %add3A_1117 : i32
    %jit3A_1119 = arith.constant 64 : i32
    %div3A_1120 = arith.divsi %add3A_1118, %jit3A_1119 : i32
    %sign3A_1121 = arith.constant 0 : i32
    %sign3A_1122 = arith.cmpi sgt, %add3A_1118, %sign3A_1121 : i32
    %sign3A_1123 = arith.extui %sign3A_1122 : i1 to i32
    %sign3A_1124 = arith.constant 0 : i32
    %sign3A_1125 = arith.cmpi slt, %add3A_1118, %sign3A_1124 : i32
    %sign3A_1126 = arith.extui %sign3A_1125 : i1 to i32
    %sign3A_1127 = arith.subi %sign3A_1123, %sign3A_1126 : i32
    %sign3A_1128 = arith.constant 0 : i32
    %sign3A_1129 = arith.cmpi sgt, %jit3A_1119, %sign3A_1128 : i32
    %sign3A_1130 = arith.extui %sign3A_1129 : i1 to i32
    %sign3A_1131 = arith.constant 0 : i32
    %sign3A_1132 = arith.cmpi slt, %jit3A_1119, %sign3A_1131 : i32
    %sign3A_1133 = arith.extui %sign3A_1132 : i1 to i32
    %sign3A_1134 = arith.subi %sign3A_1130, %sign3A_1133 : i32
    %ne3A_1135 = arith.cmpi ne, %sign3A_1127, %sign3A_1134 : i32
    %rem3A_1136 = arith.remsi %add3A_1118, %jit3A_1119 : i32
    %ne3A_1137 = arith.constant 0 : i32
    %ne3A_1138 = arith.cmpi ne, %rem3A_1136, %ne3A_1137 : i32
    %and3A_1139 = arith.andi %ne3A_1135, %ne3A_1138 : i1
    %sub3A_1140 = arith.constant 1 : i32
    %sub3A_1141 = arith.subi %div3A_1120, %sub3A_1140 : i32
    %select_n3A_1142 = arith.select %and3A_1139, %sub3A_1141, %div3A_1120 : i32
    %rem3A_1143 = arith.constant 64 : i32
    %rem3A_1144 = arith.remsi %add3A_1118, %rem3A_1143 : i32
    %add3A_1145 = arith.constant 128 : i32
    %add3A_1146 = arith.addi %add3A_1145, %rem3A_1144 : i32
    %dma_start3A_1147 = arith.constant 0 : i32
    %dma_start3A_1148 = arith.constant 0 : i32
    %dma_start3A_1149 = tpu.memref_slice %arg2[%select_n3A_1142, %add3A_1146, %dma_start3A_1147, %dma_start3A_1148] : memref<8x192x224x224xf32, #tpu.memory_space<hbm>> -> memref<1x1x224x224xf32, #tpu.memory_space<hbm>>
    %dma_start3A_1150 = tpu.memref_squeeze %dma_start3A_1149 : memref<1x1x224x224xf32, #tpu.memory_space<hbm>> -> memref<224x224xf32, #tpu.memory_space<hbm>>
    %dma_start3A_1151 = arith.constant 0 : i32
    %dma_start3A_1152 = arith.constant 0 : i32
    %dma_start3A_1153 = tpu.memref_slice %arg2[%select_n3A_1142, %add3A_1146, %dma_start3A_1151, %dma_start3A_1152] : memref<8x192x224x224xf32, #tpu.memory_space<hbm>> -> memref<1x1x224x224xf32, #tpu.memory_space<hbm>>
    %dma_start3A_1154 = tpu.memref_squeeze %dma_start3A_1153 : memref<1x1x224x224xf32, #tpu.memory_space<hbm>> -> memref<224x224xf32, #tpu.memory_space<hbm>>
    tpu.enqueue_dma source(%dma_start3A_1154 : memref<224x224xf32, #tpu.memory_space<hbm>>) target(%arg4 : memref<224x224xf32, #tpu.memory_space<vmem>>) target_semaphore(%arg7 : memref<!tpu.dma_semaphore, #tpu.memory_space<semaphore_mem>>)
    %dma_wait3A_1155 = arith.constant 0 : i32
    %dma_wait3A_1156 = arith.constant 0 : i32
    %dma_wait3A_1157 = tpu.memref_slice %arg2[%select_n3A_1043, %add3A_1047, %dma_wait3A_1155, %dma_wait3A_1156] : memref<8x192x224x224xf32, #tpu.memory_space<hbm>> -> memref<1x1x224x224xf32, #tpu.memory_space<hbm>>
    %dma_wait3A_1158 = tpu.memref_squeeze %dma_wait3A_1157 : memref<1x1x224x224xf32, #tpu.memory_space<hbm>> -> memref<224x224xf32, #tpu.memory_space<hbm>>
    %dma_wait3A_1159 = arith.constant 0 : i32
    %dma_wait3A_1160 = arith.constant 0 : i32
    %dma_wait3A_1161 = tpu.memref_slice %arg2[%select_n3A_1043, %add3A_1047, %dma_wait3A_1159, %dma_wait3A_1160] : memref<8x192x224x224xf32, #tpu.memory_space<hbm>> -> memref<1x1x224x224xf32, #tpu.memory_space<hbm>>
    %dma_wait3A_1162 = tpu.memref_squeeze %dma_wait3A_1161 : memref<1x1x224x224xf32, #tpu.memory_space<hbm>> -> memref<224x224xf32, #tpu.memory_space<hbm>>
    tpu.wait_dma2 semaphore(%arg8 : memref<!tpu.dma_semaphore, #tpu.memory_space<semaphore_mem>>) src(%dma_wait3A_1162 : memref<224x224xf32, #tpu.memory_space<hbm>>) dst(%arg5 : memref<224x224xf32, #tpu.memory_space<vmem>>)
    %broadcast_in_dim3A_1163 = arith.constant 0.000000e+00 : f32
    %broadcast_in_dim3A_1164 = vector.broadcast %broadcast_in_dim3A_1163 : f32 to vector<16xf32>
    %broadcast_in_dim3A_1165 = arith.constant 0.000000e+00 : f32
    %broadcast_in_dim3A_1166 = vector.broadcast %broadcast_in_dim3A_1165 : f32 to vector<16xf32>
    %broadcast_in_dim3A_1167 = arith.constant 0.000000e+00 : f32
    %broadcast_in_dim3A_1168 = vector.broadcast %broadcast_in_dim3A_1167 : f32 to vector<16xf32>
    %broadcast_in_dim3A_1169 = arith.constant 0.000000e+00 : f32
    %broadcast_in_dim3A_1170 = vector.broadcast %broadcast_in_dim3A_1169 : f32 to vector<16xf32>
    %broadcast_in_dim3A_1171 = arith.constant 0.000000e+00 : f32
    %broadcast_in_dim3A_1172 = vector.broadcast %broadcast_in_dim3A_1171 : f32 to vector<16xf32>
    %broadcast_in_dim3A_1173 = arith.constant 0.000000e+00 : f32
    %broadcast_in_dim3A_1174 = vector.broadcast %broadcast_in_dim3A_1173 : f32 to vector<16xf32>
    %broadcast_in_dim3A_1175 = arith.constant 0.000000e+00 : f32
    %broadcast_in_dim3A_1176 = vector.broadcast %broadcast_in_dim3A_1175 : f32 to vector<16xf32>
    %broadcast_in_dim3A_1177 = arith.constant 0.000000e+00 : f32
    %broadcast_in_dim3A_1178 = vector.broadcast %broadcast_in_dim3A_1177 : f32 to vector<16xf32>
    %broadcast_in_dim3A_1179 = arith.constant 0.000000e+00 : f32
    %broadcast_in_dim3A_1180 = vector.broadcast %broadcast_in_dim3A_1179 : f32 to vector<16xf32>
    %broadcast_in_dim3A_1181 = arith.constant 0.000000e+00 : f32
    %broadcast_in_dim3A_1182 = vector.broadcast %broadcast_in_dim3A_1181 : f32 to vector<16xf32>
    %broadcast_in_dim3A_1183 = arith.constant 0.000000e+00 : f32
    %broadcast_in_dim3A_1184 = vector.broadcast %broadcast_in_dim3A_1183 : f32 to vector<16xf32>
    %broadcast_in_dim3A_1185 = arith.constant 0.000000e+00 : f32
    %broadcast_in_dim3A_1186 = vector.broadcast %broadcast_in_dim3A_1185 : f32 to vector<16xf32>
    %broadcast_in_dim3A_1187 = arith.constant 0.000000e+00 : f32
    %broadcast_in_dim3A_1188 = vector.broadcast %broadcast_in_dim3A_1187 : f32 to vector<16xf32>
    %broadcast_in_dim3A_1189 = arith.constant 0.000000e+00 : f32
    %broadcast_in_dim3A_1190 = vector.broadcast %broadcast_in_dim3A_1189 : f32 to vector<16xf32>
    %scan3A_1191 = arith.constant 0 : i32
    %scan3A_1192 = arith.constant 224 : i32
    %scan3A_1193 = arith.addi %scan3A_1191, %scan3A_1192 : i32
    %scan3A_1194 = arith.constant 1 : i32
    %scan3A_1195:14 = scf.for %scan3A_1574 = %scan3A_1191 to %scan3A_1193 step %scan3A_1194 iter_args(%scan3A_1575 = %broadcast_in_dim3A_1164, %scan3A_1576 = %broadcast_in_dim3A_1166, %scan3A_1577 = %broadcast_in_dim3A_1168, %scan3A_1578 = %broadcast_in_dim3A_1170, %scan3A_1579 = %broadcast_in_dim3A_1172, %scan3A_1580 = %broadcast_in_dim3A_1174, %scan3A_1581 = %broadcast_in_dim3A_1176, %scan3A_1582 = %broadcast_in_dim3A_1178, %scan3A_1583 = %broadcast_in_dim3A_1180, %scan3A_1584 = %broadcast_in_dim3A_1182, %scan3A_1585 = %broadcast_in_dim3A_1184, %scan3A_1586 = %broadcast_in_dim3A_1186, %scan3A_1587 = %broadcast_in_dim3A_1188, %scan3A_1588 = %broadcast_in_dim3A_1190) -> (vector<16xf32>, vector<16xf32>, vector<16xf32>, vector<16xf32>, vector<16xf32>, vector<16xf32>, vector<16xf32>, vector<16xf32>, vector<16xf32>, vector<16xf32>, vector<16xf32>, vector<16xf32>, vector<16xf32>, vector<16xf32>)  : i32 {
      %get3A = arith.index_cast %scan3A_1574 : i32 to index
      %get3A_1589 = arith.constant 0 : index
      %get3A_1590 = tpu.vector_load %arg5[%get3A, %get3A_1589] {strides = array<i32>} : memref<224x224xf32, #tpu.memory_space<vmem>>, vector<1x16xf32>,
      %get3A_1591 = vector.shape_cast %get3A_1590 : vector<1x16xf32> to vector<16xf32>
      %add3A_1592 = arith.addf %scan3A_1575, %get3A_1591 : vector<16xf32>
      %get3A_1593 = arith.index_cast %scan3A_1574 : i32 to index
      %get3A_1594 = arith.constant 16 : index
      %get3A_1595 = tpu.vector_load %arg5[%get3A_1593, %get3A_1594] {strides = array<i32>} : memref<224x224xf32, #tpu.memory_space<vmem>>, vector<1x16xf32>,
      %get3A_1596 = vector.shape_cast %get3A_1595 : vector<1x16xf32> to vector<16xf32>
      %add3A_1597 = arith.addf %scan3A_1576, %get3A_1596 : vector<16xf32>
      %get3A_1598 = arith.index_cast %scan3A_1574 : i32 to index
      %get3A_1599 = arith.constant 32 : index
      %get3A_1600 = tpu.vector_load %arg5[%get3A_1598, %get3A_1599] {strides = array<i32>} : memref<224x224xf32, #tpu.memory_space<vmem>>, vector<1x16xf32>,
      %get3A_1601 = vector.shape_cast %get3A_1600 : vector<1x16xf32> to vector<16xf32>
      %add3A_1602 = arith.addf %scan3A_1577, %get3A_1601 : vector<16xf32>
      %get3A_1603 = arith.index_cast %scan3A_1574 : i32 to index
      %get3A_1604 = arith.constant 48 : index
      %get3A_1605 = tpu.vector_load %arg5[%get3A_1603, %get3A_1604] {strides = array<i32>} : memref<224x224xf32, #tpu.memory_space<vmem>>, vector<1x16xf32>,
      %get3A_1606 = vector.shape_cast %get3A_1605 : vector<1x16xf32> to vector<16xf32>
      %add3A_1607 = arith.addf %scan3A_1578, %get3A_1606 : vector<16xf32>
      %get3A_1608 = arith.index_cast %scan3A_1574 : i32 to index
      %get3A_1609 = arith.constant 64 : index
      %get3A_1610 = tpu.vector_load %arg5[%get3A_1608, %get3A_1609] {strides = array<i32>} : memref<224x224xf32, #tpu.memory_space<vmem>>, vector<1x16xf32>,
      %get3A_1611 = vector.shape_cast %get3A_1610 : vector<1x16xf32> to vector<16xf32>
      %add3A_1612 = arith.addf %scan3A_1579, %get3A_1611 : vector<16xf32>
      %get3A_1613 = arith.index_cast %scan3A_1574 : i32 to index
      %get3A_1614 = arith.constant 80 : index
      %get3A_1615 = tpu.vector_load %arg5[%get3A_1613, %get3A_1614] {strides = array<i32>} : memref<224x224xf32, #tpu.memory_space<vmem>>, vector<1x16xf32>,
      %get3A_1616 = vector.shape_cast %get3A_1615 : vector<1x16xf32> to vector<16xf32>
      %add3A_1617 = arith.addf %scan3A_1580, %get3A_1616 : vector<16xf32>
      %get3A_1618 = arith.index_cast %scan3A_1574 : i32 to index
      %get3A_1619 = arith.constant 96 : index
      %get3A_1620 = tpu.vector_load %arg5[%get3A_1618, %get3A_1619] {strides = array<i32>} : memref<224x224xf32, #tpu.memory_space<vmem>>, vector<1x16xf32>,
      %get3A_1621 = vector.shape_cast %get3A_1620 : vector<1x16xf32> to vector<16xf32>
      %add3A_1622 = arith.addf %scan3A_1581, %get3A_1621 : vector<16xf32>
      %get3A_1623 = arith.index_cast %scan3A_1574 : i32 to index
      %get3A_1624 = arith.constant 112 : index
      %get3A_1625 = tpu.vector_load %arg5[%get3A_1623, %get3A_1624] {strides = array<i32>} : memref<224x224xf32, #tpu.memory_space<vmem>>, vector<1x16xf32>,
      %get3A_1626 = vector.shape_cast %get3A_1625 : vector<1x16xf32> to vector<16xf32>
      %add3A_1627 = arith.addf %scan3A_1582, %get3A_1626 : vector<16xf32>
      %get3A_1628 = arith.index_cast %scan3A_1574 : i32 to index
      %get3A_1629 = arith.constant 128 : index
      %get3A_1630 = tpu.vector_load %arg5[%get3A_1628, %get3A_1629] {strides = array<i32>} : memref<224x224xf32, #tpu.memory_space<vmem>>, vector<1x16xf32>,
      %get3A_1631 = vector.shape_cast %get3A_1630 : vector<1x16xf32> to vector<16xf32>
      %add3A_1632 = arith.addf %scan3A_1583, %get3A_1631 : vector<16xf32>
      %get3A_1633 = arith.index_cast %scan3A_1574 : i32 to index
      %get3A_1634 = arith.constant 144 : index
      %get3A_1635 = tpu.vector_load %arg5[%get3A_1633, %get3A_1634] {strides = array<i32>} : memref<224x224xf32, #tpu.memory_space<vmem>>, vector<1x16xf32>,
      %get3A_1636 = vector.shape_cast %get3A_1635 : vector<1x16xf32> to vector<16xf32>
      %add3A_1637 = arith.addf %scan3A_1584, %get3A_1636 : vector<16xf32>
      %get3A_1638 = arith.index_cast %scan3A_1574 : i32 to index
      %get3A_1639 = arith.constant 160 : index
      %get3A_1640 = tpu.vector_load %arg5[%get3A_1638, %get3A_1639] {strides = array<i32>} : memref<224x224xf32, #tpu.memory_space<vmem>>, vector<1x16xf32>,
      %get3A_1641 = vector.shape_cast %get3A_1640 : vector<1x16xf32> to vector<16xf32>
      %add3A_1642 = arith.addf %scan3A_1585, %get3A_1641 : vector<16xf32>
      %get3A_1643 = arith.index_cast %scan3A_1574 : i32 to index
      %get3A_1644 = arith.constant 176 : index
      %get3A_1645 = tpu.vector_load %arg5[%get3A_1643, %get3A_1644] {strides = array<i32>} : memref<224x224xf32, #tpu.memory_space<vmem>>, vector<1x16xf32>,
      %get3A_1646 = vector.shape_cast %get3A_1645 : vector<1x16xf32> to vector<16xf32>
      %add3A_1647 = arith.addf %scan3A_1586, %get3A_1646 : vector<16xf32>
      %get3A_1648 = arith.index_cast %scan3A_1574 : i32 to index
      %get3A_1649 = arith.constant 192 : index
      %get3A_1650 = tpu.vector_load %arg5[%get3A_1648, %get3A_1649] {strides = array<i32>} : memref<224x224xf32, #tpu.memory_space<vmem>>, vector<1x16xf32>,
      %get3A_1651 = vector.shape_cast %get3A_1650 : vector<1x16xf32> to vector<16xf32>
      %add3A_1652 = arith.addf %scan3A_1587, %get3A_1651 : vector<16xf32>
      %get3A_1653 = arith.index_cast %scan3A_1574 : i32 to index
      %get3A_1654 = arith.constant 208 : index
      %get3A_1655 = tpu.vector_load %arg5[%get3A_1653, %get3A_1654] {strides = array<i32>} : memref<224x224xf32, #tpu.memory_space<vmem>>, vector<1x16xf32>,
      %get3A_1656 = vector.shape_cast %get3A_1655 : vector<1x16xf32> to vector<16xf32>
      %add3A_1657 = arith.addf %scan3A_1588, %get3A_1656 : vector<16xf32>
      scf.yield %add3A_1592, %add3A_1597, %add3A_1602, %add3A_1607, %add3A_1612, %add3A_1617, %add3A_1622, %add3A_1627, %add3A_1632, %add3A_1637, %add3A_1642, %add3A_1647, %add3A_1652, %add3A_1657 : vector<16xf32>, vector<16xf32>, vector<16xf32>, vector<16xf32>, vector<16xf32>, vector<16xf32>, vector<16xf32>, vector<16xf32>, vector<16xf32>, vector<16xf32>, vector<16xf32>, vector<16xf32>, vector<16xf32>, vector<16xf32>
    }
    %scan3A_1196 = arith.constant 224 : i32
    %add3A_1197 = arith.addf %scan3A_1195#0, %scan3A_1195#1 : vector<16xf32>
    %add3A_1198 = arith.addf %scan3A_1195#2, %scan3A_1195#3 : vector<16xf32>
    %add3A_1199 = arith.addf %scan3A_1195#4, %scan3A_1195#5 : vector<16xf32>
    %add3A_1200 = arith.addf %scan3A_1195#6, %scan3A_1195#7 : vector<16xf32>
    %add3A_1201 = arith.addf %scan3A_1195#8, %scan3A_1195#9 : vector<16xf32>
    %add3A_1202 = arith.addf %scan3A_1195#10, %scan3A_1195#11 : vector<16xf32>
    %add3A_1203 = arith.addf %scan3A_1195#12, %scan3A_1195#13 : vector<16xf32>
    %add3A_1204 = arith.addf %add3A_1197, %add3A_1198 : vector<16xf32>
    %add3A_1205 = arith.addf %add3A_1199, %add3A_1200 : vector<16xf32>
    %add3A_1206 = arith.addf %add3A_1201, %add3A_1202 : vector<16xf32>
    %add3A_1207 = arith.addf %add3A_1204, %add3A_1205 : vector<16xf32>
    %add3A_1208 = arith.addf %add3A_1206, %add3A_1203 : vector<16xf32>
    %add3A_1209 = arith.addf %add3A_1207, %add3A_1208 : vector<16xf32>
    %swap3A_1210 = arith.constant 11 : i32
    %swap3A_1211 = arith.index_cast %swap3A_1210 : i32 to index
    %swap3A_1212 = arith.constant 0 : index
    %swap3A_1213 = tpu.vector_load %arg6[%swap3A_1211, %swap3A_1212] {strides = array<i32>} : memref<16x16xf32, #tpu.memory_space<vmem>>, vector<1x16xf32>,
    %swap3A_1214 = vector.shape_cast %swap3A_1213 : vector<1x16xf32> to vector<16xf32>
    %swap3A_1215 = vector.shape_cast %add3A_1209 : vector<16xf32> to vector<1x16xf32>
    tpu.vector_store %arg6[%swap3A_1211, %swap3A_1212], %swap3A_1215 {strides = array<i32>} : memref<16x16xf32, #tpu.memory_space<vmem>>, vector<1x16xf32>,
    %add3A_1216 = arith.constant 13 : i32
    %add3A_1217 = arith.addi %mul3A_2, %add3A_1216 : i32
    %jit3A_1218 = arith.constant 64 : i32
    %div3A_1219 = arith.divsi %add3A_1217, %jit3A_1218 : i32
    %sign3A_1220 = arith.constant 0 : i32
    %sign3A_1221 = arith.cmpi sgt, %add3A_1217, %sign3A_1220 : i32
    %sign3A_1222 = arith.extui %sign3A_1221 : i1 to i32
    %sign3A_1223 = arith.constant 0 : i32
    %sign3A_1224 = arith.cmpi slt, %add3A_1217, %sign3A_1223 : i32
    %sign3A_1225 = arith.extui %sign3A_1224 : i1 to i32
    %sign3A_1226 = arith.subi %sign3A_1222, %sign3A_1225 : i32
    %sign3A_1227 = arith.constant 0 : i32
    %sign3A_1228 = arith.cmpi sgt, %jit3A_1218, %sign3A_1227 : i32
    %sign3A_1229 = arith.extui %sign3A_1228 : i1 to i32
    %sign3A_1230 = arith.constant 0 : i32
    %sign3A_1231 = arith.cmpi slt, %jit3A_1218, %sign3A_1230 : i32
    %sign3A_1232 = arith.extui %sign3A_1231 : i1 to i32
    %sign3A_1233 = arith.subi %sign3A_1229, %sign3A_1232 : i32
    %ne3A_1234 = arith.cmpi ne, %sign3A_1226, %sign3A_1233 : i32
    %rem3A_1235 = arith.remsi %add3A_1217, %jit3A_1218 : i32
    %ne3A_1236 = arith.constant 0 : i32
    %ne3A_1237 = arith.cmpi ne, %rem3A_1235, %ne3A_1236 : i32
    %and3A_1238 = arith.andi %ne3A_1234, %ne3A_1237 : i1
    %sub3A_1239 = arith.constant 1 : i32
    %sub3A_1240 = arith.subi %div3A_1219, %sub3A_1239 : i32
    %select_n3A_1241 = arith.select %and3A_1238, %sub3A_1240, %div3A_1219 : i32
    %rem3A_1242 = arith.constant 64 : i32
    %rem3A_1243 = arith.remsi %add3A_1217, %rem3A_1242 : i32
    %add3A_1244 = arith.constant 128 : i32
    %add3A_1245 = arith.addi %add3A_1244, %rem3A_1243 : i32
    %dma_start3A_1246 = arith.constant 0 : i32
    %dma_start3A_1247 = arith.constant 0 : i32
    %dma_start3A_1248 = tpu.memref_slice %arg2[%select_n3A_1241, %add3A_1245, %dma_start3A_1246, %dma_start3A_1247] : memref<8x192x224x224xf32, #tpu.memory_space<hbm>> -> memref<1x1x224x224xf32, #tpu.memory_space<hbm>>
    %dma_start3A_1249 = tpu.memref_squeeze %dma_start3A_1248 : memref<1x1x224x224xf32, #tpu.memory_space<hbm>> -> memref<224x224xf32, #tpu.memory_space<hbm>>
    %dma_start3A_1250 = arith.constant 0 : i32
    %dma_start3A_1251 = arith.constant 0 : i32
    %dma_start3A_1252 = tpu.memref_slice %arg2[%select_n3A_1241, %add3A_1245, %dma_start3A_1250, %dma_start3A_1251] : memref<8x192x224x224xf32, #tpu.memory_space<hbm>> -> memref<1x1x224x224xf32, #tpu.memory_space<hbm>>
    %dma_start3A_1253 = tpu.memref_squeeze %dma_start3A_1252 : memref<1x1x224x224xf32, #tpu.memory_space<hbm>> -> memref<224x224xf32, #tpu.memory_space<hbm>>
    tpu.enqueue_dma source(%dma_start3A_1253 : memref<224x224xf32, #tpu.memory_space<hbm>>) target(%arg5 : memref<224x224xf32, #tpu.memory_space<vmem>>) target_semaphore(%arg8 : memref<!tpu.dma_semaphore, #tpu.memory_space<semaphore_mem>>)
    %dma_wait3A_1254 = arith.constant 0 : i32
    %dma_wait3A_1255 = arith.constant 0 : i32
    %dma_wait3A_1256 = tpu.memref_slice %arg2[%select_n3A_1142, %add3A_1146, %dma_wait3A_1254, %dma_wait3A_1255] : memref<8x192x224x224xf32, #tpu.memory_space<hbm>> -> memref<1x1x224x224xf32, #tpu.memory_space<hbm>>
    %dma_wait3A_1257 = tpu.memref_squeeze %dma_wait3A_1256 : memref<1x1x224x224xf32, #tpu.memory_space<hbm>> -> memref<224x224xf32, #tpu.memory_space<hbm>>
    %dma_wait3A_1258 = arith.constant 0 : i32
    %dma_wait3A_1259 = arith.constant 0 : i32
    %dma_wait3A_1260 = tpu.memref_slice %arg2[%select_n3A_1142, %add3A_1146, %dma_wait3A_1258, %dma_wait3A_1259] : memref<8x192x224x224xf32, #tpu.memory_space<hbm>> -> memref<1x1x224x224xf32, #tpu.memory_space<hbm>>
    %dma_wait3A_1261 = tpu.memref_squeeze %dma_wait3A_1260 : memref<1x1x224x224xf32, #tpu.memory_space<hbm>> -> memref<224x224xf32, #tpu.memory_space<hbm>>
    tpu.wait_dma2 semaphore(%arg7 : memref<!tpu.dma_semaphore, #tpu.memory_space<semaphore_mem>>) src(%dma_wait3A_1261 : memref<224x224xf32, #tpu.memory_space<hbm>>) dst(%arg4 : memref<224x224xf32, #tpu.memory_space<vmem>>)
    %broadcast_in_dim3A_1262 = arith.constant 0.000000e+00 : f32
    %broadcast_in_dim3A_1263 = vector.broadcast %broadcast_in_dim3A_1262 : f32 to vector<16xf32>
    %broadcast_in_dim3A_1264 = arith.constant 0.000000e+00 : f32
    %broadcast_in_dim3A_1265 = vector.broadcast %broadcast_in_dim3A_1264 : f32 to vector<16xf32>
    %broadcast_in_dim3A_1266 = arith.constant 0.000000e+00 : f32
    %broadcast_in_dim3A_1267 = vector.broadcast %broadcast_in_dim3A_1266 : f32 to vector<16xf32>
    %broadcast_in_dim3A_1268 = arith.constant 0.000000e+00 : f32
    %broadcast_in_dim3A_1269 = vector.broadcast %broadcast_in_dim3A_1268 : f32 to vector<16xf32>
    %broadcast_in_dim3A_1270 = arith.constant 0.000000e+00 : f32
    %broadcast_in_dim3A_1271 = vector.broadcast %broadcast_in_dim3A_1270 : f32 to vector<16xf32>
    %broadcast_in_dim3A_1272 = arith.constant 0.000000e+00 : f32
    %broadcast_in_dim3A_1273 = vector.broadcast %broadcast_in_dim3A_1272 : f32 to vector<16xf32>
    %broadcast_in_dim3A_1274 = arith.constant 0.000000e+00 : f32
    %broadcast_in_dim3A_1275 = vector.broadcast %broadcast_in_dim3A_1274 : f32 to vector<16xf32>
    %broadcast_in_dim3A_1276 = arith.constant 0.000000e+00 : f32
    %broadcast_in_dim3A_1277 = vector.broadcast %broadcast_in_dim3A_1276 : f32 to vector<16xf32>
    %broadcast_in_dim3A_1278 = arith.constant 0.000000e+00 : f32
    %broadcast_in_dim3A_1279 = vector.broadcast %broadcast_in_dim3A_1278 : f32 to vector<16xf32>
    %broadcast_in_dim3A_1280 = arith.constant 0.000000e+00 : f32
    %broadcast_in_dim3A_1281 = vector.broadcast %broadcast_in_dim3A_1280 : f32 to vector<16xf32>
    %broadcast_in_dim3A_1282 = arith.constant 0.000000e+00 : f32
    %broadcast_in_dim3A_1283 = vector.broadcast %broadcast_in_dim3A_1282 : f32 to vector<16xf32>
    %broadcast_in_dim3A_1284 = arith.constant 0.000000e+00 : f32
    %broadcast_in_dim3A_1285 = vector.broadcast %broadcast_in_dim3A_1284 : f32 to vector<16xf32>
    %broadcast_in_dim3A_1286 = arith.constant 0.000000e+00 : f32
    %broadcast_in_dim3A_1287 = vector.broadcast %broadcast_in_dim3A_1286 : f32 to vector<16xf32>
    %broadcast_in_dim3A_1288 = arith.constant 0.000000e+00 : f32
    %broadcast_in_dim3A_1289 = vector.broadcast %broadcast_in_dim3A_1288 : f32 to vector<16xf32>
    %scan3A_1290 = arith.constant 0 : i32
    %scan3A_1291 = arith.constant 224 : i32
    %scan3A_1292 = arith.addi %scan3A_1290, %scan3A_1291 : i32
    %scan3A_1293 = arith.constant 1 : i32
    %scan3A_1294:14 = scf.for %scan3A_1574 = %scan3A_1290 to %scan3A_1292 step %scan3A_1293 iter_args(%scan3A_1575 = %broadcast_in_dim3A_1263, %scan3A_1576 = %broadcast_in_dim3A_1265, %scan3A_1577 = %broadcast_in_dim3A_1267, %scan3A_1578 = %broadcast_in_dim3A_1269, %scan3A_1579 = %broadcast_in_dim3A_1271, %scan3A_1580 = %broadcast_in_dim3A_1273, %scan3A_1581 = %broadcast_in_dim3A_1275, %scan3A_1582 = %broadcast_in_dim3A_1277, %scan3A_1583 = %broadcast_in_dim3A_1279, %scan3A_1584 = %broadcast_in_dim3A_1281, %scan3A_1585 = %broadcast_in_dim3A_1283, %scan3A_1586 = %broadcast_in_dim3A_1285, %scan3A_1587 = %broadcast_in_dim3A_1287, %scan3A_1588 = %broadcast_in_dim3A_1289) -> (vector<16xf32>, vector<16xf32>, vector<16xf32>, vector<16xf32>, vector<16xf32>, vector<16xf32>, vector<16xf32>, vector<16xf32>, vector<16xf32>, vector<16xf32>, vector<16xf32>, vector<16xf32>, vector<16xf32>, vector<16xf32>)  : i32 {
      %get3A = arith.index_cast %scan3A_1574 : i32 to index
      %get3A_1589 = arith.constant 0 : index
      %get3A_1590 = tpu.vector_load %arg4[%get3A, %get3A_1589] {strides = array<i32>} : memref<224x224xf32, #tpu.memory_space<vmem>>, vector<1x16xf32>,
      %get3A_1591 = vector.shape_cast %get3A_1590 : vector<1x16xf32> to vector<16xf32>
      %add3A_1592 = arith.addf %scan3A_1575, %get3A_1591 : vector<16xf32>
      %get3A_1593 = arith.index_cast %scan3A_1574 : i32 to index
      %get3A_1594 = arith.constant 16 : index
      %get3A_1595 = tpu.vector_load %arg4[%get3A_1593, %get3A_1594] {strides = array<i32>} : memref<224x224xf32, #tpu.memory_space<vmem>>, vector<1x16xf32>,
      %get3A_1596 = vector.shape_cast %get3A_1595 : vector<1x16xf32> to vector<16xf32>
      %add3A_1597 = arith.addf %scan3A_1576, %get3A_1596 : vector<16xf32>
      %get3A_1598 = arith.index_cast %scan3A_1574 : i32 to index
      %get3A_1599 = arith.constant 32 : index
      %get3A_1600 = tpu.vector_load %arg4[%get3A_1598, %get3A_1599] {strides = array<i32>} : memref<224x224xf32, #tpu.memory_space<vmem>>, vector<1x16xf32>,
      %get3A_1601 = vector.shape_cast %get3A_1600 : vector<1x16xf32> to vector<16xf32>
      %add3A_1602 = arith.addf %scan3A_1577, %get3A_1601 : vector<16xf32>
      %get3A_1603 = arith.index_cast %scan3A_1574 : i32 to index
      %get3A_1604 = arith.constant 48 : index
      %get3A_1605 = tpu.vector_load %arg4[%get3A_1603, %get3A_1604] {strides = array<i32>} : memref<224x224xf32, #tpu.memory_space<vmem>>, vector<1x16xf32>,
      %get3A_1606 = vector.shape_cast %get3A_1605 : vector<1x16xf32> to vector<16xf32>
      %add3A_1607 = arith.addf %scan3A_1578, %get3A_1606 : vector<16xf32>
      %get3A_1608 = arith.index_cast %scan3A_1574 : i32 to index
      %get3A_1609 = arith.constant 64 : index
      %get3A_1610 = tpu.vector_load %arg4[%get3A_1608, %get3A_1609] {strides = array<i32>} : memref<224x224xf32, #tpu.memory_space<vmem>>, vector<1x16xf32>,
      %get3A_1611 = vector.shape_cast %get3A_1610 : vector<1x16xf32> to vector<16xf32>
      %add3A_1612 = arith.addf %scan3A_1579, %get3A_1611 : vector<16xf32>
      %get3A_1613 = arith.index_cast %scan3A_1574 : i32 to index
      %get3A_1614 = arith.constant 80 : index
      %get3A_1615 = tpu.vector_load %arg4[%get3A_1613, %get3A_1614] {strides = array<i32>} : memref<224x224xf32, #tpu.memory_space<vmem>>, vector<1x16xf32>,
      %get3A_1616 = vector.shape_cast %get3A_1615 : vector<1x16xf32> to vector<16xf32>
      %add3A_1617 = arith.addf %scan3A_1580, %get3A_1616 : vector<16xf32>
      %get3A_1618 = arith.index_cast %scan3A_1574 : i32 to index
      %get3A_1619 = arith.constant 96 : index
      %get3A_1620 = tpu.vector_load %arg4[%get3A_1618, %get3A_1619] {strides = array<i32>} : memref<224x224xf32, #tpu.memory_space<vmem>>, vector<1x16xf32>,
      %get3A_1621 = vector.shape_cast %get3A_1620 : vector<1x16xf32> to vector<16xf32>
      %add3A_1622 = arith.addf %scan3A_1581, %get3A_1621 : vector<16xf32>
      %get3A_1623 = arith.index_cast %scan3A_1574 : i32 to index
      %get3A_1624 = arith.constant 112 : index
      %get3A_1625 = tpu.vector_load %arg4[%get3A_1623, %get3A_1624] {strides = array<i32>} : memref<224x224xf32, #tpu.memory_space<vmem>>, vector<1x16xf32>,
      %get3A_1626 = vector.shape_cast %get3A_1625 : vector<1x16xf32> to vector<16xf32>
      %add3A_1627 = arith.addf %scan3A_1582, %get3A_1626 : vector<16xf32>
      %get3A_1628 = arith.index_cast %scan3A_1574 : i32 to index
      %get3A_1629 = arith.constant 128 : index
      %get3A_1630 = tpu.vector_load %arg4[%get3A_1628, %get3A_1629] {strides = array<i32>} : memref<224x224xf32, #tpu.memory_space<vmem>>, vector<1x16xf32>,
      %get3A_1631 = vector.shape_cast %get3A_1630 : vector<1x16xf32> to vector<16xf32>
      %add3A_1632 = arith.addf %scan3A_1583, %get3A_1631 : vector<16xf32>
      %get3A_1633 = arith.index_cast %scan3A_1574 : i32 to index
      %get3A_1634 = arith.constant 144 : index
      %get3A_1635 = tpu.vector_load %arg4[%get3A_1633, %get3A_1634] {strides = array<i32>} : memref<224x224xf32, #tpu.memory_space<vmem>>, vector<1x16xf32>,
      %get3A_1636 = vector.shape_cast %get3A_1635 : vector<1x16xf32> to vector<16xf32>
      %add3A_1637 = arith.addf %scan3A_1584, %get3A_1636 : vector<16xf32>
      %get3A_1638 = arith.index_cast %scan3A_1574 : i32 to index
      %get3A_1639 = arith.constant 160 : index
      %get3A_1640 = tpu.vector_load %arg4[%get3A_1638, %get3A_1639] {strides = array<i32>} : memref<224x224xf32, #tpu.memory_space<vmem>>, vector<1x16xf32>,
      %get3A_1641 = vector.shape_cast %get3A_1640 : vector<1x16xf32> to vector<16xf32>
      %add3A_1642 = arith.addf %scan3A_1585, %get3A_1641 : vector<16xf32>
      %get3A_1643 = arith.index_cast %scan3A_1574 : i32 to index
      %get3A_1644 = arith.constant 176 : index
      %get3A_1645 = tpu.vector_load %arg4[%get3A_1643, %get3A_1644] {strides = array<i32>} : memref<224x224xf32, #tpu.memory_space<vmem>>, vector<1x16xf32>,
      %get3A_1646 = vector.shape_cast %get3A_1645 : vector<1x16xf32> to vector<16xf32>
      %add3A_1647 = arith.addf %scan3A_1586, %get3A_1646 : vector<16xf32>
      %get3A_1648 = arith.index_cast %scan3A_1574 : i32 to index
      %get3A_1649 = arith.constant 192 : index
      %get3A_1650 = tpu.vector_load %arg4[%get3A_1648, %get3A_1649] {strides = array<i32>} : memref<224x224xf32, #tpu.memory_space<vmem>>, vector<1x16xf32>,
      %get3A_1651 = vector.shape_cast %get3A_1650 : vector<1x16xf32> to vector<16xf32>
      %add3A_1652 = arith.addf %scan3A_1587, %get3A_1651 : vector<16xf32>
      %get3A_1653 = arith.index_cast %scan3A_1574 : i32 to index
      %get3A_1654 = arith.constant 208 : index
      %get3A_1655 = tpu.vector_load %arg4[%get3A_1653, %get3A_1654] {strides = array<i32>} : memref<224x224xf32, #tpu.memory_space<vmem>>, vector<1x16xf32>,
      %get3A_1656 = vector.shape_cast %get3A_1655 : vector<1x16xf32> to vector<16xf32>
      %add3A_1657 = arith.addf %scan3A_1588, %get3A_1656 : vector<16xf32>
      scf.yield %add3A_1592, %add3A_1597, %add3A_1602, %add3A_1607, %add3A_1612, %add3A_1617, %add3A_1622, %add3A_1627, %add3A_1632, %add3A_1637, %add3A_1642, %add3A_1647, %add3A_1652, %add3A_1657 : vector<16xf32>, vector<16xf32>, vector<16xf32>, vector<16xf32>, vector<16xf32>, vector<16xf32>, vector<16xf32>, vector<16xf32>, vector<16xf32>, vector<16xf32>, vector<16xf32>, vector<16xf32>, vector<16xf32>, vector<16xf32>
    }
    %scan3A_1295 = arith.constant 224 : i32
    %add3A_1296 = arith.addf %scan3A_1294#0, %scan3A_1294#1 : vector<16xf32>
    %add3A_1297 = arith.addf %scan3A_1294#2, %scan3A_1294#3 : vector<16xf32>
    %add3A_1298 = arith.addf %scan3A_1294#4, %scan3A_1294#5 : vector<16xf32>
    %add3A_1299 = arith.addf %scan3A_1294#6, %scan3A_1294#7 : vector<16xf32>
    %add3A_1300 = arith.addf %scan3A_1294#8, %scan3A_1294#9 : vector<16xf32>
    %add3A_1301 = arith.addf %scan3A_1294#10, %scan3A_1294#11 : vector<16xf32>
    %add3A_1302 = arith.addf %scan3A_1294#12, %scan3A_1294#13 : vector<16xf32>
    %add3A_1303 = arith.addf %add3A_1296, %add3A_1297 : vector<16xf32>
    %add3A_1304 = arith.addf %add3A_1298, %add3A_1299 : vector<16xf32>
    %add3A_1305 = arith.addf %add3A_1300, %add3A_1301 : vector<16xf32>
    %add3A_1306 = arith.addf %add3A_1303, %add3A_1304 : vector<16xf32>
    %add3A_1307 = arith.addf %add3A_1305, %add3A_1302 : vector<16xf32>
    %add3A_1308 = arith.addf %add3A_1306, %add3A_1307 : vector<16xf32>
    %swap3A_1309 = arith.constant 12 : i32
    %swap3A_1310 = arith.index_cast %swap3A_1309 : i32 to index
    %swap3A_1311 = arith.constant 0 : index
    %swap3A_1312 = tpu.vector_load %arg6[%swap3A_1310, %swap3A_1311] {strides = array<i32>} : memref<16x16xf32, #tpu.memory_space<vmem>>, vector<1x16xf32>,
    %swap3A_1313 = vector.shape_cast %swap3A_1312 : vector<1x16xf32> to vector<16xf32>
    %swap3A_1314 = vector.shape_cast %add3A_1308 : vector<16xf32> to vector<1x16xf32>
    tpu.vector_store %arg6[%swap3A_1310, %swap3A_1311], %swap3A_1314 {strides = array<i32>} : memref<16x16xf32, #tpu.memory_space<vmem>>, vector<1x16xf32>,
    %add3A_1315 = arith.constant 14 : i32
    %add3A_1316 = arith.addi %mul3A_2, %add3A_1315 : i32
    %jit3A_1317 = arith.constant 64 : i32
    %div3A_1318 = arith.divsi %add3A_1316, %jit3A_1317 : i32
    %sign3A_1319 = arith.constant 0 : i32
    %sign3A_1320 = arith.cmpi sgt, %add3A_1316, %sign3A_1319 : i32
    %sign3A_1321 = arith.extui %sign3A_1320 : i1 to i32
    %sign3A_1322 = arith.constant 0 : i32
    %sign3A_1323 = arith.cmpi slt, %add3A_1316, %sign3A_1322 : i32
    %sign3A_1324 = arith.extui %sign3A_1323 : i1 to i32
    %sign3A_1325 = arith.subi %sign3A_1321, %sign3A_1324 : i32
    %sign3A_1326 = arith.constant 0 : i32
    %sign3A_1327 = arith.cmpi sgt, %jit3A_1317, %sign3A_1326 : i32
    %sign3A_1328 = arith.extui %sign3A_1327 : i1 to i32
    %sign3A_1329 = arith.constant 0 : i32
    %sign3A_1330 = arith.cmpi slt, %jit3A_1317, %sign3A_1329 : i32
    %sign3A_1331 = arith.extui %sign3A_1330 : i1 to i32
    %sign3A_1332 = arith.subi %sign3A_1328, %sign3A_1331 : i32
    %ne3A_1333 = arith.cmpi ne, %sign3A_1325, %sign3A_1332 : i32
    %rem3A_1334 = arith.remsi %add3A_1316, %jit3A_1317 : i32
    %ne3A_1335 = arith.constant 0 : i32
    %ne3A_1336 = arith.cmpi ne, %rem3A_1334, %ne3A_1335 : i32
    %and3A_1337 = arith.andi %ne3A_1333, %ne3A_1336 : i1
    %sub3A_1338 = arith.constant 1 : i32
    %sub3A_1339 = arith.subi %div3A_1318, %sub3A_1338 : i32
    %select_n3A_1340 = arith.select %and3A_1337, %sub3A_1339, %div3A_1318 : i32
    %rem3A_1341 = arith.constant 64 : i32
    %rem3A_1342 = arith.remsi %add3A_1316, %rem3A_1341 : i32
    %add3A_1343 = arith.constant 128 : i32
    %add3A_1344 = arith.addi %add3A_1343, %rem3A_1342 : i32
    %dma_start3A_1345 = arith.constant 0 : i32
    %dma_start3A_1346 = arith.constant 0 : i32
    %dma_start3A_1347 = tpu.memref_slice %arg2[%select_n3A_1340, %add3A_1344, %dma_start3A_1345, %dma_start3A_1346] : memref<8x192x224x224xf32, #tpu.memory_space<hbm>> -> memref<1x1x224x224xf32, #tpu.memory_space<hbm>>
    %dma_start3A_1348 = tpu.memref_squeeze %dma_start3A_1347 : memref<1x1x224x224xf32, #tpu.memory_space<hbm>> -> memref<224x224xf32, #tpu.memory_space<hbm>>
    %dma_start3A_1349 = arith.constant 0 : i32
    %dma_start3A_1350 = arith.constant 0 : i32
    %dma_start3A_1351 = tpu.memref_slice %arg2[%select_n3A_1340, %add3A_1344, %dma_start3A_1349, %dma_start3A_1350] : memref<8x192x224x224xf32, #tpu.memory_space<hbm>> -> memref<1x1x224x224xf32, #tpu.memory_space<hbm>>
    %dma_start3A_1352 = tpu.memref_squeeze %dma_start3A_1351 : memref<1x1x224x224xf32, #tpu.memory_space<hbm>> -> memref<224x224xf32, #tpu.memory_space<hbm>>
    tpu.enqueue_dma source(%dma_start3A_1352 : memref<224x224xf32, #tpu.memory_space<hbm>>) target(%arg4 : memref<224x224xf32, #tpu.memory_space<vmem>>) target_semaphore(%arg7 : memref<!tpu.dma_semaphore, #tpu.memory_space<semaphore_mem>>)
    %dma_wait3A_1353 = arith.constant 0 : i32
    %dma_wait3A_1354 = arith.constant 0 : i32
    %dma_wait3A_1355 = tpu.memref_slice %arg2[%select_n3A_1241, %add3A_1245, %dma_wait3A_1353, %dma_wait3A_1354] : memref<8x192x224x224xf32, #tpu.memory_space<hbm>> -> memref<1x1x224x224xf32, #tpu.memory_space<hbm>>
    %dma_wait3A_1356 = tpu.memref_squeeze %dma_wait3A_1355 : memref<1x1x224x224xf32, #tpu.memory_space<hbm>> -> memref<224x224xf32, #tpu.memory_space<hbm>>
    %dma_wait3A_1357 = arith.constant 0 : i32
    %dma_wait3A_1358 = arith.constant 0 : i32
    %dma_wait3A_1359 = tpu.memref_slice %arg2[%select_n3A_1241, %add3A_1245, %dma_wait3A_1357, %dma_wait3A_1358] : memref<8x192x224x224xf32, #tpu.memory_space<hbm>> -> memref<1x1x224x224xf32, #tpu.memory_space<hbm>>
    %dma_wait3A_1360 = tpu.memref_squeeze %dma_wait3A_1359 : memref<1x1x224x224xf32, #tpu.memory_space<hbm>> -> memref<224x224xf32, #tpu.memory_space<hbm>>
    tpu.wait_dma2 semaphore(%arg8 : memref<!tpu.dma_semaphore, #tpu.memory_space<semaphore_mem>>) src(%dma_wait3A_1360 : memref<224x224xf32, #tpu.memory_space<hbm>>) dst(%arg5 : memref<224x224xf32, #tpu.memory_space<vmem>>)
    %broadcast_in_dim3A_1361 = arith.constant 0.000000e+00 : f32
    %broadcast_in_dim3A_1362 = vector.broadcast %broadcast_in_dim3A_1361 : f32 to vector<16xf32>
    %broadcast_in_dim3A_1363 = arith.constant 0.000000e+00 : f32
    %broadcast_in_dim3A_1364 = vector.broadcast %broadcast_in_dim3A_1363 : f32 to vector<16xf32>
    %broadcast_in_dim3A_1365 = arith.constant 0.000000e+00 : f32
    %broadcast_in_dim3A_1366 = vector.broadcast %broadcast_in_dim3A_1365 : f32 to vector<16xf32>
    %broadcast_in_dim3A_1367 = arith.constant 0.000000e+00 : f32
    %broadcast_in_dim3A_1368 = vector.broadcast %broadcast_in_dim3A_1367 : f32 to vector<16xf32>
    %broadcast_in_dim3A_1369 = arith.constant 0.000000e+00 : f32
    %broadcast_in_dim3A_1370 = vector.broadcast %broadcast_in_dim3A_1369 : f32 to vector<16xf32>
    %broadcast_in_dim3A_1371 = arith.constant 0.000000e+00 : f32
    %broadcast_in_dim3A_1372 = vector.broadcast %broadcast_in_dim3A_1371 : f32 to vector<16xf32>
    %broadcast_in_dim3A_1373 = arith.constant 0.000000e+00 : f32
    %broadcast_in_dim3A_1374 = vector.broadcast %broadcast_in_dim3A_1373 : f32 to vector<16xf32>
    %broadcast_in_dim3A_1375 = arith.constant 0.000000e+00 : f32
    %broadcast_in_dim3A_1376 = vector.broadcast %broadcast_in_dim3A_1375 : f32 to vector<16xf32>
    %broadcast_in_dim3A_1377 = arith.constant 0.000000e+00 : f32
    %broadcast_in_dim3A_1378 = vector.broadcast %broadcast_in_dim3A_1377 : f32 to vector<16xf32>
    %broadcast_in_dim3A_1379 = arith.constant 0.000000e+00 : f32
    %broadcast_in_dim3A_1380 = vector.broadcast %broadcast_in_dim3A_1379 : f32 to vector<16xf32>
    %broadcast_in_dim3A_1381 = arith.constant 0.000000e+00 : f32
    %broadcast_in_dim3A_1382 = vector.broadcast %broadcast_in_dim3A_1381 : f32 to vector<16xf32>
    %broadcast_in_dim3A_1383 = arith.constant 0.000000e+00 : f32
    %broadcast_in_dim3A_1384 = vector.broadcast %broadcast_in_dim3A_1383 : f32 to vector<16xf32>
    %broadcast_in_dim3A_1385 = arith.constant 0.000000e+00 : f32
    %broadcast_in_dim3A_1386 = vector.broadcast %broadcast_in_dim3A_1385 : f32 to vector<16xf32>
    %broadcast_in_dim3A_1387 = arith.constant 0.000000e+00 : f32
    %broadcast_in_dim3A_1388 = vector.broadcast %broadcast_in_dim3A_1387 : f32 to vector<16xf32>
    %scan3A_1389 = arith.constant 0 : i32
    %scan3A_1390 = arith.constant 224 : i32
    %scan3A_1391 = arith.addi %scan3A_1389, %scan3A_1390 : i32
    %scan3A_1392 = arith.constant 1 : i32
    %scan3A_1393:14 = scf.for %scan3A_1574 = %scan3A_1389 to %scan3A_1391 step %scan3A_1392 iter_args(%scan3A_1575 = %broadcast_in_dim3A_1362, %scan3A_1576 = %broadcast_in_dim3A_1364, %scan3A_1577 = %broadcast_in_dim3A_1366, %scan3A_1578 = %broadcast_in_dim3A_1368, %scan3A_1579 = %broadcast_in_dim3A_1370, %scan3A_1580 = %broadcast_in_dim3A_1372, %scan3A_1581 = %broadcast_in_dim3A_1374, %scan3A_1582 = %broadcast_in_dim3A_1376, %scan3A_1583 = %broadcast_in_dim3A_1378, %scan3A_1584 = %broadcast_in_dim3A_1380, %scan3A_1585 = %broadcast_in_dim3A_1382, %scan3A_1586 = %broadcast_in_dim3A_1384, %scan3A_1587 = %broadcast_in_dim3A_1386, %scan3A_1588 = %broadcast_in_dim3A_1388) -> (vector<16xf32>, vector<16xf32>, vector<16xf32>, vector<16xf32>, vector<16xf32>, vector<16xf32>, vector<16xf32>, vector<16xf32>, vector<16xf32>, vector<16xf32>, vector<16xf32>, vector<16xf32>, vector<16xf32>, vector<16xf32>)  : i32 {
      %get3A = arith.index_cast %scan3A_1574 : i32 to index
      %get3A_1589 = arith.constant 0 : index
      %get3A_1590 = tpu.vector_load %arg5[%get3A, %get3A_1589] {strides = array<i32>} : memref<224x224xf32, #tpu.memory_space<vmem>>, vector<1x16xf32>,
      %get3A_1591 = vector.shape_cast %get3A_1590 : vector<1x16xf32> to vector<16xf32>
      %add3A_1592 = arith.addf %scan3A_1575, %get3A_1591 : vector<16xf32>
      %get3A_1593 = arith.index_cast %scan3A_1574 : i32 to index
      %get3A_1594 = arith.constant 16 : index
      %get3A_1595 = tpu.vector_load %arg5[%get3A_1593, %get3A_1594] {strides = array<i32>} : memref<224x224xf32, #tpu.memory_space<vmem>>, vector<1x16xf32>,
      %get3A_1596 = vector.shape_cast %get3A_1595 : vector<1x16xf32> to vector<16xf32>
      %add3A_1597 = arith.addf %scan3A_1576, %get3A_1596 : vector<16xf32>
      %get3A_1598 = arith.index_cast %scan3A_1574 : i32 to index
      %get3A_1599 = arith.constant 32 : index
      %get3A_1600 = tpu.vector_load %arg5[%get3A_1598, %get3A_1599] {strides = array<i32>} : memref<224x224xf32, #tpu.memory_space<vmem>>, vector<1x16xf32>,
      %get3A_1601 = vector.shape_cast %get3A_1600 : vector<1x16xf32> to vector<16xf32>
      %add3A_1602 = arith.addf %scan3A_1577, %get3A_1601 : vector<16xf32>
      %get3A_1603 = arith.index_cast %scan3A_1574 : i32 to index
      %get3A_1604 = arith.constant 48 : index
      %get3A_1605 = tpu.vector_load %arg5[%get3A_1603, %get3A_1604] {strides = array<i32>} : memref<224x224xf32, #tpu.memory_space<vmem>>, vector<1x16xf32>,
      %get3A_1606 = vector.shape_cast %get3A_1605 : vector<1x16xf32> to vector<16xf32>
      %add3A_1607 = arith.addf %scan3A_1578, %get3A_1606 : vector<16xf32>
      %get3A_1608 = arith.index_cast %scan3A_1574 : i32 to index
      %get3A_1609 = arith.constant 64 : index
      %get3A_1610 = tpu.vector_load %arg5[%get3A_1608, %get3A_1609] {strides = array<i32>} : memref<224x224xf32, #tpu.memory_space<vmem>>, vector<1x16xf32>,
      %get3A_1611 = vector.shape_cast %get3A_1610 : vector<1x16xf32> to vector<16xf32>
      %add3A_1612 = arith.addf %scan3A_1579, %get3A_1611 : vector<16xf32>
      %get3A_1613 = arith.index_cast %scan3A_1574 : i32 to index
      %get3A_1614 = arith.constant 80 : index
      %get3A_1615 = tpu.vector_load %arg5[%get3A_1613, %get3A_1614] {strides = array<i32>} : memref<224x224xf32, #tpu.memory_space<vmem>>, vector<1x16xf32>,
      %get3A_1616 = vector.shape_cast %get3A_1615 : vector<1x16xf32> to vector<16xf32>
      %add3A_1617 = arith.addf %scan3A_1580, %get3A_1616 : vector<16xf32>
      %get3A_1618 = arith.index_cast %scan3A_1574 : i32 to index
      %get3A_1619 = arith.constant 96 : index
      %get3A_1620 = tpu.vector_load %arg5[%get3A_1618, %get3A_1619] {strides = array<i32>} : memref<224x224xf32, #tpu.memory_space<vmem>>, vector<1x16xf32>,
      %get3A_1621 = vector.shape_cast %get3A_1620 : vector<1x16xf32> to vector<16xf32>
      %add3A_1622 = arith.addf %scan3A_1581, %get3A_1621 : vector<16xf32>
      %get3A_1623 = arith.index_cast %scan3A_1574 : i32 to index
      %get3A_1624 = arith.constant 112 : index
      %get3A_1625 = tpu.vector_load %arg5[%get3A_1623, %get3A_1624] {strides = array<i32>} : memref<224x224xf32, #tpu.memory_space<vmem>>, vector<1x16xf32>,
      %get3A_1626 = vector.shape_cast %get3A_1625 : vector<1x16xf32> to vector<16xf32>
      %add3A_1627 = arith.addf %scan3A_1582, %get3A_1626 : vector<16xf32>
      %get3A_1628 = arith.index_cast %scan3A_1574 : i32 to index
      %get3A_1629 = arith.constant 128 : index
      %get3A_1630 = tpu.vector_load %arg5[%get3A_1628, %get3A_1629] {strides = array<i32>} : memref<224x224xf32, #tpu.memory_space<vmem>>, vector<1x16xf32>,
      %get3A_1631 = vector.shape_cast %get3A_1630 : vector<1x16xf32> to vector<16xf32>
      %add3A_1632 = arith.addf %scan3A_1583, %get3A_1631 : vector<16xf32>
      %get3A_1633 = arith.index_cast %scan3A_1574 : i32 to index
      %get3A_1634 = arith.constant 144 : index
      %get3A_1635 = tpu.vector_load %arg5[%get3A_1633, %get3A_1634] {strides = array<i32>} : memref<224x224xf32, #tpu.memory_space<vmem>>, vector<1x16xf32>,
      %get3A_1636 = vector.shape_cast %get3A_1635 : vector<1x16xf32> to vector<16xf32>
      %add3A_1637 = arith.addf %scan3A_1584, %get3A_1636 : vector<16xf32>
      %get3A_1638 = arith.index_cast %scan3A_1574 : i32 to index
      %get3A_1639 = arith.constant 160 : index
      %get3A_1640 = tpu.vector_load %arg5[%get3A_1638, %get3A_1639] {strides = array<i32>} : memref<224x224xf32, #tpu.memory_space<vmem>>, vector<1x16xf32>,
      %get3A_1641 = vector.shape_cast %get3A_1640 : vector<1x16xf32> to vector<16xf32>
      %add3A_1642 = arith.addf %scan3A_1585, %get3A_1641 : vector<16xf32>
      %get3A_1643 = arith.index_cast %scan3A_1574 : i32 to index
      %get3A_1644 = arith.constant 176 : index
      %get3A_1645 = tpu.vector_load %arg5[%get3A_1643, %get3A_1644] {strides = array<i32>} : memref<224x224xf32, #tpu.memory_space<vmem>>, vector<1x16xf32>,
      %get3A_1646 = vector.shape_cast %get3A_1645 : vector<1x16xf32> to vector<16xf32>
      %add3A_1647 = arith.addf %scan3A_1586, %get3A_1646 : vector<16xf32>
      %get3A_1648 = arith.index_cast %scan3A_1574 : i32 to index
      %get3A_1649 = arith.constant 192 : index
      %get3A_1650 = tpu.vector_load %arg5[%get3A_1648, %get3A_1649] {strides = array<i32>} : memref<224x224xf32, #tpu.memory_space<vmem>>, vector<1x16xf32>,
      %get3A_1651 = vector.shape_cast %get3A_1650 : vector<1x16xf32> to vector<16xf32>
      %add3A_1652 = arith.addf %scan3A_1587, %get3A_1651 : vector<16xf32>
      %get3A_1653 = arith.index_cast %scan3A_1574 : i32 to index
      %get3A_1654 = arith.constant 208 : index
      %get3A_1655 = tpu.vector_load %arg5[%get3A_1653, %get3A_1654] {strides = array<i32>} : memref<224x224xf32, #tpu.memory_space<vmem>>, vector<1x16xf32>,
      %get3A_1656 = vector.shape_cast %get3A_1655 : vector<1x16xf32> to vector<16xf32>
      %add3A_1657 = arith.addf %scan3A_1588, %get3A_1656 : vector<16xf32>
      scf.yield %add3A_1592, %add3A_1597, %add3A_1602, %add3A_1607, %add3A_1612, %add3A_1617, %add3A_1622, %add3A_1627, %add3A_1632, %add3A_1637, %add3A_1642, %add3A_1647, %add3A_1652, %add3A_1657 : vector<16xf32>, vector<16xf32>, vector<16xf32>, vector<16xf32>, vector<16xf32>, vector<16xf32>, vector<16xf32>, vector<16xf32>, vector<16xf32>, vector<16xf32>, vector<16xf32>, vector<16xf32>, vector<16xf32>, vector<16xf32>
    }
    %scan3A_1394 = arith.constant 224 : i32
    %add3A_1395 = arith.addf %scan3A_1393#0, %scan3A_1393#1 : vector<16xf32>
    %add3A_1396 = arith.addf %scan3A_1393#2, %scan3A_1393#3 : vector<16xf32>
    %add3A_1397 = arith.addf %scan3A_1393#4, %scan3A_1393#5 : vector<16xf32>
    %add3A_1398 = arith.addf %scan3A_1393#6, %scan3A_1393#7 : vector<16xf32>
    %add3A_1399 = arith.addf %scan3A_1393#8, %scan3A_1393#9 : vector<16xf32>
    %add3A_1400 = arith.addf %scan3A_1393#10, %scan3A_1393#11 : vector<16xf32>
    %add3A_1401 = arith.addf %scan3A_1393#12, %scan3A_1393#13 : vector<16xf32>
    %add3A_1402 = arith.addf %add3A_1395, %add3A_1396 : vector<16xf32>
    %add3A_1403 = arith.addf %add3A_1397, %add3A_1398 : vector<16xf32>
    %add3A_1404 = arith.addf %add3A_1399, %add3A_1400 : vector<16xf32>
    %add3A_1405 = arith.addf %add3A_1402, %add3A_1403 : vector<16xf32>
    %add3A_1406 = arith.addf %add3A_1404, %add3A_1401 : vector<16xf32>
    %add3A_1407 = arith.addf %add3A_1405, %add3A_1406 : vector<16xf32>
    %swap3A_1408 = arith.constant 13 : i32
    %swap3A_1409 = arith.index_cast %swap3A_1408 : i32 to index
    %swap3A_1410 = arith.constant 0 : index
    %swap3A_1411 = tpu.vector_load %arg6[%swap3A_1409, %swap3A_1410] {strides = array<i32>} : memref<16x16xf32, #tpu.memory_space<vmem>>, vector<1x16xf32>,
    %swap3A_1412 = vector.shape_cast %swap3A_1411 : vector<1x16xf32> to vector<16xf32>
    %swap3A_1413 = vector.shape_cast %add3A_1407 : vector<16xf32> to vector<1x16xf32>
    tpu.vector_store %arg6[%swap3A_1409, %swap3A_1410], %swap3A_1413 {strides = array<i32>} : memref<16x16xf32, #tpu.memory_space<vmem>>, vector<1x16xf32>,
    %add3A_1414 = arith.constant 15 : i32
    %add3A_1415 = arith.addi %mul3A_2, %add3A_1414 : i32
    %jit3A_1416 = arith.constant 64 : i32
    %div3A_1417 = arith.divsi %add3A_1415, %jit3A_1416 : i32
    %sign3A_1418 = arith.constant 0 : i32
    %sign3A_1419 = arith.cmpi sgt, %add3A_1415, %sign3A_1418 : i32
    %sign3A_1420 = arith.extui %sign3A_1419 : i1 to i32
    %sign3A_1421 = arith.constant 0 : i32
    %sign3A_1422 = arith.cmpi slt, %add3A_1415, %sign3A_1421 : i32
    %sign3A_1423 = arith.extui %sign3A_1422 : i1 to i32
    %sign3A_1424 = arith.subi %sign3A_1420, %sign3A_1423 : i32
    %sign3A_1425 = arith.constant 0 : i32
    %sign3A_1426 = arith.cmpi sgt, %jit3A_1416, %sign3A_1425 : i32
    %sign3A_1427 = arith.extui %sign3A_1426 : i1 to i32
    %sign3A_1428 = arith.constant 0 : i32
    %sign3A_1429 = arith.cmpi slt, %jit3A_1416, %sign3A_1428 : i32
    %sign3A_1430 = arith.extui %sign3A_1429 : i1 to i32
    %sign3A_1431 = arith.subi %sign3A_1427, %sign3A_1430 : i32
    %ne3A_1432 = arith.cmpi ne, %sign3A_1424, %sign3A_1431 : i32
    %rem3A_1433 = arith.remsi %add3A_1415, %jit3A_1416 : i32
    %ne3A_1434 = arith.constant 0 : i32
    %ne3A_1435 = arith.cmpi ne, %rem3A_1433, %ne3A_1434 : i32
    %and3A_1436 = arith.andi %ne3A_1432, %ne3A_1435 : i1
    %sub3A_1437 = arith.constant 1 : i32
    %sub3A_1438 = arith.subi %div3A_1417, %sub3A_1437 : i32
    %select_n3A_1439 = arith.select %and3A_1436, %sub3A_1438, %div3A_1417 : i32
    %rem3A_1440 = arith.constant 64 : i32
    %rem3A_1441 = arith.remsi %add3A_1415, %rem3A_1440 : i32
    %add3A_1442 = arith.constant 128 : i32
    %add3A_1443 = arith.addi %add3A_1442, %rem3A_1441 : i32
    %dma_start3A_1444 = arith.constant 0 : i32
    %dma_start3A_1445 = arith.constant 0 : i32
    %dma_start3A_1446 = tpu.memref_slice %arg2[%select_n3A_1439, %add3A_1443, %dma_start3A_1444, %dma_start3A_1445] : memref<8x192x224x224xf32, #tpu.memory_space<hbm>> -> memref<1x1x224x224xf32, #tpu.memory_space<hbm>>
    %dma_start3A_1447 = tpu.memref_squeeze %dma_start3A_1446 : memref<1x1x224x224xf32, #tpu.memory_space<hbm>> -> memref<224x224xf32, #tpu.memory_space<hbm>>
    %dma_start3A_1448 = arith.constant 0 : i32
    %dma_start3A_1449 = arith.constant 0 : i32
    %dma_start3A_1450 = tpu.memref_slice %arg2[%select_n3A_1439, %add3A_1443, %dma_start3A_1448, %dma_start3A_1449] : memref<8x192x224x224xf32, #tpu.memory_space<hbm>> -> memref<1x1x224x224xf32, #tpu.memory_space<hbm>>
    %dma_start3A_1451 = tpu.memref_squeeze %dma_start3A_1450 : memref<1x1x224x224xf32, #tpu.memory_space<hbm>> -> memref<224x224xf32, #tpu.memory_space<hbm>>
    tpu.enqueue_dma source(%dma_start3A_1451 : memref<224x224xf32, #tpu.memory_space<hbm>>) target(%arg5 : memref<224x224xf32, #tpu.memory_space<vmem>>) target_semaphore(%arg8 : memref<!tpu.dma_semaphore, #tpu.memory_space<semaphore_mem>>)
    %dma_wait3A_1452 = arith.constant 0 : i32
    %dma_wait3A_1453 = arith.constant 0 : i32
    %dma_wait3A_1454 = tpu.memref_slice %arg2[%select_n3A_1340, %add3A_1344, %dma_wait3A_1452, %dma_wait3A_1453] : memref<8x192x224x224xf32, #tpu.memory_space<hbm>> -> memref<1x1x224x224xf32, #tpu.memory_space<hbm>>
    %dma_wait3A_1455 = tpu.memref_squeeze %dma_wait3A_1454 : memref<1x1x224x224xf32, #tpu.memory_space<hbm>> -> memref<224x224xf32, #tpu.memory_space<hbm>>
    %dma_wait3A_1456 = arith.constant 0 : i32
    %dma_wait3A_1457 = arith.constant 0 : i32
    %dma_wait3A_1458 = tpu.memref_slice %arg2[%select_n3A_1340, %add3A_1344, %dma_wait3A_1456, %dma_wait3A_1457] : memref<8x192x224x224xf32, #tpu.memory_space<hbm>> -> memref<1x1x224x224xf32, #tpu.memory_space<hbm>>
    %dma_wait3A_1459 = tpu.memref_squeeze %dma_wait3A_1458 : memref<1x1x224x224xf32, #tpu.memory_space<hbm>> -> memref<224x224xf32, #tpu.memory_space<hbm>>
    tpu.wait_dma2 semaphore(%arg7 : memref<!tpu.dma_semaphore, #tpu.memory_space<semaphore_mem>>) src(%dma_wait3A_1459 : memref<224x224xf32, #tpu.memory_space<hbm>>) dst(%arg4 : memref<224x224xf32, #tpu.memory_space<vmem>>)
    %broadcast_in_dim3A_1460 = arith.constant 0.000000e+00 : f32
    %broadcast_in_dim3A_1461 = vector.broadcast %broadcast_in_dim3A_1460 : f32 to vector<16xf32>
    %broadcast_in_dim3A_1462 = arith.constant 0.000000e+00 : f32
    %broadcast_in_dim3A_1463 = vector.broadcast %broadcast_in_dim3A_1462 : f32 to vector<16xf32>
    %broadcast_in_dim3A_1464 = arith.constant 0.000000e+00 : f32
    %broadcast_in_dim3A_1465 = vector.broadcast %broadcast_in_dim3A_1464 : f32 to vector<16xf32>
    %broadcast_in_dim3A_1466 = arith.constant 0.000000e+00 : f32
    %broadcast_in_dim3A_1467 = vector.broadcast %broadcast_in_dim3A_1466 : f32 to vector<16xf32>
    %broadcast_in_dim3A_1468 = arith.constant 0.000000e+00 : f32
    %broadcast_in_dim3A_1469 = vector.broadcast %broadcast_in_dim3A_1468 : f32 to vector<16xf32>
    %broadcast_in_dim3A_1470 = arith.constant 0.000000e+00 : f32
    %broadcast_in_dim3A_1471 = vector.broadcast %broadcast_in_dim3A_1470 : f32 to vector<16xf32>
    %broadcast_in_dim3A_1472 = arith.constant 0.000000e+00 : f32
    %broadcast_in_dim3A_1473 = vector.broadcast %broadcast_in_dim3A_1472 : f32 to vector<16xf32>
    %broadcast_in_dim3A_1474 = arith.constant 0.000000e+00 : f32
    %broadcast_in_dim3A_1475 = vector.broadcast %broadcast_in_dim3A_1474 : f32 to vector<16xf32>
    %broadcast_in_dim3A_1476 = arith.constant 0.000000e+00 : f32
    %broadcast_in_dim3A_1477 = vector.broadcast %broadcast_in_dim3A_1476 : f32 to vector<16xf32>
    %broadcast_in_dim3A_1478 = arith.constant 0.000000e+00 : f32
    %broadcast_in_dim3A_1479 = vector.broadcast %broadcast_in_dim3A_1478 : f32 to vector<16xf32>
    %broadcast_in_dim3A_1480 = arith.constant 0.000000e+00 : f32
    %broadcast_in_dim3A_1481 = vector.broadcast %broadcast_in_dim3A_1480 : f32 to vector<16xf32>
    %broadcast_in_dim3A_1482 = arith.constant 0.000000e+00 : f32
    %broadcast_in_dim3A_1483 = vector.broadcast %broadcast_in_dim3A_1482 : f32 to vector<16xf32>
    %broadcast_in_dim3A_1484 = arith.constant 0.000000e+00 : f32
    %broadcast_in_dim3A_1485 = vector.broadcast %broadcast_in_dim3A_1484 : f32 to vector<16xf32>
    %broadcast_in_dim3A_1486 = arith.constant 0.000000e+00 : f32
    %broadcast_in_dim3A_1487 = vector.broadcast %broadcast_in_dim3A_1486 : f32 to vector<16xf32>
    %scan3A_1488 = arith.constant 0 : i32
    %scan3A_1489 = arith.constant 224 : i32
    %scan3A_1490 = arith.addi %scan3A_1488, %scan3A_1489 : i32
    %scan3A_1491 = arith.constant 1 : i32
    %scan3A_1492:14 = scf.for %scan3A_1574 = %scan3A_1488 to %scan3A_1490 step %scan3A_1491 iter_args(%scan3A_1575 = %broadcast_in_dim3A_1461, %scan3A_1576 = %broadcast_in_dim3A_1463, %scan3A_1577 = %broadcast_in_dim3A_1465, %scan3A_1578 = %broadcast_in_dim3A_1467, %scan3A_1579 = %broadcast_in_dim3A_1469, %scan3A_1580 = %broadcast_in_dim3A_1471, %scan3A_1581 = %broadcast_in_dim3A_1473, %scan3A_1582 = %broadcast_in_dim3A_1475, %scan3A_1583 = %broadcast_in_dim3A_1477, %scan3A_1584 = %broadcast_in_dim3A_1479, %scan3A_1585 = %broadcast_in_dim3A_1481, %scan3A_1586 = %broadcast_in_dim3A_1483, %scan3A_1587 = %broadcast_in_dim3A_1485, %scan3A_1588 = %broadcast_in_dim3A_1487) -> (vector<16xf32>, vector<16xf32>, vector<16xf32>, vector<16xf32>, vector<16xf32>, vector<16xf32>, vector<16xf32>, vector<16xf32>, vector<16xf32>, vector<16xf32>, vector<16xf32>, vector<16xf32>, vector<16xf32>, vector<16xf32>)  : i32 {
      %get3A = arith.index_cast %scan3A_1574 : i32 to index
      %get3A_1589 = arith.constant 0 : index
      %get3A_1590 = tpu.vector_load %arg4[%get3A, %get3A_1589] {strides = array<i32>} : memref<224x224xf32, #tpu.memory_space<vmem>>, vector<1x16xf32>,
      %get3A_1591 = vector.shape_cast %get3A_1590 : vector<1x16xf32> to vector<16xf32>
      %add3A_1592 = arith.addf %scan3A_1575, %get3A_1591 : vector<16xf32>
      %get3A_1593 = arith.index_cast %scan3A_1574 : i32 to index
      %get3A_1594 = arith.constant 16 : index
      %get3A_1595 = tpu.vector_load %arg4[%get3A_1593, %get3A_1594] {strides = array<i32>} : memref<224x224xf32, #tpu.memory_space<vmem>>, vector<1x16xf32>,
      %get3A_1596 = vector.shape_cast %get3A_1595 : vector<1x16xf32> to vector<16xf32>
      %add3A_1597 = arith.addf %scan3A_1576, %get3A_1596 : vector<16xf32>
      %get3A_1598 = arith.index_cast %scan3A_1574 : i32 to index
      %get3A_1599 = arith.constant 32 : index
      %get3A_1600 = tpu.vector_load %arg4[%get3A_1598, %get3A_1599] {strides = array<i32>} : memref<224x224xf32, #tpu.memory_space<vmem>>, vector<1x16xf32>,
      %get3A_1601 = vector.shape_cast %get3A_1600 : vector<1x16xf32> to vector<16xf32>
      %add3A_1602 = arith.addf %scan3A_1577, %get3A_1601 : vector<16xf32>
      %get3A_1603 = arith.index_cast %scan3A_1574 : i32 to index
      %get3A_1604 = arith.constant 48 : index
      %get3A_1605 = tpu.vector_load %arg4[%get3A_1603, %get3A_1604] {strides = array<i32>} : memref<224x224xf32, #tpu.memory_space<vmem>>, vector<1x16xf32>,
      %get3A_1606 = vector.shape_cast %get3A_1605 : vector<1x16xf32> to vector<16xf32>
      %add3A_1607 = arith.addf %scan3A_1578, %get3A_1606 : vector<16xf32>
      %get3A_1608 = arith.index_cast %scan3A_1574 : i32 to index
      %get3A_1609 = arith.constant 64 : index
      %get3A_1610 = tpu.vector_load %arg4[%get3A_1608, %get3A_1609] {strides = array<i32>} : memref<224x224xf32, #tpu.memory_space<vmem>>, vector<1x16xf32>,
      %get3A_1611 = vector.shape_cast %get3A_1610 : vector<1x16xf32> to vector<16xf32>
      %add3A_1612 = arith.addf %scan3A_1579, %get3A_1611 : vector<16xf32>
      %get3A_1613 = arith.index_cast %scan3A_1574 : i32 to index
      %get3A_1614 = arith.constant 80 : index
      %get3A_1615 = tpu.vector_load %arg4[%get3A_1613, %get3A_1614] {strides = array<i32>} : memref<224x224xf32, #tpu.memory_space<vmem>>, vector<1x16xf32>,
      %get3A_1616 = vector.shape_cast %get3A_1615 : vector<1x16xf32> to vector<16xf32>
      %add3A_1617 = arith.addf %scan3A_1580, %get3A_1616 : vector<16xf32>
      %get3A_1618 = arith.index_cast %scan3A_1574 : i32 to index
      %get3A_1619 = arith.constant 96 : index
      %get3A_1620 = tpu.vector_load %arg4[%get3A_1618, %get3A_1619] {strides = array<i32>} : memref<224x224xf32, #tpu.memory_space<vmem>>, vector<1x16xf32>,
      %get3A_1621 = vector.shape_cast %get3A_1620 : vector<1x16xf32> to vector<16xf32>
      %add3A_1622 = arith.addf %scan3A_1581, %get3A_1621 : vector<16xf32>
      %get3A_1623 = arith.index_cast %scan3A_1574 : i32 to index
      %get3A_1624 = arith.constant 112 : index
      %get3A_1625 = tpu.vector_load %arg4[%get3A_1623, %get3A_1624] {strides = array<i32>} : memref<224x224xf32, #tpu.memory_space<vmem>>, vector<1x16xf32>,
      %get3A_1626 = vector.shape_cast %get3A_1625 : vector<1x16xf32> to vector<16xf32>
      %add3A_1627 = arith.addf %scan3A_1582, %get3A_1626 : vector<16xf32>
      %get3A_1628 = arith.index_cast %scan3A_1574 : i32 to index
      %get3A_1629 = arith.constant 128 : index
      %get3A_1630 = tpu.vector_load %arg4[%get3A_1628, %get3A_1629] {strides = array<i32>} : memref<224x224xf32, #tpu.memory_space<vmem>>, vector<1x16xf32>,
      %get3A_1631 = vector.shape_cast %get3A_1630 : vector<1x16xf32> to vector<16xf32>
      %add3A_1632 = arith.addf %scan3A_1583, %get3A_1631 : vector<16xf32>
      %get3A_1633 = arith.index_cast %scan3A_1574 : i32 to index
      %get3A_1634 = arith.constant 144 : index
      %get3A_1635 = tpu.vector_load %arg4[%get3A_1633, %get3A_1634] {strides = array<i32>} : memref<224x224xf32, #tpu.memory_space<vmem>>, vector<1x16xf32>,
      %get3A_1636 = vector.shape_cast %get3A_1635 : vector<1x16xf32> to vector<16xf32>
      %add3A_1637 = arith.addf %scan3A_1584, %get3A_1636 : vector<16xf32>
      %get3A_1638 = arith.index_cast %scan3A_1574 : i32 to index
      %get3A_1639 = arith.constant 160 : index
      %get3A_1640 = tpu.vector_load %arg4[%get3A_1638, %get3A_1639] {strides = array<i32>} : memref<224x224xf32, #tpu.memory_space<vmem>>, vector<1x16xf32>,
      %get3A_1641 = vector.shape_cast %get3A_1640 : vector<1x16xf32> to vector<16xf32>
      %add3A_1642 = arith.addf %scan3A_1585, %get3A_1641 : vector<16xf32>
      %get3A_1643 = arith.index_cast %scan3A_1574 : i32 to index
      %get3A_1644 = arith.constant 176 : index
      %get3A_1645 = tpu.vector_load %arg4[%get3A_1643, %get3A_1644] {strides = array<i32>} : memref<224x224xf32, #tpu.memory_space<vmem>>, vector<1x16xf32>,
      %get3A_1646 = vector.shape_cast %get3A_1645 : vector<1x16xf32> to vector<16xf32>
      %add3A_1647 = arith.addf %scan3A_1586, %get3A_1646 : vector<16xf32>
      %get3A_1648 = arith.index_cast %scan3A_1574 : i32 to index
      %get3A_1649 = arith.constant 192 : index
      %get3A_1650 = tpu.vector_load %arg4[%get3A_1648, %get3A_1649] {strides = array<i32>} : memref<224x224xf32, #tpu.memory_space<vmem>>, vector<1x16xf32>,
      %get3A_1651 = vector.shape_cast %get3A_1650 : vector<1x16xf32> to vector<16xf32>
      %add3A_1652 = arith.addf %scan3A_1587, %get3A_1651 : vector<16xf32>
      %get3A_1653 = arith.index_cast %scan3A_1574 : i32 to index
      %get3A_1654 = arith.constant 208 : index
      %get3A_1655 = tpu.vector_load %arg4[%get3A_1653, %get3A_1654] {strides = array<i32>} : memref<224x224xf32, #tpu.memory_space<vmem>>, vector<1x16xf32>,
      %get3A_1656 = vector.shape_cast %get3A_1655 : vector<1x16xf32> to vector<16xf32>
      %add3A_1657 = arith.addf %scan3A_1588, %get3A_1656 : vector<16xf32>
      scf.yield %add3A_1592, %add3A_1597, %add3A_1602, %add3A_1607, %add3A_1612, %add3A_1617, %add3A_1622, %add3A_1627, %add3A_1632, %add3A_1637, %add3A_1642, %add3A_1647, %add3A_1652, %add3A_1657 : vector<16xf32>, vector<16xf32>, vector<16xf32>, vector<16xf32>, vector<16xf32>, vector<16xf32>, vector<16xf32>, vector<16xf32>, vector<16xf32>, vector<16xf32>, vector<16xf32>, vector<16xf32>, vector<16xf32>, vector<16xf32>
    }
    %scan3A_1493 = arith.constant 224 : i32
    %add3A_1494 = arith.addf %scan3A_1492#0, %scan3A_1492#1 : vector<16xf32>
    %add3A_1495 = arith.addf %scan3A_1492#2, %scan3A_1492#3 : vector<16xf32>
    %add3A_1496 = arith.addf %scan3A_1492#4, %scan3A_1492#5 : vector<16xf32>
    %add3A_1497 = arith.addf %scan3A_1492#6, %scan3A_1492#7 : vector<16xf32>
    %add3A_1498 = arith.addf %scan3A_1492#8, %scan3A_1492#9 : vector<16xf32>
    %add3A_1499 = arith.addf %scan3A_1492#10, %scan3A_1492#11 : vector<16xf32>
    %add3A_1500 = arith.addf %scan3A_1492#12, %scan3A_1492#13 : vector<16xf32>
    %add3A_1501 = arith.addf %add3A_1494, %add3A_1495 : vector<16xf32>
    %add3A_1502 = arith.addf %add3A_1496, %add3A_1497 : vector<16xf32>
    %add3A_1503 = arith.addf %add3A_1498, %add3A_1499 : vector<16xf32>
    %add3A_1504 = arith.addf %add3A_1501, %add3A_1502 : vector<16xf32>
    %add3A_1505 = arith.addf %add3A_1503, %add3A_1500 : vector<16xf32>
    %add3A_1506 = arith.addf %add3A_1504, %add3A_1505 : vector<16xf32>
    %swap3A_1507 = arith.constant 14 : i32
    %swap3A_1508 = arith.index_cast %swap3A_1507 : i32 to index
    %swap3A_1509 = arith.constant 0 : index
    %swap3A_1510 = tpu.vector_load %arg6[%swap3A_1508, %swap3A_1509] {strides = array<i32>} : memref<16x16xf32, #tpu.memory_space<vmem>>, vector<1x16xf32>,
    %swap3A_1511 = vector.shape_cast %swap3A_1510 : vector<1x16xf32> to vector<16xf32>
    %swap3A_1512 = vector.shape_cast %add3A_1506 : vector<16xf32> to vector<1x16xf32>
    tpu.vector_store %arg6[%swap3A_1508, %swap3A_1509], %swap3A_1512 {strides = array<i32>} : memref<16x16xf32, #tpu.memory_space<vmem>>, vector<1x16xf32>,
    %dma_wait3A_1513 = arith.constant 0 : i32
    %dma_wait3A_1514 = arith.constant 0 : i32
    %dma_wait3A_1515 = tpu.memref_slice %arg2[%select_n3A_1439, %add3A_1443, %dma_wait3A_1513, %dma_wait3A_1514] : memref<8x192x224x224xf32, #tpu.memory_space<hbm>> -> memref<1x1x224x224xf32, #tpu.memory_space<hbm>>
    %dma_wait3A_1516 = tpu.memref_squeeze %dma_wait3A_1515 : memref<1x1x224x224xf32, #tpu.memory_space<hbm>> -> memref<224x224xf32, #tpu.memory_space<hbm>>
    %dma_wait3A_1517 = arith.constant 0 : i32
    %dma_wait3A_1518 = arith.constant 0 : i32
    %dma_wait3A_1519 = tpu.memref_slice %arg2[%select_n3A_1439, %add3A_1443, %dma_wait3A_1517, %dma_wait3A_1518] : memref<8x192x224x224xf32, #tpu.memory_space<hbm>> -> memref<1x1x224x224xf32, #tpu.memory_space<hbm>>
    %dma_wait3A_1520 = tpu.memref_squeeze %dma_wait3A_1519 : memref<1x1x224x224xf32, #tpu.memory_space<hbm>> -> memref<224x224xf32, #tpu.memory_space<hbm>>
    tpu.wait_dma2 semaphore(%arg8 : memref<!tpu.dma_semaphore, #tpu.memory_space<semaphore_mem>>) src(%dma_wait3A_1520 : memref<224x224xf32, #tpu.memory_space<hbm>>) dst(%arg5 : memref<224x224xf32, #tpu.memory_space<vmem>>)
    %broadcast_in_dim3A_1521 = arith.constant 0.000000e+00 : f32
    %broadcast_in_dim3A_1522 = vector.broadcast %broadcast_in_dim3A_1521 : f32 to vector<16xf32>
    %broadcast_in_dim3A_1523 = arith.constant 0.000000e+00 : f32
    %broadcast_in_dim3A_1524 = vector.broadcast %broadcast_in_dim3A_1523 : f32 to vector<16xf32>
    %broadcast_in_dim3A_1525 = arith.constant 0.000000e+00 : f32
    %broadcast_in_dim3A_1526 = vector.broadcast %broadcast_in_dim3A_1525 : f32 to vector<16xf32>
    %broadcast_in_dim3A_1527 = arith.constant 0.000000e+00 : f32
    %broadcast_in_dim3A_1528 = vector.broadcast %broadcast_in_dim3A_1527 : f32 to vector<16xf32>
    %broadcast_in_dim3A_1529 = arith.constant 0.000000e+00 : f32
    %broadcast_in_dim3A_1530 = vector.broadcast %broadcast_in_dim3A_1529 : f32 to vector<16xf32>
    %broadcast_in_dim3A_1531 = arith.constant 0.000000e+00 : f32
    %broadcast_in_dim3A_1532 = vector.broadcast %broadcast_in_dim3A_1531 : f32 to vector<16xf32>
    %broadcast_in_dim3A_1533 = arith.constant 0.000000e+00 : f32
    %broadcast_in_dim3A_1534 = vector.broadcast %broadcast_in_dim3A_1533 : f32 to vector<16xf32>
    %broadcast_in_dim3A_1535 = arith.constant 0.000000e+00 : f32
    %broadcast_in_dim3A_1536 = vector.broadcast %broadcast_in_dim3A_1535 : f32 to vector<16xf32>
    %broadcast_in_dim3A_1537 = arith.constant 0.000000e+00 : f32
    %broadcast_in_dim3A_1538 = vector.broadcast %broadcast_in_dim3A_1537 : f32 to vector<16xf32>
    %broadcast_in_dim3A_1539 = arith.constant 0.000000e+00 : f32
    %broadcast_in_dim3A_1540 = vector.broadcast %broadcast_in_dim3A_1539 : f32 to vector<16xf32>
    %broadcast_in_dim3A_1541 = arith.constant 0.000000e+00 : f32
    %broadcast_in_dim3A_1542 = vector.broadcast %broadcast_in_dim3A_1541 : f32 to vector<16xf32>
    %broadcast_in_dim3A_1543 = arith.constant 0.000000e+00 : f32
    %broadcast_in_dim3A_1544 = vector.broadcast %broadcast_in_dim3A_1543 : f32 to vector<16xf32>
    %broadcast_in_dim3A_1545 = arith.constant 0.000000e+00 : f32
    %broadcast_in_dim3A_1546 = vector.broadcast %broadcast_in_dim3A_1545 : f32 to vector<16xf32>
    %broadcast_in_dim3A_1547 = arith.constant 0.000000e+00 : f32
    %broadcast_in_dim3A_1548 = vector.broadcast %broadcast_in_dim3A_1547 : f32 to vector<16xf32>
    %scan3A_1549 = arith.constant 0 : i32
    %scan3A_1550 = arith.constant 224 : i32
    %scan3A_1551 = arith.addi %scan3A_1549, %scan3A_1550 : i32
    %scan3A_1552 = arith.constant 1 : i32
    %scan3A_1553:14 = scf.for %scan3A_1574 = %scan3A_1549 to %scan3A_1551 step %scan3A_1552 iter_args(%scan3A_1575 = %broadcast_in_dim3A_1522, %scan3A_1576 = %broadcast_in_dim3A_1524, %scan3A_1577 = %broadcast_in_dim3A_1526, %scan3A_1578 = %broadcast_in_dim3A_1528, %scan3A_1579 = %broadcast_in_dim3A_1530, %scan3A_1580 = %broadcast_in_dim3A_1532, %scan3A_1581 = %broadcast_in_dim3A_1534, %scan3A_1582 = %broadcast_in_dim3A_1536, %scan3A_1583 = %broadcast_in_dim3A_1538, %scan3A_1584 = %broadcast_in_dim3A_1540, %scan3A_1585 = %broadcast_in_dim3A_1542, %scan3A_1586 = %broadcast_in_dim3A_1544, %scan3A_1587 = %broadcast_in_dim3A_1546, %scan3A_1588 = %broadcast_in_dim3A_1548) -> (vector<16xf32>, vector<16xf32>, vector<16xf32>, vector<16xf32>, vector<16xf32>, vector<16xf32>, vector<16xf32>, vector<16xf32>, vector<16xf32>, vector<16xf32>, vector<16xf32>, vector<16xf32>, vector<16xf32>, vector<16xf32>)  : i32 {
      %get3A = arith.index_cast %scan3A_1574 : i32 to index
      %get3A_1589 = arith.constant 0 : index
      %get3A_1590 = tpu.vector_load %arg5[%get3A, %get3A_1589] {strides = array<i32>} : memref<224x224xf32, #tpu.memory_space<vmem>>, vector<1x16xf32>,
      %get3A_1591 = vector.shape_cast %get3A_1590 : vector<1x16xf32> to vector<16xf32>
      %add3A_1592 = arith.addf %scan3A_1575, %get3A_1591 : vector<16xf32>
      %get3A_1593 = arith.index_cast %scan3A_1574 : i32 to index
      %get3A_1594 = arith.constant 16 : index
      %get3A_1595 = tpu.vector_load %arg5[%get3A_1593, %get3A_1594] {strides = array<i32>} : memref<224x224xf32, #tpu.memory_space<vmem>>, vector<1x16xf32>,
      %get3A_1596 = vector.shape_cast %get3A_1595 : vector<1x16xf32> to vector<16xf32>
      %add3A_1597 = arith.addf %scan3A_1576, %get3A_1596 : vector<16xf32>
      %get3A_1598 = arith.index_cast %scan3A_1574 : i32 to index
      %get3A_1599 = arith.constant 32 : index
      %get3A_1600 = tpu.vector_load %arg5[%get3A_1598, %get3A_1599] {strides = array<i32>} : memref<224x224xf32, #tpu.memory_space<vmem>>, vector<1x16xf32>,
      %get3A_1601 = vector.shape_cast %get3A_1600 : vector<1x16xf32> to vector<16xf32>
      %add3A_1602 = arith.addf %scan3A_1577, %get3A_1601 : vector<16xf32>
      %get3A_1603 = arith.index_cast %scan3A_1574 : i32 to index
      %get3A_1604 = arith.constant 48 : index
      %get3A_1605 = tpu.vector_load %arg5[%get3A_1603, %get3A_1604] {strides = array<i32>} : memref<224x224xf32, #tpu.memory_space<vmem>>, vector<1x16xf32>,
      %get3A_1606 = vector.shape_cast %get3A_1605 : vector<1x16xf32> to vector<16xf32>
      %add3A_1607 = arith.addf %scan3A_1578, %get3A_1606 : vector<16xf32>
      %get3A_1608 = arith.index_cast %scan3A_1574 : i32 to index
      %get3A_1609 = arith.constant 64 : index
      %get3A_1610 = tpu.vector_load %arg5[%get3A_1608, %get3A_1609] {strides = array<i32>} : memref<224x224xf32, #tpu.memory_space<vmem>>, vector<1x16xf32>,
      %get3A_1611 = vector.shape_cast %get3A_1610 : vector<1x16xf32> to vector<16xf32>
      %add3A_1612 = arith.addf %scan3A_1579, %get3A_1611 : vector<16xf32>
      %get3A_1613 = arith.index_cast %scan3A_1574 : i32 to index
      %get3A_1614 = arith.constant 80 : index
      %get3A_1615 = tpu.vector_load %arg5[%get3A_1613, %get3A_1614] {strides = array<i32>} : memref<224x224xf32, #tpu.memory_space<vmem>>, vector<1x16xf32>,
      %get3A_1616 = vector.shape_cast %get3A_1615 : vector<1x16xf32> to vector<16xf32>
      %add3A_1617 = arith.addf %scan3A_1580, %get3A_1616 : vector<16xf32>
      %get3A_1618 = arith.index_cast %scan3A_1574 : i32 to index
      %get3A_1619 = arith.constant 96 : index
      %get3A_1620 = tpu.vector_load %arg5[%get3A_1618, %get3A_1619] {strides = array<i32>} : memref<224x224xf32, #tpu.memory_space<vmem>>, vector<1x16xf32>,
      %get3A_1621 = vector.shape_cast %get3A_1620 : vector<1x16xf32> to vector<16xf32>
      %add3A_1622 = arith.addf %scan3A_1581, %get3A_1621 : vector<16xf32>
      %get3A_1623 = arith.index_cast %scan3A_1574 : i32 to index
      %get3A_1624 = arith.constant 112 : index
      %get3A_1625 = tpu.vector_load %arg5[%get3A_1623, %get3A_1624] {strides = array<i32>} : memref<224x224xf32, #tpu.memory_space<vmem>>, vector<1x16xf32>,
      %get3A_1626 = vector.shape_cast %get3A_1625 : vector<1x16xf32> to vector<16xf32>
      %add3A_1627 = arith.addf %scan3A_1582, %get3A_1626 : vector<16xf32>
      %get3A_1628 = arith.index_cast %scan3A_1574 : i32 to index
      %get3A_1629 = arith.constant 128 : index
      %get3A_1630 = tpu.vector_load %arg5[%get3A_1628, %get3A_1629] {strides = array<i32>} : memref<224x224xf32, #tpu.memory_space<vmem>>, vector<1x16xf32>,
      %get3A_1631 = vector.shape_cast %get3A_1630 : vector<1x16xf32> to vector<16xf32>
      %add3A_1632 = arith.addf %scan3A_1583, %get3A_1631 : vector<16xf32>
      %get3A_1633 = arith.index_cast %scan3A_1574 : i32 to index
      %get3A_1634 = arith.constant 144 : index
      %get3A_1635 = tpu.vector_load %arg5[%get3A_1633, %get3A_1634] {strides = array<i32>} : memref<224x224xf32, #tpu.memory_space<vmem>>, vector<1x16xf32>,
      %get3A_1636 = vector.shape_cast %get3A_1635 : vector<1x16xf32> to vector<16xf32>
      %add3A_1637 = arith.addf %scan3A_1584, %get3A_1636 : vector<16xf32>
      %get3A_1638 = arith.index_cast %scan3A_1574 : i32 to index
      %get3A_1639 = arith.constant 160 : index
      %get3A_1640 = tpu.vector_load %arg5[%get3A_1638, %get3A_1639] {strides = array<i32>} : memref<224x224xf32, #tpu.memory_space<vmem>>, vector<1x16xf32>,
      %get3A_1641 = vector.shape_cast %get3A_1640 : vector<1x16xf32> to vector<16xf32>
      %add3A_1642 = arith.addf %scan3A_1585, %get3A_1641 : vector<16xf32>
      %get3A_1643 = arith.index_cast %scan3A_1574 : i32 to index
      %get3A_1644 = arith.constant 176 : index
      %get3A_1645 = tpu.vector_load %arg5[%get3A_1643, %get3A_1644] {strides = array<i32>} : memref<224x224xf32, #tpu.memory_space<vmem>>, vector<1x16xf32>,
      %get3A_1646 = vector.shape_cast %get3A_1645 : vector<1x16xf32> to vector<16xf32>
      %add3A_1647 = arith.addf %scan3A_1586, %get3A_1646 : vector<16xf32>
      %get3A_1648 = arith.index_cast %scan3A_1574 : i32 to index
      %get3A_1649 = arith.constant 192 : index
      %get3A_1650 = tpu.vector_load %arg5[%get3A_1648, %get3A_1649] {strides = array<i32>} : memref<224x224xf32, #tpu.memory_space<vmem>>, vector<1x16xf32>,
      %get3A_1651 = vector.shape_cast %get3A_1650 : vector<1x16xf32> to vector<16xf32>
      %add3A_1652 = arith.addf %scan3A_1587, %get3A_1651 : vector<16xf32>
      %get3A_1653 = arith.index_cast %scan3A_1574 : i32 to index
      %get3A_1654 = arith.constant 208 : index
      %get3A_1655 = tpu.vector_load %arg5[%get3A_1653, %get3A_1654] {strides = array<i32>} : memref<224x224xf32, #tpu.memory_space<vmem>>, vector<1x16xf32>,
      %get3A_1656 = vector.shape_cast %get3A_1655 : vector<1x16xf32> to vector<16xf32>
      %add3A_1657 = arith.addf %scan3A_1588, %get3A_1656 : vector<16xf32>
      scf.yield %add3A_1592, %add3A_1597, %add3A_1602, %add3A_1607, %add3A_1612, %add3A_1617, %add3A_1622, %add3A_1627, %add3A_1632, %add3A_1637, %add3A_1642, %add3A_1647, %add3A_1652, %add3A_1657 : vector<16xf32>, vector<16xf32>, vector<16xf32>, vector<16xf32>, vector<16xf32>, vector<16xf32>, vector<16xf32>, vector<16xf32>, vector<16xf32>, vector<16xf32>, vector<16xf32>, vector<16xf32>, vector<16xf32>, vector<16xf32>
    }
    %scan3A_1554 = arith.constant 224 : i32
    %add3A_1555 = arith.addf %scan3A_1553#0, %scan3A_1553#1 : vector<16xf32>
    %add3A_1556 = arith.addf %scan3A_1553#2, %scan3A_1553#3 : vector<16xf32>
    %add3A_1557 = arith.addf %scan3A_1553#4, %scan3A_1553#5 : vector<16xf32>
    %add3A_1558 = arith.addf %scan3A_1553#6, %scan3A_1553#7 : vector<16xf32>
    %add3A_1559 = arith.addf %scan3A_1553#8, %scan3A_1553#9 : vector<16xf32>
    %add3A_1560 = arith.addf %scan3A_1553#10, %scan3A_1553#11 : vector<16xf32>
    %add3A_1561 = arith.addf %scan3A_1553#12, %scan3A_1553#13 : vector<16xf32>
    %add3A_1562 = arith.addf %add3A_1555, %add3A_1556 : vector<16xf32>
    %add3A_1563 = arith.addf %add3A_1557, %add3A_1558 : vector<16xf32>
    %add3A_1564 = arith.addf %add3A_1559, %add3A_1560 : vector<16xf32>
    %add3A_1565 = arith.addf %add3A_1562, %add3A_1563 : vector<16xf32>
    %add3A_1566 = arith.addf %add3A_1564, %add3A_1561 : vector<16xf32>
    %add3A_1567 = arith.addf %add3A_1565, %add3A_1566 : vector<16xf32>
    %swap3A_1568 = arith.constant 15 : i32
    %swap3A_1569 = arith.index_cast %swap3A_1568 : i32 to index
    %swap3A_1570 = arith.constant 0 : index
    %swap3A_1571 = tpu.vector_load %arg6[%swap3A_1569, %swap3A_1570] {strides = array<i32>} : memref<16x16xf32, #tpu.memory_space<vmem>>, vector<1x16xf32>,
    %swap3A_1572 = vector.shape_cast %swap3A_1571 : vector<1x16xf32> to vector<16xf32>
    %swap3A_1573 = vector.shape_cast %add3A_1567 : vector<16xf32> to vector<1x16xf32>
    tpu.vector_store %arg6[%swap3A_1569, %swap3A_1570], %swap3A_1573 {strides = array<i32>} : memref<16x16xf32, #tpu.memory_space<vmem>>, vector<1x16xf32>,
    "tpu.region"() ({
      %run_scoped3A = tpu.sem_alloc : memref<!tpu.dma_semaphore, #tpu.memory_space<semaphore_mem>>
      %dma_start3A_1574 = arith.constant 0 : i32
      %dma_start3A_1575 = tpu.memref_slice %arg3[%mul3A_2, %dma_start3A_1574] : memref<512x16xf32, #tpu.memory_space<hbm>> -> memref<16x16xf32, #tpu.memory_space<hbm>>
      %dma_start3A_1576 = arith.constant 0 : i32
      %dma_start3A_1577 = tpu.memref_slice %arg3[%mul3A_2, %dma_start3A_1576] : memref<512x16xf32, #tpu.memory_space<hbm>> -> memref<16x16xf32, #tpu.memory_space<hbm>>
      tpu.enqueue_dma source(%arg6 : memref<16x16xf32, #tpu.memory_space<vmem>>) target(%dma_start3A_1577 : memref<16x16xf32, #tpu.memory_space<hbm>>) target_semaphore(%run_scoped3A : memref<!tpu.dma_semaphore, #tpu.memory_space<semaphore_mem>>)
      %dma_wait3A_1578 = arith.constant 0 : i32
      %dma_wait3A_1579 = tpu.memref_slice %arg3[%mul3A_2, %dma_wait3A_1578] : memref<512x16xf32, #tpu.memory_space<hbm>> -> memref<16x16xf32, #tpu.memory_space<hbm>>
      %dma_wait3A_1580 = arith.constant 0 : i32
      %dma_wait3A_1581 = tpu.memref_slice %arg3[%mul3A_2, %dma_wait3A_1580] : memref<512x16xf32, #tpu.memory_space<hbm>> -> memref<16x16xf32, #tpu.memory_space<hbm>>
      tpu.wait_dma2 semaphore(%run_scoped3A : memref<!tpu.dma_semaphore, #tpu.memory_space<semaphore_mem>>) src(%arg6 : memref<16x16xf32, #tpu.memory_space<vmem>>) dst(%dma_wait3A_1581 : memref<16x16xf32, #tpu.memory_space<hbm>>)
      tpu.yield
    }) : () -> ()
    return
  }
}

module attributes {stable_mosaic.version = 14 : i64} {
  func.func @_mask_body(%arg0: memref<8x192xf32, #tpu.memory_space<vmem>>, %arg1: memref<8x192xf32, #tpu.memory_space<vmem>>) attributes {dimension_semantics = [], scalar_prefetch = 0 : i64, scratch_operands = 0 : i64, tpu.core_type = #tpu.core_type<tc>} {
    %get3A = arith.constant 0 : index
    %get3A_0 = arith.constant 0 : index
    %get3A_1 = vector.load %arg0[%get3A, %get3A_0] : memref<8x192xf32, #tpu.memory_space<vmem>>, vector<8x192xf32>
    %broadcast_in_dim3A = vector.shape_cast %get3A_1 : vector<8x192xf32> to vector<8x1x192xf32>
    %broadcast_in_dim3A_2 = vector.shape_cast %get3A_1 : vector<8x192xf32> to vector<8x192x1xf32>
    %gt3A = vector.broadcast %broadcast_in_dim3A : vector<8x1x192xf32> to vector<8x192x192xf32>
    %gt3A_3 = vector.broadcast %broadcast_in_dim3A_2 : vector<8x192x1xf32> to vector<8x192x192xf32>
    %gt3A_4 = arith.cmpf ogt, %gt3A, %gt3A_3 : vector<8x192x192xf32>
    %convert_element_type3A = arith.extui %gt3A_4 : vector<8x192x192xi1> to vector<8x192x192xi32>
    %convert_element_type3A_5 = arith.sitofp %convert_element_type3A : vector<8x192x192xi32> to vector<8x192x192xf32>
    %reduce_sum3A = arith.constant dense<0.000000e+00> : vector<8x192xf32>
    %reduce_sum3A_6 = vector.multi_reduction <add>, %convert_element_type3A_5, %reduce_sum3A [2] : vector<8x192x192xf32> to vector<8x192xf32>
    %lt3A = arith.constant 1.530000e+02 : f32
    %lt3A_7 = vector.broadcast %lt3A : f32 to vector<8x192xf32>
    %lt3A_8 = arith.cmpf olt, %reduce_sum3A_6, %lt3A_7 : vector<8x192xf32>
    %jit3A = arith.constant 8.000000e-01 : f32
    %jit3A_9 = arith.constant 1.200000e+00 : f32
    %broadcast_in_dim3A_10 = vector.broadcast %jit3A : f32 to vector<8x192xf32>
    %broadcast_in_dim3A_11 = vector.broadcast %jit3A_9 : f32 to vector<8x192xf32>
    %select_n3A = arith.select %lt3A_8, %broadcast_in_dim3A_10, %broadcast_in_dim3A_11 : vector<8x192xi1>, vector<8x192xf32>
    %swap3A = arith.constant 0 : index
    %swap3A_12 = arith.constant 0 : index
    %swap3A_13 = vector.load %arg1[%swap3A, %swap3A_12] : memref<8x192xf32, #tpu.memory_space<vmem>>, vector<8x192xf32>
    tpu.vector_store %arg1[%swap3A, %swap3A_12], %select_n3A {strides = array<i32>} : memref<8x192xf32, #tpu.memory_space<vmem>>, vector<8x192xf32>,
    return
  }
}

module attributes {stable_mosaic.version = 14 : i64} {
  func.func @_tc_sum_body(%arg0: i32, %arg1: i32, %arg2: memref<1x128x56x224xf32, #tpu.memory_space<vmem>>, %arg3: memref<1x1x128xf32, #tpu.memory_space<vmem>>, %arg4: memref<1x128xf32, #tpu.memory_space<vmem>>) attributes {dimension_semantics = [#tpu.dimension_semantics<parallel>, #tpu.dimension_semantics<arbitrary>], iteration_bounds = array<i64: 8, 4>, scalar_prefetch = 0 : i64, scratch_operands = 1 : i64, tpu.core_type = #tpu.core_type<tc>, window_params = [{transform_indices = @transform_0, window_bounds = array<i64: 1, 128, 56, 224>}, {transform_indices = @transform_1, window_bounds = array<i64: 1, 1, 128>}]} {
    %eq3A = arith.constant 0 : i32
    %eq3A_0 = arith.cmpi eq, %arg1, %eq3A : i32
    %convert_element_type3A = arith.extui %eq3A_0 : i1 to i32
    %cond3A = arith.constant 0 : i32
    %cond3A_1 = arith.cmpi ne, %convert_element_type3A, %cond3A : i32
    scf.if %cond3A_1 {
      %broadcast_in_dim3A = arith.constant 0.000000e+00 : f32
      %broadcast_in_dim3A_17 = vector.broadcast %broadcast_in_dim3A : f32 to vector<1x128xf32>
      %swap3A_18 = arith.constant 0 : index
      %swap3A_19 = arith.constant 0 : index
      %swap3A_20 = vector.load %arg4[%swap3A_18, %swap3A_19] : memref<1x128xf32, #tpu.memory_space<vmem>>, vector<1x128xf32>
      tpu.vector_store %arg4[%swap3A_18, %swap3A_19], %broadcast_in_dim3A_17 {strides = array<i32>} : memref<1x128xf32, #tpu.memory_space<vmem>>, vector<1x128xf32>,
    } else {
    }
    %get3A = arith.constant 0 : index
    %get3A_2 = arith.constant 0 : index
    %get3A_3 = vector.load %arg4[%get3A, %get3A_2] : memref<1x128xf32, #tpu.memory_space<vmem>>, vector<1x128xf32>
    %get3A_4 = arith.constant 0 : index
    %get3A_5 = arith.constant 0 : index
    %get3A_6 = arith.constant 0 : index
    %get3A_7 = arith.constant 0 : index
    %get3A_8 = vector.load %arg2[%get3A_4, %get3A_5, %get3A_6, %get3A_7] : memref<1x128x56x224xf32, #tpu.memory_space<vmem>>, vector<1x128x56x224xf32>
    %reduce_sum3A = arith.constant dense<0.000000e+00> : vector<1x128xf32>
    %reduce_sum3A_9 = vector.multi_reduction <add>, %get3A_8, %reduce_sum3A [2, 3] : vector<1x128x56x224xf32> to vector<1x128xf32>
    %add3A = arith.addf %get3A_3, %reduce_sum3A_9 : vector<1x128xf32>
    %swap3A = arith.constant 0 : index
    %swap3A_10 = arith.constant 0 : index
    %swap3A_11 = vector.load %arg4[%swap3A, %swap3A_10] : memref<1x128xf32, #tpu.memory_space<vmem>>, vector<1x128xf32>
    tpu.vector_store %arg4[%swap3A, %swap3A_10], %add3A {strides = array<i32>} : memref<1x128xf32, #tpu.memory_space<vmem>>, vector<1x128xf32>,
    %eq3A_12 = arith.constant 3 : i32
    %eq3A_13 = arith.cmpi eq, %arg1, %eq3A_12 : i32
    %convert_element_type3A_14 = arith.extui %eq3A_13 : i1 to i32
    %cond3A_15 = arith.constant 0 : i32
    %cond3A_16 = arith.cmpi ne, %convert_element_type3A_14, %cond3A_15 : i32
    scf.if %cond3A_16 {
      %get3A_17 = arith.constant 0 : index
      %get3A_18 = arith.constant 0 : index
      %get3A_19 = vector.load %arg4[%get3A_17, %get3A_18] : memref<1x128xf32, #tpu.memory_space<vmem>>, vector<1x128xf32>
      %broadcast_in_dim3A = vector.shape_cast %get3A_19 : vector<1x128xf32> to vector<1x1x128xf32>
      %swap3A_20 = arith.constant 0 : index
      %swap3A_21 = arith.constant 0 : index
      %swap3A_22 = arith.constant 0 : index
      %swap3A_23 = vector.load %arg3[%swap3A_20, %swap3A_21, %swap3A_22] : memref<1x1x128xf32, #tpu.memory_space<vmem>>, vector<1x1x128xf32>
      tpu.vector_store %arg3[%swap3A_20, %swap3A_21, %swap3A_22], %broadcast_in_dim3A {strides = array<i32>} : memref<1x1x128xf32, #tpu.memory_space<vmem>>, vector<1x1x128xf32>,
    } else {
    }
    return
  }
  func.func @transform_0(%arg0: i32, %arg1: i32) -> (i32, i32, i32, i32) {
    %c0_i32 = arith.constant 0 : i32
    %c0_i32_0 = arith.constant 0 : i32
    %c0_i32_1 = arith.constant 0 : i32
    return %arg0, %c0_i32, %arg1, %c0_i32_0 : i32, i32, i32, i32
  }
  func.func @transform_1(%arg0: i32, %arg1: i32) -> (i32, i32, i32) {
    %c0_i32 = arith.constant 0 : i32
    %c0_i32_0 = arith.constant 0 : i32
    %c0_i32_1 = arith.constant 0 : i32
    return %arg0, %c0_i32, %c0_i32_0 : i32, i32, i32
  }
}

</mosaic_0001>

<sc_bundles>
// kernel: kernel.5.cloned.1.call-start
scs
__scs_entry_jumppad:
0x0: {  	(pc) =	sbr.rel $0x88, $3  }
0x1: {  	(tag) =	ssettag $0x0;
	lr =	simm.s32 $0x1  }
0x2: {  	[smem:$0x3FA0] =	sst lr;
	_ =	strace $0xD0000000  }
0x3: {  	_ = 	snop  }
0x4: {  	_ = 	snop  }
0x5: {  	_ = 	snop  }
0x6: {  	_ = 	snop  }
0x7: {  	_ = 	snop  }
__scs_overlays_trampoline_lowered:
0x8: {  	[smem:$0x3FAF] =	sst s0  }
0x9: {  	[smem:$0x3FB0] =	sst s1  }
0xa: {  	[smem:$0x3FB1] =	sst s2  }
0xb: {  	[smem:$0x3FB2] =	sst s3  }
0xc: {  	[smem:$0x3FB3] =	sst s4  }
0xd: {  	[smem:$0x3FB4] =	sst s5  }
0xe: {  	[smem:$0x3FB5] =	sst s6  }
0xf: {  	[smem:$0x3FB6] =	sst s7  }
0x10: {  	[smem:$0x3FB7] =	sst s8  }
0x11: {  	[smem:$0x3FB8] =	sst s9;
	s0 =	simm.s32 @!p0 $0x0  }
0x12: {  	s1 =	sld [smem:$0x3F9E];
	s0 =	simm.s32 @p0 $0x1  }
0x13: {  	[smem:$0x3FB9] =	sst s0;
	s0 =	simm.s32 @!p1 $0x0  }
0x14: {  	s2 =	sld [smem:$0x3F9D];
	s0 =	simm.s32 @p1 $0x1  }
0x15: {  	[smem:$0x3FBA] =	sst s0;
	s0 =	simm.s32 @!p2 $0x0  }
0x16: {  	s3 =	sld [smem:$0x3FDB];
	s0 =	simm.s32 @p2 $0x1  }
0x17: {  	s4 =	simm.s32 $0x1BF5;
	[smem:$0x3FBC] =	sst s0  }
0x18: {  	s0 =	sld [smem:$0x3F9F];
	_ =	swait.ge [sflag:s4], $0x0  }
0x19: {  	s7 =	sld [smem:$0x3FA0]  }
0x1a: {  	s8 =	sadd.s32 $0xFFFFE003, lr  }
0x1b: {  	s9 =	sadd.s32 $0xFFFFFEF7, lr;
	s5 =	simm.s32 $0xFFFFFFFF;
	p2 =	slt.u32 s8, $0xFFFFF086  }
0x1c: {  	p1 =	slt.u32 s9, $0xF7A;
	s5 =	simm.s32 @!p2 $0x0  }
0x1d: {  	s5 =	simm.s32 @p1 $0x1;
	p0 =	seq.s32 s7, s2  }
0x1e: {  	s7 =	smul.u32 @!p0 $0xF7A, s2;
	p2 =	seq.s32 @!p0 s5, $0x0  }
0x1f: {  	s9 =	smul.u32 $0xF7A, s1;
	s8 =	simm.s32 @!p0 $0x1BF5;
	p2 =	por !p2, p0  }
0x20: {  	[sflag:s8] =	ssyncset.s32 @!p0 $0xFFFFF086;
	s6 =	sadd.s32 @!p0 s3, s7;
	s7 =	simm.s32 @!p0 $0x108  }
0x21: {  	s3 =	sadd.s32 s3, s9;
	s6 =	sadd.s32 @!p0 $0x88, s6;
	s7 =	simm.s32 @p2 $0x1082  }
0x22: {  	[simem:s7], [sflag:s8] =	dma.local @!p0 [hbm:s6], $0xF7A  }
0x23: {  	s9 =	sor.u32 $0xD0000000, s2;
	s6 =	simm.s32 $0x108;
	_ =	swait.ge @!p0 [sflag:s8], $0x0  }
0x24: {  	s3 =	sadd.s32 $0x88, s3;
	s6 =	simm.s32 @!p1 $0x1082;
	[sflag:s4] =	ssyncset.s32 $0xFFFFF086  }
0x25: {  	[simem:s6], [sflag:s4] =	dma.local [hbm:s3], $0xF7A  }
0x26: {  	[smem:$0x3FA0] =	sst s1;
	(tag) =	ssettag s2;
	_ =	strace s9  }
0x27: {  	s1 =	sld [smem:$0x3FB0]  }
0x28: {  	s2 =	sld [smem:$0x3FB1]  }
0x29: {  	s4 =	sld [smem:$0x3FB3]  }
0x2a: {  	p0 =	seq.s32 s5, $0x0;
	s5 =	sld [smem:$0x3FB4]  }
0x2b: {  	s6 =	sld [smem:$0x3FB5]  }
0x2c: {  	s7 =	sld [smem:$0x3FB6]  }
0x2d: {  	s3 =	simm.s32 $0x108;
	s8 =	sld [smem:$0x3FB7]  }
0x2e: {  	s3 =	simm.s32 @!p0 $0x1082;
	s9 =	sld [smem:$0x3FB8]  }
0x2f: {  	lr =	sadd.s32 s0, s3;
	s0 =	sld [smem:$0x3FAF]  }
0x30: {  	s3 =	sld [smem:$0x3FB2]  }
0x31: {  	[smem:$0x3FBB] =	sst s10  }
0x32: {  	s10 =	sld [smem:$0x3FB9];
	_ =	sdelay $0x3  }
0x33: {  	p0 =	seq.s32 s10, $0x1;
	s10 =	sld [smem:$0x3FBB];
	_ =	sdelay $0x3  }
0x34: {  	[smem:$0x3FBB] =	sst s10  }
0x35: {  	s10 =	sld [smem:$0x3FBA];
	_ =	sdelay $0x3  }
0x36: {  	p1 =	seq.s32 s10, $0x1;
	s10 =	sld [smem:$0x3FBB];
	_ =	sdelay $0x3  }
0x37: {  	[smem:$0x3FBB] =	sst s10  }
0x38: {  	s10 =	sld [smem:$0x3FBC]  }
0x39: {  	_ = 	snop;
	(pc) =	sbr.ind lr, $3  }
0x3a: {  	_ = 	snop  }
0x3b: {  	_ = 	snop  }
0x3c: {  	p2 =	seq.s32 s10, $0x1;
	s10 =	sld [smem:$0x3FBB]  }
0x3d: {  	_ =	shalt  }
0x3e: {  	_ =	shalt  }
0x3f: {  	_ =	shalt  }
0x40: {  	_ =	shalt  }
0x41: {  	_ =	shalt  }
0x42: {  	_ =	shalt  }
0x43: {  	_ =	shalt  }
0x44: {  	_ =	shalt  }
0x45: {  	_ =	shalt  }
0x46: {  	_ =	shalt  }
0x47: {  	_ =	shalt  }
0x48: {  	_ =	shalt  }
0x49: {  	_ =	shalt  }
0x4a: {  	_ =	shalt  }
0x4b: {  	_ =	shalt  }
0x4c: {  	_ =	shalt  }
0x4d: {  	_ =	shalt  }
0x4e: {  	_ =	shalt  }
0x4f: {  	_ =	shalt  }
0x50: {  	_ =	shalt  }
0x51: {  	_ =	shalt  }
0x52: {  	_ =	shalt  }
0x53: {  	_ =	shalt  }
0x54: {  	_ =	shalt  }
0x55: {  	_ =	shalt  }
0x56: {  	_ =	shalt  }
0x57: {  	_ =	shalt  }
0x58: {  	_ =	shalt  }
0x59: {  	_ =	shalt  }
0x5a: {  	_ =	shalt  }
0x5b: {  	_ =	shalt  }
0x5c: {  	_ =	shalt  }
0x5d: {  	_ =	shalt  }
0x5e: {  	_ =	shalt  }
0x5f: {  	_ =	shalt  }
0x60: {  	_ =	shalt  }
0x61: {  	_ =	shalt  }
0x62: {  	_ =	shalt  }
0x63: {  	_ =	shalt  }
0x64: {  	_ =	shalt  }
0x65: {  	_ =	shalt  }
0x66: {  	_ =	shalt  }
0x67: {  	_ =	shalt  }
0x68: {  	_ =	shalt  }
0x69: {  	_ =	shalt  }
0x6a: {  	_ =	shalt  }
0x6b: {  	_ =	shalt  }
0x6c: {  	_ =	shalt  }
0x6d: {  	_ =	shalt  }
0x6e: {  	_ =	shalt  }
0x6f: {  	_ =	shalt  }
0x70: {  	_ =	shalt  }
0x71: {  	_ =	shalt  }
0x72: {  	_ =	shalt  }
0x73: {  	_ =	shalt  }
0x74: {  	_ =	shalt  }
0x75: {  	_ =	shalt  }
0x76: {  	_ =	shalt  }
0x77: {  	_ =	shalt  }
0x78: {  	_ =	shalt  }
0x79: {  	_ =	shalt  }
0x7a: {  	_ =	shalt  }
0x7b: {  	_ =	shalt  }
0x7c: {  	_ =	shalt  }
0x7d: {  	_ =	shalt  }
0x7e: {  	_ =	shalt  }
0x7f: {  	_ =	shalt  }
0x80: {  	_ =	shalt  }
0x81: {  	_ =	shalt  }
0x82: {  	_ =	shalt  }
0x83: {  	_ =	shalt  }
0x84: {  	_ =	shalt  }
0x85: {  	_ =	shalt  }
0x86: {  	_ =	shalt  }
0x87: {  	_ =	shalt  }
.Lfunc_end0:
.L_simem_size_0:
called_computation_lowered:
.L_overlay_start_0:
0x88: {  	s2 =	sld [smem:$0x3FD9]  }
0x89: {  	s3 =	sld [smem:$0x3FFE];
	_ =	sdelay $0x1  }
0x8a: {  	s1 =	srdreg.scid  }
0x8b: {  	s0 =	sand.u32 $0x1, s1  }
0x8c: {  	s17 =	sshll.u32 s0, $0xA;
	s2 =	sadd.s32 s3, s2  }
0x8d: {  	s2 =	sadd.s32 s2, s17  }
0x8e: {  	[smem:$0x3FC7] =	sst s2  }
0x8f: {  	_ = 	snop  }
0x90: {  	s2 =	sld [smem:$0x3FC9];
	(tm) =	ssettm $0x1  }
0x91: {  	s18 =	sld [smem:$0x3FFB];
	_ =	sdelay $0x3  }
0x92: {  	_ =	strace s18  }
0x93: {  	s3 =	sld [smem:$0x3FFC];
	_ =	sdelay $0x3  }
0x94: {  	_ =	strace s3  }
0x95: {  	s3 =	sld [smem:$0x3FFD];
	_ =	sdelay $0x3  }
0x96: {  	_ =	strace s3  }
0x97: {  	_ =	strace $0x8FFFFFFF  }
0x98: {  	s19 =	sld [smem:$0x3FDB];
	_ =	sdelay $0x1  }
0x99: {  	s4 =	simm.s32 $_scs_section_size  }
0x9a: {  	s5 =	simm.s32 $_size__tile_overlayer_lowered;
	s6 =	simm.s32 $_tile_overlayer_lowered  }
0x9b: {  	s22 =	simm.s32 $0x1BFF;
	s21 =	sshll.u32 s6, $0x1;
	s3 =	sadd.s32 s4, s19  }
0x9c: {  	s7 =	simm.s32 $0x0;
	s20 =	sshll.u32 s5, $0x1;
	s5 =	sadd.s32 s21, s3  }
0x9d: {  	[timem:s7], [sflag:s22] =	dma.local [hbm:s5], s20  }
0x9e: {  	_ =	swait.ge [sflag:s22], s20  }
0x9f: {  	s4 =	ssub.s32 $0x0, s20;
	[sflag:s22] =	ssyncset.done $0x0  }
0xa0: {  	[sflag:s22] =	ssyncadd.s32 s4;
	_ =	sdelay $0x1  }
0xa1: {  	s23 =	simm.s32 $0x1B8B  }
0xa2: {  	_ =	swait.ge [sflag:s23], $0x1  }
0xa3: {  	[sflag:s23] =	ssyncset.done $0x0  }
0xa4: {  	s25 =	simm.s32 $0x1B8E;
	s24 =	sld [smem:$0x3FFE];
	[sflag:s23] =	ssyncadd.s32 $0xFFFFFFFF  }
0xa5: {  	s26 =	simm.s32 $execute0_lowered;
	[smem:$0x3FD2] =	sst s25  }
0xa6: {  	s5 =	sshll.u32 s26, $0x1;
	_ =	strace $0x80000046;
	[dreg:$0x1] =	wrdreg $0xFFFFFFFF  }
0xa7: {  	s28 =	simm.s32 $_size_execute0_lowered;
	s3 =	sadd.s32 s3, s5;
	[dreg:$0x0] =	wrdreg $0x0  }
0xa8: {  	s5 =	sshll.u32 s28, $0x1;
	[dreg:$0x2] =	wrdreg s3  }
0xa9: {  	[dreg:$0x3] =	wrdreg s5  }
0xaa: {  	[dreg:$0x4] =	wrdreg $0xC0  }
0xab: {  	_ =	task [dreg:s7], $0x5FFFF  }
0xac: {  	[dreg:$0x1] =	wrdreg $0xFFFFFFFF  }
0xad: {  	[dreg:$0x0] =	wrdreg $0x60  }
0xae: {  	[dreg:$0x2] =	wrdreg s2  }
0xaf: {  	[dreg:$0x3] =	wrdreg s24  }
0xb0: {  	[dreg:$0x4] =	wrdreg $0x9  }
0xb1: {  	_ =	task.clear_ibuf [dreg:s7], $0x5FFFF;
	_ =	strace $0x90000046  }
0xb2: {  	s29 =	simm.s32 $0x9;
	_ =	strace $0x80000048  }
0xb3: {  	_ =	swait.ge [sflag:s29], $0x1  }
0xb4: {  	[sflag:s29] =	ssyncadd.s32 $0xFFFFFFFF  }
0xb5: {  	_ =	strace $0x90000048  }
0xb6: {  	_ =	sfence  }
0xb7: {  	s30 =	sld [smem:$0x0];
	_ =	sdelay $0x2  }
0xb8: {  	s31 =	sshll.u32 s1, $0xD;
	s1 =	sshrl.u32 s1, $0x2  }
0xb9: {  	s3 =	sand.u32 $0x4000, s31;
	s1 =	sadd.s32 s1, s30  }
0xba: {  	s0 =	sor.u32 s3, s0;
	s1 =	sshll.u32 s1, $0x11  }
0xbb: {  	s0 =	sor.u32 s1, s0  }
0xbc: {  	s0 =	sadd.s32 $0x8F2B, s0  }
0xbd: {  	[sflag:s0] =	ssyncadd.remote.s32 $0x1  }
0xbe: {  	_ =	sfence.sel $0xFFFF  }
0xbf: {  	[dreg:$0x0] =	wrdreg $0xFFFFFFFF;
	(pc) =	sbr.abs _section_cstart, $3  }
0xc0: {  	[dreg:$0x1] =	wrdreg $0xFFFFFFFF  }
0xc1: {  	_ =	task.clear_ibuf [dreg:s7], $0x2FFFF;
	_ =	strace $0x9FFFFFFF  }
0xc2: {  	(tm) =	ssettm $0x7FFFFFFF  }
0xc3: {  	_ =	shalt  }
tec
execute0_lowered:
.L_overlay_start_1:
0x0: {  	(tag) =	ssettag $0x1  }
0x1: {  	s1 =	srdreg.scid  }
0x2: {  	s0 =	stileid.u32;
	s4 =	rddreg [dreg:$0x0];
	s1 =	sand.u32 $0x1, s1  }
0x3: {  	s19 =	rddreg [dreg:$0x1];
	s2 =	sshll.u32 s0, $0x5;
	s3 =	sshll.u32 s1, $0x4  }
0x4: {  	s22 =	simm.s32 $0x1;
	s31 =	sshrl.u32 s0, $0x1;
	s18 =	sor.u32 s3, s2  }
0x5: {  	s23 =	simm.s32 $0x2;
	s2 =	smul.u32 $0xA80000, s31;
	s3 =	sand.u32 $0x30, s18  }
0x6: {  	s24 =	simm.s32 $0x1C000;
	s1 =	ssub.s32 $0x2, s1;
	s3 =	smul.u32 $0xE000, s3  }
0x7: {  	s25 =	simm.s32 $0x3;
	s26 =	simm.s32 $0x0;
	s5 =	sshrl.u32 s1, $0x1  }
0x8: {  	s1 =	ssub.s32 s1, s5;
	s21 =	sshll.u32 s18, $0x4;
	s3 =	sadd.s32 s2, s3  }
0x9: {  	s19 =	sadd.s32 s19, s21;
	s2 =	simm.s32 $0x0;
	s3 =	sshrl.u32 s3, $0x3  }
0xa: {  	s21 =	simm.s32 $0xE000;
	[smem:$0x7FF] =	sst s2;
	s20 =	sadd.s32 s4, s3  }
0xb: {  	_ =	strace $0x80000047;
	s3 =	sadd.s32 $0xE0000, s20;
	s4 =	sadd.s32 $0xE1C00, s20  }
0xc: {  	s5 =	sadd.s32 $0xE3800, s20;
	s6 =	sadd.s32 $0xE5400, s20;
	s7 =	sadd.s32 $0xE7000, s20  }
0xd: {  	s8 =	sadd.s32 $0xE8C00, s20;
	s9 =	sadd.s32 $0xEA800, s20;
	s10 =	sadd.s32 $0xEC400, s20  }
0xe: {  	s11 =	sadd.s32 $0xEE000, s20;
	s12 =	sadd.s32 $0xEFC00, s20;
	s13 =	sadd.s32 $0xF1800, s20  }
0xf: {  	s14 =	sadd.s32 $0xF3400, s20;
	s15 =	sadd.s32 $0xF5000, s20;
	s16 =	sadd.s32 $0xF6C00, s20  }
0x10: {  	s17 =	sadd.s32 $0xF8800, s20;
	s18 =	sadd.s32 $0xFA400, s20;
	s20 =	smax.u32 s1, $0x1  }
.LBB2_1:
0x11: {  	[tilespmem:s2], [sflag:$0x1] =	stream.linear.gather [hbm4b:s3+s2], $0xE000, $0x38;
	[tilespmem:$0x1C800] =	vst v63  }
0x12: {  	_ = 	snop  }
0x13: {  	[tilespmem:s21], [sflag:$0x2] =	stream.linear.gather [hbm4b:s4+s2], $0xE000, $0x38;
	[tilespmem:$0x1C800] =	vst v63  }
0x14: {  	_ =	swait.ge [sflag:s22], $0xE000  }
0x15: {  	s1 =	sand.u32 $0xF800, s2;
	s28 =	sand.u32 $0x380, s2;
	[sflag:s22] =	ssyncset.done $0x0  }
0x16: {  	s28 =	sor.u32 s28, s1;
	[sflag:s22] =	ssyncadd.s32 $0xFFFF2000  }
0x17: {  	v0 =	vld [tilespmem:s28+$0x450]  }
0x18: {  	v1 =	vld [tilespmem:s28+$0x0]  }
0x19: {  	v4 =	vld [tilespmem:s28+$0x10]  }
0x1a: {  	v5 =	vld [tilespmem:s28+$0x20]  }
0x1b: {  	v6 =	vld [tilespmem:s28+$0x30]  }
0x1c: {  	v7 =	vld [tilespmem:s28+$0x40]  }
0x1d: {  	v9 =	vld [tilespmem:s28+$0x50]  }
0x1e: {  	v8 =	vimm.f32 $0.0e+00;
	v10 =	vld [tilespmem:s28+$0x60]  }
0x1f: {  	v14 =	vld [tilespmem:s28+$0x70];
	v2 =	vadd.f32 v0, v8  }
0x20: {  	v13 =	vimm.f32 $0.0e+00;
	v15 =	vld [tilespmem:s28+$0x400];
	v3 =	vadd.f32 v1, v8;
	v0 =	vadd.f32 v4, v8  }
0x21: {  	v11 =	vimm.f32 $0.0e+00;
	v16 =	vld [tilespmem:s28+$0x410];
	v4 =	vadd.f32 v5, v8;
	v1 =	vadd.f32 v6, v8  }
0x22: {  	s29 =	simm.s32 $0x80;
	v12 =	vimm.f32 $0.0e+00;
	s1 =	simm.s32 $0x100;
	v17 =	vld [tilespmem:s28+$0x420];
	v5 =	vadd.f32 v7, v8;
	v6 =	vadd.f32 v9, v8  }
0x23: {  	s30 =	simm.s32 $0x200;
	s31 =	sand.u32 $0xF800, s1;
	s1 =	sand.u32 $0x380, s29;
	v18 =	vld [tilespmem:s28+$0x430];
	v7 =	vadd.f32 v10, v8;
	v10 =	vimm.f32 $0.0e+00;
	v9 =	vimm.f32 $0.0e+00  }
.LBB2_2:
0x24: {  	p0 =	sne.s32 s30, $0xDF00;
	v8 =	vadd.f32 v14, v8;
	v14 =	vld [tilespmem:s28+$0x440];
	s28 =	sor.u32 s1, s31  }
0x25: {  	v19 =	vld [tilespmem:s28+$0x450];
	v10 =	vadd.f32 v15, v10  }
0x26: {  	v15 =	vld [tilespmem:s28+$0x0];
	v9 =	vadd.f32 v16, v9  }
0x27: {  	v16 =	vld [tilespmem:s28+$0x10];
	v13 =	vadd.f32 v17, v13  }
0x28: {  	v17 =	vld [tilespmem:s28+$0x20];
	v11 =	vadd.f32 v18, v11  }
0x29: {  	v18 =	vld [tilespmem:s28+$0x30];
	v12 =	vadd.f32 v14, v12  }
0x2a: {  	v20 =	vld [tilespmem:s28+$0x40];
	v2 =	vadd.f32 v19, v2  }
0x2b: {  	v3 =	vadd.f32 v15, v3;
	v19 =	vld [tilespmem:s28+$0x50]  }
0x2c: {  	v0 =	vadd.f32 v16, v0;
	v21 =	vld [tilespmem:s28+$0x60]  }
.Ltmp0:
0x2d: {  	v4 =	vadd.f32 v17, v4;
	v14 =	vld [tilespmem:s28+$0x70];
	(pc) =	sbr.rel @p0 .LBB2_2-.Ltmp0, $4  }
0x2e: {  	v1 =	vadd.f32 v18, v1;
	v15 =	vld [tilespmem:s28+$0x400]  }
0x2f: {  	v5 =	vadd.f32 v20, v5;
	v16 =	vld [tilespmem:s28+$0x410]  }
0x30: {  	s29 =	sadd.s32 $0x80, s29;
	v6 =	vadd.f32 v19, v6;
	v17 =	vld [tilespmem:s28+$0x420]  }
0x31: {  	s31 =	sand.u32 $0xF800, s30;
	s30 =	sadd.s32 $0x100, s30;
	s1 =	sand.u32 $0x380, s29;
	v7 =	vadd.f32 v21, v7;
	v18 =	vld [tilespmem:s28+$0x430]  }
0x32: {  	s1 =	sor.u32 s1, s31;
	v19 =	vld [tilespmem:s28+$0x440]  }
0x33: {  	v20 =	vld [tilespmem:s1+$0x450]  }
0x34: {  	v21 =	vld [tilespmem:s1+$0x0]  }
0x35: {  	v22 =	vld [tilespmem:s1+$0x10]  }
0x36: {  	v23 =	vld [tilespmem:s1+$0x20]  }
0x37: {  	v24 =	vld [tilespmem:s1+$0x30]  }
0x38: {  	v25 =	vld [tilespmem:s1+$0x40]  }
0x39: {  	v26 =	vld [tilespmem:s1+$0x50]  }
0x3a: {  	v27 =	vld [tilespmem:s1+$0x60]  }
0x3b: {  	v8 =	vadd.f32 v14, v8;
	v28 =	vld [tilespmem:s1+$0x70];
	v10 =	vadd.f32 v15, v10  }
0x3c: {  	v14 =	vld [tilespmem:s1+$0x400];
	v9 =	vadd.f32 v16, v9;
	v13 =	vadd.f32 v17, v13  }
0x3d: {  	v15 =	vld [tilespmem:s1+$0x410];
	v11 =	vadd.f32 v18, v11;
	v12 =	vadd.f32 v19, v12  }
0x3e: {  	v16 =	vld [tilespmem:s1+$0x420];
	v2 =	vadd.f32 v20, v2;
	v3 =	vadd.f32 v21, v3  }
0x3f: {  	v17 =	vld [tilespmem:s1+$0x430];
	v0 =	vadd.f32 v22, v0;
	v4 =	vadd.f32 v23, v4  }
0x40: {  	v1 =	vadd.f32 v24, v1;
	v5 =	vadd.f32 v25, v5  }
0x41: {  	v6 =	vadd.f32 v26, v6;
	v7 =	vadd.f32 v27, v7  }
0x42: {  	v18 =	vld [tilespmem:s1+$0x440];
	v8 =	vadd.f32 v28, v8;
	v10 =	vadd.f32 v14, v10  }
0x43: {  	v9 =	vadd.f32 v15, v9;
	v13 =	vadd.f32 v16, v13  }
0x44: {  	v11 =	vadd.f32 v17, v11;
	v0 =	vadd.f32 v0, v3  }
0x45: {  	v1 =	vadd.f32 v1, v4;
	v3 =	vadd.f32 v6, v5  }
0x46: {  	v4 =	vadd.f32 v8, v7;
	v5 =	vadd.f32 v9, v10  }
0x47: {  	v12 =	vadd.f32 v18, v12;
	v6 =	vadd.f32 v11, v13  }
0x48: {  	v0 =	vadd.f32 v1, v0;
	v1 =	vadd.f32 v4, v3  }
0x49: {  	v2 =	vadd.f32 v2, v12;
	v3 =	vadd.f32 v6, v5;
	_ =	sdelay $0x1  }
0x4a: {  	v0 =	vadd.f32 v1, v0;
	v1 =	vadd.f32 v2, v3;
	_ =	sdelay $0x1  }
0x4b: {  	v0 =	vadd.f32 v1, v0;
	_ =	sdelay $0x1  }
0x4c: {  	s1 =	simm.s32 $0x0;
	[tilespmem:$0x1C000] =	vst v0  }
0x4d: {  	[tilespmem:s1], [sflag:$0x1] =	stream.linear.gather [hbm4b:s5+s1], $0xE000, $0x38;
	[tilespmem:$0x1C800] =	vst v63  }
0x4e: {  	_ =	swait.ge [sflag:s23], $0xE000  }
0x4f: {  	s28 =	sand.u32 $0xF800, s1;
	s1 =	sand.u32 $0x380, s1;
	[sflag:s23] =	ssyncset.done $0x0  }
0x50: {  	s28 =	sor.u32 s1, s28;
	[sflag:s23] =	ssyncadd.s32 $0xFFFF2000  }
0x51: {  	v0 =	vld [tilespmem:s28+$0xE450]  }
0x52: {  	v1 =	vld [tilespmem:s28+$0xE000]  }
0x53: {  	v4 =	vld [tilespmem:s28+$0xE010]  }
0x54: {  	v5 =	vld [tilespmem:s28+$0xE020]  }
0x55: {  	v6 =	vld [tilespmem:s28+$0xE030]  }
0x56: {  	v7 =	vld [tilespmem:s28+$0xE040]  }
0x57: {  	v9 =	vld [tilespmem:s28+$0xE050]  }
0x58: {  	v8 =	vimm.f32 $0.0e+00;
	v10 =	vld [tilespmem:s28+$0xE060]  }
0x59: {  	v14 =	vld [tilespmem:s28+$0xE070];
	v2 =	vadd.f32 v0, v8  }
0x5a: {  	v13 =	vimm.f32 $0.0e+00;
	v15 =	vld [tilespmem:s28+$0xE400];
	v3 =	vadd.f32 v1, v8;
	v0 =	vadd.f32 v4, v8  }
0x5b: {  	v11 =	vimm.f32 $0.0e+00;
	v16 =	vld [tilespmem:s28+$0xE410];
	v4 =	vadd.f32 v5, v8;
	v1 =	vadd.f32 v6, v8  }
0x5c: {  	s29 =	simm.s32 $0x80;
	v12 =	vimm.f32 $0.0e+00;
	s1 =	simm.s32 $0x100;
	v17 =	vld [tilespmem:s28+$0xE420];
	v5 =	vadd.f32 v7, v8;
	v6 =	vadd.f32 v9, v8  }
0x5d: {  	s30 =	simm.s32 $0x200;
	s31 =	sand.u32 $0xF800, s1;
	s1 =	sand.u32 $0x380, s29;
	v18 =	vld [tilespmem:s28+$0xE430];
	v7 =	vadd.f32 v10, v8;
	v10 =	vimm.f32 $0.0e+00;
	v9 =	vimm.f32 $0.0e+00  }
.LBB2_4:
0x5e: {  	p0 =	sne.s32 s30, $0xDF00;
	v8 =	vadd.f32 v14, v8;
	v14 =	vld [tilespmem:s28+$0xE440];
	s28 =	sor.u32 s1, s31  }
0x5f: {  	v19 =	vld [tilespmem:s28+$0xE450];
	v10 =	vadd.f32 v15, v10  }
0x60: {  	v15 =	vld [tilespmem:s28+$0xE000];
	v9 =	vadd.f32 v16, v9  }
0x61: {  	v16 =	vld [tilespmem:s28+$0xE010];
	v13 =	vadd.f32 v17, v13  }
0x62: {  	v17 =	vld [tilespmem:s28+$0xE020];
	v11 =	vadd.f32 v18, v11  }
0x63: {  	v18 =	vld [tilespmem:s28+$0xE030];
	v12 =	vadd.f32 v14, v12  }
0x64: {  	v20 =	vld [tilespmem:s28+$0xE040];
	v2 =	vadd.f32 v19, v2  }
0x65: {  	v3 =	vadd.f32 v15, v3;
	v19 =	vld [tilespmem:s28+$0xE050]  }
0x66: {  	v0 =	vadd.f32 v16, v0;
	v21 =	vld [tilespmem:s28+$0xE060]  }
.Ltmp1:
0x67: {  	v4 =	vadd.f32 v17, v4;
	v14 =	vld [tilespmem:s28+$0xE070];
	(pc) =	sbr.rel @p0 .LBB2_4-.Ltmp1, $4  }
0x68: {  	v1 =	vadd.f32 v18, v1;
	v15 =	vld [tilespmem:s28+$0xE400]  }
0x69: {  	v5 =	vadd.f32 v20, v5;
	v16 =	vld [tilespmem:s28+$0xE410]  }
0x6a: {  	s29 =	sadd.s32 $0x80, s29;
	v6 =	vadd.f32 v19, v6;
	v17 =	vld [tilespmem:s28+$0xE420]  }
0x6b: {  	s31 =	sand.u32 $0xF800, s30;
	s30 =	sadd.s32 $0x100, s30;
	s1 =	sand.u32 $0x380, s29;
	v7 =	vadd.f32 v21, v7;
	v18 =	vld [tilespmem:s28+$0xE430]  }
0x6c: {  	s1 =	sor.u32 s1, s31;
	v19 =	vld [tilespmem:s28+$0xE440]  }
0x6d: {  	v20 =	vld [tilespmem:s1+$0xE450]  }
0x6e: {  	v21 =	vld [tilespmem:s1+$0xE000]  }
0x6f: {  	v22 =	vld [tilespmem:s1+$0xE010]  }
0x70: {  	v23 =	vld [tilespmem:s1+$0xE020]  }
0x71: {  	v24 =	vld [tilespmem:s1+$0xE030]  }
0x72: {  	v25 =	vld [tilespmem:s1+$0xE040]  }
0x73: {  	v26 =	vld [tilespmem:s1+$0xE050]  }
0x74: {  	v27 =	vld [tilespmem:s1+$0xE060]  }
0x75: {  	v8 =	vadd.f32 v14, v8;
	v28 =	vld [tilespmem:s1+$0xE070];
	v10 =	vadd.f32 v15, v10  }
0x76: {  	v14 =	vld [tilespmem:s1+$0xE400];
	v9 =	vadd.f32 v16, v9;
	v13 =	vadd.f32 v17, v13  }
0x77: {  	v15 =	vld [tilespmem:s1+$0xE410];
	v11 =	vadd.f32 v18, v11;
	v12 =	vadd.f32 v19, v12  }
0x78: {  	v16 =	vld [tilespmem:s1+$0xE420];
	v2 =	vadd.f32 v20, v2;
	v3 =	vadd.f32 v21, v3  }
0x79: {  	v17 =	vld [tilespmem:s1+$0xE430];
	v0 =	vadd.f32 v22, v0;
	v4 =	vadd.f32 v23, v4  }
0x7a: {  	v1 =	vadd.f32 v24, v1;
	v5 =	vadd.f32 v25, v5  }
0x7b: {  	v6 =	vadd.f32 v26, v6;
	v7 =	vadd.f32 v27, v7  }
0x7c: {  	v18 =	vld [tilespmem:s1+$0xE440];
	v8 =	vadd.f32 v28, v8;
	v10 =	vadd.f32 v14, v10  }
0x7d: {  	v9 =	vadd.f32 v15, v9;
	v13 =	vadd.f32 v16, v13  }
0x7e: {  	v11 =	vadd.f32 v17, v11;
	v0 =	vadd.f32 v0, v3  }
0x7f: {  	v1 =	vadd.f32 v1, v4;
	v3 =	vadd.f32 v6, v5  }
0x80: {  	v4 =	vadd.f32 v8, v7;
	v5 =	vadd.f32 v9, v10  }
0x81: {  	v12 =	vadd.f32 v18, v12;
	v6 =	vadd.f32 v11, v13  }
0x82: {  	v0 =	vadd.f32 v1, v0;
	v1 =	vadd.f32 v4, v3  }
0x83: {  	v2 =	vadd.f32 v2, v12;
	v3 =	vadd.f32 v6, v5;
	_ =	sdelay $0x1  }
0x84: {  	v0 =	vadd.f32 v1, v0;
	v1 =	vadd.f32 v2, v3;
	_ =	sdelay $0x1  }
0x85: {  	v0 =	vadd.f32 v1, v0;
	_ =	sdelay $0x1  }
0x86: {  	s1 =	simm.s32 $0x0;
	[tilespmem:$0x1C080] =	vst v0  }
0x87: {  	[tilespmem:s21], [sflag:$0x2] =	stream.linear.gather [hbm4b:s6+s1], $0xE000, $0x38;
	[tilespmem:$0x1C800] =	vst v63  }
0x88: {  	_ =	swait.ge [sflag:s22], $0xE000  }
0x89: {  	s28 =	sand.u32 $0xF800, s1;
	s1 =	sand.u32 $0x380, s1;
	[sflag:s22] =	ssyncset.done $0x0  }
0x8a: {  	s28 =	sor.u32 s1, s28;
	[sflag:s22] =	ssyncadd.s32 $0xFFFF2000  }
0x8b: {  	v0 =	vld [tilespmem:s28+$0x450]  }
0x8c: {  	v1 =	vld [tilespmem:s28+$0x0]  }
0x8d: {  	v4 =	vld [tilespmem:s28+$0x10]  }
0x8e: {  	v5 =	vld [tilespmem:s28+$0x20]  }
0x8f: {  	v6 =	vld [tilespmem:s28+$0x30]  }
0x90: {  	v7 =	vld [tilespmem:s28+$0x40]  }
0x91: {  	v9 =	vld [tilespmem:s28+$0x50]  }
0x92: {  	v8 =	vimm.f32 $0.0e+00;
	v10 =	vld [tilespmem:s28+$0x60]  }
0x93: {  	v14 =	vld [tilespmem:s28+$0x70];
	v2 =	vadd.f32 v0, v8  }
0x94: {  	v13 =	vimm.f32 $0.0e+00;
	v15 =	vld [tilespmem:s28+$0x400];
	v3 =	vadd.f32 v1, v8;
	v0 =	vadd.f32 v4, v8  }
0x95: {  	v11 =	vimm.f32 $0.0e+00;
	v16 =	vld [tilespmem:s28+$0x410];
	v4 =	vadd.f32 v5, v8;
	v1 =	vadd.f32 v6, v8  }
0x96: {  	s29 =	simm.s32 $0x80;
	v12 =	vimm.f32 $0.0e+00;
	s1 =	simm.s32 $0x100;
	v17 =	vld [tilespmem:s28+$0x420];
	v5 =	vadd.f32 v7, v8;
	v6 =	vadd.f32 v9, v8  }
0x97: {  	s30 =	simm.s32 $0x200;
	s31 =	sand.u32 $0xF800, s1;
	s1 =	sand.u32 $0x380, s29;
	v18 =	vld [tilespmem:s28+$0x430];
	v7 =	vadd.f32 v10, v8;
	v10 =	vimm.f32 $0.0e+00;
	v9 =	vimm.f32 $0.0e+00  }
.LBB2_6:
0x98: {  	p0 =	sne.s32 s30, $0xDF00;
	v8 =	vadd.f32 v14, v8;
	v14 =	vld [tilespmem:s28+$0x440];
	s28 =	sor.u32 s1, s31  }
0x99: {  	v19 =	vld [tilespmem:s28+$0x450];
	v10 =	vadd.f32 v15, v10  }
0x9a: {  	v15 =	vld [tilespmem:s28+$0x0];
	v9 =	vadd.f32 v16, v9  }
0x9b: {  	v16 =	vld [tilespmem:s28+$0x10];
	v13 =	vadd.f32 v17, v13  }
0x9c: {  	v17 =	vld [tilespmem:s28+$0x20];
	v11 =	vadd.f32 v18, v11  }
0x9d: {  	v18 =	vld [tilespmem:s28+$0x30];
	v12 =	vadd.f32 v14, v12  }
0x9e: {  	v20 =	vld [tilespmem:s28+$0x40];
	v2 =	vadd.f32 v19, v2  }
0x9f: {  	v3 =	vadd.f32 v15, v3;
	v19 =	vld [tilespmem:s28+$0x50]  }
0xa0: {  	v0 =	vadd.f32 v16, v0;
	v21 =	vld [tilespmem:s28+$0x60]  }
.Ltmp2:
0xa1: {  	v4 =	vadd.f32 v17, v4;
	v14 =	vld [tilespmem:s28+$0x70];
	(pc) =	sbr.rel @p0 .LBB2_6-.Ltmp2, $4  }
0xa2: {  	v1 =	vadd.f32 v18, v1;
	v15 =	vld [tilespmem:s28+$0x400]  }
0xa3: {  	v5 =	vadd.f32 v20, v5;
	v16 =	vld [tilespmem:s28+$0x410]  }
0xa4: {  	s29 =	sadd.s32 $0x80, s29;
	v6 =	vadd.f32 v19, v6;
	v17 =	vld [tilespmem:s28+$0x420]  }
0xa5: {  	s31 =	sand.u32 $0xF800, s30;
	s30 =	sadd.s32 $0x100, s30;
	s1 =	sand.u32 $0x380, s29;
	v7 =	vadd.f32 v21, v7;
	v18 =	vld [tilespmem:s28+$0x430]  }
0xa6: {  	s1 =	sor.u32 s1, s31;
	v19 =	vld [tilespmem:s28+$0x440]  }
0xa7: {  	v20 =	vld [tilespmem:s1+$0x450]  }
0xa8: {  	v21 =	vld [tilespmem:s1+$0x0]  }
0xa9: {  	v22 =	vld [tilespmem:s1+$0x10]  }
0xaa: {  	v23 =	vld [tilespmem:s1+$0x20]  }
0xab: {  	v24 =	vld [tilespmem:s1+$0x30]  }
0xac: {  	v25 =	vld [tilespmem:s1+$0x40]  }
0xad: {  	v26 =	vld [tilespmem:s1+$0x50]  }
0xae: {  	v27 =	vld [tilespmem:s1+$0x60]  }
0xaf: {  	v8 =	vadd.f32 v14, v8;
	v28 =	vld [tilespmem:s1+$0x70];
	v10 =	vadd.f32 v15, v10  }
0xb0: {  	v14 =	vld [tilespmem:s1+$0x400];
	v9 =	vadd.f32 v16, v9;
	v13 =	vadd.f32 v17, v13  }
0xb1: {  	v15 =	vld [tilespmem:s1+$0x410];
	v11 =	vadd.f32 v18, v11;
	v12 =	vadd.f32 v19, v12  }
0xb2: {  	v16 =	vld [tilespmem:s1+$0x420];
	v2 =	vadd.f32 v20, v2;
	v3 =	vadd.f32 v21, v3  }
0xb3: {  	v17 =	vld [tilespmem:s1+$0x430];
	v0 =	vadd.f32 v22, v0;
	v4 =	vadd.f32 v23, v4  }
0xb4: {  	v1 =	vadd.f32 v24, v1;
	v5 =	vadd.f32 v25, v5  }
0xb5: {  	v6 =	vadd.f32 v26, v6;
	v7 =	vadd.f32 v27, v7  }
0xb6: {  	v18 =	vld [tilespmem:s1+$0x440];
	v8 =	vadd.f32 v28, v8;
	v10 =	vadd.f32 v14, v10  }
0xb7: {  	v9 =	vadd.f32 v15, v9;
	v13 =	vadd.f32 v16, v13  }
0xb8: {  	v11 =	vadd.f32 v17, v11;
	v0 =	vadd.f32 v0, v3  }
0xb9: {  	v1 =	vadd.f32 v1, v4;
	v3 =	vadd.f32 v6, v5  }
0xba: {  	v4 =	vadd.f32 v8, v7;
	v5 =	vadd.f32 v9, v10  }
0xbb: {  	v12 =	vadd.f32 v18, v12;
	v6 =	vadd.f32 v11, v13  }
0xbc: {  	v0 =	vadd.f32 v1, v0;
	v1 =	vadd.f32 v4, v3  }
0xbd: {  	v2 =	vadd.f32 v2, v12;
	v3 =	vadd.f32 v6, v5;
	_ =	sdelay $0x1  }
0xbe: {  	v0 =	vadd.f32 v1, v0;
	v1 =	vadd.f32 v2, v3;
	_ =	sdelay $0x1  }
0xbf: {  	v0 =	vadd.f32 v1, v0;
	_ =	sdelay $0x1  }
0xc0: {  	s1 =	simm.s32 $0x0;
	[tilespmem:$0x1C100] =	vst v0  }
0xc1: {  	[tilespmem:s1], [sflag:$0x1] =	stream.linear.gather [hbm4b:s7+s1], $0xE000, $0x38;
	[tilespmem:$0x1C800] =	vst v63  }
0xc2: {  	_ =	swait.ge [sflag:s23], $0xE000  }
0xc3: {  	s28 =	sand.u32 $0xF800, s1;
	s1 =	sand.u32 $0x380, s1;
	[sflag:s23] =	ssyncset.done $0x0  }
0xc4: {  	s28 =	sor.u32 s1, s28;
	[sflag:s23] =	ssyncadd.s32 $0xFFFF2000  }
0xc5: {  	v0 =	vld [tilespmem:s28+$0xE450]  }
0xc6: {  	v1 =	vld [tilespmem:s28+$0xE000]  }
0xc7: {  	v4 =	vld [tilespmem:s28+$0xE010]  }
0xc8: {  	v5 =	vld [tilespmem:s28+$0xE020]  }
0xc9: {  	v6 =	vld [tilespmem:s28+$0xE030]  }
0xca: {  	v7 =	vld [tilespmem:s28+$0xE040]  }
0xcb: {  	v9 =	vld [tilespmem:s28+$0xE050]  }
0xcc: {  	v8 =	vimm.f32 $0.0e+00;
	v10 =	vld [tilespmem:s28+$0xE060]  }
0xcd: {  	v14 =	vld [tilespmem:s28+$0xE070];
	v2 =	vadd.f32 v0, v8  }
0xce: {  	v13 =	vimm.f32 $0.0e+00;
	v15 =	vld [tilespmem:s28+$0xE400];
	v3 =	vadd.f32 v1, v8;
	v0 =	vadd.f32 v4, v8  }
0xcf: {  	v11 =	vimm.f32 $0.0e+00;
	v16 =	vld [tilespmem:s28+$0xE410];
	v4 =	vadd.f32 v5, v8;
	v1 =	vadd.f32 v6, v8  }
0xd0: {  	s29 =	simm.s32 $0x80;
	v12 =	vimm.f32 $0.0e+00;
	s1 =	simm.s32 $0x100;
	v17 =	vld [tilespmem:s28+$0xE420];
	v5 =	vadd.f32 v7, v8;
	v6 =	vadd.f32 v9, v8  }
0xd1: {  	s30 =	simm.s32 $0x200;
	s31 =	sand.u32 $0xF800, s1;
	s1 =	sand.u32 $0x380, s29;
	v18 =	vld [tilespmem:s28+$0xE430];
	v7 =	vadd.f32 v10, v8;
	v10 =	vimm.f32 $0.0e+00;
	v9 =	vimm.f32 $0.0e+00  }
.LBB2_8:
0xd2: {  	p0 =	sne.s32 s30, $0xDF00;
	v8 =	vadd.f32 v14, v8;
	v14 =	vld [tilespmem:s28+$0xE440];
	s28 =	sor.u32 s1, s31  }
0xd3: {  	v19 =	vld [tilespmem:s28+$0xE450];
	v10 =	vadd.f32 v15, v10  }
0xd4: {  	v15 =	vld [tilespmem:s28+$0xE000];
	v9 =	vadd.f32 v16, v9  }
0xd5: {  	v16 =	vld [tilespmem:s28+$0xE010];
	v13 =	vadd.f32 v17, v13  }
0xd6: {  	v17 =	vld [tilespmem:s28+$0xE020];
	v11 =	vadd.f32 v18, v11  }
0xd7: {  	v18 =	vld [tilespmem:s28+$0xE030];
	v12 =	vadd.f32 v14, v12  }
0xd8: {  	v20 =	vld [tilespmem:s28+$0xE040];
	v2 =	vadd.f32 v19, v2  }
0xd9: {  	v3 =	vadd.f32 v15, v3;
	v19 =	vld [tilespmem:s28+$0xE050]  }
0xda: {  	v0 =	vadd.f32 v16, v0;
	v21 =	vld [tilespmem:s28+$0xE060]  }
.Ltmp3:
0xdb: {  	v4 =	vadd.f32 v17, v4;
	v14 =	vld [tilespmem:s28+$0xE070];
	(pc) =	sbr.rel @p0 .LBB2_8-.Ltmp3, $4  }
0xdc: {  	v1 =	vadd.f32 v18, v1;
	v15 =	vld [tilespmem:s28+$0xE400]  }
0xdd: {  	v5 =	vadd.f32 v20, v5;
	v16 =	vld [tilespmem:s28+$0xE410]  }
0xde: {  	s29 =	sadd.s32 $0x80, s29;
	v6 =	vadd.f32 v19, v6;
	v17 =	vld [tilespmem:s28+$0xE420]  }
0xdf: {  	s31 =	sand.u32 $0xF800, s30;
	s30 =	sadd.s32 $0x100, s30;
	s1 =	sand.u32 $0x380, s29;
	v7 =	vadd.f32 v21, v7;
	v18 =	vld [tilespmem:s28+$0xE430]  }
0xe0: {  	s1 =	sor.u32 s1, s31;
	v19 =	vld [tilespmem:s28+$0xE440]  }
0xe1: {  	v20 =	vld [tilespmem:s1+$0xE450]  }
0xe2: {  	v21 =	vld [tilespmem:s1+$0xE000]  }
0xe3: {  	v22 =	vld [tilespmem:s1+$0xE010]  }
0xe4: {  	v23 =	vld [tilespmem:s1+$0xE020]  }
0xe5: {  	v24 =	vld [tilespmem:s1+$0xE030]  }
0xe6: {  	v25 =	vld [tilespmem:s1+$0xE040]  }
0xe7: {  	v26 =	vld [tilespmem:s1+$0xE050]  }
0xe8: {  	v27 =	vld [tilespmem:s1+$0xE060]  }
0xe9: {  	v8 =	vadd.f32 v14, v8;
	v28 =	vld [tilespmem:s1+$0xE070];
	v10 =	vadd.f32 v15, v10  }
0xea: {  	v14 =	vld [tilespmem:s1+$0xE400];
	v9 =	vadd.f32 v16, v9;
	v13 =	vadd.f32 v17, v13  }
0xeb: {  	v15 =	vld [tilespmem:s1+$0xE410];
	v11 =	vadd.f32 v18, v11;
	v12 =	vadd.f32 v19, v12  }
0xec: {  	v16 =	vld [tilespmem:s1+$0xE420];
	v2 =	vadd.f32 v20, v2;
	v3 =	vadd.f32 v21, v3  }
0xed: {  	v17 =	vld [tilespmem:s1+$0xE430];
	v0 =	vadd.f32 v22, v0;
	v4 =	vadd.f32 v23, v4  }
0xee: {  	v1 =	vadd.f32 v24, v1;
	v5 =	vadd.f32 v25, v5  }
0xef: {  	v6 =	vadd.f32 v26, v6;
	v7 =	vadd.f32 v27, v7  }
0xf0: {  	v18 =	vld [tilespmem:s1+$0xE440];
	v8 =	vadd.f32 v28, v8;
	v10 =	vadd.f32 v14, v10  }
0xf1: {  	v9 =	vadd.f32 v15, v9;
	v13 =	vadd.f32 v16, v13  }
0xf2: {  	v11 =	vadd.f32 v17, v11;
	v0 =	vadd.f32 v0, v3  }
0xf3: {  	v1 =	vadd.f32 v1, v4;
	v3 =	vadd.f32 v6, v5  }
0xf4: {  	v4 =	vadd.f32 v8, v7;
	v5 =	vadd.f32 v9, v10  }
0xf5: {  	v12 =	vadd.f32 v18, v12;
	v6 =	vadd.f32 v11, v13  }
0xf6: {  	v0 =	vadd.f32 v1, v0;
	v1 =	vadd.f32 v4, v3  }
0xf7: {  	v2 =	vadd.f32 v2, v12;
	v3 =	vadd.f32 v6, v5;
	_ =	sdelay $0x1  }
0xf8: {  	v0 =	vadd.f32 v1, v0;
	v1 =	vadd.f32 v2, v3;
	_ =	sdelay $0x1  }
0xf9: {  	v0 =	vadd.f32 v1, v0;
	_ =	sdelay $0x1  }
0xfa: {  	s1 =	simm.s32 $0x0;
	[tilespmem:$0x1C180] =	vst v0  }
0xfb: {  	[tilespmem:s21], [sflag:$0x2] =	stream.linear.gather [hbm4b:s8+s1], $0xE000, $0x38;
	[tilespmem:$0x1C800] =	vst v63  }
0xfc: {  	_ =	swait.ge [sflag:s22], $0xE000  }
0xfd: {  	s28 =	sand.u32 $0xF800, s1;
	s1 =	sand.u32 $0x380, s1;
	[sflag:s22] =	ssyncset.done $0x0  }
0xfe: {  	s28 =	sor.u32 s1, s28;
	[sflag:s22] =	ssyncadd.s32 $0xFFFF2000  }
0xff: {  	v0 =	vld [tilespmem:s28+$0x450]  }
0x100: {  	v1 =	vld [tilespmem:s28+$0x0]  }
0x101: {  	v4 =	vld [tilespmem:s28+$0x10]  }
0x102: {  	v5 =	vld [tilespmem:s28+$0x20]  }
0x103: {  	v6 =	vld [tilespmem:s28+$0x30]  }
0x104: {  	v7 =	vld [tilespmem:s28+$0x40]  }
0x105: {  	v9 =	vld [tilespmem:s28+$0x50]  }
0x106: {  	v8 =	vimm.f32 $0.0e+00;
	v10 =	vld [tilespmem:s28+$0x60]  }
0x107: {  	v14 =	vld [tilespmem:s28+$0x70];
	v2 =	vadd.f32 v0, v8  }
0x108: {  	v13 =	vimm.f32 $0.0e+00;
	v15 =	vld [tilespmem:s28+$0x400];
	v3 =	vadd.f32 v1, v8;
	v0 =	vadd.f32 v4, v8  }
0x109: {  	v11 =	vimm.f32 $0.0e+00;
	v16 =	vld [tilespmem:s28+$0x410];
	v4 =	vadd.f32 v5, v8;
	v1 =	vadd.f32 v6, v8  }
0x10a: {  	s29 =	simm.s32 $0x80;
	v12 =	vimm.f32 $0.0e+00;
	s1 =	simm.s32 $0x100;
	v17 =	vld [tilespmem:s28+$0x420];
	v5 =	vadd.f32 v7, v8;
	v6 =	vadd.f32 v9, v8  }
0x10b: {  	s30 =	simm.s32 $0x200;
	s31 =	sand.u32 $0xF800, s1;
	s1 =	sand.u32 $0x380, s29;
	v18 =	vld [tilespmem:s28+$0x430];
	v7 =	vadd.f32 v10, v8;
	v10 =	vimm.f32 $0.0e+00;
	v9 =	vimm.f32 $0.0e+00  }
.LBB2_10:
0x10c: {  	p0 =	sne.s32 s30, $0xDF00;
	v8 =	vadd.f32 v14, v8;
	v14 =	vld [tilespmem:s28+$0x440];
	s28 =	sor.u32 s1, s31  }
0x10d: {  	v19 =	vld [tilespmem:s28+$0x450];
	v10 =	vadd.f32 v15, v10  }
0x10e: {  	v15 =	vld [tilespmem:s28+$0x0];
	v9 =	vadd.f32 v16, v9  }
0x10f: {  	v16 =	vld [tilespmem:s28+$0x10];
	v13 =	vadd.f32 v17, v13  }
0x110: {  	v17 =	vld [tilespmem:s28+$0x20];
	v11 =	vadd.f32 v18, v11  }
0x111: {  	v18 =	vld [tilespmem:s28+$0x30];
	v12 =	vadd.f32 v14, v12  }
0x112: {  	v20 =	vld [tilespmem:s28+$0x40];
	v2 =	vadd.f32 v19, v2  }
0x113: {  	v3 =	vadd.f32 v15, v3;
	v19 =	vld [tilespmem:s28+$0x50]  }
0x114: {  	v0 =	vadd.f32 v16, v0;
	v21 =	vld [tilespmem:s28+$0x60]  }
.Ltmp4:
0x115: {  	v4 =	vadd.f32 v17, v4;
	v14 =	vld [tilespmem:s28+$0x70];
	(pc) =	sbr.rel @p0 .LBB2_10-.Ltmp4, $4  }
0x116: {  	v1 =	vadd.f32 v18, v1;
	v15 =	vld [tilespmem:s28+$0x400]  }
0x117: {  	v5 =	vadd.f32 v20, v5;
	v16 =	vld [tilespmem:s28+$0x410]  }
0x118: {  	s29 =	sadd.s32 $0x80, s29;
	v6 =	vadd.f32 v19, v6;
	v17 =	vld [tilespmem:s28+$0x420]  }
0x119: {  	s31 =	sand.u32 $0xF800, s30;
	s30 =	sadd.s32 $0x100, s30;
	s1 =	sand.u32 $0x380, s29;
	v7 =	vadd.f32 v21, v7;
	v18 =	vld [tilespmem:s28+$0x430]  }
0x11a: {  	s1 =	sor.u32 s1, s31;
	v19 =	vld [tilespmem:s28+$0x440]  }
0x11b: {  	v20 =	vld [tilespmem:s1+$0x450]  }
0x11c: {  	v21 =	vld [tilespmem:s1+$0x0]  }
0x11d: {  	v22 =	vld [tilespmem:s1+$0x10]  }
0x11e: {  	v23 =	vld [tilespmem:s1+$0x20]  }
0x11f: {  	v24 =	vld [tilespmem:s1+$0x30]  }
0x120: {  	v25 =	vld [tilespmem:s1+$0x40]  }
0x121: {  	v26 =	vld [tilespmem:s1+$0x50]  }
0x122: {  	v27 =	vld [tilespmem:s1+$0x60]  }
0x123: {  	v8 =	vadd.f32 v14, v8;
	v28 =	vld [tilespmem:s1+$0x70];
	v10 =	vadd.f32 v15, v10  }
0x124: {  	v14 =	vld [tilespmem:s1+$0x400];
	v9 =	vadd.f32 v16, v9;
	v13 =	vadd.f32 v17, v13  }
0x125: {  	v15 =	vld [tilespmem:s1+$0x410];
	v11 =	vadd.f32 v18, v11;
	v12 =	vadd.f32 v19, v12  }
0x126: {  	v16 =	vld [tilespmem:s1+$0x420];
	v2 =	vadd.f32 v20, v2;
	v3 =	vadd.f32 v21, v3  }
0x127: {  	v17 =	vld [tilespmem:s1+$0x430];
	v0 =	vadd.f32 v22, v0;
	v4 =	vadd.f32 v23, v4  }
0x128: {  	v1 =	vadd.f32 v24, v1;
	v5 =	vadd.f32 v25, v5  }
0x129: {  	v6 =	vadd.f32 v26, v6;
	v7 =	vadd.f32 v27, v7  }
0x12a: {  	v18 =	vld [tilespmem:s1+$0x440];
	v8 =	vadd.f32 v28, v8;
	v10 =	vadd.f32 v14, v10  }
0x12b: {  	v9 =	vadd.f32 v15, v9;
	v13 =	vadd.f32 v16, v13  }
0x12c: {  	v11 =	vadd.f32 v17, v11;
	v0 =	vadd.f32 v0, v3  }
0x12d: {  	v1 =	vadd.f32 v1, v4;
	v3 =	vadd.f32 v6, v5  }
0x12e: {  	v4 =	vadd.f32 v8, v7;
	v5 =	vadd.f32 v9, v10  }
0x12f: {  	v12 =	vadd.f32 v18, v12;
	v6 =	vadd.f32 v11, v13  }
0x130: {  	v0 =	vadd.f32 v1, v0;
	v1 =	vadd.f32 v4, v3  }
0x131: {  	v2 =	vadd.f32 v2, v12;
	v3 =	vadd.f32 v6, v5;
	_ =	sdelay $0x1  }
0x132: {  	v0 =	vadd.f32 v1, v0;
	v1 =	vadd.f32 v2, v3;
	_ =	sdelay $0x1  }
0x133: {  	v0 =	vadd.f32 v1, v0;
	_ =	sdelay $0x1  }
0x134: {  	s1 =	simm.s32 $0x0;
	[tilespmem:$0x1C200] =	vst v0  }
0x135: {  	[tilespmem:s1], [sflag:$0x1] =	stream.linear.gather [hbm4b:s9+s1], $0xE000, $0x38;
	[tilespmem:$0x1C800] =	vst v63  }
0x136: {  	_ =	swait.ge [sflag:s23], $0xE000  }
0x137: {  	s28 =	sand.u32 $0xF800, s1;
	s1 =	sand.u32 $0x380, s1;
	[sflag:s23] =	ssyncset.done $0x0  }
0x138: {  	s28 =	sor.u32 s1, s28;
	[sflag:s23] =	ssyncadd.s32 $0xFFFF2000  }
0x139: {  	v0 =	vld [tilespmem:s28+$0xE450]  }
0x13a: {  	v1 =	vld [tilespmem:s28+$0xE000]  }
0x13b: {  	v4 =	vld [tilespmem:s28+$0xE010]  }
0x13c: {  	v5 =	vld [tilespmem:s28+$0xE020]  }
0x13d: {  	v6 =	vld [tilespmem:s28+$0xE030]  }
0x13e: {  	v7 =	vld [tilespmem:s28+$0xE040]  }
0x13f: {  	v9 =	vld [tilespmem:s28+$0xE050]  }
0x140: {  	v8 =	vimm.f32 $0.0e+00;
	v10 =	vld [tilespmem:s28+$0xE060]  }
0x141: {  	v14 =	vld [tilespmem:s28+$0xE070];
	v2 =	vadd.f32 v0, v8  }
0x142: {  	v13 =	vimm.f32 $0.0e+00;
	v15 =	vld [tilespmem:s28+$0xE400];
	v3 =	vadd.f32 v1, v8;
	v0 =	vadd.f32 v4, v8  }
0x143: {  	v11 =	vimm.f32 $0.0e+00;
	v16 =	vld [tilespmem:s28+$0xE410];
	v4 =	vadd.f32 v5, v8;
	v1 =	vadd.f32 v6, v8  }
0x144: {  	s29 =	simm.s32 $0x80;
	v12 =	vimm.f32 $0.0e+00;
	s1 =	simm.s32 $0x100;
	v17 =	vld [tilespmem:s28+$0xE420];
	v5 =	vadd.f32 v7, v8;
	v6 =	vadd.f32 v9, v8  }
0x145: {  	s30 =	simm.s32 $0x200;
	s31 =	sand.u32 $0xF800, s1;
	s1 =	sand.u32 $0x380, s29;
	v18 =	vld [tilespmem:s28+$0xE430];
	v7 =	vadd.f32 v10, v8;
	v10 =	vimm.f32 $0.0e+00;
	v9 =	vimm.f32 $0.0e+00  }
.LBB2_12:
0x146: {  	p0 =	sne.s32 s30, $0xDF00;
	v8 =	vadd.f32 v14, v8;
	v14 =	vld [tilespmem:s28+$0xE440];
	s28 =	sor.u32 s1, s31  }
0x147: {  	v19 =	vld [tilespmem:s28+$0xE450];
	v10 =	vadd.f32 v15, v10  }
0x148: {  	v15 =	vld [tilespmem:s28+$0xE000];
	v9 =	vadd.f32 v16, v9  }
0x149: {  	v16 =	vld [tilespmem:s28+$0xE010];
	v13 =	vadd.f32 v17, v13  }
0x14a: {  	v17 =	vld [tilespmem:s28+$0xE020];
	v11 =	vadd.f32 v18, v11  }
0x14b: {  	v18 =	vld [tilespmem:s28+$0xE030];
	v12 =	vadd.f32 v14, v12  }
0x14c: {  	v20 =	vld [tilespmem:s28+$0xE040];
	v2 =	vadd.f32 v19, v2  }
0x14d: {  	v3 =	vadd.f32 v15, v3;
	v19 =	vld [tilespmem:s28+$0xE050]  }
0x14e: {  	v0 =	vadd.f32 v16, v0;
	v21 =	vld [tilespmem:s28+$0xE060]  }
.Ltmp5:
0x14f: {  	v4 =	vadd.f32 v17, v4;
	v14 =	vld [tilespmem:s28+$0xE070];
	(pc) =	sbr.rel @p0 .LBB2_12-.Ltmp5, $4  }
0x150: {  	v1 =	vadd.f32 v18, v1;
	v15 =	vld [tilespmem:s28+$0xE400]  }
0x151: {  	v5 =	vadd.f32 v20, v5;
	v16 =	vld [tilespmem:s28+$0xE410]  }
0x152: {  	s29 =	sadd.s32 $0x80, s29;
	v6 =	vadd.f32 v19, v6;
	v17 =	vld [tilespmem:s28+$0xE420]  }
0x153: {  	s31 =	sand.u32 $0xF800, s30;
	s30 =	sadd.s32 $0x100, s30;
	s1 =	sand.u32 $0x380, s29;
	v7 =	vadd.f32 v21, v7;
	v18 =	vld [tilespmem:s28+$0xE430]  }
0x154: {  	s1 =	sor.u32 s1, s31;
	v19 =	vld [tilespmem:s28+$0xE440]  }
0x155: {  	v20 =	vld [tilespmem:s1+$0xE450]  }
0x156: {  	v21 =	vld [tilespmem:s1+$0xE000]  }
0x157: {  	v22 =	vld [tilespmem:s1+$0xE010]  }
0x158: {  	v23 =	vld [tilespmem:s1+$0xE020]  }
0x159: {  	v24 =	vld [tilespmem:s1+$0xE030]  }
0x15a: {  	v25 =	vld [tilespmem:s1+$0xE040]  }
0x15b: {  	v26 =	vld [tilespmem:s1+$0xE050]  }
0x15c: {  	v27 =	vld [tilespmem:s1+$0xE060]  }
0x15d: {  	v8 =	vadd.f32 v14, v8;
	v28 =	vld [tilespmem:s1+$0xE070];
	v10 =	vadd.f32 v15, v10  }
0x15e: {  	v14 =	vld [tilespmem:s1+$0xE400];
	v9 =	vadd.f32 v16, v9;
	v13 =	vadd.f32 v17, v13  }
0x15f: {  	v15 =	vld [tilespmem:s1+$0xE410];
	v11 =	vadd.f32 v18, v11;
	v12 =	vadd.f32 v19, v12  }
0x160: {  	v16 =	vld [tilespmem:s1+$0xE420];
	v2 =	vadd.f32 v20, v2;
	v3 =	vadd.f32 v21, v3  }
0x161: {  	v17 =	vld [tilespmem:s1+$0xE430];
	v0 =	vadd.f32 v22, v0;
	v4 =	vadd.f32 v23, v4  }
0x162: {  	v1 =	vadd.f32 v24, v1;
	v5 =	vadd.f32 v25, v5  }
0x163: {  	v6 =	vadd.f32 v26, v6;
	v7 =	vadd.f32 v27, v7  }
0x164: {  	v18 =	vld [tilespmem:s1+$0xE440];
	v8 =	vadd.f32 v28, v8;
	v10 =	vadd.f32 v14, v10  }
0x165: {  	v9 =	vadd.f32 v15, v9;
	v13 =	vadd.f32 v16, v13  }
0x166: {  	v11 =	vadd.f32 v17, v11;
	v0 =	vadd.f32 v0, v3  }
0x167: {  	v1 =	vadd.f32 v1, v4;
	v3 =	vadd.f32 v6, v5  }
0x168: {  	v4 =	vadd.f32 v8, v7;
	v5 =	vadd.f32 v9, v10  }
0x169: {  	v12 =	vadd.f32 v18, v12;
	v6 =	vadd.f32 v11, v13  }
0x16a: {  	v0 =	vadd.f32 v1, v0;
	v1 =	vadd.f32 v4, v3  }
0x16b: {  	v2 =	vadd.f32 v2, v12;
	v3 =	vadd.f32 v6, v5;
	_ =	sdelay $0x1  }
0x16c: {  	v0 =	vadd.f32 v1, v0;
	v1 =	vadd.f32 v2, v3;
	_ =	sdelay $0x1  }
0x16d: {  	v0 =	vadd.f32 v1, v0;
	_ =	sdelay $0x1  }
0x16e: {  	s1 =	simm.s32 $0x0;
	[tilespmem:$0x1C280] =	vst v0  }
0x16f: {  	[tilespmem:s21], [sflag:$0x2] =	stream.linear.gather [hbm4b:s10+s1], $0xE000, $0x38;
	[tilespmem:$0x1C800] =	vst v63  }
0x170: {  	_ =	swait.ge [sflag:s22], $0xE000  }
0x171: {  	s28 =	sand.u32 $0xF800, s1;
	s1 =	sand.u32 $0x380, s1;
	[sflag:s22] =	ssyncset.done $0x0  }
0x172: {  	s28 =	sor.u32 s1, s28;
	[sflag:s22] =	ssyncadd.s32 $0xFFFF2000  }
0x173: {  	v0 =	vld [tilespmem:s28+$0x450]  }
0x174: {  	v1 =	vld [tilespmem:s28+$0x0]  }
0x175: {  	v4 =	vld [tilespmem:s28+$0x10]  }
0x176: {  	v5 =	vld [tilespmem:s28+$0x20]  }
0x177: {  	v6 =	vld [tilespmem:s28+$0x30]  }
0x178: {  	v7 =	vld [tilespmem:s28+$0x40]  }
0x179: {  	v9 =	vld [tilespmem:s28+$0x50]  }
0x17a: {  	v8 =	vimm.f32 $0.0e+00;
	v10 =	vld [tilespmem:s28+$0x60]  }
0x17b: {  	v14 =	vld [tilespmem:s28+$0x70];
	v2 =	vadd.f32 v0, v8  }
0x17c: {  	v13 =	vimm.f32 $0.0e+00;
	v15 =	vld [tilespmem:s28+$0x400];
	v3 =	vadd.f32 v1, v8;
	v0 =	vadd.f32 v4, v8  }
0x17d: {  	v11 =	vimm.f32 $0.0e+00;
	v16 =	vld [tilespmem:s28+$0x410];
	v4 =	vadd.f32 v5, v8;
	v1 =	vadd.f32 v6, v8  }
0x17e: {  	s29 =	simm.s32 $0x80;
	v12 =	vimm.f32 $0.0e+00;
	s1 =	simm.s32 $0x100;
	v17 =	vld [tilespmem:s28+$0x420];
	v5 =	vadd.f32 v7, v8;
	v6 =	vadd.f32 v9, v8  }
0x17f: {  	s30 =	simm.s32 $0x200;
	s31 =	sand.u32 $0xF800, s1;
	s1 =	sand.u32 $0x380, s29;
	v18 =	vld [tilespmem:s28+$0x430];
	v7 =	vadd.f32 v10, v8;
	v10 =	vimm.f32 $0.0e+00;
	v9 =	vimm.f32 $0.0e+00  }
.LBB2_14:
0x180: {  	p0 =	sne.s32 s30, $0xDF00;
	v8 =	vadd.f32 v14, v8;
	v14 =	vld [tilespmem:s28+$0x440];
	s28 =	sor.u32 s1, s31  }
0x181: {  	v19 =	vld [tilespmem:s28+$0x450];
	v10 =	vadd.f32 v15, v10  }
0x182: {  	v15 =	vld [tilespmem:s28+$0x0];
	v9 =	vadd.f32 v16, v9  }
0x183: {  	v16 =	vld [tilespmem:s28+$0x10];
	v13 =	vadd.f32 v17, v13  }
0x184: {  	v17 =	vld [tilespmem:s28+$0x20];
	v11 =	vadd.f32 v18, v11  }
0x185: {  	v18 =	vld [tilespmem:s28+$0x30];
	v12 =	vadd.f32 v14, v12  }
0x186: {  	v20 =	vld [tilespmem:s28+$0x40];
	v2 =	vadd.f32 v19, v2  }
0x187: {  	v3 =	vadd.f32 v15, v3;
	v19 =	vld [tilespmem:s28+$0x50]  }
0x188: {  	v0 =	vadd.f32 v16, v0;
	v21 =	vld [tilespmem:s28+$0x60]  }
.Ltmp6:
0x189: {  	v4 =	vadd.f32 v17, v4;
	v14 =	vld [tilespmem:s28+$0x70];
	(pc) =	sbr.rel @p0 .LBB2_14-.Ltmp6, $4  }
0x18a: {  	v1 =	vadd.f32 v18, v1;
	v15 =	vld [tilespmem:s28+$0x400]  }
0x18b: {  	v5 =	vadd.f32 v20, v5;
	v16 =	vld [tilespmem:s28+$0x410]  }
0x18c: {  	s29 =	sadd.s32 $0x80, s29;
	v6 =	vadd.f32 v19, v6;
	v17 =	vld [tilespmem:s28+$0x420]  }
0x18d: {  	s31 =	sand.u32 $0xF800, s30;
	s30 =	sadd.s32 $0x100, s30;
	s1 =	sand.u32 $0x380, s29;
	v7 =	vadd.f32 v21, v7;
	v18 =	vld [tilespmem:s28+$0x430]  }
0x18e: {  	s1 =	sor.u32 s1, s31;
	v19 =	vld [tilespmem:s28+$0x440]  }
0x18f: {  	v20 =	vld [tilespmem:s1+$0x450]  }
0x190: {  	v21 =	vld [tilespmem:s1+$0x0]  }
0x191: {  	v22 =	vld [tilespmem:s1+$0x10]  }
0x192: {  	v23 =	vld [tilespmem:s1+$0x20]  }
0x193: {  	v24 =	vld [tilespmem:s1+$0x30]  }
0x194: {  	v25 =	vld [tilespmem:s1+$0x40]  }
0x195: {  	v26 =	vld [tilespmem:s1+$0x50]  }
0x196: {  	v27 =	vld [tilespmem:s1+$0x60]  }
0x197: {  	v8 =	vadd.f32 v14, v8;
	v28 =	vld [tilespmem:s1+$0x70];
	v10 =	vadd.f32 v15, v10  }
0x198: {  	v14 =	vld [tilespmem:s1+$0x400];
	v9 =	vadd.f32 v16, v9;
	v13 =	vadd.f32 v17, v13  }
0x199: {  	v15 =	vld [tilespmem:s1+$0x410];
	v11 =	vadd.f32 v18, v11;
	v12 =	vadd.f32 v19, v12  }
0x19a: {  	v16 =	vld [tilespmem:s1+$0x420];
	v2 =	vadd.f32 v20, v2;
	v3 =	vadd.f32 v21, v3  }
0x19b: {  	v17 =	vld [tilespmem:s1+$0x430];
	v0 =	vadd.f32 v22, v0;
	v4 =	vadd.f32 v23, v4  }
0x19c: {  	v1 =	vadd.f32 v24, v1;
	v5 =	vadd.f32 v25, v5  }
0x19d: {  	v6 =	vadd.f32 v26, v6;
	v7 =	vadd.f32 v27, v7  }
0x19e: {  	v18 =	vld [tilespmem:s1+$0x440];
	v8 =	vadd.f32 v28, v8;
	v10 =	vadd.f32 v14, v10  }
0x19f: {  	v9 =	vadd.f32 v15, v9;
	v13 =	vadd.f32 v16, v13  }
0x1a0: {  	v11 =	vadd.f32 v17, v11;
	v0 =	vadd.f32 v0, v3  }
0x1a1: {  	v1 =	vadd.f32 v1, v4;
	v3 =	vadd.f32 v6, v5  }
0x1a2: {  	v4 =	vadd.f32 v8, v7;
	v5 =	vadd.f32 v9, v10  }
0x1a3: {  	v12 =	vadd.f32 v18, v12;
	v6 =	vadd.f32 v11, v13  }
0x1a4: {  	v0 =	vadd.f32 v1, v0;
	v1 =	vadd.f32 v4, v3  }
0x1a5: {  	v2 =	vadd.f32 v2, v12;
	v3 =	vadd.f32 v6, v5;
	_ =	sdelay $0x1  }
0x1a6: {  	v0 =	vadd.f32 v1, v0;
	v1 =	vadd.f32 v2, v3;
	_ =	sdelay $0x1  }
0x1a7: {  	v0 =	vadd.f32 v1, v0;
	_ =	sdelay $0x1  }
0x1a8: {  	s1 =	simm.s32 $0x0;
	[tilespmem:$0x1C300] =	vst v0  }
0x1a9: {  	[tilespmem:s1], [sflag:$0x1] =	stream.linear.gather [hbm4b:s11+s1], $0xE000, $0x38;
	[tilespmem:$0x1C800] =	vst v63  }
0x1aa: {  	_ =	swait.ge [sflag:s23], $0xE000  }
0x1ab: {  	s28 =	sand.u32 $0xF800, s1;
	s1 =	sand.u32 $0x380, s1;
	[sflag:s23] =	ssyncset.done $0x0  }
0x1ac: {  	s28 =	sor.u32 s1, s28;
	[sflag:s23] =	ssyncadd.s32 $0xFFFF2000  }
0x1ad: {  	v0 =	vld [tilespmem:s28+$0xE450]  }
0x1ae: {  	v1 =	vld [tilespmem:s28+$0xE000]  }
0x1af: {  	v4 =	vld [tilespmem:s28+$0xE010]  }
0x1b0: {  	v5 =	vld [tilespmem:s28+$0xE020]  }
0x1b1: {  	v6 =	vld [tilespmem:s28+$0xE030]  }
0x1b2: {  	v7 =	vld [tilespmem:s28+$0xE040]  }
0x1b3: {  	v9 =	vld [tilespmem:s28+$0xE050]  }
0x1b4: {  	v8 =	vimm.f32 $0.0e+00;
	v10 =	vld [tilespmem:s28+$0xE060]  }
0x1b5: {  	v14 =	vld [tilespmem:s28+$0xE070];
	v2 =	vadd.f32 v0, v8  }
0x1b6: {  	v13 =	vimm.f32 $0.0e+00;
	v15 =	vld [tilespmem:s28+$0xE400];
	v3 =	vadd.f32 v1, v8;
	v0 =	vadd.f32 v4, v8  }
0x1b7: {  	v11 =	vimm.f32 $0.0e+00;
	v16 =	vld [tilespmem:s28+$0xE410];
	v4 =	vadd.f32 v5, v8;
	v1 =	vadd.f32 v6, v8  }
0x1b8: {  	s29 =	simm.s32 $0x80;
	v12 =	vimm.f32 $0.0e+00;
	s1 =	simm.s32 $0x100;
	v17 =	vld [tilespmem:s28+$0xE420];
	v5 =	vadd.f32 v7, v8;
	v6 =	vadd.f32 v9, v8  }
0x1b9: {  	s30 =	simm.s32 $0x200;
	s31 =	sand.u32 $0xF800, s1;
	s1 =	sand.u32 $0x380, s29;
	v18 =	vld [tilespmem:s28+$0xE430];
	v7 =	vadd.f32 v10, v8;
	v10 =	vimm.f32 $0.0e+00;
	v9 =	vimm.f32 $0.0e+00  }
.LBB2_16:
0x1ba: {  	p0 =	sne.s32 s30, $0xDF00;
	v8 =	vadd.f32 v14, v8;
	v14 =	vld [tilespmem:s28+$0xE440];
	s28 =	sor.u32 s1, s31  }
0x1bb: {  	v19 =	vld [tilespmem:s28+$0xE450];
	v10 =	vadd.f32 v15, v10  }
0x1bc: {  	v15 =	vld [tilespmem:s28+$0xE000];
	v9 =	vadd.f32 v16, v9  }
0x1bd: {  	v16 =	vld [tilespmem:s28+$0xE010];
	v13 =	vadd.f32 v17, v13  }
0x1be: {  	v17 =	vld [tilespmem:s28+$0xE020];
	v11 =	vadd.f32 v18, v11  }
0x1bf: {  	v18 =	vld [tilespmem:s28+$0xE030];
	v12 =	vadd.f32 v14, v12  }
0x1c0: {  	v20 =	vld [tilespmem:s28+$0xE040];
	v2 =	vadd.f32 v19, v2  }
0x1c1: {  	v3 =	vadd.f32 v15, v3;
	v19 =	vld [tilespmem:s28+$0xE050]  }
0x1c2: {  	v0 =	vadd.f32 v16, v0;
	v21 =	vld [tilespmem:s28+$0xE060]  }
.Ltmp7:
0x1c3: {  	v4 =	vadd.f32 v17, v4;
	v14 =	vld [tilespmem:s28+$0xE070];
	(pc) =	sbr.rel @p0 .LBB2_16-.Ltmp7, $4  }
0x1c4: {  	v1 =	vadd.f32 v18, v1;
	v15 =	vld [tilespmem:s28+$0xE400]  }
0x1c5: {  	v5 =	vadd.f32 v20, v5;
	v16 =	vld [tilespmem:s28+$0xE410]  }
0x1c6: {  	s29 =	sadd.s32 $0x80, s29;
	v6 =	vadd.f32 v19, v6;
	v17 =	vld [tilespmem:s28+$0xE420]  }
0x1c7: {  	s31 =	sand.u32 $0xF800, s30;
	s30 =	sadd.s32 $0x100, s30;
	s1 =	sand.u32 $0x380, s29;
	v7 =	vadd.f32 v21, v7;
	v18 =	vld [tilespmem:s28+$0xE430]  }
0x1c8: {  	s1 =	sor.u32 s1, s31;
	v19 =	vld [tilespmem:s28+$0xE440]  }
0x1c9: {  	v20 =	vld [tilespmem:s1+$0xE450]  }
0x1ca: {  	v21 =	vld [tilespmem:s1+$0xE000]  }
0x1cb: {  	v22 =	vld [tilespmem:s1+$0xE010]  }
0x1cc: {  	v23 =	vld [tilespmem:s1+$0xE020]  }
0x1cd: {  	v24 =	vld [tilespmem:s1+$0xE030]  }
0x1ce: {  	v25 =	vld [tilespmem:s1+$0xE040]  }
0x1cf: {  	v26 =	vld [tilespmem:s1+$0xE050]  }
0x1d0: {  	v27 =	vld [tilespmem:s1+$0xE060]  }
0x1d1: {  	v8 =	vadd.f32 v14, v8;
	v28 =	vld [tilespmem:s1+$0xE070];
	v10 =	vadd.f32 v15, v10  }
0x1d2: {  	v14 =	vld [tilespmem:s1+$0xE400];
	v9 =	vadd.f32 v16, v9;
	v13 =	vadd.f32 v17, v13  }
0x1d3: {  	v15 =	vld [tilespmem:s1+$0xE410];
	v11 =	vadd.f32 v18, v11;
	v12 =	vadd.f32 v19, v12  }
0x1d4: {  	v16 =	vld [tilespmem:s1+$0xE420];
	v2 =	vadd.f32 v20, v2;
	v3 =	vadd.f32 v21, v3  }
0x1d5: {  	v17 =	vld [tilespmem:s1+$0xE430];
	v0 =	vadd.f32 v22, v0;
	v4 =	vadd.f32 v23, v4  }
0x1d6: {  	v1 =	vadd.f32 v24, v1;
	v5 =	vadd.f32 v25, v5  }
0x1d7: {  	v6 =	vadd.f32 v26, v6;
	v7 =	vadd.f32 v27, v7  }
0x1d8: {  	v18 =	vld [tilespmem:s1+$0xE440];
	v8 =	vadd.f32 v28, v8;
	v10 =	vadd.f32 v14, v10  }
0x1d9: {  	v9 =	vadd.f32 v15, v9;
	v13 =	vadd.f32 v16, v13  }
0x1da: {  	v11 =	vadd.f32 v17, v11;
	v0 =	vadd.f32 v0, v3  }
0x1db: {  	v1 =	vadd.f32 v1, v4;
	v3 =	vadd.f32 v6, v5  }
0x1dc: {  	v4 =	vadd.f32 v8, v7;
	v5 =	vadd.f32 v9, v10  }
0x1dd: {  	v12 =	vadd.f32 v18, v12;
	v6 =	vadd.f32 v11, v13  }
0x1de: {  	v0 =	vadd.f32 v1, v0;
	v1 =	vadd.f32 v4, v3  }
0x1df: {  	v2 =	vadd.f32 v2, v12;
	v3 =	vadd.f32 v6, v5;
	_ =	sdelay $0x1  }
0x1e0: {  	v0 =	vadd.f32 v1, v0;
	v1 =	vadd.f32 v2, v3;
	_ =	sdelay $0x1  }
0x1e1: {  	v0 =	vadd.f32 v1, v0;
	_ =	sdelay $0x1  }
0x1e2: {  	s1 =	simm.s32 $0x0;
	[tilespmem:$0x1C380] =	vst v0  }
0x1e3: {  	[tilespmem:s21], [sflag:$0x2] =	stream.linear.gather [hbm4b:s12+s1], $0xE000, $0x38;
	[tilespmem:$0x1C800] =	vst v63  }
0x1e4: {  	_ =	swait.ge [sflag:s22], $0xE000  }
0x1e5: {  	s28 =	sand.u32 $0xF800, s1;
	s1 =	sand.u32 $0x380, s1;
	[sflag:s22] =	ssyncset.done $0x0  }
0x1e6: {  	s28 =	sor.u32 s1, s28;
	[sflag:s22] =	ssyncadd.s32 $0xFFFF2000  }
0x1e7: {  	v0 =	vld [tilespmem:s28+$0x450]  }
0x1e8: {  	v1 =	vld [tilespmem:s28+$0x0]  }
0x1e9: {  	v4 =	vld [tilespmem:s28+$0x10]  }
0x1ea: {  	v5 =	vld [tilespmem:s28+$0x20]  }
0x1eb: {  	v6 =	vld [tilespmem:s28+$0x30]  }
0x1ec: {  	v7 =	vld [tilespmem:s28+$0x40]  }
0x1ed: {  	v9 =	vld [tilespmem:s28+$0x50]  }
0x1ee: {  	v8 =	vimm.f32 $0.0e+00;
	v10 =	vld [tilespmem:s28+$0x60]  }
0x1ef: {  	v14 =	vld [tilespmem:s28+$0x70];
	v2 =	vadd.f32 v0, v8  }
0x1f0: {  	v13 =	vimm.f32 $0.0e+00;
	v15 =	vld [tilespmem:s28+$0x400];
	v3 =	vadd.f32 v1, v8;
	v0 =	vadd.f32 v4, v8  }
0x1f1: {  	v11 =	vimm.f32 $0.0e+00;
	v16 =	vld [tilespmem:s28+$0x410];
	v4 =	vadd.f32 v5, v8;
	v1 =	vadd.f32 v6, v8  }
0x1f2: {  	s29 =	simm.s32 $0x80;
	v12 =	vimm.f32 $0.0e+00;
	s1 =	simm.s32 $0x100;
	v17 =	vld [tilespmem:s28+$0x420];
	v5 =	vadd.f32 v7, v8;
	v6 =	vadd.f32 v9, v8  }
0x1f3: {  	s30 =	simm.s32 $0x200;
	s31 =	sand.u32 $0xF800, s1;
	s1 =	sand.u32 $0x380, s29;
	v18 =	vld [tilespmem:s28+$0x430];
	v7 =	vadd.f32 v10, v8;
	v10 =	vimm.f32 $0.0e+00;
	v9 =	vimm.f32 $0.0e+00  }
.LBB2_18:
0x1f4: {  	p0 =	sne.s32 s30, $0xDF00;
	v8 =	vadd.f32 v14, v8;
	v14 =	vld [tilespmem:s28+$0x440];
	s28 =	sor.u32 s1, s31  }
0x1f5: {  	v19 =	vld [tilespmem:s28+$0x450];
	v10 =	vadd.f32 v15, v10  }
0x1f6: {  	v15 =	vld [tilespmem:s28+$0x0];
	v9 =	vadd.f32 v16, v9  }
0x1f7: {  	v16 =	vld [tilespmem:s28+$0x10];
	v13 =	vadd.f32 v17, v13  }
0x1f8: {  	v17 =	vld [tilespmem:s28+$0x20];
	v11 =	vadd.f32 v18, v11  }
0x1f9: {  	v18 =	vld [tilespmem:s28+$0x30];
	v12 =	vadd.f32 v14, v12  }
0x1fa: {  	v20 =	vld [tilespmem:s28+$0x40];
	v2 =	vadd.f32 v19, v2  }
0x1fb: {  	v3 =	vadd.f32 v15, v3;
	v19 =	vld [tilespmem:s28+$0x50]  }
0x1fc: {  	v0 =	vadd.f32 v16, v0;
	v21 =	vld [tilespmem:s28+$0x60]  }
.Ltmp8:
0x1fd: {  	v4 =	vadd.f32 v17, v4;
	v14 =	vld [tilespmem:s28+$0x70];
	(pc) =	sbr.rel @p0 .LBB2_18-.Ltmp8, $4  }
0x1fe: {  	v1 =	vadd.f32 v18, v1;
	v15 =	vld [tilespmem:s28+$0x400]  }
0x1ff: {  	v5 =	vadd.f32 v20, v5;
	v16 =	vld [tilespmem:s28+$0x410]  }
0x200: {  	s29 =	sadd.s32 $0x80, s29;
	v6 =	vadd.f32 v19, v6;
	v17 =	vld [tilespmem:s28+$0x420]  }
0x201: {  	s31 =	sand.u32 $0xF800, s30;
	s30 =	sadd.s32 $0x100, s30;
	s1 =	sand.u32 $0x380, s29;
	v7 =	vadd.f32 v21, v7;
	v18 =	vld [tilespmem:s28+$0x430]  }
0x202: {  	s1 =	sor.u32 s1, s31;
	v19 =	vld [tilespmem:s28+$0x440]  }
0x203: {  	v20 =	vld [tilespmem:s1+$0x450]  }
0x204: {  	v21 =	vld [tilespmem:s1+$0x0]  }
0x205: {  	v22 =	vld [tilespmem:s1+$0x10]  }
0x206: {  	v23 =	vld [tilespmem:s1+$0x20]  }
0x207: {  	v24 =	vld [tilespmem:s1+$0x30]  }
0x208: {  	v25 =	vld [tilespmem:s1+$0x40]  }
0x209: {  	v26 =	vld [tilespmem:s1+$0x50]  }
0x20a: {  	v27 =	vld [tilespmem:s1+$0x60]  }
0x20b: {  	v8 =	vadd.f32 v14, v8;
	v28 =	vld [tilespmem:s1+$0x70];
	v10 =	vadd.f32 v15, v10  }
0x20c: {  	v14 =	vld [tilespmem:s1+$0x400];
	v9 =	vadd.f32 v16, v9;
	v13 =	vadd.f32 v17, v13  }
0x20d: {  	v15 =	vld [tilespmem:s1+$0x410];
	v11 =	vadd.f32 v18, v11;
	v12 =	vadd.f32 v19, v12  }
0x20e: {  	v16 =	vld [tilespmem:s1+$0x420];
	v2 =	vadd.f32 v20, v2;
	v3 =	vadd.f32 v21, v3  }
0x20f: {  	v17 =	vld [tilespmem:s1+$0x430];
	v0 =	vadd.f32 v22, v0;
	v4 =	vadd.f32 v23, v4  }
0x210: {  	v1 =	vadd.f32 v24, v1;
	v5 =	vadd.f32 v25, v5  }
0x211: {  	v6 =	vadd.f32 v26, v6;
	v7 =	vadd.f32 v27, v7  }
0x212: {  	v18 =	vld [tilespmem:s1+$0x440];
	v8 =	vadd.f32 v28, v8;
	v10 =	vadd.f32 v14, v10  }
0x213: {  	v9 =	vadd.f32 v15, v9;
	v13 =	vadd.f32 v16, v13  }
0x214: {  	v11 =	vadd.f32 v17, v11;
	v0 =	vadd.f32 v0, v3  }
0x215: {  	v1 =	vadd.f32 v1, v4;
	v3 =	vadd.f32 v6, v5  }
0x216: {  	v4 =	vadd.f32 v8, v7;
	v5 =	vadd.f32 v9, v10  }
0x217: {  	v12 =	vadd.f32 v18, v12;
	v6 =	vadd.f32 v11, v13  }
0x218: {  	v0 =	vadd.f32 v1, v0;
	v1 =	vadd.f32 v4, v3  }
0x219: {  	v2 =	vadd.f32 v2, v12;
	v3 =	vadd.f32 v6, v5;
	_ =	sdelay $0x1  }
0x21a: {  	v0 =	vadd.f32 v1, v0;
	v1 =	vadd.f32 v2, v3;
	_ =	sdelay $0x1  }
0x21b: {  	v0 =	vadd.f32 v1, v0;
	_ =	sdelay $0x1  }
0x21c: {  	s1 =	simm.s32 $0x0;
	[tilespmem:$0x1C400] =	vst v0  }
0x21d: {  	[tilespmem:s1], [sflag:$0x1] =	stream.linear.gather [hbm4b:s13+s1], $0xE000, $0x38;
	[tilespmem:$0x1C800] =	vst v63  }
0x21e: {  	_ =	swait.ge [sflag:s23], $0xE000  }
0x21f: {  	s28 =	sand.u32 $0xF800, s1;
	s1 =	sand.u32 $0x380, s1;
	[sflag:s23] =	ssyncset.done $0x0  }
0x220: {  	s28 =	sor.u32 s1, s28;
	[sflag:s23] =	ssyncadd.s32 $0xFFFF2000  }
0x221: {  	v0 =	vld [tilespmem:s28+$0xE450]  }
0x222: {  	v1 =	vld [tilespmem:s28+$0xE000]  }
0x223: {  	v4 =	vld [tilespmem:s28+$0xE010]  }
0x224: {  	v5 =	vld [tilespmem:s28+$0xE020]  }
0x225: {  	v6 =	vld [tilespmem:s28+$0xE030]  }
0x226: {  	v7 =	vld [tilespmem:s28+$0xE040]  }
0x227: {  	v9 =	vld [tilespmem:s28+$0xE050]  }
0x228: {  	v8 =	vimm.f32 $0.0e+00;
	v10 =	vld [tilespmem:s28+$0xE060]  }
0x229: {  	v14 =	vld [tilespmem:s28+$0xE070];
	v2 =	vadd.f32 v0, v8  }
0x22a: {  	v13 =	vimm.f32 $0.0e+00;
	v15 =	vld [tilespmem:s28+$0xE400];
	v3 =	vadd.f32 v1, v8;
	v0 =	vadd.f32 v4, v8  }
0x22b: {  	v11 =	vimm.f32 $0.0e+00;
	v16 =	vld [tilespmem:s28+$0xE410];
	v4 =	vadd.f32 v5, v8;
	v1 =	vadd.f32 v6, v8  }
0x22c: {  	s29 =	simm.s32 $0x80;
	v12 =	vimm.f32 $0.0e+00;
	s1 =	simm.s32 $0x100;
	v17 =	vld [tilespmem:s28+$0xE420];
	v5 =	vadd.f32 v7, v8;
	v6 =	vadd.f32 v9, v8  }
0x22d: {  	s30 =	simm.s32 $0x200;
	s31 =	sand.u32 $0xF800, s1;
	s1 =	sand.u32 $0x380, s29;
	v18 =	vld [tilespmem:s28+$0xE430];
	v7 =	vadd.f32 v10, v8;
	v10 =	vimm.f32 $0.0e+00;
	v9 =	vimm.f32 $0.0e+00  }
.LBB2_20:
0x22e: {  	p0 =	sne.s32 s30, $0xDF00;
	v8 =	vadd.f32 v14, v8;
	v14 =	vld [tilespmem:s28+$0xE440];
	s28 =	sor.u32 s1, s31  }
0x22f: {  	v19 =	vld [tilespmem:s28+$0xE450];
	v10 =	vadd.f32 v15, v10  }
0x230: {  	v15 =	vld [tilespmem:s28+$0xE000];
	v9 =	vadd.f32 v16, v9  }
0x231: {  	v16 =	vld [tilespmem:s28+$0xE010];
	v13 =	vadd.f32 v17, v13  }
0x232: {  	v17 =	vld [tilespmem:s28+$0xE020];
	v11 =	vadd.f32 v18, v11  }
0x233: {  	v18 =	vld [tilespmem:s28+$0xE030];
	v12 =	vadd.f32 v14, v12  }
0x234: {  	v20 =	vld [tilespmem:s28+$0xE040];
	v2 =	vadd.f32 v19, v2  }
0x235: {  	v3 =	vadd.f32 v15, v3;
	v19 =	vld [tilespmem:s28+$0xE050]  }
0x236: {  	v0 =	vadd.f32 v16, v0;
	v21 =	vld [tilespmem:s28+$0xE060]  }
.Ltmp9:
0x237: {  	v4 =	vadd.f32 v17, v4;
	v14 =	vld [tilespmem:s28+$0xE070];
	(pc) =	sbr.rel @p0 .LBB2_20-.Ltmp9, $4  }
0x238: {  	v1 =	vadd.f32 v18, v1;
	v15 =	vld [tilespmem:s28+$0xE400]  }
0x239: {  	v5 =	vadd.f32 v20, v5;
	v16 =	vld [tilespmem:s28+$0xE410]  }
0x23a: {  	s29 =	sadd.s32 $0x80, s29;
	v6 =	vadd.f32 v19, v6;
	v17 =	vld [tilespmem:s28+$0xE420]  }
0x23b: {  	s31 =	sand.u32 $0xF800, s30;
	s30 =	sadd.s32 $0x100, s30;
	s1 =	sand.u32 $0x380, s29;
	v7 =	vadd.f32 v21, v7;
	v18 =	vld [tilespmem:s28+$0xE430]  }
0x23c: {  	s1 =	sor.u32 s1, s31;
	v19 =	vld [tilespmem:s28+$0xE440]  }
0x23d: {  	v20 =	vld [tilespmem:s1+$0xE450]  }
0x23e: {  	v21 =	vld [tilespmem:s1+$0xE000]  }
0x23f: {  	v22 =	vld [tilespmem:s1+$0xE010]  }
0x240: {  	v23 =	vld [tilespmem:s1+$0xE020]  }
0x241: {  	v24 =	vld [tilespmem:s1+$0xE030]  }
0x242: {  	v25 =	vld [tilespmem:s1+$0xE040]  }
0x243: {  	v26 =	vld [tilespmem:s1+$0xE050]  }
0x244: {  	v27 =	vld [tilespmem:s1+$0xE060]  }
0x245: {  	v8 =	vadd.f32 v14, v8;
	v28 =	vld [tilespmem:s1+$0xE070];
	v10 =	vadd.f32 v15, v10  }
0x246: {  	v14 =	vld [tilespmem:s1+$0xE400];
	v9 =	vadd.f32 v16, v9;
	v13 =	vadd.f32 v17, v13  }
0x247: {  	v15 =	vld [tilespmem:s1+$0xE410];
	v11 =	vadd.f32 v18, v11;
	v12 =	vadd.f32 v19, v12  }
0x248: {  	v16 =	vld [tilespmem:s1+$0xE420];
	v2 =	vadd.f32 v20, v2;
	v3 =	vadd.f32 v21, v3  }
0x249: {  	v17 =	vld [tilespmem:s1+$0xE430];
	v0 =	vadd.f32 v22, v0;
	v4 =	vadd.f32 v23, v4  }
0x24a: {  	v1 =	vadd.f32 v24, v1;
	v5 =	vadd.f32 v25, v5  }
0x24b: {  	v6 =	vadd.f32 v26, v6;
	v7 =	vadd.f32 v27, v7  }
0x24c: {  	v18 =	vld [tilespmem:s1+$0xE440];
	v8 =	vadd.f32 v28, v8;
	v10 =	vadd.f32 v14, v10  }
0x24d: {  	v9 =	vadd.f32 v15, v9;
	v13 =	vadd.f32 v16, v13  }
0x24e: {  	v11 =	vadd.f32 v17, v11;
	v0 =	vadd.f32 v0, v3  }
0x24f: {  	v1 =	vadd.f32 v1, v4;
	v3 =	vadd.f32 v6, v5  }
0x250: {  	v4 =	vadd.f32 v8, v7;
	v5 =	vadd.f32 v9, v10  }
0x251: {  	v12 =	vadd.f32 v18, v12;
	v6 =	vadd.f32 v11, v13  }
0x252: {  	v0 =	vadd.f32 v1, v0;
	v1 =	vadd.f32 v4, v3  }
0x253: {  	v2 =	vadd.f32 v2, v12;
	v3 =	vadd.f32 v6, v5;
	_ =	sdelay $0x1  }
0x254: {  	v0 =	vadd.f32 v1, v0;
	v1 =	vadd.f32 v2, v3;
	_ =	sdelay $0x1  }
0x255: {  	v0 =	vadd.f32 v1, v0;
	_ =	sdelay $0x1  }
0x256: {  	s1 =	simm.s32 $0x0;
	[tilespmem:$0x1C480] =	vst v0  }
0x257: {  	[tilespmem:s21], [sflag:$0x2] =	stream.linear.gather [hbm4b:s14+s1], $0xE000, $0x38;
	[tilespmem:$0x1C800] =	vst v63  }
0x258: {  	_ =	swait.ge [sflag:s22], $0xE000  }
0x259: {  	s28 =	sand.u32 $0xF800, s1;
	s1 =	sand.u32 $0x380, s1;
	[sflag:s22] =	ssyncset.done $0x0  }
0x25a: {  	s28 =	sor.u32 s1, s28;
	[sflag:s22] =	ssyncadd.s32 $0xFFFF2000  }
0x25b: {  	v0 =	vld [tilespmem:s28+$0x450]  }
0x25c: {  	v1 =	vld [tilespmem:s28+$0x0]  }
0x25d: {  	v4 =	vld [tilespmem:s28+$0x10]  }
0x25e: {  	v5 =	vld [tilespmem:s28+$0x20]  }
0x25f: {  	v6 =	vld [tilespmem:s28+$0x30]  }
0x260: {  	v7 =	vld [tilespmem:s28+$0x40]  }
0x261: {  	v9 =	vld [tilespmem:s28+$0x50]  }
0x262: {  	v8 =	vimm.f32 $0.0e+00;
	v10 =	vld [tilespmem:s28+$0x60]  }
0x263: {  	v14 =	vld [tilespmem:s28+$0x70];
	v2 =	vadd.f32 v0, v8  }
0x264: {  	v13 =	vimm.f32 $0.0e+00;
	v15 =	vld [tilespmem:s28+$0x400];
	v3 =	vadd.f32 v1, v8;
	v0 =	vadd.f32 v4, v8  }
0x265: {  	v11 =	vimm.f32 $0.0e+00;
	v16 =	vld [tilespmem:s28+$0x410];
	v4 =	vadd.f32 v5, v8;
	v1 =	vadd.f32 v6, v8  }
0x266: {  	s29 =	simm.s32 $0x80;
	v12 =	vimm.f32 $0.0e+00;
	s1 =	simm.s32 $0x100;
	v17 =	vld [tilespmem:s28+$0x420];
	v5 =	vadd.f32 v7, v8;
	v6 =	vadd.f32 v9, v8  }
0x267: {  	s30 =	simm.s32 $0x200;
	s31 =	sand.u32 $0xF800, s1;
	s1 =	sand.u32 $0x380, s29;
	v18 =	vld [tilespmem:s28+$0x430];
	v7 =	vadd.f32 v10, v8;
	v10 =	vimm.f32 $0.0e+00;
	v9 =	vimm.f32 $0.0e+00  }
.LBB2_22:
0x268: {  	p0 =	sne.s32 s30, $0xDF00;
	v8 =	vadd.f32 v14, v8;
	v14 =	vld [tilespmem:s28+$0x440];
	s28 =	sor.u32 s1, s31  }
0x269: {  	v19 =	vld [tilespmem:s28+$0x450];
	v10 =	vadd.f32 v15, v10  }
0x26a: {  	v15 =	vld [tilespmem:s28+$0x0];
	v9 =	vadd.f32 v16, v9  }
0x26b: {  	v16 =	vld [tilespmem:s28+$0x10];
	v13 =	vadd.f32 v17, v13  }
0x26c: {  	v17 =	vld [tilespmem:s28+$0x20];
	v11 =	vadd.f32 v18, v11  }
0x26d: {  	v18 =	vld [tilespmem:s28+$0x30];
	v12 =	vadd.f32 v14, v12  }
0x26e: {  	v20 =	vld [tilespmem:s28+$0x40];
	v2 =	vadd.f32 v19, v2  }
0x26f: {  	v3 =	vadd.f32 v15, v3;
	v19 =	vld [tilespmem:s28+$0x50]  }
0x270: {  	v0 =	vadd.f32 v16, v0;
	v21 =	vld [tilespmem:s28+$0x60]  }
.Ltmp10:
0x271: {  	v4 =	vadd.f32 v17, v4;
	v14 =	vld [tilespmem:s28+$0x70];
	(pc) =	sbr.rel @p0 .LBB2_22-.Ltmp10, $4  }
0x272: {  	v1 =	vadd.f32 v18, v1;
	v15 =	vld [tilespmem:s28+$0x400]  }
0x273: {  	v5 =	vadd.f32 v20, v5;
	v16 =	vld [tilespmem:s28+$0x410]  }
0x274: {  	s29 =	sadd.s32 $0x80, s29;
	v6 =	vadd.f32 v19, v6;
	v17 =	vld [tilespmem:s28+$0x420]  }
0x275: {  	s31 =	sand.u32 $0xF800, s30;
	s30 =	sadd.s32 $0x100, s30;
	s1 =	sand.u32 $0x380, s29;
	v7 =	vadd.f32 v21, v7;
	v18 =	vld [tilespmem:s28+$0x430]  }
0x276: {  	s1 =	sor.u32 s1, s31;
	v19 =	vld [tilespmem:s28+$0x440]  }
0x277: {  	v20 =	vld [tilespmem:s1+$0x450]  }
0x278: {  	v21 =	vld [tilespmem:s1+$0x0]  }
0x279: {  	v22 =	vld [tilespmem:s1+$0x10]  }
0x27a: {  	v23 =	vld [tilespmem:s1+$0x20]  }
0x27b: {  	v24 =	vld [tilespmem:s1+$0x30]  }
0x27c: {  	v25 =	vld [tilespmem:s1+$0x40]  }
0x27d: {  	v26 =	vld [tilespmem:s1+$0x50]  }
0x27e: {  	v27 =	vld [tilespmem:s1+$0x60]  }
0x27f: {  	v8 =	vadd.f32 v14, v8;
	v28 =	vld [tilespmem:s1+$0x70];
	v10 =	vadd.f32 v15, v10  }
0x280: {  	v14 =	vld [tilespmem:s1+$0x400];
	v9 =	vadd.f32 v16, v9;
	v13 =	vadd.f32 v17, v13  }
0x281: {  	v15 =	vld [tilespmem:s1+$0x410];
	v11 =	vadd.f32 v18, v11;
	v12 =	vadd.f32 v19, v12  }
0x282: {  	v16 =	vld [tilespmem:s1+$0x420];
	v2 =	vadd.f32 v20, v2;
	v3 =	vadd.f32 v21, v3  }
0x283: {  	v17 =	vld [tilespmem:s1+$0x430];
	v0 =	vadd.f32 v22, v0;
	v4 =	vadd.f32 v23, v4  }
0x284: {  	v1 =	vadd.f32 v24, v1;
	v5 =	vadd.f32 v25, v5  }
0x285: {  	v6 =	vadd.f32 v26, v6;
	v7 =	vadd.f32 v27, v7  }
0x286: {  	v18 =	vld [tilespmem:s1+$0x440];
	v8 =	vadd.f32 v28, v8;
	v10 =	vadd.f32 v14, v10  }
0x287: {  	v9 =	vadd.f32 v15, v9;
	v13 =	vadd.f32 v16, v13  }
0x288: {  	v11 =	vadd.f32 v17, v11;
	v0 =	vadd.f32 v0, v3  }
0x289: {  	v1 =	vadd.f32 v1, v4;
	v3 =	vadd.f32 v6, v5  }
0x28a: {  	v4 =	vadd.f32 v8, v7;
	v5 =	vadd.f32 v9, v10  }
0x28b: {  	v12 =	vadd.f32 v18, v12;
	v6 =	vadd.f32 v11, v13  }
0x28c: {  	v0 =	vadd.f32 v1, v0;
	v1 =	vadd.f32 v4, v3  }
0x28d: {  	v2 =	vadd.f32 v2, v12;
	v3 =	vadd.f32 v6, v5;
	_ =	sdelay $0x1  }
0x28e: {  	v0 =	vadd.f32 v1, v0;
	v1 =	vadd.f32 v2, v3;
	_ =	sdelay $0x1  }
0x28f: {  	v0 =	vadd.f32 v1, v0;
	_ =	sdelay $0x1  }
0x290: {  	s1 =	simm.s32 $0x0;
	[tilespmem:$0x1C500] =	vst v0  }
0x291: {  	[tilespmem:s1], [sflag:$0x1] =	stream.linear.gather [hbm4b:s15+s1], $0xE000, $0x38;
	[tilespmem:$0x1C800] =	vst v63  }
0x292: {  	_ =	swait.ge [sflag:s23], $0xE000  }
0x293: {  	s28 =	sand.u32 $0xF800, s1;
	s1 =	sand.u32 $0x380, s1;
	[sflag:s23] =	ssyncset.done $0x0  }
0x294: {  	s28 =	sor.u32 s1, s28;
	[sflag:s23] =	ssyncadd.s32 $0xFFFF2000  }
0x295: {  	v0 =	vld [tilespmem:s28+$0xE450]  }
0x296: {  	v1 =	vld [tilespmem:s28+$0xE000]  }
0x297: {  	v4 =	vld [tilespmem:s28+$0xE010]  }
0x298: {  	v5 =	vld [tilespmem:s28+$0xE020]  }
0x299: {  	v6 =	vld [tilespmem:s28+$0xE030]  }
0x29a: {  	v7 =	vld [tilespmem:s28+$0xE040]  }
0x29b: {  	v9 =	vld [tilespmem:s28+$0xE050]  }
0x29c: {  	v8 =	vimm.f32 $0.0e+00;
	v10 =	vld [tilespmem:s28+$0xE060]  }
0x29d: {  	v14 =	vld [tilespmem:s28+$0xE070];
	v2 =	vadd.f32 v0, v8  }
0x29e: {  	v13 =	vimm.f32 $0.0e+00;
	v15 =	vld [tilespmem:s28+$0xE400];
	v3 =	vadd.f32 v1, v8;
	v0 =	vadd.f32 v4, v8  }
0x29f: {  	v11 =	vimm.f32 $0.0e+00;
	v16 =	vld [tilespmem:s28+$0xE410];
	v4 =	vadd.f32 v5, v8;
	v1 =	vadd.f32 v6, v8  }
0x2a0: {  	s29 =	simm.s32 $0x80;
	v12 =	vimm.f32 $0.0e+00;
	s1 =	simm.s32 $0x100;
	v17 =	vld [tilespmem:s28+$0xE420];
	v5 =	vadd.f32 v7, v8;
	v6 =	vadd.f32 v9, v8  }
0x2a1: {  	s30 =	simm.s32 $0x200;
	s31 =	sand.u32 $0xF800, s1;
	s1 =	sand.u32 $0x380, s29;
	v18 =	vld [tilespmem:s28+$0xE430];
	v7 =	vadd.f32 v10, v8;
	v10 =	vimm.f32 $0.0e+00;
	v9 =	vimm.f32 $0.0e+00  }
.LBB2_24:
0x2a2: {  	p0 =	sne.s32 s30, $0xDF00;
	v8 =	vadd.f32 v14, v8;
	v14 =	vld [tilespmem:s28+$0xE440];
	s28 =	sor.u32 s1, s31  }
0x2a3: {  	v19 =	vld [tilespmem:s28+$0xE450];
	v10 =	vadd.f32 v15, v10  }
0x2a4: {  	v15 =	vld [tilespmem:s28+$0xE000];
	v9 =	vadd.f32 v16, v9  }
0x2a5: {  	v16 =	vld [tilespmem:s28+$0xE010];
	v13 =	vadd.f32 v17, v13  }
0x2a6: {  	v17 =	vld [tilespmem:s28+$0xE020];
	v11 =	vadd.f32 v18, v11  }
0x2a7: {  	v18 =	vld [tilespmem:s28+$0xE030];
	v12 =	vadd.f32 v14, v12  }
0x2a8: {  	v20 =	vld [tilespmem:s28+$0xE040];
	v2 =	vadd.f32 v19, v2  }
0x2a9: {  	v3 =	vadd.f32 v15, v3;
	v19 =	vld [tilespmem:s28+$0xE050]  }
0x2aa: {  	v0 =	vadd.f32 v16, v0;
	v21 =	vld [tilespmem:s28+$0xE060]  }
.Ltmp11:
0x2ab: {  	v4 =	vadd.f32 v17, v4;
	v14 =	vld [tilespmem:s28+$0xE070];
	(pc) =	sbr.rel @p0 .LBB2_24-.Ltmp11, $4  }
0x2ac: {  	v1 =	vadd.f32 v18, v1;
	v15 =	vld [tilespmem:s28+$0xE400]  }
0x2ad: {  	v5 =	vadd.f32 v20, v5;
	v16 =	vld [tilespmem:s28+$0xE410]  }
0x2ae: {  	s29 =	sadd.s32 $0x80, s29;
	v6 =	vadd.f32 v19, v6;
	v17 =	vld [tilespmem:s28+$0xE420]  }
0x2af: {  	s31 =	sand.u32 $0xF800, s30;
	s30 =	sadd.s32 $0x100, s30;
	s1 =	sand.u32 $0x380, s29;
	v7 =	vadd.f32 v21, v7;
	v18 =	vld [tilespmem:s28+$0xE430]  }
0x2b0: {  	s1 =	sor.u32 s1, s31;
	v19 =	vld [tilespmem:s28+$0xE440]  }
0x2b1: {  	v20 =	vld [tilespmem:s1+$0xE450]  }
0x2b2: {  	v21 =	vld [tilespmem:s1+$0xE000]  }
0x2b3: {  	v22 =	vld [tilespmem:s1+$0xE010]  }
0x2b4: {  	v23 =	vld [tilespmem:s1+$0xE020]  }
0x2b5: {  	v24 =	vld [tilespmem:s1+$0xE030]  }
0x2b6: {  	v25 =	vld [tilespmem:s1+$0xE040]  }
0x2b7: {  	v26 =	vld [tilespmem:s1+$0xE050]  }
0x2b8: {  	v27 =	vld [tilespmem:s1+$0xE060]  }
0x2b9: {  	v8 =	vadd.f32 v14, v8;
	v28 =	vld [tilespmem:s1+$0xE070];
	v10 =	vadd.f32 v15, v10  }
0x2ba: {  	v14 =	vld [tilespmem:s1+$0xE400];
	v9 =	vadd.f32 v16, v9;
	v13 =	vadd.f32 v17, v13  }
0x2bb: {  	v15 =	vld [tilespmem:s1+$0xE410];
	v11 =	vadd.f32 v18, v11;
	v12 =	vadd.f32 v19, v12  }
0x2bc: {  	v16 =	vld [tilespmem:s1+$0xE420];
	v2 =	vadd.f32 v20, v2;
	v3 =	vadd.f32 v21, v3  }
0x2bd: {  	v17 =	vld [tilespmem:s1+$0xE430];
	v0 =	vadd.f32 v22, v0;
	v4 =	vadd.f32 v23, v4  }
0x2be: {  	v1 =	vadd.f32 v24, v1;
	v5 =	vadd.f32 v25, v5  }
0x2bf: {  	v6 =	vadd.f32 v26, v6;
	v7 =	vadd.f32 v27, v7  }
0x2c0: {  	v18 =	vld [tilespmem:s1+$0xE440];
	v8 =	vadd.f32 v28, v8;
	v10 =	vadd.f32 v14, v10  }
0x2c1: {  	v9 =	vadd.f32 v15, v9;
	v13 =	vadd.f32 v16, v13  }
0x2c2: {  	v11 =	vadd.f32 v17, v11;
	v0 =	vadd.f32 v0, v3  }
0x2c3: {  	v1 =	vadd.f32 v1, v4;
	v3 =	vadd.f32 v6, v5  }
0x2c4: {  	v4 =	vadd.f32 v8, v7;
	v5 =	vadd.f32 v9, v10  }
0x2c5: {  	v12 =	vadd.f32 v18, v12;
	v6 =	vadd.f32 v11, v13  }
0x2c6: {  	v0 =	vadd.f32 v1, v0;
	v1 =	vadd.f32 v4, v3  }
0x2c7: {  	v2 =	vadd.f32 v2, v12;
	v3 =	vadd.f32 v6, v5;
	_ =	sdelay $0x1  }
0x2c8: {  	v0 =	vadd.f32 v1, v0;
	v1 =	vadd.f32 v2, v3;
	_ =	sdelay $0x1  }
0x2c9: {  	v0 =	vadd.f32 v1, v0;
	_ =	sdelay $0x1  }
0x2ca: {  	s1 =	simm.s32 $0x0;
	[tilespmem:$0x1C580] =	vst v0  }
0x2cb: {  	[tilespmem:s21], [sflag:$0x2] =	stream.linear.gather [hbm4b:s16+s1], $0xE000, $0x38;
	[tilespmem:$0x1C800] =	vst v63  }
0x2cc: {  	_ =	swait.ge [sflag:s22], $0xE000  }
0x2cd: {  	s28 =	sand.u32 $0xF800, s1;
	s1 =	sand.u32 $0x380, s1;
	[sflag:s22] =	ssyncset.done $0x0  }
0x2ce: {  	s28 =	sor.u32 s1, s28;
	[sflag:s22] =	ssyncadd.s32 $0xFFFF2000  }
0x2cf: {  	v0 =	vld [tilespmem:s28+$0x450]  }
0x2d0: {  	v1 =	vld [tilespmem:s28+$0x0]  }
0x2d1: {  	v4 =	vld [tilespmem:s28+$0x10]  }
0x2d2: {  	v5 =	vld [tilespmem:s28+$0x20]  }
0x2d3: {  	v6 =	vld [tilespmem:s28+$0x30]  }
0x2d4: {  	v7 =	vld [tilespmem:s28+$0x40]  }
0x2d5: {  	v9 =	vld [tilespmem:s28+$0x50]  }
0x2d6: {  	v8 =	vimm.f32 $0.0e+00;
	v10 =	vld [tilespmem:s28+$0x60]  }
0x2d7: {  	v14 =	vld [tilespmem:s28+$0x70];
	v2 =	vadd.f32 v0, v8  }
0x2d8: {  	v13 =	vimm.f32 $0.0e+00;
	v15 =	vld [tilespmem:s28+$0x400];
	v3 =	vadd.f32 v1, v8;
	v0 =	vadd.f32 v4, v8  }
0x2d9: {  	v11 =	vimm.f32 $0.0e+00;
	v16 =	vld [tilespmem:s28+$0x410];
	v4 =	vadd.f32 v5, v8;
	v1 =	vadd.f32 v6, v8  }
0x2da: {  	s29 =	simm.s32 $0x80;
	v12 =	vimm.f32 $0.0e+00;
	s1 =	simm.s32 $0x100;
	v17 =	vld [tilespmem:s28+$0x420];
	v5 =	vadd.f32 v7, v8;
	v6 =	vadd.f32 v9, v8  }
0x2db: {  	s30 =	simm.s32 $0x200;
	s31 =	sand.u32 $0xF800, s1;
	s1 =	sand.u32 $0x380, s29;
	v18 =	vld [tilespmem:s28+$0x430];
	v7 =	vadd.f32 v10, v8;
	v10 =	vimm.f32 $0.0e+00;
	v9 =	vimm.f32 $0.0e+00  }
.LBB2_26:
0x2dc: {  	p0 =	sne.s32 s30, $0xDF00;
	v8 =	vadd.f32 v14, v8;
	v14 =	vld [tilespmem:s28+$0x440];
	s28 =	sor.u32 s1, s31  }
0x2dd: {  	v19 =	vld [tilespmem:s28+$0x450];
	v10 =	vadd.f32 v15, v10  }
0x2de: {  	v15 =	vld [tilespmem:s28+$0x0];
	v9 =	vadd.f32 v16, v9  }
0x2df: {  	v16 =	vld [tilespmem:s28+$0x10];
	v13 =	vadd.f32 v17, v13  }
0x2e0: {  	v17 =	vld [tilespmem:s28+$0x20];
	v11 =	vadd.f32 v18, v11  }
0x2e1: {  	v18 =	vld [tilespmem:s28+$0x30];
	v12 =	vadd.f32 v14, v12  }
0x2e2: {  	v20 =	vld [tilespmem:s28+$0x40];
	v2 =	vadd.f32 v19, v2  }
0x2e3: {  	v3 =	vadd.f32 v15, v3;
	v19 =	vld [tilespmem:s28+$0x50]  }
0x2e4: {  	v0 =	vadd.f32 v16, v0;
	v21 =	vld [tilespmem:s28+$0x60]  }
.Ltmp12:
0x2e5: {  	v4 =	vadd.f32 v17, v4;
	v14 =	vld [tilespmem:s28+$0x70];
	(pc) =	sbr.rel @p0 .LBB2_26-.Ltmp12, $4  }
0x2e6: {  	v1 =	vadd.f32 v18, v1;
	v15 =	vld [tilespmem:s28+$0x400]  }
0x2e7: {  	v5 =	vadd.f32 v20, v5;
	v16 =	vld [tilespmem:s28+$0x410]  }
0x2e8: {  	s29 =	sadd.s32 $0x80, s29;
	v6 =	vadd.f32 v19, v6;
	v17 =	vld [tilespmem:s28+$0x420]  }
0x2e9: {  	s31 =	sand.u32 $0xF800, s30;
	s30 =	sadd.s32 $0x100, s30;
	s1 =	sand.u32 $0x380, s29;
	v7 =	vadd.f32 v21, v7;
	v18 =	vld [tilespmem:s28+$0x430]  }
0x2ea: {  	s1 =	sor.u32 s1, s31;
	v19 =	vld [tilespmem:s28+$0x440]  }
0x2eb: {  	v20 =	vld [tilespmem:s1+$0x450]  }
0x2ec: {  	v21 =	vld [tilespmem:s1+$0x0]  }
0x2ed: {  	v22 =	vld [tilespmem:s1+$0x10]  }
0x2ee: {  	v23 =	vld [tilespmem:s1+$0x20]  }
0x2ef: {  	v24 =	vld [tilespmem:s1+$0x30]  }
0x2f0: {  	v25 =	vld [tilespmem:s1+$0x40]  }
0x2f1: {  	v26 =	vld [tilespmem:s1+$0x50]  }
0x2f2: {  	v27 =	vld [tilespmem:s1+$0x60]  }
0x2f3: {  	v8 =	vadd.f32 v14, v8;
	v28 =	vld [tilespmem:s1+$0x70];
	v10 =	vadd.f32 v15, v10  }
0x2f4: {  	v14 =	vld [tilespmem:s1+$0x400];
	v9 =	vadd.f32 v16, v9;
	v13 =	vadd.f32 v17, v13  }
0x2f5: {  	v15 =	vld [tilespmem:s1+$0x410];
	v11 =	vadd.f32 v18, v11;
	v12 =	vadd.f32 v19, v12  }
0x2f6: {  	v16 =	vld [tilespmem:s1+$0x420];
	v2 =	vadd.f32 v20, v2;
	v3 =	vadd.f32 v21, v3  }
0x2f7: {  	v17 =	vld [tilespmem:s1+$0x430];
	v0 =	vadd.f32 v22, v0;
	v4 =	vadd.f32 v23, v4  }
0x2f8: {  	v1 =	vadd.f32 v24, v1;
	v5 =	vadd.f32 v25, v5  }
0x2f9: {  	v6 =	vadd.f32 v26, v6;
	v7 =	vadd.f32 v27, v7  }
0x2fa: {  	v18 =	vld [tilespmem:s1+$0x440];
	v8 =	vadd.f32 v28, v8;
	v10 =	vadd.f32 v14, v10  }
0x2fb: {  	v9 =	vadd.f32 v15, v9;
	v13 =	vadd.f32 v16, v13  }
0x2fc: {  	v11 =	vadd.f32 v17, v11;
	v0 =	vadd.f32 v0, v3  }
0x2fd: {  	v1 =	vadd.f32 v1, v4;
	v3 =	vadd.f32 v6, v5  }
0x2fe: {  	v4 =	vadd.f32 v8, v7;
	v5 =	vadd.f32 v9, v10  }
0x2ff: {  	v12 =	vadd.f32 v18, v12;
	v6 =	vadd.f32 v11, v13  }
0x300: {  	v0 =	vadd.f32 v1, v0;
	v1 =	vadd.f32 v4, v3  }
0x301: {  	v2 =	vadd.f32 v2, v12;
	v3 =	vadd.f32 v6, v5;
	_ =	sdelay $0x1  }
0x302: {  	v0 =	vadd.f32 v1, v0;
	v1 =	vadd.f32 v2, v3;
	_ =	sdelay $0x1  }
0x303: {  	v0 =	vadd.f32 v1, v0;
	_ =	sdelay $0x1  }
0x304: {  	s1 =	simm.s32 $0x0;
	[tilespmem:$0x1C600] =	vst v0  }
0x305: {  	[tilespmem:s1], [sflag:$0x1] =	stream.linear.gather [hbm4b:s17+s1], $0xE000, $0x38;
	[tilespmem:$0x1C800] =	vst v63  }
0x306: {  	_ =	swait.ge [sflag:s23], $0xE000  }
0x307: {  	s28 =	sand.u32 $0xF800, s1;
	s1 =	sand.u32 $0x380, s1;
	[sflag:s23] =	ssyncset.done $0x0  }
0x308: {  	s28 =	sor.u32 s1, s28;
	[sflag:s23] =	ssyncadd.s32 $0xFFFF2000  }
0x309: {  	v0 =	vld [tilespmem:s28+$0xE450]  }
0x30a: {  	v1 =	vld [tilespmem:s28+$0xE000]  }
0x30b: {  	v4 =	vld [tilespmem:s28+$0xE010]  }
0x30c: {  	v5 =	vld [tilespmem:s28+$0xE020]  }
0x30d: {  	v6 =	vld [tilespmem:s28+$0xE030]  }
0x30e: {  	v7 =	vld [tilespmem:s28+$0xE040]  }
0x30f: {  	v9 =	vld [tilespmem:s28+$0xE050]  }
0x310: {  	v8 =	vimm.f32 $0.0e+00;
	v10 =	vld [tilespmem:s28+$0xE060]  }
0x311: {  	v14 =	vld [tilespmem:s28+$0xE070];
	v2 =	vadd.f32 v0, v8  }
0x312: {  	v13 =	vimm.f32 $0.0e+00;
	v15 =	vld [tilespmem:s28+$0xE400];
	v3 =	vadd.f32 v1, v8;
	v0 =	vadd.f32 v4, v8  }
0x313: {  	v11 =	vimm.f32 $0.0e+00;
	v16 =	vld [tilespmem:s28+$0xE410];
	v4 =	vadd.f32 v5, v8;
	v1 =	vadd.f32 v6, v8  }
0x314: {  	s29 =	simm.s32 $0x80;
	v12 =	vimm.f32 $0.0e+00;
	s1 =	simm.s32 $0x100;
	v17 =	vld [tilespmem:s28+$0xE420];
	v5 =	vadd.f32 v7, v8;
	v6 =	vadd.f32 v9, v8  }
0x315: {  	s30 =	simm.s32 $0x200;
	s31 =	sand.u32 $0xF800, s1;
	s1 =	sand.u32 $0x380, s29;
	v18 =	vld [tilespmem:s28+$0xE430];
	v7 =	vadd.f32 v10, v8;
	v10 =	vimm.f32 $0.0e+00;
	v9 =	vimm.f32 $0.0e+00  }
.LBB2_28:
0x316: {  	p0 =	sne.s32 s30, $0xDF00;
	v8 =	vadd.f32 v14, v8;
	v14 =	vld [tilespmem:s28+$0xE440];
	s28 =	sor.u32 s1, s31  }
0x317: {  	v19 =	vld [tilespmem:s28+$0xE450];
	v10 =	vadd.f32 v15, v10  }
0x318: {  	v15 =	vld [tilespmem:s28+$0xE000];
	v9 =	vadd.f32 v16, v9  }
0x319: {  	v16 =	vld [tilespmem:s28+$0xE010];
	v13 =	vadd.f32 v17, v13  }
0x31a: {  	v17 =	vld [tilespmem:s28+$0xE020];
	v11 =	vadd.f32 v18, v11  }
0x31b: {  	v18 =	vld [tilespmem:s28+$0xE030];
	v12 =	vadd.f32 v14, v12  }
0x31c: {  	v20 =	vld [tilespmem:s28+$0xE040];
	v2 =	vadd.f32 v19, v2  }
0x31d: {  	v3 =	vadd.f32 v15, v3;
	v19 =	vld [tilespmem:s28+$0xE050]  }
0x31e: {  	v0 =	vadd.f32 v16, v0;
	v21 =	vld [tilespmem:s28+$0xE060]  }
.Ltmp13:
0x31f: {  	v4 =	vadd.f32 v17, v4;
	v14 =	vld [tilespmem:s28+$0xE070];
	(pc) =	sbr.rel @p0 .LBB2_28-.Ltmp13, $4  }
0x320: {  	v1 =	vadd.f32 v18, v1;
	v15 =	vld [tilespmem:s28+$0xE400]  }
0x321: {  	v5 =	vadd.f32 v20, v5;
	v16 =	vld [tilespmem:s28+$0xE410]  }
0x322: {  	s29 =	sadd.s32 $0x80, s29;
	v6 =	vadd.f32 v19, v6;
	v17 =	vld [tilespmem:s28+$0xE420]  }
0x323: {  	s31 =	sand.u32 $0xF800, s30;
	s30 =	sadd.s32 $0x100, s30;
	s1 =	sand.u32 $0x380, s29;
	v7 =	vadd.f32 v21, v7;
	v18 =	vld [tilespmem:s28+$0xE430]  }
0x324: {  	s1 =	sor.u32 s1, s31;
	v19 =	vld [tilespmem:s28+$0xE440]  }
0x325: {  	v20 =	vld [tilespmem:s1+$0xE450]  }
0x326: {  	v21 =	vld [tilespmem:s1+$0xE000]  }
0x327: {  	v22 =	vld [tilespmem:s1+$0xE010]  }
0x328: {  	v23 =	vld [tilespmem:s1+$0xE020]  }
0x329: {  	v24 =	vld [tilespmem:s1+$0xE030]  }
0x32a: {  	v25 =	vld [tilespmem:s1+$0xE040]  }
0x32b: {  	v26 =	vld [tilespmem:s1+$0xE050]  }
0x32c: {  	v27 =	vld [tilespmem:s1+$0xE060]  }
0x32d: {  	v8 =	vadd.f32 v14, v8;
	v28 =	vld [tilespmem:s1+$0xE070];
	v10 =	vadd.f32 v15, v10  }
0x32e: {  	v14 =	vld [tilespmem:s1+$0xE400];
	v9 =	vadd.f32 v16, v9;
	v13 =	vadd.f32 v17, v13  }
0x32f: {  	v15 =	vld [tilespmem:s1+$0xE410];
	v11 =	vadd.f32 v18, v11;
	v12 =	vadd.f32 v19, v12  }
0x330: {  	v16 =	vld [tilespmem:s1+$0xE420];
	v2 =	vadd.f32 v20, v2;
	v3 =	vadd.f32 v21, v3  }
0x331: {  	v17 =	vld [tilespmem:s1+$0xE430];
	v0 =	vadd.f32 v22, v0;
	v4 =	vadd.f32 v23, v4  }
0x332: {  	v1 =	vadd.f32 v24, v1;
	v5 =	vadd.f32 v25, v5  }
0x333: {  	v6 =	vadd.f32 v26, v6;
	v7 =	vadd.f32 v27, v7  }
0x334: {  	v18 =	vld [tilespmem:s1+$0xE440];
	v8 =	vadd.f32 v28, v8;
	v10 =	vadd.f32 v14, v10  }
0x335: {  	v9 =	vadd.f32 v15, v9;
	v13 =	vadd.f32 v16, v13  }
0x336: {  	v11 =	vadd.f32 v17, v11;
	v0 =	vadd.f32 v0, v3  }
0x337: {  	v1 =	vadd.f32 v1, v4;
	v3 =	vadd.f32 v6, v5  }
0x338: {  	v4 =	vadd.f32 v8, v7;
	v5 =	vadd.f32 v9, v10  }
0x339: {  	v12 =	vadd.f32 v18, v12;
	v6 =	vadd.f32 v11, v13  }
0x33a: {  	v0 =	vadd.f32 v1, v0;
	v1 =	vadd.f32 v4, v3  }
0x33b: {  	v2 =	vadd.f32 v2, v12;
	v3 =	vadd.f32 v6, v5;
	_ =	sdelay $0x1  }
0x33c: {  	v0 =	vadd.f32 v1, v0;
	v1 =	vadd.f32 v2, v3;
	_ =	sdelay $0x1  }
0x33d: {  	v0 =	vadd.f32 v1, v0;
	_ =	sdelay $0x1  }
0x33e: {  	s1 =	simm.s32 $0x0;
	[tilespmem:$0x1C680] =	vst v0  }
0x33f: {  	[tilespmem:s21], [sflag:$0x2] =	stream.linear.gather [hbm4b:s18+s1], $0xE000, $0x38;
	[tilespmem:$0x1C800] =	vst v63  }
0x340: {  	_ =	swait.ge [sflag:s22], $0xE000  }
0x341: {  	s28 =	sand.u32 $0xF800, s1;
	s1 =	sand.u32 $0x380, s1;
	[sflag:s22] =	ssyncset.done $0x0  }
0x342: {  	s28 =	sor.u32 s1, s28;
	[sflag:s22] =	ssyncadd.s32 $0xFFFF2000  }
0x343: {  	v0 =	vld [tilespmem:s28+$0x450]  }
0x344: {  	v1 =	vld [tilespmem:s28+$0x0]  }
0x345: {  	v4 =	vld [tilespmem:s28+$0x10]  }
0x346: {  	v5 =	vld [tilespmem:s28+$0x20]  }
0x347: {  	v6 =	vld [tilespmem:s28+$0x30]  }
0x348: {  	v7 =	vld [tilespmem:s28+$0x40]  }
0x349: {  	v9 =	vld [tilespmem:s28+$0x50]  }
0x34a: {  	v8 =	vimm.f32 $0.0e+00;
	v10 =	vld [tilespmem:s28+$0x60]  }
0x34b: {  	v14 =	vld [tilespmem:s28+$0x70];
	v2 =	vadd.f32 v0, v8  }
0x34c: {  	v13 =	vimm.f32 $0.0e+00;
	v15 =	vld [tilespmem:s28+$0x400];
	v3 =	vadd.f32 v1, v8;
	v0 =	vadd.f32 v4, v8  }
0x34d: {  	v11 =	vimm.f32 $0.0e+00;
	v16 =	vld [tilespmem:s28+$0x410];
	v4 =	vadd.f32 v5, v8;
	v1 =	vadd.f32 v6, v8  }
0x34e: {  	s29 =	simm.s32 $0x80;
	v12 =	vimm.f32 $0.0e+00;
	s1 =	simm.s32 $0x100;
	v17 =	vld [tilespmem:s28+$0x420];
	v5 =	vadd.f32 v7, v8;
	v6 =	vadd.f32 v9, v8  }
0x34f: {  	s30 =	simm.s32 $0x200;
	s31 =	sand.u32 $0xF800, s1;
	s1 =	sand.u32 $0x380, s29;
	v18 =	vld [tilespmem:s28+$0x430];
	v7 =	vadd.f32 v10, v8;
	v10 =	vimm.f32 $0.0e+00;
	v9 =	vimm.f32 $0.0e+00  }
.LBB2_30:
0x350: {  	p0 =	sne.s32 s30, $0xDF00;
	v8 =	vadd.f32 v14, v8;
	v14 =	vld [tilespmem:s28+$0x440];
	s28 =	sor.u32 s1, s31  }
0x351: {  	v19 =	vld [tilespmem:s28+$0x450];
	v10 =	vadd.f32 v15, v10  }
0x352: {  	v15 =	vld [tilespmem:s28+$0x0];
	v9 =	vadd.f32 v16, v9  }
0x353: {  	v16 =	vld [tilespmem:s28+$0x10];
	v13 =	vadd.f32 v17, v13  }
0x354: {  	v17 =	vld [tilespmem:s28+$0x20];
	v11 =	vadd.f32 v18, v11  }
0x355: {  	v18 =	vld [tilespmem:s28+$0x30];
	v12 =	vadd.f32 v14, v12  }
0x356: {  	v20 =	vld [tilespmem:s28+$0x40];
	v2 =	vadd.f32 v19, v2  }
0x357: {  	v3 =	vadd.f32 v15, v3;
	v19 =	vld [tilespmem:s28+$0x50]  }
0x358: {  	v0 =	vadd.f32 v16, v0;
	v21 =	vld [tilespmem:s28+$0x60]  }
.Ltmp14:
0x359: {  	v4 =	vadd.f32 v17, v4;
	v14 =	vld [tilespmem:s28+$0x70];
	(pc) =	sbr.rel @p0 .LBB2_30-.Ltmp14, $4  }
0x35a: {  	v1 =	vadd.f32 v18, v1;
	v15 =	vld [tilespmem:s28+$0x400]  }
0x35b: {  	v5 =	vadd.f32 v20, v5;
	v16 =	vld [tilespmem:s28+$0x410]  }
0x35c: {  	s29 =	sadd.s32 $0x80, s29;
	v6 =	vadd.f32 v19, v6;
	v17 =	vld [tilespmem:s28+$0x420]  }
0x35d: {  	s31 =	sand.u32 $0xF800, s30;
	s30 =	sadd.s32 $0x100, s30;
	s1 =	sand.u32 $0x380, s29;
	v7 =	vadd.f32 v21, v7;
	v18 =	vld [tilespmem:s28+$0x430]  }
0x35e: {  	s1 =	sor.u32 s1, s31;
	v19 =	vld [tilespmem:s28+$0x440]  }
0x35f: {  	v20 =	vld [tilespmem:s1+$0x450]  }
0x360: {  	v21 =	vld [tilespmem:s1+$0x0]  }
0x361: {  	v22 =	vld [tilespmem:s1+$0x10]  }
0x362: {  	v23 =	vld [tilespmem:s1+$0x20]  }
0x363: {  	v24 =	vld [tilespmem:s1+$0x30]  }
0x364: {  	v25 =	vld [tilespmem:s1+$0x40]  }
0x365: {  	v26 =	vld [tilespmem:s1+$0x50]  }
0x366: {  	v27 =	vld [tilespmem:s1+$0x60]  }
0x367: {  	v8 =	vadd.f32 v14, v8;
	v28 =	vld [tilespmem:s1+$0x70];
	v10 =	vadd.f32 v15, v10  }
0x368: {  	v14 =	vld [tilespmem:s1+$0x400];
	v9 =	vadd.f32 v16, v9;
	v13 =	vadd.f32 v17, v13  }
0x369: {  	v15 =	vld [tilespmem:s1+$0x410];
	v11 =	vadd.f32 v18, v11;
	v12 =	vadd.f32 v19, v12  }
0x36a: {  	v16 =	vld [tilespmem:s1+$0x420];
	v2 =	vadd.f32 v20, v2;
	v3 =	vadd.f32 v21, v3  }
0x36b: {  	v17 =	vld [tilespmem:s1+$0x430];
	v0 =	vadd.f32 v22, v0;
	v4 =	vadd.f32 v23, v4  }
0x36c: {  	v1 =	vadd.f32 v24, v1;
	v5 =	vadd.f32 v25, v5  }
0x36d: {  	v6 =	vadd.f32 v26, v6;
	v7 =	vadd.f32 v27, v7  }
0x36e: {  	v18 =	vld [tilespmem:s1+$0x440];
	v8 =	vadd.f32 v28, v8;
	v10 =	vadd.f32 v14, v10  }
0x36f: {  	v9 =	vadd.f32 v15, v9;
	v13 =	vadd.f32 v16, v13  }
0x370: {  	v11 =	vadd.f32 v17, v11;
	v0 =	vadd.f32 v0, v3  }
0x371: {  	v1 =	vadd.f32 v1, v4;
	v3 =	vadd.f32 v6, v5  }
0x372: {  	v4 =	vadd.f32 v8, v7;
	v5 =	vadd.f32 v9, v10  }
0x373: {  	v12 =	vadd.f32 v18, v12;
	v6 =	vadd.f32 v11, v13  }
0x374: {  	v0 =	vadd.f32 v1, v0;
	v1 =	vadd.f32 v4, v3  }
0x375: {  	v2 =	vadd.f32 v2, v12;
	v3 =	vadd.f32 v6, v5;
	_ =	sdelay $0x1  }
0x376: {  	v0 =	vadd.f32 v1, v0;
	v1 =	vadd.f32 v2, v3;
	_ =	sdelay $0x1  }
0x377: {  	v0 =	vadd.f32 v1, v0;
	_ =	sdelay $0x1  }
0x378: {  	[tilespmem:$0x1C700] =	vst v0  }
0x379: {  	s1 =	simm.s32 $0x0;
	_ =	swait.ge [sflag:s23], $0xE000  }
0x37a: {  	s28 =	sand.u32 $0xF800, s1;
	s1 =	sand.u32 $0x380, s1;
	[sflag:s23] =	ssyncset.done $0x0  }
0x37b: {  	s28 =	sor.u32 s1, s28;
	[sflag:s23] =	ssyncadd.s32 $0xFFFF2000  }
0x37c: {  	v0 =	vld [tilespmem:s28+$0xE450]  }
0x37d: {  	v1 =	vld [tilespmem:s28+$0xE000]  }
0x37e: {  	v4 =	vld [tilespmem:s28+$0xE010]  }
0x37f: {  	v5 =	vld [tilespmem:s28+$0xE020]  }
0x380: {  	v6 =	vld [tilespmem:s28+$0xE030]  }
0x381: {  	v7 =	vld [tilespmem:s28+$0xE040]  }
0x382: {  	v9 =	vld [tilespmem:s28+$0xE050]  }
0x383: {  	v8 =	vimm.f32 $0.0e+00;
	v10 =	vld [tilespmem:s28+$0xE060]  }
0x384: {  	v14 =	vld [tilespmem:s28+$0xE070];
	v2 =	vadd.f32 v0, v8  }
0x385: {  	v13 =	vimm.f32 $0.0e+00;
	v15 =	vld [tilespmem:s28+$0xE400];
	v3 =	vadd.f32 v1, v8;
	v0 =	vadd.f32 v4, v8  }
0x386: {  	v11 =	vimm.f32 $0.0e+00;
	v16 =	vld [tilespmem:s28+$0xE410];
	v4 =	vadd.f32 v5, v8;
	v1 =	vadd.f32 v6, v8  }
0x387: {  	s29 =	simm.s32 $0x80;
	s1 =	simm.s32 $0x100;
	v12 =	vimm.f32 $0.0e+00;
	v17 =	vld [tilespmem:s28+$0xE420];
	v5 =	vadd.f32 v7, v8;
	v6 =	vadd.f32 v9, v8  }
0x388: {  	s30 =	simm.s32 $0x200;
	s31 =	sand.u32 $0xF800, s1;
	s1 =	sand.u32 $0x380, s29;
	v18 =	vld [tilespmem:s28+$0xE430];
	v7 =	vadd.f32 v10, v8;
	v10 =	vimm.f32 $0.0e+00;
	v9 =	vimm.f32 $0.0e+00  }
.LBB2_32:
0x389: {  	p0 =	sne.s32 s30, $0xDF00;
	v8 =	vadd.f32 v14, v8;
	v14 =	vld [tilespmem:s28+$0xE440];
	s28 =	sor.u32 s1, s31  }
0x38a: {  	v19 =	vld [tilespmem:s28+$0xE450];
	v10 =	vadd.f32 v15, v10  }
0x38b: {  	v15 =	vld [tilespmem:s28+$0xE000];
	v9 =	vadd.f32 v16, v9  }
0x38c: {  	v16 =	vld [tilespmem:s28+$0xE010];
	v13 =	vadd.f32 v17, v13  }
0x38d: {  	v17 =	vld [tilespmem:s28+$0xE020];
	v11 =	vadd.f32 v18, v11  }
0x38e: {  	v18 =	vld [tilespmem:s28+$0xE030];
	v12 =	vadd.f32 v14, v12  }
0x38f: {  	v20 =	vld [tilespmem:s28+$0xE040];
	v2 =	vadd.f32 v19, v2  }
0x390: {  	v3 =	vadd.f32 v15, v3;
	v19 =	vld [tilespmem:s28+$0xE050]  }
0x391: {  	v0 =	vadd.f32 v16, v0;
	v21 =	vld [tilespmem:s28+$0xE060]  }
.Ltmp15:
0x392: {  	v4 =	vadd.f32 v17, v4;
	v14 =	vld [tilespmem:s28+$0xE070];
	(pc) =	sbr.rel @p0 .LBB2_32-.Ltmp15, $4  }
0x393: {  	v1 =	vadd.f32 v18, v1;
	v15 =	vld [tilespmem:s28+$0xE400]  }
0x394: {  	v5 =	vadd.f32 v20, v5;
	v16 =	vld [tilespmem:s28+$0xE410]  }
0x395: {  	s29 =	sadd.s32 $0x80, s29;
	v6 =	vadd.f32 v19, v6;
	v17 =	vld [tilespmem:s28+$0xE420]  }
0x396: {  	s31 =	sand.u32 $0xF800, s30;
	s30 =	sadd.s32 $0x100, s30;
	s1 =	sand.u32 $0x380, s29;
	v7 =	vadd.f32 v21, v7;
	v18 =	vld [tilespmem:s28+$0xE430]  }
0x397: {  	s1 =	sor.u32 s1, s31;
	v19 =	vld [tilespmem:s28+$0xE440]  }
0x398: {  	v20 =	vld [tilespmem:s1+$0xE450]  }
0x399: {  	v21 =	vld [tilespmem:s1+$0xE000]  }
0x39a: {  	v22 =	vld [tilespmem:s1+$0xE010]  }
0x39b: {  	v23 =	vld [tilespmem:s1+$0xE020]  }
0x39c: {  	v24 =	vld [tilespmem:s1+$0xE030]  }
0x39d: {  	v25 =	vld [tilespmem:s1+$0xE040]  }
0x39e: {  	v26 =	vld [tilespmem:s1+$0xE050]  }
0x39f: {  	v27 =	vld [tilespmem:s1+$0xE060]  }
0x3a0: {  	v28 =	vld [tilespmem:s1+$0xE070]  }
0x3a1: {  	v8 =	vadd.f32 v14, v8;
	v10 =	vadd.f32 v15, v10;
	v52 =	vld [tilespmem:s1+$0xE400]  }
0x3a2: {  	v53 =	vld [tilespmem:s1+$0xE410];
	v9 =	vadd.f32 v16, v9;
	v13 =	vadd.f32 v17, v13  }
0x3a3: {  	v54 =	vld [tilespmem:s1+$0xE420];
	v11 =	vadd.f32 v18, v11;
	v12 =	vadd.f32 v19, v12  }
0x3a4: {  	v55 =	vld [tilespmem:s1+$0xE430];
	v2 =	vadd.f32 v20, v2;
	v3 =	vadd.f32 v21, v3  }
0x3a5: {  	v56 =	vld [tilespmem:s1+$0xE440];
	v0 =	vadd.f32 v22, v0;
	v4 =	vadd.f32 v23, v4  }
0x3a6: {  	v1 =	vadd.f32 v24, v1;
	v5 =	vadd.f32 v25, v5  }
0x3a7: {  	v6 =	vadd.f32 v26, v6;
	v7 =	vadd.f32 v27, v7  }
0x3a8: {  	v8 =	vadd.f32 v28, v8;
	v10 =	vadd.f32 v52, v10  }
0x3a9: {  	v9 =	vadd.f32 v53, v9;
	v13 =	vadd.f32 v54, v13  }
0x3aa: {  	v11 =	vadd.f32 v55, v11;
	v12 =	vadd.f32 v56, v12  }
0x3ab: {  	v0 =	vadd.f32 v0, v3;
	v1 =	vadd.f32 v1, v4  }
0x3ac: {  	v57 =	vadd.f32 v6, v5;
	v58 =	vadd.f32 v8, v7  }
0x3ad: {  	v59 =	vadd.f32 v9, v10;
	v60 =	vadd.f32 v11, v13  }
0x3ae: {  	v2 =	vadd.f32 v2, v12;
	v0 =	vadd.f32 v1, v0  }
0x3af: {  	v61 =	vadd.f32 v58, v57;
	v62 =	vadd.f32 v60, v59;
	_ =	sdelay $0x1  }
0x3b0: {  	v0 =	vadd.f32 v61, v0;
	v63 =	vadd.f32 v2, v62;
	_ =	sdelay $0x1  }
0x3b1: {  	s26 =	sadd.s32 $0x1, s26;
	v0 =	vadd.f32 v63, v0  }
0x3b2: {  	p0 =	sne.s32 s26, s20  }
.Ltmp16:
0x3b3: {  	[tilespmem:$0x1C780] =	vst v0;
	(pc) =	sbr.rel @p0 .LBB2_1-.Ltmp16, $4  }
0x3b4: {  	[hbm4b:s19+s2] =	stream.linear.scatter [tilespmem:s24], [sflag:$0x3], $0x800, $0x38;
	[tilespmem:$0x1C800] =	vst v63  }
0x3b5: {  	_ =	swait.ge [sflag:s25], $0x800  }
0x3b6: {  	[sflag:s25] =	ssyncset.done $0x0  }
0x3b7: {  	[sflag:s25] =	ssyncadd.s32 $0xFFFFF800  }
0x3b8: {  	_ =	sfence.sel $0x180000  }
0x3b9: {  	[bflag:$0x0] =	sbarrier.arrive $0xFFFF  }
0x3ba: {  	_ =	strace $0x90000047  }
0x3bb: {  	[bflag:$0x2] =	sbarrier.arrive $0xFFFF  }
0x3bc: {  	p0 =	sne.s32 s0, $0x0;
	s0 =	rddreg [dreg:$0x2]  }
0x3bd: {  	s0 =	sadd.s32 @!p0 $0x100000, s0  }
0x3be: {  	[sflag:s0] =	ssyncadd.tile.s32 @!p0 $0x1;
	_ =	shalt  }
.Lfunc_end2:
_tile_overlayer_lowered:
.L_overlay_start_2:
0x3bf: {  	(tag) =	ssettag $0x2  }
0x3c0: {  	s0 =	rddreg [dreg:$0x0];
	s2 =	stileid.u32  }
0x3c1: {  	s1 =	rddreg [dreg:$0x1];
	p0 =	sne.s32 s2, $0x0  }
0x3c2: {  	s3 =	rddreg [dreg:$0x2];
	[bflag:$0x3] =	sbarrier.arrive $0xFFFF;
	s2 =	simm.s32 @!p0 $0x1C03  }
0x3c3: {  	[timem:s3], [sflag:s2] =	dma.local @!p0 [hbm:s0], s1  }
0x3c4: {  	s0 =	simm.s32 @!p0 $0x3  }
0x3c5: {  	_ =	swait.ge @!p0 [sflag:s0], s1  }
0x3c6: {  	s1 =	ssub.s32 @!p0 $0x0, s1;
	[sflag:s0] =	ssyncset.done @!p0 $0x0  }
0x3c7: {  	[sflag:s0] =	ssyncadd.s32 @!p0 s1  }
0x3c8: {  	[bflag:$0x3] =	sbarrier.arrive $0xFFFF  }
0x3c9: {  	_ =	shalt  }

</sc_bundles>
